<compile_context>
chip_gen: v7x
topology: tpu7x:2x2x1
jax: 0.10.2.dev20260603
libtpu: 0.0.44.dev20260713+nightly
codegen_flags: <defaults>
</compile_context>

<pallas_src>
import functools

import numpy as np
import jax
import jax.numpy as jnp
from jax import lax
from jax.experimental import pallas as pl
from jax.experimental.pallas import tpu as pltpu
from jax.experimental.pallas import tpu_sc as plsc

_B = 4
_N = 16384
_C = 64
_M = 1024
_K = 32
_R2 = np.float32(0.2 * 0.2)
_D = 128
_NS = 128
_NL = 128
_RM = 128
_TQ = 512
_NT = _N // _TQ
_PT = 512
_P = _B * _M * _K
_NW = 32
_GCH = 128



def _fps_body(pts_ref, dyn_ref, *refs):
    cen_refs = refs[:_B]
    dist_refs = refs[_B:]
    lin = (lax.broadcasted_iota(jnp.int32, (_NS, _NL), 0) * _NL
           + lax.broadcasted_iota(jnp.int32, (_NS, _NL), 1))
    lane8 = lax.broadcasted_iota(jnp.int32, (8, _NL), 1)
    sel0 = lin == 0
    coords0 = []
    for b in range(_B):
        dist_refs[b][...] = jnp.full((_NS, _NL), 1e10, jnp.float32)
        for c in range(3):
            v = jnp.max(jnp.where(sel0, pts_ref[b, c], -jnp.inf))
            cen_refs[b][c, 0] = v
            coords0.append(v)

    def step(i, coords):
        nc = []
        for b in range(_B):
            cx, cy, cz = coords[3 * b:3 * b + 3]
            px = pts_ref[b, 0]
            py = pts_ref[b, 1]
            pz = pts_ref[b, 2]
            dx = px - cx
            dy = py - cy
            dz = pz - cz
            d = (dx * dx + dy * dy) + dz * dz
            dm = jnp.minimum(dist_refs[b][...], d)
            dist_refs[b][...] = dm
            mx = jnp.max(dm)
            nxt = jnp.min(jnp.where(dm == mx, lin, _N))
            s8 = nxt // _NL
            l = nxt - s8 * _NL
            row = dyn_ref[b, pl.ds(s8, 1)][0]
            sel = jnp.where(lane8 == l, row, -jnp.inf)
            ncx = jnp.max(sel[0:1])
            ncy = jnp.max(sel[1:2])
            ncz = jnp.max(sel[2:3])
            cen_refs[b][0, i] = ncx
            cen_refs[b][1, i] = ncy
            cen_refs[b][2, i] = ncz
            nc += [ncx, ncy, ncz]
        return nc

    def body2(t, coords):
        i = 2 * t + 1
        coords = step(i, list(coords))
        coords = step(i + 1, coords)
        return tuple(coords)

    coords = lax.fori_loop(0, (_M - 2) // 2, body2, tuple(coords0))
    step(_M - 1, list(coords))


def _fps(pts4, pts_dyn):
    cens = pl.pallas_call(
        _fps_body,
        out_shape=[jax.ShapeDtypeStruct((3, _M), jnp.float32)] * _B,
        in_specs=[pl.BlockSpec(memory_space=pltpu.VMEM),
                  pl.BlockSpec(memory_space=pltpu.VMEM)],
        out_specs=[pl.BlockSpec(memory_space=pltpu.SMEM)] * _B,
        scratch_shapes=[pltpu.VMEM((_NS, _NL), jnp.float32)] * _B,
    )(pts4, pts_dyn)
    return jnp.stack(cens, axis=0)



def _bq_body(cen_ref, pts_ref, out_ref):
    b = pl.program_id(0)
    c8 = cen_ref[...]
    cx = c8[:, 0:1]
    cy = c8[:, 1:2]
    cz = c8[:, 2:3]
    cn = (cx * cx + cy * cy) + cz * cz
    tri = (lax.broadcasted_iota(jnp.int32, (_TQ, _TQ), 0)
           <= lax.broadcasted_iota(jnp.int32, (_TQ, _TQ), 1)
           ).astype(jnp.float32)

    def tile_step(t, carry):
        def run(c):
            base, cnt = c
            p8 = pts_ref[0, t]
            s = lax.dot_general(c8, p8, (((1,), (0,)), ((), ())),
                                preferred_element_type=jnp.float32)
            px = p8[0:1, :]
            py = p8[1:2, :]
            pz = p8[2:3, :]
            pn = (px * px + py * py) + pz * pz
            d2 = (cn + pn) - 2.0 * s
            mi = (d2 <= _R2).astype(jnp.float32)
            gr = jnp.dot(mi, tri,
                         preferred_element_type=jnp.float32) + base
            adds = [jnp.sum((gr < np.float32(j + 1)).astype(jnp.float32),
                            axis=1, keepdims=True) for j in range(_K)]
            cnt = cnt + jnp.concatenate(adds, axis=1)
            base = gr[:, _TQ - 1:_TQ]
            return base, cnt

        base, cnt = carry
        return lax.cond(jnp.min(base) < np.float32(_K), run,
                        lambda c: c, (base, cnt))

    base0 = jnp.zeros((_RM, 1), jnp.float32)
    cnt0 = jnp.zeros((_RM, _K), jnp.float32)
    _, cnt = lax.fori_loop(0, _NT, tile_step, (base0, cnt0))
    cnti = cnt.astype(jnp.int32)
    c0 = cnti[:, 0:1]
    fallback = jnp.where(c0 < _N, c0, _N - 1)
    idx = jnp.where(cnti < _N, cnti, fallback)
    out_ref[...] = idx + b * _N


def _ball_query(cen8, pts_t):
    nmb = _M // _RM
    return pl.pallas_call(
        _bq_body,
        grid=(_B, nmb),
        in_specs=[
            pl.BlockSpec((_RM, 8), lambda b, m: (b * nmb + m, 0)),
            pl.BlockSpec((1, _NT, 8, _TQ), lambda b, m: (b, 0, 0, 0)),
        ],
        out_specs=pl.BlockSpec((_RM, _K), lambda b, m: (b * nmb + m, 0)),
        out_shape=jax.ShapeDtypeStruct((_B * _M, _K), jnp.int32),
    )(cen8, pts_t)



def _sc_gather(table, gidx):
    n_rows = gidx.shape[0]
    per_w = n_rows // _NW
    n_chunks = per_w // _GCH
    mesh = plsc.VectorSubcoreMesh(core_axis_name="c", subcore_axis_name="s")

    @functools.partial(
        pl.kernel, mesh=mesh,
        out_type=jax.ShapeDtypeStruct((n_rows, _D), jnp.float32),
        scratch_types=[
            pltpu.VMEM((per_w,), jnp.int32),
            pltpu.VMEM((_GCH, _D), jnp.float32),
            pltpu.VMEM((_GCH, _D), jnp.float32),
            pltpu.SemaphoreType.DMA,
            pltpu.SemaphoreType.DMA,
        ],
    )
    def k(table_hbm, idx_hbm, out_hbm, idx_v, buf0, buf1, sem0, sem1):
        wid = lax.axis_index("s") * 2 + lax.axis_index("c")
        base = wid * per_w
        pltpu.sync_copy(idx_hbm.at[pl.ds(base, per_w)], idx_v)
        bufs = (buf0, buf1)
        sems = (sem0, sem1)
        if n_chunks == 1:
            pltpu.async_copy(table_hbm.at[idx_v.at[pl.ds(0, _GCH)]],
                             buf0, sem0).wait()
            pltpu.sync_copy(buf0, out_hbm.at[pl.ds(base, _GCH)])
        else:
            cp = pltpu.async_copy(table_hbm.at[idx_v.at[pl.ds(0, _GCH)]],
                                  buf0, sem0)
            for c in range(n_chunks):
                cur = bufs[c % 2]
                cp.wait()
                if c + 1 < n_chunks:
                    off = (c + 1) * _GCH
                    cp = pltpu.async_copy(
                        table_hbm.at[idx_v.at[pl.ds(off, _GCH)]],
                        bufs[(c + 1) % 2], sems[(c + 1) % 2])
                pltpu.sync_copy(cur, out_hbm.at[pl.ds(base + c * _GCH, _GCH)])

    return k(table, gidx)



def _mlp1_body(x_ref, cen_ref, w_ref, h_ref, st_ref):
    x = x_ref[...]
    w = w_ref[...]
    h = jnp.dot(x, w, preferred_element_type=jnp.float32)
    c8 = cen_ref[...]
    nm = _PT // _K
    corr = jnp.dot(c8, w[0:8, :], preferred_element_type=jnp.float32)
    corr = jnp.broadcast_to(corr[:, None, :], (nm, _K, 128)).reshape(_PT, 128)
    h = h - corr
    h_ref[...] = h

    @pl.when(pl.program_id(0) == 0)
    def _():
        st_ref[...] = jnp.zeros_like(st_ref)

    s = jnp.sum(h, axis=0, keepdims=True)
    s2 = jnp.sum(h * h, axis=0, keepdims=True)
    st_ref[...] += jnp.concatenate(
        [s, s2, jnp.zeros((6, 128), jnp.float32)], axis=0)


def _mlp_mid_body(h_ref, stin_ref, pr_ref, bias_ref, w_ref, o_ref, st_ref,
                  *, nout):
    stats = stin_ref[...]
    inv_p = np.float32(1.0 / _P)
    mean = stats[0:1, :] * inv_p
    var = stats[1:2, :] * inv_p - mean * mean
    g = pr_ref[0:1, :]
    be = pr_ref[1:2, :]
    bias = bias_ref[0:1, :]
    scale = g / jnp.sqrt(var + np.float32(1e-5))
    shift = be - mean * scale
    x = h_ref[...]
    xr = jnp.maximum(x * scale + shift, 0.0)
    o = jnp.dot(xr, w_ref[...], preferred_element_type=jnp.float32) + bias
    o_ref[...] = o

    @pl.when(pl.program_id(0) == 0)
    def _():
        st_ref[...] = jnp.zeros_like(st_ref)

    s = jnp.sum(o, axis=0, keepdims=True)
    s2 = jnp.sum(o * o, axis=0, keepdims=True)
    st_ref[...] += jnp.concatenate(
        [s, s2, jnp.zeros((6, nout), jnp.float32)], axis=0)


def _mlp3_body(h_ref, stin_ref, pr_ref, bias_ref, w_ref, gx_ref, gn_ref,
               st_ref):
    stats = stin_ref[...]
    inv_p = np.float32(1.0 / _P)
    mean = stats[0:1, :] * inv_p
    var = stats[1:2, :] * inv_p - mean * mean
    g = pr_ref[0:1, :]
    be = pr_ref[1:2, :]
    bias = bias_ref[0:1, :]
    scale = g / jnp.sqrt(var + np.float32(1e-5))
    shift = be - mean * scale
    x = h_ref[...]
    xr = jnp.maximum(x * scale + shift, 0.0)
    o = jnp.dot(xr, w_ref[...], preferred_element_type=jnp.float32) + bias
    og = o.reshape(_PT // _K, _K, 256)
    gx_ref[...] = jnp.max(og, axis=1)
    gn_ref[...] = jnp.min(og, axis=1)

    @pl.when(pl.program_id(0) == 0)
    def _():
        st_ref[...] = jnp.zeros_like(st_ref)

    s = jnp.sum(o, axis=0, keepdims=True)
    s2 = jnp.sum(o * o, axis=0, keepdims=True)
    st_ref[...] += jnp.concatenate(
        [s, s2, jnp.zeros((6, 256), jnp.float32)], axis=0)


def _mlp4_body(gx_ref, gn_ref, stin_ref, pr_ref, o_ref):
    stats = stin_ref[...]
    inv_p = np.float32(1.0 / _P)
    mean = stats[0:1, :] * inv_p
    var = stats[1:2, :] * inv_p - mean * mean
    g = pr_ref[0:1, :]
    be = pr_ref[1:2, :]
    scale = g / jnp.sqrt(var + np.float32(1e-5))
    shift = be - mean * scale
    sel = jnp.where(scale >= 0.0, gx_ref[...], gn_ref[...])
    o_ref[...] = jnp.maximum(sel * scale + shift, 0.0)


def _mlp(x0, cen8, w0t, w1t, w2t, pr1, pr2, pr3, b1r, b2r):
    ng = _P // _PT
    h1, st1 = pl.pallas_call(
        _mlp1_body,
        grid=(ng,),
        in_specs=[
            pl.BlockSpec((_PT, _D), lambda i: (i, 0)),
            pl.BlockSpec((_PT // _K, 8), lambda i: (i, 0)),
            pl.BlockSpec((_D, 128), lambda i: (0, 0)),
        ],
        out_specs=[
            pl.BlockSpec((_PT, 128), lambda i: (i, 0)),
            pl.BlockSpec((8, 128), lambda i: (0, 0)),
        ],
        out_shape=[
            jax.ShapeDtypeStruct((_P, 128), jnp.float32),
            jax.ShapeDtypeStruct((8, 128), jnp.float32),
        ],
    )(x0, cen8, w0t)

    def mid(h, st, pr, bias, wt, nout):
        return pl.pallas_call(
            functools.partial(_mlp_mid_body, nout=nout),
            grid=(ng,),
            in_specs=[
                pl.BlockSpec((_PT, 128), lambda i: (i, 0)),
                pl.BlockSpec((8, 128), lambda i: (0, 0)),
                pl.BlockSpec((8, 128), lambda i: (0, 0)),
                pl.BlockSpec((8, nout), lambda i: (0, 0)),
                pl.BlockSpec((128, nout), lambda i: (0, 0)),
            ],
            out_specs=[
                pl.BlockSpec((_PT, nout), lambda i: (i, 0)),
                pl.BlockSpec((8, nout), lambda i: (0, 0)),
            ],
            out_shape=[
                jax.ShapeDtypeStruct((_P, nout), jnp.float32),
                jax.ShapeDtypeStruct((8, nout), jnp.float32),
            ],
        )(h, st, pr, bias, wt)

    h2, st2 = mid(h1, st1, pr1, b1r, w1t, 128)

    gx, gn, st3 = pl.pallas_call(
        _mlp3_body,
        grid=(ng,),
        in_specs=[
            pl.BlockSpec((_PT, 128), lambda i: (i, 0)),
            pl.BlockSpec((8, 128), lambda i: (0, 0)),
            pl.BlockSpec((8, 128), lambda i: (0, 0)),
            pl.BlockSpec((8, 256), lambda i: (0, 0)),
            pl.BlockSpec((128, 256), lambda i: (0, 0)),
        ],
        out_specs=[
            pl.BlockSpec((_PT // _K, 256), lambda i: (i, 0)),
            pl.BlockSpec((_PT // _K, 256), lambda i: (i, 0)),
            pl.BlockSpec((8, 256), lambda i: (0, 0)),
        ],
        out_shape=[
            jax.ShapeDtypeStruct((_B * _M, 256), jnp.float32),
            jax.ShapeDtypeStruct((_B * _M, 256), jnp.float32),
            jax.ShapeDtypeStruct((8, 256), jnp.float32),
        ],
    )(h2, st2, pr2, b2r, w2t)

    ng4 = (_B * _M) // _PT
    pooled = pl.pallas_call(
        _mlp4_body,
        grid=(ng4,),
        in_specs=[
            pl.BlockSpec((_PT, 256), lambda i: (i, 0)),
            pl.BlockSpec((_PT, 256), lambda i: (i, 0)),
            pl.BlockSpec((8, 256), lambda i: (0, 0)),
            pl.BlockSpec((8, 256), lambda i: (0, 0)),
        ],
        out_specs=pl.BlockSpec((_PT, 256), lambda i: (i, 0)),
        out_shape=jax.ShapeDtypeStruct((_B * _M, 256), jnp.float32),
    )(gx, gn, st3, pr3)
    return pooled



def kernel(points, features, W0, b0, gamma0, beta0, W1, b1, gamma1, beta1,
           W2, b2, gamma2, beta2):
    f32 = jnp.float32
    pts_tr = jnp.swapaxes(points, 1, 2).reshape(_B * _N, 3)
    fts_tr = jnp.swapaxes(features, 1, 2).reshape(_B * _N, _C)
    table = jnp.concatenate(
        [pts_tr, fts_tr,
         jnp.ones((_B * _N, 1), f32),
         jnp.zeros((_B * _N, _D - _C - 4), f32)], axis=1)

    pts4 = points.reshape(_B, 3, _NS, _NL)
    pts_dyn = jnp.concatenate(
        [jnp.transpose(pts4, (0, 2, 1, 3)),
         jnp.zeros((_B, _NS, 5, _NL), f32)], axis=2)
    cen_xyz = _fps(pts4, pts_dyn)
    cen8 = jnp.concatenate(
        [jnp.transpose(cen_xyz, (0, 2, 1)).reshape(_B * _M, 3),
         jnp.zeros((_B * _M, 5), f32)], axis=1)

    pts_pad = jnp.concatenate(
        [points, jnp.zeros((_B, 5, _N), f32)], axis=1)
    pts_t = jnp.transpose(pts_pad.reshape(_B, 8, _NT, _TQ), (0, 2, 1, 3))
    idx = _ball_query(cen8, pts_t)

    x0 = _sc_gather(table, idx.reshape(_P))

    w0t = jnp.concatenate(
        [W0.T, b0[None, :], jnp.zeros((_D - 68, 128), f32)], axis=0)
    w1t = W1.T
    w2t = W2.T
    zr = jnp.zeros((6, 128), f32)
    zr2 = jnp.zeros((6, 256), f32)
    pr1 = jnp.concatenate([gamma0[None], beta0[None], zr], axis=0)
    pr2 = jnp.concatenate([gamma1[None], beta1[None], zr], axis=0)
    pr3 = jnp.concatenate([gamma2[None], beta2[None], zr2], axis=0)
    b1r = jnp.concatenate([b1[None], jnp.zeros((7, 128), f32)], axis=0)
    b2r = jnp.concatenate([b2[None], jnp.zeros((7, 256), f32)], axis=0)

    pooled = _mlp(x0, cen8, w0t, w1t, w2t, pr1, pr2, pr3, b1r, b2r)

    feat = jnp.transpose(pooled.reshape(_B, _M, 256), (0, 2, 1))
    return (cen_xyz, feat)

# --- scband reference (transcript-rebuilt; emitter-appended) ---
"""Pipeline reference for scband-set-abstraction-module-87050397155548 (READ-ONLY COPY).

The authoritative reference and input builder live on the scoring server;
editing this copy changes nothing except your own understanding.
"""

import jax, jax.numpy as jnp
import numpy as np

B = 4
N = 16384
C = 64
M = 1024
K = 32
RADIUS = 0.2
OUT_DIMS = [128, 128, 256]
IN_DIM = C + 3


def setup_inputs(seed: int = 0):
    key = jax.random.key(seed)
    ks = jax.random.split(key, 16)
    inp = {}
    inp['points'] = jax.random.uniform(ks[0], (B, 3, N), dtype=jnp.float32)
    inp['features'] = jax.random.normal(ks[1], (B, C, N), dtype=jnp.float32)
    dims = [IN_DIM] + OUT_DIMS
    for i in range(3):
        inp['W%d' % i] = jax.random.normal(ks[2 + i], (dims[i + 1], dims[i]), dtype=jnp.float32) / np.sqrt(dims[i])
        inp['b%d' % i] = jnp.zeros((dims[i + 1],), dtype=jnp.float32)
        inp['gamma%d' % i] = jnp.ones((dims[i + 1],), dtype=jnp.float32)
        inp['beta%d' % i] = jnp.zeros((dims[i + 1],), dtype=jnp.float32)
    return inp


def farthest_point_sampling(points, m):
    b, _, n = points.shape
    pts = jnp.transpose(points, (0, 2, 1))
    idx0 = jnp.zeros((b, m), dtype=jnp.int32)
    dists0 = jnp.full((b, n), 1e10, dtype=points.dtype)
    last0 = jnp.zeros((b,), dtype=jnp.int32)

    def body(i, state):
        idx, dists, last = state
        lastpt = jnp.take_along_axis(pts, jnp.broadcast_to(last[:, None, None], (b, 1, 3)), axis=1)
        d = jnp.sum((pts - lastpt) ** 2, axis=-1)
        dists = jnp.minimum(dists, d)
        nxt = jnp.argmax(dists, axis=-1).astype(jnp.int32)
        idx = idx.at[:, i].set(nxt)
        return (idx, dists, nxt)

    idx, _, _ = jax.lax.fori_loop(1, m, body, (idx0, dists0, last0))
    return idx


def ball_query(points, centroids, k, radius):
    pts = jnp.transpose(points, (0, 2, 1))
    cen = jnp.transpose(centroids, (0, 2, 1))
    pn = jnp.sum(pts ** 2, axis=-1)
    cn = jnp.sum(cen ** 2, axis=-1)
    dist2 = cn[:, :, None] + pn[:, None, :] - 2.0 * jnp.einsum('bmd,bnd->bmn', cen, pts)
    b, m, n = dist2.shape
    mask = dist2 <= radius * radius
    cand = jnp.where(mask, jnp.arange(n, dtype=jnp.int32)[None, None, :], n)
    cand = jnp.sort(cand, axis=-1)[:, :, :k]
    first = cand[:, :, :1]
    idx = jnp.where(cand >= n, first, cand)
    return jnp.clip(idx, 0, n - 1).astype(jnp.int32)


def group_gather(points, features, centroids, idx):
    b, _, n = points.shape
    m, k = idx.shape[1], idx.shape[2]
    c = features.shape[1]
    flat = idx.reshape(b, m * k)
    pts = jnp.transpose(points, (0, 2, 1))
    fts = jnp.transpose(features, (0, 2, 1))
    gxyz = jnp.take_along_axis(pts, jnp.broadcast_to(flat[:, :, None], (b, m * k, 3)), axis=1)
    gxyz = jnp.transpose(gxyz.reshape(b, m, k, 3), (0, 3, 1, 2)) - centroids[:, :, :, None]
    gf = jnp.take_along_axis(fts, jnp.broadcast_to(flat[:, :, None], (b, m * k, c)), axis=1)
    gf = jnp.transpose(gf.reshape(b, m, k, c), (0, 3, 1, 2))
    return jnp.concatenate([gxyz, gf], axis=1)


def pointnet(x, params):
    for (W, bb, g, be) in params:
        x = jnp.einsum('oi,bimk->bomk', W, x) + bb[None, :, None, None]
        mean = jnp.mean(x, axis=(0, 2, 3), keepdims=True)
        var = jnp.var(x, axis=(0, 2, 3), keepdims=True)
        x = (x - mean) / jnp.sqrt(var + 1e-5) * g[None, :, None, None] + be[None, :, None, None]
        x = jnp.maximum(x, 0.0)
    return x


def reference(points, features, W0, b0, gamma0, beta0, W1, b1, gamma1, beta1, W2, b2, gamma2, beta2):
    fps_idx = farthest_point_sampling(points, M)
    pts = jnp.transpose(points, (0, 2, 1))
    cen = jnp.take_along_axis(pts, jnp.broadcast_to(fps_idx[:, :, None], (points.shape[0], M, 3)), axis=1)
    centroids = jnp.transpose(cen, (0, 2, 1))
    idx = ball_query(points, centroids, K, RADIUS)
    x = group_gather(points, features, centroids, idx)
    params = [(W0, b0, gamma0, beta0), (W1, b1, gamma1, beta1), (W2, b2, gamma2, beta2)]
    x = pointnet(x, params)
    feat = jnp.max(x, axis=3)
    return (centroids, feat)

if __name__ == "__main__":
    import jax
    _d = setup_inputs()
    print(jax.jit(kernel)(*tuple(_d.values())))

</pallas_src>

<mosaic_0001>
#map = affine_map<(d0, d1) -> (0, 0)>
#map1 = affine_map<(d0, d1) -> (0)>
module attributes {stable_mosaic.version = 14 : i64} {
  func.func @k(%arg0: i32, %arg1: i32, %arg2: memref<65536x128xf32, #tpu.memory_space<hbm>>, %arg3: memref<131072xi32, #tpu.memory_space<hbm>>, %arg4: memref<131072x128xf32, #tpu.memory_space<hbm>>, %arg5: memref<4096xi32, #tpu.memory_space<vmem>>, %arg6: memref<128x128xf32, #tpu.memory_space<vmem>>, %arg7: memref<128x128xf32, #tpu.memory_space<vmem>>, %arg8: memref<!tpu.dma_semaphore, #tpu.memory_space<semaphore_mem>>, %arg9: memref<!tpu.dma_semaphore, #tpu.memory_space<semaphore_mem>>) attributes {dimension_semantics = [#tpu.dimension_semantics<core_parallel>, #tpu.dimension_semantics<subcore_parallel>], iteration_bounds = array<i64: 2, 16>, scalar_prefetch = 0 : i64, scratch_operands = 5 : i64, tpu.core_type = #tpu.core_type<sc_vector_subcore>, window_params = [{transform_indices = #map}, {transform_indices = #map1}, {transform_indices = #map}]} {
    %mul3A = arith.constant 2 : i32
    %mul3A_0 = arith.muli %arg1, %mul3A : i32
    %add3A = arith.addi %mul3A_0, %arg0 : i32
    %mul3A_1 = arith.constant 4096 : i32
    %mul3A_2 = arith.muli %add3A, %mul3A_1 : i32
    "tpu.region"() ({
      %run_scoped3A = tpu.sem_alloc : memref<!tpu.dma_semaphore, #tpu.memory_space<semaphore_mem>>
      %dma_start3A_385 = tpu.memref_slice %arg3[%mul3A_2] : memref<131072xi32, #tpu.memory_space<hbm>> -> memref<4096xi32, #tpu.memory_space<hbm>>
      %dma_start3A_386 = tpu.memref_slice %arg3[%mul3A_2] : memref<131072xi32, #tpu.memory_space<hbm>> -> memref<4096xi32, #tpu.memory_space<hbm>>
      tpu.enqueue_dma source(%dma_start3A_386 : memref<4096xi32, #tpu.memory_space<hbm>>) target(%arg5 : memref<4096xi32, #tpu.memory_space<vmem>>) target_semaphore(%run_scoped3A : memref<!tpu.dma_semaphore, #tpu.memory_space<semaphore_mem>>)
      %dma_wait3A_387 = tpu.memref_slice %arg3[%mul3A_2] : memref<131072xi32, #tpu.memory_space<hbm>> -> memref<4096xi32, #tpu.memory_space<hbm>>
      %dma_wait3A_388 = tpu.memref_slice %arg3[%mul3A_2] : memref<131072xi32, #tpu.memory_space<hbm>> -> memref<4096xi32, #tpu.memory_space<hbm>>
      tpu.wait_dma2 semaphore(%run_scoped3A : memref<!tpu.dma_semaphore, #tpu.memory_space<semaphore_mem>>) src(%dma_wait3A_388 : memref<4096xi32, #tpu.memory_space<hbm>>) dst(%arg5 : memref<4096xi32, #tpu.memory_space<vmem>>)
      tpu.yield
    }) : () -> ()
    %dma_start3A = arith.constant 0 : i32
    %dma_start3A_3 = tpu.memref_slice %arg5[%dma_start3A] : memref<4096xi32, #tpu.memory_space<vmem>> -> memref<128xi32, #tpu.memory_space<vmem>>
    %dma_start3A_4 = arith.constant 0 : i32
    %dma_start3A_5 = arith.constant 0 : i32
    %dma_start3A_6 = tpu.memref_slice %arg2[%dma_start3A_4, %dma_start3A_5] : memref<65536x128xf32, #tpu.memory_space<hbm>> -> memref<65536x128xf32, #tpu.memory_space<hbm>>
    tpu.enqueue_indirect_dma source(%dma_start3A_6 : memref<65536x128xf32, #tpu.memory_space<hbm>>) target(%arg6 : memref<128x128xf32, #tpu.memory_space<vmem>>) offsets(%dma_start3A_3 : memref<128xi32, #tpu.memory_space<vmem>>) semaphore(%arg8 : memref<!tpu.dma_semaphore, #tpu.memory_space<semaphore_mem>>)
    %dma_wait3A = arith.constant 0 : i32
    %dma_wait3A_7 = tpu.memref_slice %arg5[%dma_wait3A] : memref<4096xi32, #tpu.memory_space<vmem>> -> memref<128xi32, #tpu.memory_space<vmem>>
    %dma_wait3A_8 = arith.constant 0 : i32
    %dma_wait3A_9 = arith.constant 0 : i32
    %dma_wait3A_10 = tpu.memref_slice %arg2[%dma_wait3A_8, %dma_wait3A_9] : memref<65536x128xf32, #tpu.memory_space<hbm>> -> memref<65536x128xf32, #tpu.memory_space<hbm>>
    tpu.wait_indirect_dma semaphore(%arg8 : memref<!tpu.dma_semaphore, #tpu.memory_space<semaphore_mem>>) src(%dma_wait3A_10 : memref<65536x128xf32, #tpu.memory_space<hbm>>) dst(%arg6 : memref<128x128xf32, #tpu.memory_space<vmem>>)
    %dma_start3A_11 = arith.constant 128 : i32
    %dma_start3A_12 = tpu.memref_slice %arg5[%dma_start3A_11] : memref<4096xi32, #tpu.memory_space<vmem>> -> memref<128xi32, #tpu.memory_space<vmem>>
    %dma_start3A_13 = arith.constant 0 : i32
    %dma_start3A_14 = arith.constant 0 : i32
    %dma_start3A_15 = tpu.memref_slice %arg2[%dma_start3A_13, %dma_start3A_14] : memref<65536x128xf32, #tpu.memory_space<hbm>> -> memref<65536x128xf32, #tpu.memory_space<hbm>>
    tpu.enqueue_indirect_dma source(%dma_start3A_15 : memref<65536x128xf32, #tpu.memory_space<hbm>>) target(%arg7 : memref<128x128xf32, #tpu.memory_space<vmem>>) offsets(%dma_start3A_12 : memref<128xi32, #tpu.memory_space<vmem>>) semaphore(%arg9 : memref<!tpu.dma_semaphore, #tpu.memory_space<semaphore_mem>>)
    %add3A_16 = arith.constant 0 : i32
    %add3A_17 = arith.addi %mul3A_2, %add3A_16 : i32
    "tpu.region"() ({
      %run_scoped3A = tpu.sem_alloc : memref<!tpu.dma_semaphore, #tpu.memory_space<semaphore_mem>>
      %dma_start3A_385 = arith.constant 0 : i32
      %dma_start3A_386 = tpu.memref_slice %arg4[%add3A_17, %dma_start3A_385] : memref<131072x128xf32, #tpu.memory_space<hbm>> -> memref<128x128xf32, #tpu.memory_space<hbm>>
      %dma_start3A_387 = arith.constant 0 : i32
      %dma_start3A_388 = tpu.memref_slice %arg4[%add3A_17, %dma_start3A_387] : memref<131072x128xf32, #tpu.memory_space<hbm>> -> memref<128x128xf32, #tpu.memory_space<hbm>>
      tpu.enqueue_dma source(%arg6 : memref<128x128xf32, #tpu.memory_space<vmem>>) target(%dma_start3A_388 : memref<128x128xf32, #tpu.memory_space<hbm>>) target_semaphore(%run_scoped3A : memref<!tpu.dma_semaphore, #tpu.memory_space<semaphore_mem>>)
      %dma_wait3A_389 = arith.constant 0 : i32
      %dma_wait3A_390 = tpu.memref_slice %arg4[%add3A_17, %dma_wait3A_389] : memref<131072x128xf32, #tpu.memory_space<hbm>> -> memref<128x128xf32, #tpu.memory_space<hbm>>
      %dma_wait3A_391 = arith.constant 0 : i32
      %dma_wait3A_392 = tpu.memref_slice %arg4[%add3A_17, %dma_wait3A_391] : memref<131072x128xf32, #tpu.memory_space<hbm>> -> memref<128x128xf32, #tpu.memory_space<hbm>>
      tpu.wait_dma2 semaphore(%run_scoped3A : memref<!tpu.dma_semaphore, #tpu.memory_space<semaphore_mem>>) src(%arg6 : memref<128x128xf32, #tpu.memory_space<vmem>>) dst(%dma_wait3A_392 : memref<128x128xf32, #tpu.memory_space<hbm>>)
      tpu.yield
    }) : () -> ()
    %dma_wait3A_18 = arith.constant 128 : i32
    %dma_wait3A_19 = tpu.memref_slice %arg5[%dma_wait3A_18] : memref<4096xi32, #tpu.memory_space<vmem>> -> memref<128xi32, #tpu.memory_space<vmem>>
    %dma_wait3A_20 = arith.constant 0 : i32
    %dma_wait3A_21 = arith.constant 0 : i32
    %dma_wait3A_22 = tpu.memref_slice %arg2[%dma_wait3A_20, %dma_wait3A_21] : memref<65536x128xf32, #tpu.memory_space<hbm>> -> memref<65536x128xf32, #tpu.memory_space<hbm>>
    tpu.wait_indirect_dma semaphore(%arg9 : memref<!tpu.dma_semaphore, #tpu.memory_space<semaphore_mem>>) src(%dma_wait3A_22 : memref<65536x128xf32, #tpu.memory_space<hbm>>) dst(%arg7 : memref<128x128xf32, #tpu.memory_space<vmem>>)
    %dma_start3A_23 = arith.constant 256 : i32
    %dma_start3A_24 = tpu.memref_slice %arg5[%dma_start3A_23] : memref<4096xi32, #tpu.memory_space<vmem>> -> memref<128xi32, #tpu.memory_space<vmem>>
    %dma_start3A_25 = arith.constant 0 : i32
    %dma_start3A_26 = arith.constant 0 : i32
    %dma_start3A_27 = tpu.memref_slice %arg2[%dma_start3A_25, %dma_start3A_26] : memref<65536x128xf32, #tpu.memory_space<hbm>> -> memref<65536x128xf32, #tpu.memory_space<hbm>>
    tpu.enqueue_indirect_dma source(%dma_start3A_27 : memref<65536x128xf32, #tpu.memory_space<hbm>>) target(%arg6 : memref<128x128xf32, #tpu.memory_space<vmem>>) offsets(%dma_start3A_24 : memref<128xi32, #tpu.memory_space<vmem>>) semaphore(%arg8 : memref<!tpu.dma_semaphore, #tpu.memory_space<semaphore_mem>>)
    %add3A_28 = arith.constant 128 : i32
    %add3A_29 = arith.addi %mul3A_2, %add3A_28 : i32
    "tpu.region"() ({
      %run_scoped3A = tpu.sem_alloc : memref<!tpu.dma_semaphore, #tpu.memory_space<semaphore_mem>>
      %dma_start3A_385 = arith.constant 0 : i32
      %dma_start3A_386 = tpu.memref_slice %arg4[%add3A_29, %dma_start3A_385] : memref<131072x128xf32, #tpu.memory_space<hbm>> -> memref<128x128xf32, #tpu.memory_space<hbm>>
      %dma_start3A_387 = arith.constant 0 : i32
      %dma_start3A_388 = tpu.memref_slice %arg4[%add3A_29, %dma_start3A_387] : memref<131072x128xf32, #tpu.memory_space<hbm>> -> memref<128x128xf32, #tpu.memory_space<hbm>>
      tpu.enqueue_dma source(%arg7 : memref<128x128xf32, #tpu.memory_space<vmem>>) target(%dma_start3A_388 : memref<128x128xf32, #tpu.memory_space<hbm>>) target_semaphore(%run_scoped3A : memref<!tpu.dma_semaphore, #tpu.memory_space<semaphore_mem>>)
      %dma_wait3A_389 = arith.constant 0 : i32
      %dma_wait3A_390 = tpu.memref_slice %arg4[%add3A_29, %dma_wait3A_389] : memref<131072x128xf32, #tpu.memory_space<hbm>> -> memref<128x128xf32, #tpu.memory_space<hbm>>
      %dma_wait3A_391 = arith.constant 0 : i32
      %dma_wait3A_392 = tpu.memref_slice %arg4[%add3A_29, %dma_wait3A_391] : memref<131072x128xf32, #tpu.memory_space<hbm>> -> memref<128x128xf32, #tpu.memory_space<hbm>>
      tpu.wait_dma2 semaphore(%run_scoped3A : memref<!tpu.dma_semaphore, #tpu.memory_space<semaphore_mem>>) src(%arg7 : memref<128x128xf32, #tpu.memory_space<vmem>>) dst(%dma_wait3A_392 : memref<128x128xf32, #tpu.memory_space<hbm>>)
      tpu.yield
    }) : () -> ()
    %dma_wait3A_30 = arith.constant 256 : i32
    %dma_wait3A_31 = tpu.memref_slice %arg5[%dma_wait3A_30] : memref<4096xi32, #tpu.memory_space<vmem>> -> memref<128xi32, #tpu.memory_space<vmem>>
    %dma_wait3A_32 = arith.constant 0 : i32
    %dma_wait3A_33 = arith.constant 0 : i32
    %dma_wait3A_34 = tpu.memref_slice %arg2[%dma_wait3A_32, %dma_wait3A_33] : memref<65536x128xf32, #tpu.memory_space<hbm>> -> memref<65536x128xf32, #tpu.memory_space<hbm>>
    tpu.wait_indirect_dma semaphore(%arg8 : memref<!tpu.dma_semaphore, #tpu.memory_space<semaphore_mem>>) src(%dma_wait3A_34 : memref<65536x128xf32, #tpu.memory_space<hbm>>) dst(%arg6 : memref<128x128xf32, #tpu.memory_space<vmem>>)
    %dma_start3A_35 = arith.constant 384 : i32
    %dma_start3A_36 = tpu.memref_slice %arg5[%dma_start3A_35] : memref<4096xi32, #tpu.memory_space<vmem>> -> memref<128xi32, #tpu.memory_space<vmem>>
    %dma_start3A_37 = arith.constant 0 : i32
    %dma_start3A_38 = arith.constant 0 : i32
    %dma_start3A_39 = tpu.memref_slice %arg2[%dma_start3A_37, %dma_start3A_38] : memref<65536x128xf32, #tpu.memory_space<hbm>> -> memref<65536x128xf32, #tpu.memory_space<hbm>>
    tpu.enqueue_indirect_dma source(%dma_start3A_39 : memref<65536x128xf32, #tpu.memory_space<hbm>>) target(%arg7 : memref<128x128xf32, #tpu.memory_space<vmem>>) offsets(%dma_start3A_36 : memref<128xi32, #tpu.memory_space<vmem>>) semaphore(%arg9 : memref<!tpu.dma_semaphore, #tpu.memory_space<semaphore_mem>>)
    %add3A_40 = arith.constant 256 : i32
    %add3A_41 = arith.addi %mul3A_2, %add3A_40 : i32
    "tpu.region"() ({
      %run_scoped3A = tpu.sem_alloc : memref<!tpu.dma_semaphore, #tpu.memory_space<semaphore_mem>>
      %dma_start3A_385 = arith.constant 0 : i32
      %dma_start3A_386 = tpu.memref_slice %arg4[%add3A_41, %dma_start3A_385] : memref<131072x128xf32, #tpu.memory_space<hbm>> -> memref<128x128xf32, #tpu.memory_space<hbm>>
      %dma_start3A_387 = arith.constant 0 : i32
      %dma_start3A_388 = tpu.memref_slice %arg4[%add3A_41, %dma_start3A_387] : memref<131072x128xf32, #tpu.memory_space<hbm>> -> memref<128x128xf32, #tpu.memory_space<hbm>>
      tpu.enqueue_dma source(%arg6 : memref<128x128xf32, #tpu.memory_space<vmem>>) target(%dma_start3A_388 : memref<128x128xf32, #tpu.memory_space<hbm>>) target_semaphore(%run_scoped3A : memref<!tpu.dma_semaphore, #tpu.memory_space<semaphore_mem>>)
      %dma_wait3A_389 = arith.constant 0 : i32
      %dma_wait3A_390 = tpu.memref_slice %arg4[%add3A_41, %dma_wait3A_389] : memref<131072x128xf32, #tpu.memory_space<hbm>> -> memref<128x128xf32, #tpu.memory_space<hbm>>
      %dma_wait3A_391 = arith.constant 0 : i32
      %dma_wait3A_392 = tpu.memref_slice %arg4[%add3A_41, %dma_wait3A_391] : memref<131072x128xf32, #tpu.memory_space<hbm>> -> memref<128x128xf32, #tpu.memory_space<hbm>>
      tpu.wait_dma2 semaphore(%run_scoped3A : memref<!tpu.dma_semaphore, #tpu.memory_space<semaphore_mem>>) src(%arg6 : memref<128x128xf32, #tpu.memory_space<vmem>>) dst(%dma_wait3A_392 : memref<128x128xf32, #tpu.memory_space<hbm>>)
      tpu.yield
    }) : () -> ()
    %dma_wait3A_42 = arith.constant 384 : i32
    %dma_wait3A_43 = tpu.memref_slice %arg5[%dma_wait3A_42] : memref<4096xi32, #tpu.memory_space<vmem>> -> memref<128xi32, #tpu.memory_space<vmem>>
    %dma_wait3A_44 = arith.constant 0 : i32
    %dma_wait3A_45 = arith.constant 0 : i32
    %dma_wait3A_46 = tpu.memref_slice %arg2[%dma_wait3A_44, %dma_wait3A_45] : memref<65536x128xf32, #tpu.memory_space<hbm>> -> memref<65536x128xf32, #tpu.memory_space<hbm>>
    tpu.wait_indirect_dma semaphore(%arg9 : memref<!tpu.dma_semaphore, #tpu.memory_space<semaphore_mem>>) src(%dma_wait3A_46 : memref<65536x128xf32, #tpu.memory_space<hbm>>) dst(%arg7 : memref<128x128xf32, #tpu.memory_space<vmem>>)
    %dma_start3A_47 = arith.constant 512 : i32
    %dma_start3A_48 = tpu.memref_slice %arg5[%dma_start3A_47] : memref<4096xi32, #tpu.memory_space<vmem>> -> memref<128xi32, #tpu.memory_space<vmem>>
    %dma_start3A_49 = arith.constant 0 : i32
    %dma_start3A_50 = arith.constant 0 : i32
    %dma_start3A_51 = tpu.memref_slice %arg2[%dma_start3A_49, %dma_start3A_50] : memref<65536x128xf32, #tpu.memory_space<hbm>> -> memref<65536x128xf32, #tpu.memory_space<hbm>>
    tpu.enqueue_indirect_dma source(%dma_start3A_51 : memref<65536x128xf32, #tpu.memory_space<hbm>>) target(%arg6 : memref<128x128xf32, #tpu.memory_space<vmem>>) offsets(%dma_start3A_48 : memref<128xi32, #tpu.memory_space<vmem>>) semaphore(%arg8 : memref<!tpu.dma_semaphore, #tpu.memory_space<semaphore_mem>>)
    %add3A_52 = arith.constant 384 : i32
    %add3A_53 = arith.addi %mul3A_2, %add3A_52 : i32
    "tpu.region"() ({
      %run_scoped3A = tpu.sem_alloc : memref<!tpu.dma_semaphore, #tpu.memory_space<semaphore_mem>>
      %dma_start3A_385 = arith.constant 0 : i32
      %dma_start3A_386 = tpu.memref_slice %arg4[%add3A_53, %dma_start3A_385] : memref<131072x128xf32, #tpu.memory_space<hbm>> -> memref<128x128xf32, #tpu.memory_space<hbm>>
      %dma_start3A_387 = arith.constant 0 : i32
      %dma_start3A_388 = tpu.memref_slice %arg4[%add3A_53, %dma_start3A_387] : memref<131072x128xf32, #tpu.memory_space<hbm>> -> memref<128x128xf32, #tpu.memory_space<hbm>>
      tpu.enqueue_dma source(%arg7 : memref<128x128xf32, #tpu.memory_space<vmem>>) target(%dma_start3A_388 : memref<128x128xf32, #tpu.memory_space<hbm>>) target_semaphore(%run_scoped3A : memref<!tpu.dma_semaphore, #tpu.memory_space<semaphore_mem>>)
      %dma_wait3A_389 = arith.constant 0 : i32
      %dma_wait3A_390 = tpu.memref_slice %arg4[%add3A_53, %dma_wait3A_389] : memref<131072x128xf32, #tpu.memory_space<hbm>> -> memref<128x128xf32, #tpu.memory_space<hbm>>
      %dma_wait3A_391 = arith.constant 0 : i32
      %dma_wait3A_392 = tpu.memref_slice %arg4[%add3A_53, %dma_wait3A_391] : memref<131072x128xf32, #tpu.memory_space<hbm>> -> memref<128x128xf32, #tpu.memory_space<hbm>>
      tpu.wait_dma2 semaphore(%run_scoped3A : memref<!tpu.dma_semaphore, #tpu.memory_space<semaphore_mem>>) src(%arg7 : memref<128x128xf32, #tpu.memory_space<vmem>>) dst(%dma_wait3A_392 : memref<128x128xf32, #tpu.memory_space<hbm>>)
      tpu.yield
    }) : () -> ()
    %dma_wait3A_54 = arith.constant 512 : i32
    %dma_wait3A_55 = tpu.memref_slice %arg5[%dma_wait3A_54] : memref<4096xi32, #tpu.memory_space<vmem>> -> memref<128xi32, #tpu.memory_space<vmem>>
    %dma_wait3A_56 = arith.constant 0 : i32
    %dma_wait3A_57 = arith.constant 0 : i32
    %dma_wait3A_58 = tpu.memref_slice %arg2[%dma_wait3A_56, %dma_wait3A_57] : memref<65536x128xf32, #tpu.memory_space<hbm>> -> memref<65536x128xf32, #tpu.memory_space<hbm>>
    tpu.wait_indirect_dma semaphore(%arg8 : memref<!tpu.dma_semaphore, #tpu.memory_space<semaphore_mem>>) src(%dma_wait3A_58 : memref<65536x128xf32, #tpu.memory_space<hbm>>) dst(%arg6 : memref<128x128xf32, #tpu.memory_space<vmem>>)
    %dma_start3A_59 = arith.constant 640 : i32
    %dma_start3A_60 = tpu.memref_slice %arg5[%dma_start3A_59] : memref<4096xi32, #tpu.memory_space<vmem>> -> memref<128xi32, #tpu.memory_space<vmem>>
    %dma_start3A_61 = arith.constant 0 : i32
    %dma_start3A_62 = arith.constant 0 : i32
    %dma_start3A_63 = tpu.memref_slice %arg2[%dma_start3A_61, %dma_start3A_62] : memref<65536x128xf32, #tpu.memory_space<hbm>> -> memref<65536x128xf32, #tpu.memory_space<hbm>>
    tpu.enqueue_indirect_dma source(%dma_start3A_63 : memref<65536x128xf32, #tpu.memory_space<hbm>>) target(%arg7 : memref<128x128xf32, #tpu.memory_space<vmem>>) offsets(%dma_start3A_60 : memref<128xi32, #tpu.memory_space<vmem>>) semaphore(%arg9 : memref<!tpu.dma_semaphore, #tpu.memory_space<semaphore_mem>>)
    %add3A_64 = arith.constant 512 : i32
    %add3A_65 = arith.addi %mul3A_2, %add3A_64 : i32
    "tpu.region"() ({
      %run_scoped3A = tpu.sem_alloc : memref<!tpu.dma_semaphore, #tpu.memory_space<semaphore_mem>>
      %dma_start3A_385 = arith.constant 0 : i32
      %dma_start3A_386 = tpu.memref_slice %arg4[%add3A_65, %dma_start3A_385] : memref<131072x128xf32, #tpu.memory_space<hbm>> -> memref<128x128xf32, #tpu.memory_space<hbm>>
      %dma_start3A_387 = arith.constant 0 : i32
      %dma_start3A_388 = tpu.memref_slice %arg4[%add3A_65, %dma_start3A_387] : memref<131072x128xf32, #tpu.memory_space<hbm>> -> memref<128x128xf32, #tpu.memory_space<hbm>>
      tpu.enqueue_dma source(%arg6 : memref<128x128xf32, #tpu.memory_space<vmem>>) target(%dma_start3A_388 : memref<128x128xf32, #tpu.memory_space<hbm>>) target_semaphore(%run_scoped3A : memref<!tpu.dma_semaphore, #tpu.memory_space<semaphore_mem>>)
      %dma_wait3A_389 = arith.constant 0 : i32
      %dma_wait3A_390 = tpu.memref_slice %arg4[%add3A_65, %dma_wait3A_389] : memref<131072x128xf32, #tpu.memory_space<hbm>> -> memref<128x128xf32, #tpu.memory_space<hbm>>
      %dma_wait3A_391 = arith.constant 0 : i32
      %dma_wait3A_392 = tpu.memref_slice %arg4[%add3A_65, %dma_wait3A_391] : memref<131072x128xf32, #tpu.memory_space<hbm>> -> memref<128x128xf32, #tpu.memory_space<hbm>>
      tpu.wait_dma2 semaphore(%run_scoped3A : memref<!tpu.dma_semaphore, #tpu.memory_space<semaphore_mem>>) src(%arg6 : memref<128x128xf32, #tpu.memory_space<vmem>>) dst(%dma_wait3A_392 : memref<128x128xf32, #tpu.memory_space<hbm>>)
      tpu.yield
    }) : () -> ()
    %dma_wait3A_66 = arith.constant 640 : i32
    %dma_wait3A_67 = tpu.memref_slice %arg5[%dma_wait3A_66] : memref<4096xi32, #tpu.memory_space<vmem>> -> memref<128xi32, #tpu.memory_space<vmem>>
    %dma_wait3A_68 = arith.constant 0 : i32
    %dma_wait3A_69 = arith.constant 0 : i32
    %dma_wait3A_70 = tpu.memref_slice %arg2[%dma_wait3A_68, %dma_wait3A_69] : memref<65536x128xf32, #tpu.memory_space<hbm>> -> memref<65536x128xf32, #tpu.memory_space<hbm>>
    tpu.wait_indirect_dma semaphore(%arg9 : memref<!tpu.dma_semaphore, #tpu.memory_space<semaphore_mem>>) src(%dma_wait3A_70 : memref<65536x128xf32, #tpu.memory_space<hbm>>) dst(%arg7 : memref<128x128xf32, #tpu.memory_space<vmem>>)
    %dma_start3A_71 = arith.constant 768 : i32
    %dma_start3A_72 = tpu.memref_slice %arg5[%dma_start3A_71] : memref<4096xi32, #tpu.memory_space<vmem>> -> memref<128xi32, #tpu.memory_space<vmem>>
    %dma_start3A_73 = arith.constant 0 : i32
    %dma_start3A_74 = arith.constant 0 : i32
    %dma_start3A_75 = tpu.memref_slice %arg2[%dma_start3A_73, %dma_start3A_74] : memref<65536x128xf32, #tpu.memory_space<hbm>> -> memref<65536x128xf32, #tpu.memory_space<hbm>>
    tpu.enqueue_indirect_dma source(%dma_start3A_75 : memref<65536x128xf32, #tpu.memory_space<hbm>>) target(%arg6 : memref<128x128xf32, #tpu.memory_space<vmem>>) offsets(%dma_start3A_72 : memref<128xi32, #tpu.memory_space<vmem>>) semaphore(%arg8 : memref<!tpu.dma_semaphore, #tpu.memory_space<semaphore_mem>>)
    %add3A_76 = arith.constant 640 : i32
    %add3A_77 = arith.addi %mul3A_2, %add3A_76 : i32
    "tpu.region"() ({
      %run_scoped3A = tpu.sem_alloc : memref<!tpu.dma_semaphore, #tpu.memory_space<semaphore_mem>>
      %dma_start3A_385 = arith.constant 0 : i32
      %dma_start3A_386 = tpu.memref_slice %arg4[%add3A_77, %dma_start3A_385] : memref<131072x128xf32, #tpu.memory_space<hbm>> -> memref<128x128xf32, #tpu.memory_space<hbm>>
      %dma_start3A_387 = arith.constant 0 : i32
      %dma_start3A_388 = tpu.memref_slice %arg4[%add3A_77, %dma_start3A_387] : memref<131072x128xf32, #tpu.memory_space<hbm>> -> memref<128x128xf32, #tpu.memory_space<hbm>>
      tpu.enqueue_dma source(%arg7 : memref<128x128xf32, #tpu.memory_space<vmem>>) target(%dma_start3A_388 : memref<128x128xf32, #tpu.memory_space<hbm>>) target_semaphore(%run_scoped3A : memref<!tpu.dma_semaphore, #tpu.memory_space<semaphore_mem>>)
      %dma_wait3A_389 = arith.constant 0 : i32
      %dma_wait3A_390 = tpu.memref_slice %arg4[%add3A_77, %dma_wait3A_389] : memref<131072x128xf32, #tpu.memory_space<hbm>> -> memref<128x128xf32, #tpu.memory_space<hbm>>
      %dma_wait3A_391 = arith.constant 0 : i32
      %dma_wait3A_392 = tpu.memref_slice %arg4[%add3A_77, %dma_wait3A_391] : memref<131072x128xf32, #tpu.memory_space<hbm>> -> memref<128x128xf32, #tpu.memory_space<hbm>>
      tpu.wait_dma2 semaphore(%run_scoped3A : memref<!tpu.dma_semaphore, #tpu.memory_space<semaphore_mem>>) src(%arg7 : memref<128x128xf32, #tpu.memory_space<vmem>>) dst(%dma_wait3A_392 : memref<128x128xf32, #tpu.memory_space<hbm>>)
      tpu.yield
    }) : () -> ()
    %dma_wait3A_78 = arith.constant 768 : i32
    %dma_wait3A_79 = tpu.memref_slice %arg5[%dma_wait3A_78] : memref<4096xi32, #tpu.memory_space<vmem>> -> memref<128xi32, #tpu.memory_space<vmem>>
    %dma_wait3A_80 = arith.constant 0 : i32
    %dma_wait3A_81 = arith.constant 0 : i32
    %dma_wait3A_82 = tpu.memref_slice %arg2[%dma_wait3A_80, %dma_wait3A_81] : memref<65536x128xf32, #tpu.memory_space<hbm>> -> memref<65536x128xf32, #tpu.memory_space<hbm>>
    tpu.wait_indirect_dma semaphore(%arg8 : memref<!tpu.dma_semaphore, #tpu.memory_space<semaphore_mem>>) src(%dma_wait3A_82 : memref<65536x128xf32, #tpu.memory_space<hbm>>) dst(%arg6 : memref<128x128xf32, #tpu.memory_space<vmem>>)
    %dma_start3A_83 = arith.constant 896 : i32
    %dma_start3A_84 = tpu.memref_slice %arg5[%dma_start3A_83] : memref<4096xi32, #tpu.memory_space<vmem>> -> memref<128xi32, #tpu.memory_space<vmem>>
    %dma_start3A_85 = arith.constant 0 : i32
    %dma_start3A_86 = arith.constant 0 : i32
    %dma_start3A_87 = tpu.memref_slice %arg2[%dma_start3A_85, %dma_start3A_86] : memref<65536x128xf32, #tpu.memory_space<hbm>> -> memref<65536x128xf32, #tpu.memory_space<hbm>>
    tpu.enqueue_indirect_dma source(%dma_start3A_87 : memref<65536x128xf32, #tpu.memory_space<hbm>>) target(%arg7 : memref<128x128xf32, #tpu.memory_space<vmem>>) offsets(%dma_start3A_84 : memref<128xi32, #tpu.memory_space<vmem>>) semaphore(%arg9 : memref<!tpu.dma_semaphore, #tpu.memory_space<semaphore_mem>>)
    %add3A_88 = arith.constant 768 : i32
    %add3A_89 = arith.addi %mul3A_2, %add3A_88 : i32
    "tpu.region"() ({
      %run_scoped3A = tpu.sem_alloc : memref<!tpu.dma_semaphore, #tpu.memory_space<semaphore_mem>>
      %dma_start3A_385 = arith.constant 0 : i32
      %dma_start3A_386 = tpu.memref_slice %arg4[%add3A_89, %dma_start3A_385] : memref<131072x128xf32, #tpu.memory_space<hbm>> -> memref<128x128xf32, #tpu.memory_space<hbm>>
      %dma_start3A_387 = arith.constant 0 : i32
      %dma_start3A_388 = tpu.memref_slice %arg4[%add3A_89, %dma_start3A_387] : memref<131072x128xf32, #tpu.memory_space<hbm>> -> memref<128x128xf32, #tpu.memory_space<hbm>>
      tpu.enqueue_dma source(%arg6 : memref<128x128xf32, #tpu.memory_space<vmem>>) target(%dma_start3A_388 : memref<128x128xf32, #tpu.memory_space<hbm>>) target_semaphore(%run_scoped3A : memref<!tpu.dma_semaphore, #tpu.memory_space<semaphore_mem>>)
      %dma_wait3A_389 = arith.constant 0 : i32
      %dma_wait3A_390 = tpu.memref_slice %arg4[%add3A_89, %dma_wait3A_389] : memref<131072x128xf32, #tpu.memory_space<hbm>> -> memref<128x128xf32, #tpu.memory_space<hbm>>
      %dma_wait3A_391 = arith.constant 0 : i32
      %dma_wait3A_392 = tpu.memref_slice %arg4[%add3A_89, %dma_wait3A_391] : memref<131072x128xf32, #tpu.memory_space<hbm>> -> memref<128x128xf32, #tpu.memory_space<hbm>>
      tpu.wait_dma2 semaphore(%run_scoped3A : memref<!tpu.dma_semaphore, #tpu.memory_space<semaphore_mem>>) src(%arg6 : memref<128x128xf32, #tpu.memory_space<vmem>>) dst(%dma_wait3A_392 : memref<128x128xf32, #tpu.memory_space<hbm>>)
      tpu.yield
    }) : () -> ()
    %dma_wait3A_90 = arith.constant 896 : i32
    %dma_wait3A_91 = tpu.memref_slice %arg5[%dma_wait3A_90] : memref<4096xi32, #tpu.memory_space<vmem>> -> memref<128xi32, #tpu.memory_space<vmem>>
    %dma_wait3A_92 = arith.constant 0 : i32
    %dma_wait3A_93 = arith.constant 0 : i32
    %dma_wait3A_94 = tpu.memref_slice %arg2[%dma_wait3A_92, %dma_wait3A_93] : memref<65536x128xf32, #tpu.memory_space<hbm>> -> memref<65536x128xf32, #tpu.memory_space<hbm>>
    tpu.wait_indirect_dma semaphore(%arg9 : memref<!tpu.dma_semaphore, #tpu.memory_space<semaphore_mem>>) src(%dma_wait3A_94 : memref<65536x128xf32, #tpu.memory_space<hbm>>) dst(%arg7 : memref<128x128xf32, #tpu.memory_space<vmem>>)
    %dma_start3A_95 = arith.constant 1024 : i32
    %dma_start3A_96 = tpu.memref_slice %arg5[%dma_start3A_95] : memref<4096xi32, #tpu.memory_space<vmem>> -> memref<128xi32, #tpu.memory_space<vmem>>
    %dma_start3A_97 = arith.constant 0 : i32
    %dma_start3A_98 = arith.constant 0 : i32
    %dma_start3A_99 = tpu.memref_slice %arg2[%dma_start3A_97, %dma_start3A_98] : memref<65536x128xf32, #tpu.memory_space<hbm>> -> memref<65536x128xf32, #tpu.memory_space<hbm>>
    tpu.enqueue_indirect_dma source(%dma_start3A_99 : memref<65536x128xf32, #tpu.memory_space<hbm>>) target(%arg6 : memref<128x128xf32, #tpu.memory_space<vmem>>) offsets(%dma_start3A_96 : memref<128xi32, #tpu.memory_space<vmem>>) semaphore(%arg8 : memref<!tpu.dma_semaphore, #tpu.memory_space<semaphore_mem>>)
    %add3A_100 = arith.constant 896 : i32
    %add3A_101 = arith.addi %mul3A_2, %add3A_100 : i32
    "tpu.region"() ({
      %run_scoped3A = tpu.sem_alloc : memref<!tpu.dma_semaphore, #tpu.memory_space<semaphore_mem>>
      %dma_start3A_385 = arith.constant 0 : i32
      %dma_start3A_386 = tpu.memref_slice %arg4[%add3A_101, %dma_start3A_385] : memref<131072x128xf32, #tpu.memory_space<hbm>> -> memref<128x128xf32, #tpu.memory_space<hbm>>
      %dma_start3A_387 = arith.constant 0 : i32
      %dma_start3A_388 = tpu.memref_slice %arg4[%add3A_101, %dma_start3A_387] : memref<131072x128xf32, #tpu.memory_space<hbm>> -> memref<128x128xf32, #tpu.memory_space<hbm>>
      tpu.enqueue_dma source(%arg7 : memref<128x128xf32, #tpu.memory_space<vmem>>) target(%dma_start3A_388 : memref<128x128xf32, #tpu.memory_space<hbm>>) target_semaphore(%run_scoped3A : memref<!tpu.dma_semaphore, #tpu.memory_space<semaphore_mem>>)
      %dma_wait3A_389 = arith.constant 0 : i32
      %dma_wait3A_390 = tpu.memref_slice %arg4[%add3A_101, %dma_wait3A_389] : memref<131072x128xf32, #tpu.memory_space<hbm>> -> memref<128x128xf32, #tpu.memory_space<hbm>>
      %dma_wait3A_391 = arith.constant 0 : i32
      %dma_wait3A_392 = tpu.memref_slice %arg4[%add3A_101, %dma_wait3A_391] : memref<131072x128xf32, #tpu.memory_space<hbm>> -> memref<128x128xf32, #tpu.memory_space<hbm>>
      tpu.wait_dma2 semaphore(%run_scoped3A : memref<!tpu.dma_semaphore, #tpu.memory_space<semaphore_mem>>) src(%arg7 : memref<128x128xf32, #tpu.memory_space<vmem>>) dst(%dma_wait3A_392 : memref<128x128xf32, #tpu.memory_space<hbm>>)
      tpu.yield
    }) : () -> ()
    %dma_wait3A_102 = arith.constant 1024 : i32
    %dma_wait3A_103 = tpu.memref_slice %arg5[%dma_wait3A_102] : memref<4096xi32, #tpu.memory_space<vmem>> -> memref<128xi32, #tpu.memory_space<vmem>>
    %dma_wait3A_104 = arith.constant 0 : i32
    %dma_wait3A_105 = arith.constant 0 : i32
    %dma_wait3A_106 = tpu.memref_slice %arg2[%dma_wait3A_104, %dma_wait3A_105] : memref<65536x128xf32, #tpu.memory_space<hbm>> -> memref<65536x128xf32, #tpu.memory_space<hbm>>
    tpu.wait_indirect_dma semaphore(%arg8 : memref<!tpu.dma_semaphore, #tpu.memory_space<semaphore_mem>>) src(%dma_wait3A_106 : memref<65536x128xf32, #tpu.memory_space<hbm>>) dst(%arg6 : memref<128x128xf32, #tpu.memory_space<vmem>>)
    %dma_start3A_107 = arith.constant 1152 : i32
    %dma_start3A_108 = tpu.memref_slice %arg5[%dma_start3A_107] : memref<4096xi32, #tpu.memory_space<vmem>> -> memref<128xi32, #tpu.memory_space<vmem>>
    %dma_start3A_109 = arith.constant 0 : i32
    %dma_start3A_110 = arith.constant 0 : i32
    %dma_start3A_111 = tpu.memref_slice %arg2[%dma_start3A_109, %dma_start3A_110] : memref<65536x128xf32, #tpu.memory_space<hbm>> -> memref<65536x128xf32, #tpu.memory_space<hbm>>
    tpu.enqueue_indirect_dma source(%dma_start3A_111 : memref<65536x128xf32, #tpu.memory_space<hbm>>) target(%arg7 : memref<128x128xf32, #tpu.memory_space<vmem>>) offsets(%dma_start3A_108 : memref<128xi32, #tpu.memory_space<vmem>>) semaphore(%arg9 : memref<!tpu.dma_semaphore, #tpu.memory_space<semaphore_mem>>)
    %add3A_112 = arith.constant 1024 : i32
    %add3A_113 = arith.addi %mul3A_2, %add3A_112 : i32
    "tpu.region"() ({
      %run_scoped3A = tpu.sem_alloc : memref<!tpu.dma_semaphore, #tpu.memory_space<semaphore_mem>>
      %dma_start3A_385 = arith.constant 0 : i32
      %dma_start3A_386 = tpu.memref_slice %arg4[%add3A_113, %dma_start3A_385] : memref<131072x128xf32, #tpu.memory_space<hbm>> -> memref<128x128xf32, #tpu.memory_space<hbm>>
      %dma_start3A_387 = arith.constant 0 : i32
      %dma_start3A_388 = tpu.memref_slice %arg4[%add3A_113, %dma_start3A_387] : memref<131072x128xf32, #tpu.memory_space<hbm>> -> memref<128x128xf32, #tpu.memory_space<hbm>>
      tpu.enqueue_dma source(%arg6 : memref<128x128xf32, #tpu.memory_space<vmem>>) target(%dma_start3A_388 : memref<128x128xf32, #tpu.memory_space<hbm>>) target_semaphore(%run_scoped3A : memref<!tpu.dma_semaphore, #tpu.memory_space<semaphore_mem>>)
      %dma_wait3A_389 = arith.constant 0 : i32
      %dma_wait3A_390 = tpu.memref_slice %arg4[%add3A_113, %dma_wait3A_389] : memref<131072x128xf32, #tpu.memory_space<hbm>> -> memref<128x128xf32, #tpu.memory_space<hbm>>
      %dma_wait3A_391 = arith.constant 0 : i32
      %dma_wait3A_392 = tpu.memref_slice %arg4[%add3A_113, %dma_wait3A_391] : memref<131072x128xf32, #tpu.memory_space<hbm>> -> memref<128x128xf32, #tpu.memory_space<hbm>>
      tpu.wait_dma2 semaphore(%run_scoped3A : memref<!tpu.dma_semaphore, #tpu.memory_space<semaphore_mem>>) src(%arg6 : memref<128x128xf32, #tpu.memory_space<vmem>>) dst(%dma_wait3A_392 : memref<128x128xf32, #tpu.memory_space<hbm>>)
      tpu.yield
    }) : () -> ()
    %dma_wait3A_114 = arith.constant 1152 : i32
    %dma_wait3A_115 = tpu.memref_slice %arg5[%dma_wait3A_114] : memref<4096xi32, #tpu.memory_space<vmem>> -> memref<128xi32, #tpu.memory_space<vmem>>
    %dma_wait3A_116 = arith.constant 0 : i32
    %dma_wait3A_117 = arith.constant 0 : i32
    %dma_wait3A_118 = tpu.memref_slice %arg2[%dma_wait3A_116, %dma_wait3A_117] : memref<65536x128xf32, #tpu.memory_space<hbm>> -> memref<65536x128xf32, #tpu.memory_space<hbm>>
    tpu.wait_indirect_dma semaphore(%arg9 : memref<!tpu.dma_semaphore, #tpu.memory_space<semaphore_mem>>) src(%dma_wait3A_118 : memref<65536x128xf32, #tpu.memory_space<hbm>>) dst(%arg7 : memref<128x128xf32, #tpu.memory_space<vmem>>)
    %dma_start3A_119 = arith.constant 1280 : i32
    %dma_start3A_120 = tpu.memref_slice %arg5[%dma_start3A_119] : memref<4096xi32, #tpu.memory_space<vmem>> -> memref<128xi32, #tpu.memory_space<vmem>>
    %dma_start3A_121 = arith.constant 0 : i32
    %dma_start3A_122 = arith.constant 0 : i32
    %dma_start3A_123 = tpu.memref_slice %arg2[%dma_start3A_121, %dma_start3A_122] : memref<65536x128xf32, #tpu.memory_space<hbm>> -> memref<65536x128xf32, #tpu.memory_space<hbm>>
    tpu.enqueue_indirect_dma source(%dma_start3A_123 : memref<65536x128xf32, #tpu.memory_space<hbm>>) target(%arg6 : memref<128x128xf32, #tpu.memory_space<vmem>>) offsets(%dma_start3A_120 : memref<128xi32, #tpu.memory_space<vmem>>) semaphore(%arg8 : memref<!tpu.dma_semaphore, #tpu.memory_space<semaphore_mem>>)
    %add3A_124 = arith.constant 1152 : i32
    %add3A_125 = arith.addi %mul3A_2, %add3A_124 : i32
    "tpu.region"() ({
      %run_scoped3A = tpu.sem_alloc : memref<!tpu.dma_semaphore, #tpu.memory_space<semaphore_mem>>
      %dma_start3A_385 = arith.constant 0 : i32
      %dma_start3A_386 = tpu.memref_slice %arg4[%add3A_125, %dma_start3A_385] : memref<131072x128xf32, #tpu.memory_space<hbm>> -> memref<128x128xf32, #tpu.memory_space<hbm>>
      %dma_start3A_387 = arith.constant 0 : i32
      %dma_start3A_388 = tpu.memref_slice %arg4[%add3A_125, %dma_start3A_387] : memref<131072x128xf32, #tpu.memory_space<hbm>> -> memref<128x128xf32, #tpu.memory_space<hbm>>
      tpu.enqueue_dma source(%arg7 : memref<128x128xf32, #tpu.memory_space<vmem>>) target(%dma_start3A_388 : memref<128x128xf32, #tpu.memory_space<hbm>>) target_semaphore(%run_scoped3A : memref<!tpu.dma_semaphore, #tpu.memory_space<semaphore_mem>>)
      %dma_wait3A_389 = arith.constant 0 : i32
      %dma_wait3A_390 = tpu.memref_slice %arg4[%add3A_125, %dma_wait3A_389] : memref<131072x128xf32, #tpu.memory_space<hbm>> -> memref<128x128xf32, #tpu.memory_space<hbm>>
      %dma_wait3A_391 = arith.constant 0 : i32
      %dma_wait3A_392 = tpu.memref_slice %arg4[%add3A_125, %dma_wait3A_391] : memref<131072x128xf32, #tpu.memory_space<hbm>> -> memref<128x128xf32, #tpu.memory_space<hbm>>
      tpu.wait_dma2 semaphore(%run_scoped3A : memref<!tpu.dma_semaphore, #tpu.memory_space<semaphore_mem>>) src(%arg7 : memref<128x128xf32, #tpu.memory_space<vmem>>) dst(%dma_wait3A_392 : memref<128x128xf32, #tpu.memory_space<hbm>>)
      tpu.yield
    }) : () -> ()
    %dma_wait3A_126 = arith.constant 1280 : i32
    %dma_wait3A_127 = tpu.memref_slice %arg5[%dma_wait3A_126] : memref<4096xi32, #tpu.memory_space<vmem>> -> memref<128xi32, #tpu.memory_space<vmem>>
    %dma_wait3A_128 = arith.constant 0 : i32
    %dma_wait3A_129 = arith.constant 0 : i32
    %dma_wait3A_130 = tpu.memref_slice %arg2[%dma_wait3A_128, %dma_wait3A_129] : memref<65536x128xf32, #tpu.memory_space<hbm>> -> memref<65536x128xf32, #tpu.memory_space<hbm>>
    tpu.wait_indirect_dma semaphore(%arg8 : memref<!tpu.dma_semaphore, #tpu.memory_space<semaphore_mem>>) src(%dma_wait3A_130 : memref<65536x128xf32, #tpu.memory_space<hbm>>) dst(%arg6 : memref<128x128xf32, #tpu.memory_space<vmem>>)
    %dma_start3A_131 = arith.constant 1408 : i32
    %dma_start3A_132 = tpu.memref_slice %arg5[%dma_start3A_131] : memref<4096xi32, #tpu.memory_space<vmem>> -> memref<128xi32, #tpu.memory_space<vmem>>
    %dma_start3A_133 = arith.constant 0 : i32
    %dma_start3A_134 = arith.constant 0 : i32
    %dma_start3A_135 = tpu.memref_slice %arg2[%dma_start3A_133, %dma_start3A_134] : memref<65536x128xf32, #tpu.memory_space<hbm>> -> memref<65536x128xf32, #tpu.memory_space<hbm>>
    tpu.enqueue_indirect_dma source(%dma_start3A_135 : memref<65536x128xf32, #tpu.memory_space<hbm>>) target(%arg7 : memref<128x128xf32, #tpu.memory_space<vmem>>) offsets(%dma_start3A_132 : memref<128xi32, #tpu.memory_space<vmem>>) semaphore(%arg9 : memref<!tpu.dma_semaphore, #tpu.memory_space<semaphore_mem>>)
    %add3A_136 = arith.constant 1280 : i32
    %add3A_137 = arith.addi %mul3A_2, %add3A_136 : i32
    "tpu.region"() ({
      %run_scoped3A = tpu.sem_alloc : memref<!tpu.dma_semaphore, #tpu.memory_space<semaphore_mem>>
      %dma_start3A_385 = arith.constant 0 : i32
      %dma_start3A_386 = tpu.memref_slice %arg4[%add3A_137, %dma_start3A_385] : memref<131072x128xf32, #tpu.memory_space<hbm>> -> memref<128x128xf32, #tpu.memory_space<hbm>>
      %dma_start3A_387 = arith.constant 0 : i32
      %dma_start3A_388 = tpu.memref_slice %arg4[%add3A_137, %dma_start3A_387] : memref<131072x128xf32, #tpu.memory_space<hbm>> -> memref<128x128xf32, #tpu.memory_space<hbm>>
      tpu.enqueue_dma source(%arg6 : memref<128x128xf32, #tpu.memory_space<vmem>>) target(%dma_start3A_388 : memref<128x128xf32, #tpu.memory_space<hbm>>) target_semaphore(%run_scoped3A : memref<!tpu.dma_semaphore, #tpu.memory_space<semaphore_mem>>)
      %dma_wait3A_389 = arith.constant 0 : i32
      %dma_wait3A_390 = tpu.memref_slice %arg4[%add3A_137, %dma_wait3A_389] : memref<131072x128xf32, #tpu.memory_space<hbm>> -> memref<128x128xf32, #tpu.memory_space<hbm>>
      %dma_wait3A_391 = arith.constant 0 : i32
      %dma_wait3A_392 = tpu.memref_slice %arg4[%add3A_137, %dma_wait3A_391] : memref<131072x128xf32, #tpu.memory_space<hbm>> -> memref<128x128xf32, #tpu.memory_space<hbm>>
      tpu.wait_dma2 semaphore(%run_scoped3A : memref<!tpu.dma_semaphore, #tpu.memory_space<semaphore_mem>>) src(%arg6 : memref<128x128xf32, #tpu.memory_space<vmem>>) dst(%dma_wait3A_392 : memref<128x128xf32, #tpu.memory_space<hbm>>)
      tpu.yield
    }) : () -> ()
    %dma_wait3A_138 = arith.constant 1408 : i32
    %dma_wait3A_139 = tpu.memref_slice %arg5[%dma_wait3A_138] : memref<4096xi32, #tpu.memory_space<vmem>> -> memref<128xi32, #tpu.memory_space<vmem>>
    %dma_wait3A_140 = arith.constant 0 : i32
    %dma_wait3A_141 = arith.constant 0 : i32
    %dma_wait3A_142 = tpu.memref_slice %arg2[%dma_wait3A_140, %dma_wait3A_141] : memref<65536x128xf32, #tpu.memory_space<hbm>> -> memref<65536x128xf32, #tpu.memory_space<hbm>>
    tpu.wait_indirect_dma semaphore(%arg9 : memref<!tpu.dma_semaphore, #tpu.memory_space<semaphore_mem>>) src(%dma_wait3A_142 : memref<65536x128xf32, #tpu.memory_space<hbm>>) dst(%arg7 : memref<128x128xf32, #tpu.memory_space<vmem>>)
    %dma_start3A_143 = arith.constant 1536 : i32
    %dma_start3A_144 = tpu.memref_slice %arg5[%dma_start3A_143] : memref<4096xi32, #tpu.memory_space<vmem>> -> memref<128xi32, #tpu.memory_space<vmem>>
    %dma_start3A_145 = arith.constant 0 : i32
    %dma_start3A_146 = arith.constant 0 : i32
    %dma_start3A_147 = tpu.memref_slice %arg2[%dma_start3A_145, %dma_start3A_146] : memref<65536x128xf32, #tpu.memory_space<hbm>> -> memref<65536x128xf32, #tpu.memory_space<hbm>>
    tpu.enqueue_indirect_dma source(%dma_start3A_147 : memref<65536x128xf32, #tpu.memory_space<hbm>>) target(%arg6 : memref<128x128xf32, #tpu.memory_space<vmem>>) offsets(%dma_start3A_144 : memref<128xi32, #tpu.memory_space<vmem>>) semaphore(%arg8 : memref<!tpu.dma_semaphore, #tpu.memory_space<semaphore_mem>>)
    %add3A_148 = arith.constant 1408 : i32
    %add3A_149 = arith.addi %mul3A_2, %add3A_148 : i32
    "tpu.region"() ({
      %run_scoped3A = tpu.sem_alloc : memref<!tpu.dma_semaphore, #tpu.memory_space<semaphore_mem>>
      %dma_start3A_385 = arith.constant 0 : i32
      %dma_start3A_386 = tpu.memref_slice %arg4[%add3A_149, %dma_start3A_385] : memref<131072x128xf32, #tpu.memory_space<hbm>> -> memref<128x128xf32, #tpu.memory_space<hbm>>
      %dma_start3A_387 = arith.constant 0 : i32
      %dma_start3A_388 = tpu.memref_slice %arg4[%add3A_149, %dma_start3A_387] : memref<131072x128xf32, #tpu.memory_space<hbm>> -> memref<128x128xf32, #tpu.memory_space<hbm>>
      tpu.enqueue_dma source(%arg7 : memref<128x128xf32, #tpu.memory_space<vmem>>) target(%dma_start3A_388 : memref<128x128xf32, #tpu.memory_space<hbm>>) target_semaphore(%run_scoped3A : memref<!tpu.dma_semaphore, #tpu.memory_space<semaphore_mem>>)
      %dma_wait3A_389 = arith.constant 0 : i32
      %dma_wait3A_390 = tpu.memref_slice %arg4[%add3A_149, %dma_wait3A_389] : memref<131072x128xf32, #tpu.memory_space<hbm>> -> memref<128x128xf32, #tpu.memory_space<hbm>>
      %dma_wait3A_391 = arith.constant 0 : i32
      %dma_wait3A_392 = tpu.memref_slice %arg4[%add3A_149, %dma_wait3A_391] : memref<131072x128xf32, #tpu.memory_space<hbm>> -> memref<128x128xf32, #tpu.memory_space<hbm>>
      tpu.wait_dma2 semaphore(%run_scoped3A : memref<!tpu.dma_semaphore, #tpu.memory_space<semaphore_mem>>) src(%arg7 : memref<128x128xf32, #tpu.memory_space<vmem>>) dst(%dma_wait3A_392 : memref<128x128xf32, #tpu.memory_space<hbm>>)
      tpu.yield
    }) : () -> ()
    %dma_wait3A_150 = arith.constant 1536 : i32
    %dma_wait3A_151 = tpu.memref_slice %arg5[%dma_wait3A_150] : memref<4096xi32, #tpu.memory_space<vmem>> -> memref<128xi32, #tpu.memory_space<vmem>>
    %dma_wait3A_152 = arith.constant 0 : i32
    %dma_wait3A_153 = arith.constant 0 : i32
    %dma_wait3A_154 = tpu.memref_slice %arg2[%dma_wait3A_152, %dma_wait3A_153] : memref<65536x128xf32, #tpu.memory_space<hbm>> -> memref<65536x128xf32, #tpu.memory_space<hbm>>
    tpu.wait_indirect_dma semaphore(%arg8 : memref<!tpu.dma_semaphore, #tpu.memory_space<semaphore_mem>>) src(%dma_wait3A_154 : memref<65536x128xf32, #tpu.memory_space<hbm>>) dst(%arg6 : memref<128x128xf32, #tpu.memory_space<vmem>>)
    %dma_start3A_155 = arith.constant 1664 : i32
    %dma_start3A_156 = tpu.memref_slice %arg5[%dma_start3A_155] : memref<4096xi32, #tpu.memory_space<vmem>> -> memref<128xi32, #tpu.memory_space<vmem>>
    %dma_start3A_157 = arith.constant 0 : i32
    %dma_start3A_158 = arith.constant 0 : i32
    %dma_start3A_159 = tpu.memref_slice %arg2[%dma_start3A_157, %dma_start3A_158] : memref<65536x128xf32, #tpu.memory_space<hbm>> -> memref<65536x128xf32, #tpu.memory_space<hbm>>
    tpu.enqueue_indirect_dma source(%dma_start3A_159 : memref<65536x128xf32, #tpu.memory_space<hbm>>) target(%arg7 : memref<128x128xf32, #tpu.memory_space<vmem>>) offsets(%dma_start3A_156 : memref<128xi32, #tpu.memory_space<vmem>>) semaphore(%arg9 : memref<!tpu.dma_semaphore, #tpu.memory_space<semaphore_mem>>)
    %add3A_160 = arith.constant 1536 : i32
    %add3A_161 = arith.addi %mul3A_2, %add3A_160 : i32
    "tpu.region"() ({
      %run_scoped3A = tpu.sem_alloc : memref<!tpu.dma_semaphore, #tpu.memory_space<semaphore_mem>>
      %dma_start3A_385 = arith.constant 0 : i32
      %dma_start3A_386 = tpu.memref_slice %arg4[%add3A_161, %dma_start3A_385] : memref<131072x128xf32, #tpu.memory_space<hbm>> -> memref<128x128xf32, #tpu.memory_space<hbm>>
      %dma_start3A_387 = arith.constant 0 : i32
      %dma_start3A_388 = tpu.memref_slice %arg4[%add3A_161, %dma_start3A_387] : memref<131072x128xf32, #tpu.memory_space<hbm>> -> memref<128x128xf32, #tpu.memory_space<hbm>>
      tpu.enqueue_dma source(%arg6 : memref<128x128xf32, #tpu.memory_space<vmem>>) target(%dma_start3A_388 : memref<128x128xf32, #tpu.memory_space<hbm>>) target_semaphore(%run_scoped3A : memref<!tpu.dma_semaphore, #tpu.memory_space<semaphore_mem>>)
      %dma_wait3A_389 = arith.constant 0 : i32
      %dma_wait3A_390 = tpu.memref_slice %arg4[%add3A_161, %dma_wait3A_389] : memref<131072x128xf32, #tpu.memory_space<hbm>> -> memref<128x128xf32, #tpu.memory_space<hbm>>
      %dma_wait3A_391 = arith.constant 0 : i32
      %dma_wait3A_392 = tpu.memref_slice %arg4[%add3A_161, %dma_wait3A_391] : memref<131072x128xf32, #tpu.memory_space<hbm>> -> memref<128x128xf32, #tpu.memory_space<hbm>>
      tpu.wait_dma2 semaphore(%run_scoped3A : memref<!tpu.dma_semaphore, #tpu.memory_space<semaphore_mem>>) src(%arg6 : memref<128x128xf32, #tpu.memory_space<vmem>>) dst(%dma_wait3A_392 : memref<128x128xf32, #tpu.memory_space<hbm>>)
      tpu.yield
    }) : () -> ()
    %dma_wait3A_162 = arith.constant 1664 : i32
    %dma_wait3A_163 = tpu.memref_slice %arg5[%dma_wait3A_162] : memref<4096xi32, #tpu.memory_space<vmem>> -> memref<128xi32, #tpu.memory_space<vmem>>
    %dma_wait3A_164 = arith.constant 0 : i32
    %dma_wait3A_165 = arith.constant 0 : i32
    %dma_wait3A_166 = tpu.memref_slice %arg2[%dma_wait3A_164, %dma_wait3A_165] : memref<65536x128xf32, #tpu.memory_space<hbm>> -> memref<65536x128xf32, #tpu.memory_space<hbm>>
    tpu.wait_indirect_dma semaphore(%arg9 : memref<!tpu.dma_semaphore, #tpu.memory_space<semaphore_mem>>) src(%dma_wait3A_166 : memref<65536x128xf32, #tpu.memory_space<hbm>>) dst(%arg7 : memref<128x128xf32, #tpu.memory_space<vmem>>)
    %dma_start3A_167 = arith.constant 1792 : i32
    %dma_start3A_168 = tpu.memref_slice %arg5[%dma_start3A_167] : memref<4096xi32, #tpu.memory_space<vmem>> -> memref<128xi32, #tpu.memory_space<vmem>>
    %dma_start3A_169 = arith.constant 0 : i32
    %dma_start3A_170 = arith.constant 0 : i32
    %dma_start3A_171 = tpu.memref_slice %arg2[%dma_start3A_169, %dma_start3A_170] : memref<65536x128xf32, #tpu.memory_space<hbm>> -> memref<65536x128xf32, #tpu.memory_space<hbm>>
    tpu.enqueue_indirect_dma source(%dma_start3A_171 : memref<65536x128xf32, #tpu.memory_space<hbm>>) target(%arg6 : memref<128x128xf32, #tpu.memory_space<vmem>>) offsets(%dma_start3A_168 : memref<128xi32, #tpu.memory_space<vmem>>) semaphore(%arg8 : memref<!tpu.dma_semaphore, #tpu.memory_space<semaphore_mem>>)
    %add3A_172 = arith.constant 1664 : i32
    %add3A_173 = arith.addi %mul3A_2, %add3A_172 : i32
    "tpu.region"() ({
      %run_scoped3A = tpu.sem_alloc : memref<!tpu.dma_semaphore, #tpu.memory_space<semaphore_mem>>
      %dma_start3A_385 = arith.constant 0 : i32
      %dma_start3A_386 = tpu.memref_slice %arg4[%add3A_173, %dma_start3A_385] : memref<131072x128xf32, #tpu.memory_space<hbm>> -> memref<128x128xf32, #tpu.memory_space<hbm>>
      %dma_start3A_387 = arith.constant 0 : i32
      %dma_start3A_388 = tpu.memref_slice %arg4[%add3A_173, %dma_start3A_387] : memref<131072x128xf32, #tpu.memory_space<hbm>> -> memref<128x128xf32, #tpu.memory_space<hbm>>
      tpu.enqueue_dma source(%arg7 : memref<128x128xf32, #tpu.memory_space<vmem>>) target(%dma_start3A_388 : memref<128x128xf32, #tpu.memory_space<hbm>>) target_semaphore(%run_scoped3A : memref<!tpu.dma_semaphore, #tpu.memory_space<semaphore_mem>>)
      %dma_wait3A_389 = arith.constant 0 : i32
      %dma_wait3A_390 = tpu.memref_slice %arg4[%add3A_173, %dma_wait3A_389] : memref<131072x128xf32, #tpu.memory_space<hbm>> -> memref<128x128xf32, #tpu.memory_space<hbm>>
      %dma_wait3A_391 = arith.constant 0 : i32
      %dma_wait3A_392 = tpu.memref_slice %arg4[%add3A_173, %dma_wait3A_391] : memref<131072x128xf32, #tpu.memory_space<hbm>> -> memref<128x128xf32, #tpu.memory_space<hbm>>
      tpu.wait_dma2 semaphore(%run_scoped3A : memref<!tpu.dma_semaphore, #tpu.memory_space<semaphore_mem>>) src(%arg7 : memref<128x128xf32, #tpu.memory_space<vmem>>) dst(%dma_wait3A_392 : memref<128x128xf32, #tpu.memory_space<hbm>>)
      tpu.yield
    }) : () -> ()
    %dma_wait3A_174 = arith.constant 1792 : i32
    %dma_wait3A_175 = tpu.memref_slice %arg5[%dma_wait3A_174] : memref<4096xi32, #tpu.memory_space<vmem>> -> memref<128xi32, #tpu.memory_space<vmem>>
    %dma_wait3A_176 = arith.constant 0 : i32
    %dma_wait3A_177 = arith.constant 0 : i32
    %dma_wait3A_178 = tpu.memref_slice %arg2[%dma_wait3A_176, %dma_wait3A_177] : memref<65536x128xf32, #tpu.memory_space<hbm>> -> memref<65536x128xf32, #tpu.memory_space<hbm>>
    tpu.wait_indirect_dma semaphore(%arg8 : memref<!tpu.dma_semaphore, #tpu.memory_space<semaphore_mem>>) src(%dma_wait3A_178 : memref<65536x128xf32, #tpu.memory_space<hbm>>) dst(%arg6 : memref<128x128xf32, #tpu.memory_space<vmem>>)
    %dma_start3A_179 = arith.constant 1920 : i32
    %dma_start3A_180 = tpu.memref_slice %arg5[%dma_start3A_179] : memref<4096xi32, #tpu.memory_space<vmem>> -> memref<128xi32, #tpu.memory_space<vmem>>
    %dma_start3A_181 = arith.constant 0 : i32
    %dma_start3A_182 = arith.constant 0 : i32
    %dma_start3A_183 = tpu.memref_slice %arg2[%dma_start3A_181, %dma_start3A_182] : memref<65536x128xf32, #tpu.memory_space<hbm>> -> memref<65536x128xf32, #tpu.memory_space<hbm>>
    tpu.enqueue_indirect_dma source(%dma_start3A_183 : memref<65536x128xf32, #tpu.memory_space<hbm>>) target(%arg7 : memref<128x128xf32, #tpu.memory_space<vmem>>) offsets(%dma_start3A_180 : memref<128xi32, #tpu.memory_space<vmem>>) semaphore(%arg9 : memref<!tpu.dma_semaphore, #tpu.memory_space<semaphore_mem>>)
    %add3A_184 = arith.constant 1792 : i32
    %add3A_185 = arith.addi %mul3A_2, %add3A_184 : i32
    "tpu.region"() ({
      %run_scoped3A = tpu.sem_alloc : memref<!tpu.dma_semaphore, #tpu.memory_space<semaphore_mem>>
      %dma_start3A_385 = arith.constant 0 : i32
      %dma_start3A_386 = tpu.memref_slice %arg4[%add3A_185, %dma_start3A_385] : memref<131072x128xf32, #tpu.memory_space<hbm>> -> memref<128x128xf32, #tpu.memory_space<hbm>>
      %dma_start3A_387 = arith.constant 0 : i32
      %dma_start3A_388 = tpu.memref_slice %arg4[%add3A_185, %dma_start3A_387] : memref<131072x128xf32, #tpu.memory_space<hbm>> -> memref<128x128xf32, #tpu.memory_space<hbm>>
      tpu.enqueue_dma source(%arg6 : memref<128x128xf32, #tpu.memory_space<vmem>>) target(%dma_start3A_388 : memref<128x128xf32, #tpu.memory_space<hbm>>) target_semaphore(%run_scoped3A : memref<!tpu.dma_semaphore, #tpu.memory_space<semaphore_mem>>)
      %dma_wait3A_389 = arith.constant 0 : i32
      %dma_wait3A_390 = tpu.memref_slice %arg4[%add3A_185, %dma_wait3A_389] : memref<131072x128xf32, #tpu.memory_space<hbm>> -> memref<128x128xf32, #tpu.memory_space<hbm>>
      %dma_wait3A_391 = arith.constant 0 : i32
      %dma_wait3A_392 = tpu.memref_slice %arg4[%add3A_185, %dma_wait3A_391] : memref<131072x128xf32, #tpu.memory_space<hbm>> -> memref<128x128xf32, #tpu.memory_space<hbm>>
      tpu.wait_dma2 semaphore(%run_scoped3A : memref<!tpu.dma_semaphore, #tpu.memory_space<semaphore_mem>>) src(%arg6 : memref<128x128xf32, #tpu.memory_space<vmem>>) dst(%dma_wait3A_392 : memref<128x128xf32, #tpu.memory_space<hbm>>)
      tpu.yield
    }) : () -> ()
    %dma_wait3A_186 = arith.constant 1920 : i32
    %dma_wait3A_187 = tpu.memref_slice %arg5[%dma_wait3A_186] : memref<4096xi32, #tpu.memory_space<vmem>> -> memref<128xi32, #tpu.memory_space<vmem>>
    %dma_wait3A_188 = arith.constant 0 : i32
    %dma_wait3A_189 = arith.constant 0 : i32
    %dma_wait3A_190 = tpu.memref_slice %arg2[%dma_wait3A_188, %dma_wait3A_189] : memref<65536x128xf32, #tpu.memory_space<hbm>> -> memref<65536x128xf32, #tpu.memory_space<hbm>>
    tpu.wait_indirect_dma semaphore(%arg9 : memref<!tpu.dma_semaphore, #tpu.memory_space<semaphore_mem>>) src(%dma_wait3A_190 : memref<65536x128xf32, #tpu.memory_space<hbm>>) dst(%arg7 : memref<128x128xf32, #tpu.memory_space<vmem>>)
    %dma_start3A_191 = arith.constant 2048 : i32
    %dma_start3A_192 = tpu.memref_slice %arg5[%dma_start3A_191] : memref<4096xi32, #tpu.memory_space<vmem>> -> memref<128xi32, #tpu.memory_space<vmem>>
    %dma_start3A_193 = arith.constant 0 : i32
    %dma_start3A_194 = arith.constant 0 : i32
    %dma_start3A_195 = tpu.memref_slice %arg2[%dma_start3A_193, %dma_start3A_194] : memref<65536x128xf32, #tpu.memory_space<hbm>> -> memref<65536x128xf32, #tpu.memory_space<hbm>>
    tpu.enqueue_indirect_dma source(%dma_start3A_195 : memref<65536x128xf32, #tpu.memory_space<hbm>>) target(%arg6 : memref<128x128xf32, #tpu.memory_space<vmem>>) offsets(%dma_start3A_192 : memref<128xi32, #tpu.memory_space<vmem>>) semaphore(%arg8 : memref<!tpu.dma_semaphore, #tpu.memory_space<semaphore_mem>>)
    %add3A_196 = arith.constant 1920 : i32
    %add3A_197 = arith.addi %mul3A_2, %add3A_196 : i32
    "tpu.region"() ({
      %run_scoped3A = tpu.sem_alloc : memref<!tpu.dma_semaphore, #tpu.memory_space<semaphore_mem>>
      %dma_start3A_385 = arith.constant 0 : i32
      %dma_start3A_386 = tpu.memref_slice %arg4[%add3A_197, %dma_start3A_385] : memref<131072x128xf32, #tpu.memory_space<hbm>> -> memref<128x128xf32, #tpu.memory_space<hbm>>
      %dma_start3A_387 = arith.constant 0 : i32
      %dma_start3A_388 = tpu.memref_slice %arg4[%add3A_197, %dma_start3A_387] : memref<131072x128xf32, #tpu.memory_space<hbm>> -> memref<128x128xf32, #tpu.memory_space<hbm>>
      tpu.enqueue_dma source(%arg7 : memref<128x128xf32, #tpu.memory_space<vmem>>) target(%dma_start3A_388 : memref<128x128xf32, #tpu.memory_space<hbm>>) target_semaphore(%run_scoped3A : memref<!tpu.dma_semaphore, #tpu.memory_space<semaphore_mem>>)
      %dma_wait3A_389 = arith.constant 0 : i32
      %dma_wait3A_390 = tpu.memref_slice %arg4[%add3A_197, %dma_wait3A_389] : memref<131072x128xf32, #tpu.memory_space<hbm>> -> memref<128x128xf32, #tpu.memory_space<hbm>>
      %dma_wait3A_391 = arith.constant 0 : i32
      %dma_wait3A_392 = tpu.memref_slice %arg4[%add3A_197, %dma_wait3A_391] : memref<131072x128xf32, #tpu.memory_space<hbm>> -> memref<128x128xf32, #tpu.memory_space<hbm>>
      tpu.wait_dma2 semaphore(%run_scoped3A : memref<!tpu.dma_semaphore, #tpu.memory_space<semaphore_mem>>) src(%arg7 : memref<128x128xf32, #tpu.memory_space<vmem>>) dst(%dma_wait3A_392 : memref<128x128xf32, #tpu.memory_space<hbm>>)
      tpu.yield
    }) : () -> ()
    %dma_wait3A_198 = arith.constant 2048 : i32
    %dma_wait3A_199 = tpu.memref_slice %arg5[%dma_wait3A_198] : memref<4096xi32, #tpu.memory_space<vmem>> -> memref<128xi32, #tpu.memory_space<vmem>>
    %dma_wait3A_200 = arith.constant 0 : i32
    %dma_wait3A_201 = arith.constant 0 : i32
    %dma_wait3A_202 = tpu.memref_slice %arg2[%dma_wait3A_200, %dma_wait3A_201] : memref<65536x128xf32, #tpu.memory_space<hbm>> -> memref<65536x128xf32, #tpu.memory_space<hbm>>
    tpu.wait_indirect_dma semaphore(%arg8 : memref<!tpu.dma_semaphore, #tpu.memory_space<semaphore_mem>>) src(%dma_wait3A_202 : memref<65536x128xf32, #tpu.memory_space<hbm>>) dst(%arg6 : memref<128x128xf32, #tpu.memory_space<vmem>>)
    %dma_start3A_203 = arith.constant 2176 : i32
    %dma_start3A_204 = tpu.memref_slice %arg5[%dma_start3A_203] : memref<4096xi32, #tpu.memory_space<vmem>> -> memref<128xi32, #tpu.memory_space<vmem>>
    %dma_start3A_205 = arith.constant 0 : i32
    %dma_start3A_206 = arith.constant 0 : i32
    %dma_start3A_207 = tpu.memref_slice %arg2[%dma_start3A_205, %dma_start3A_206] : memref<65536x128xf32, #tpu.memory_space<hbm>> -> memref<65536x128xf32, #tpu.memory_space<hbm>>
    tpu.enqueue_indirect_dma source(%dma_start3A_207 : memref<65536x128xf32, #tpu.memory_space<hbm>>) target(%arg7 : memref<128x128xf32, #tpu.memory_space<vmem>>) offsets(%dma_start3A_204 : memref<128xi32, #tpu.memory_space<vmem>>) semaphore(%arg9 : memref<!tpu.dma_semaphore, #tpu.memory_space<semaphore_mem>>)
    %add3A_208 = arith.constant 2048 : i32
    %add3A_209 = arith.addi %mul3A_2, %add3A_208 : i32
    "tpu.region"() ({
      %run_scoped3A = tpu.sem_alloc : memref<!tpu.dma_semaphore, #tpu.memory_space<semaphore_mem>>
      %dma_start3A_385 = arith.constant 0 : i32
      %dma_start3A_386 = tpu.memref_slice %arg4[%add3A_209, %dma_start3A_385] : memref<131072x128xf32, #tpu.memory_space<hbm>> -> memref<128x128xf32, #tpu.memory_space<hbm>>
      %dma_start3A_387 = arith.constant 0 : i32
      %dma_start3A_388 = tpu.memref_slice %arg4[%add3A_209, %dma_start3A_387] : memref<131072x128xf32, #tpu.memory_space<hbm>> -> memref<128x128xf32, #tpu.memory_space<hbm>>
      tpu.enqueue_dma source(%arg6 : memref<128x128xf32, #tpu.memory_space<vmem>>) target(%dma_start3A_388 : memref<128x128xf32, #tpu.memory_space<hbm>>) target_semaphore(%run_scoped3A : memref<!tpu.dma_semaphore, #tpu.memory_space<semaphore_mem>>)
      %dma_wait3A_389 = arith.constant 0 : i32
      %dma_wait3A_390 = tpu.memref_slice %arg4[%add3A_209, %dma_wait3A_389] : memref<131072x128xf32, #tpu.memory_space<hbm>> -> memref<128x128xf32, #tpu.memory_space<hbm>>
      %dma_wait3A_391 = arith.constant 0 : i32
      %dma_wait3A_392 = tpu.memref_slice %arg4[%add3A_209, %dma_wait3A_391] : memref<131072x128xf32, #tpu.memory_space<hbm>> -> memref<128x128xf32, #tpu.memory_space<hbm>>
      tpu.wait_dma2 semaphore(%run_scoped3A : memref<!tpu.dma_semaphore, #tpu.memory_space<semaphore_mem>>) src(%arg6 : memref<128x128xf32, #tpu.memory_space<vmem>>) dst(%dma_wait3A_392 : memref<128x128xf32, #tpu.memory_space<hbm>>)
      tpu.yield
    }) : () -> ()
    %dma_wait3A_210 = arith.constant 2176 : i32
    %dma_wait3A_211 = tpu.memref_slice %arg5[%dma_wait3A_210] : memref<4096xi32, #tpu.memory_space<vmem>> -> memref<128xi32, #tpu.memory_space<vmem>>
    %dma_wait3A_212 = arith.constant 0 : i32
    %dma_wait3A_213 = arith.constant 0 : i32
    %dma_wait3A_214 = tpu.memref_slice %arg2[%dma_wait3A_212, %dma_wait3A_213] : memref<65536x128xf32, #tpu.memory_space<hbm>> -> memref<65536x128xf32, #tpu.memory_space<hbm>>
    tpu.wait_indirect_dma semaphore(%arg9 : memref<!tpu.dma_semaphore, #tpu.memory_space<semaphore_mem>>) src(%dma_wait3A_214 : memref<65536x128xf32, #tpu.memory_space<hbm>>) dst(%arg7 : memref<128x128xf32, #tpu.memory_space<vmem>>)
    %dma_start3A_215 = arith.constant 2304 : i32
    %dma_start3A_216 = tpu.memref_slice %arg5[%dma_start3A_215] : memref<4096xi32, #tpu.memory_space<vmem>> -> memref<128xi32, #tpu.memory_space<vmem>>
    %dma_start3A_217 = arith.constant 0 : i32
    %dma_start3A_218 = arith.constant 0 : i32
    %dma_start3A_219 = tpu.memref_slice %arg2[%dma_start3A_217, %dma_start3A_218] : memref<65536x128xf32, #tpu.memory_space<hbm>> -> memref<65536x128xf32, #tpu.memory_space<hbm>>
    tpu.enqueue_indirect_dma source(%dma_start3A_219 : memref<65536x128xf32, #tpu.memory_space<hbm>>) target(%arg6 : memref<128x128xf32, #tpu.memory_space<vmem>>) offsets(%dma_start3A_216 : memref<128xi32, #tpu.memory_space<vmem>>) semaphore(%arg8 : memref<!tpu.dma_semaphore, #tpu.memory_space<semaphore_mem>>)
    %add3A_220 = arith.constant 2176 : i32
    %add3A_221 = arith.addi %mul3A_2, %add3A_220 : i32
    "tpu.region"() ({
      %run_scoped3A = tpu.sem_alloc : memref<!tpu.dma_semaphore, #tpu.memory_space<semaphore_mem>>
      %dma_start3A_385 = arith.constant 0 : i32
      %dma_start3A_386 = tpu.memref_slice %arg4[%add3A_221, %dma_start3A_385] : memref<131072x128xf32, #tpu.memory_space<hbm>> -> memref<128x128xf32, #tpu.memory_space<hbm>>
      %dma_start3A_387 = arith.constant 0 : i32
      %dma_start3A_388 = tpu.memref_slice %arg4[%add3A_221, %dma_start3A_387] : memref<131072x128xf32, #tpu.memory_space<hbm>> -> memref<128x128xf32, #tpu.memory_space<hbm>>
      tpu.enqueue_dma source(%arg7 : memref<128x128xf32, #tpu.memory_space<vmem>>) target(%dma_start3A_388 : memref<128x128xf32, #tpu.memory_space<hbm>>) target_semaphore(%run_scoped3A : memref<!tpu.dma_semaphore, #tpu.memory_space<semaphore_mem>>)
      %dma_wait3A_389 = arith.constant 0 : i32
      %dma_wait3A_390 = tpu.memref_slice %arg4[%add3A_221, %dma_wait3A_389] : memref<131072x128xf32, #tpu.memory_space<hbm>> -> memref<128x128xf32, #tpu.memory_space<hbm>>
      %dma_wait3A_391 = arith.constant 0 : i32
      %dma_wait3A_392 = tpu.memref_slice %arg4[%add3A_221, %dma_wait3A_391] : memref<131072x128xf32, #tpu.memory_space<hbm>> -> memref<128x128xf32, #tpu.memory_space<hbm>>
      tpu.wait_dma2 semaphore(%run_scoped3A : memref<!tpu.dma_semaphore, #tpu.memory_space<semaphore_mem>>) src(%arg7 : memref<128x128xf32, #tpu.memory_space<vmem>>) dst(%dma_wait3A_392 : memref<128x128xf32, #tpu.memory_space<hbm>>)
      tpu.yield
    }) : () -> ()
    %dma_wait3A_222 = arith.constant 2304 : i32
    %dma_wait3A_223 = tpu.memref_slice %arg5[%dma_wait3A_222] : memref<4096xi32, #tpu.memory_space<vmem>> -> memref<128xi32, #tpu.memory_space<vmem>>
    %dma_wait3A_224 = arith.constant 0 : i32
    %dma_wait3A_225 = arith.constant 0 : i32
    %dma_wait3A_226 = tpu.memref_slice %arg2[%dma_wait3A_224, %dma_wait3A_225] : memref<65536x128xf32, #tpu.memory_space<hbm>> -> memref<65536x128xf32, #tpu.memory_space<hbm>>
    tpu.wait_indirect_dma semaphore(%arg8 : memref<!tpu.dma_semaphore, #tpu.memory_space<semaphore_mem>>) src(%dma_wait3A_226 : memref<65536x128xf32, #tpu.memory_space<hbm>>) dst(%arg6 : memref<128x128xf32, #tpu.memory_space<vmem>>)
    %dma_start3A_227 = arith.constant 2432 : i32
    %dma_start3A_228 = tpu.memref_slice %arg5[%dma_start3A_227] : memref<4096xi32, #tpu.memory_space<vmem>> -> memref<128xi32, #tpu.memory_space<vmem>>
    %dma_start3A_229 = arith.constant 0 : i32
    %dma_start3A_230 = arith.constant 0 : i32
    %dma_start3A_231 = tpu.memref_slice %arg2[%dma_start3A_229, %dma_start3A_230] : memref<65536x128xf32, #tpu.memory_space<hbm>> -> memref<65536x128xf32, #tpu.memory_space<hbm>>
    tpu.enqueue_indirect_dma source(%dma_start3A_231 : memref<65536x128xf32, #tpu.memory_space<hbm>>) target(%arg7 : memref<128x128xf32, #tpu.memory_space<vmem>>) offsets(%dma_start3A_228 : memref<128xi32, #tpu.memory_space<vmem>>) semaphore(%arg9 : memref<!tpu.dma_semaphore, #tpu.memory_space<semaphore_mem>>)
    %add3A_232 = arith.constant 2304 : i32
    %add3A_233 = arith.addi %mul3A_2, %add3A_232 : i32
    "tpu.region"() ({
      %run_scoped3A = tpu.sem_alloc : memref<!tpu.dma_semaphore, #tpu.memory_space<semaphore_mem>>
      %dma_start3A_385 = arith.constant 0 : i32
      %dma_start3A_386 = tpu.memref_slice %arg4[%add3A_233, %dma_start3A_385] : memref<131072x128xf32, #tpu.memory_space<hbm>> -> memref<128x128xf32, #tpu.memory_space<hbm>>
      %dma_start3A_387 = arith.constant 0 : i32
      %dma_start3A_388 = tpu.memref_slice %arg4[%add3A_233, %dma_start3A_387] : memref<131072x128xf32, #tpu.memory_space<hbm>> -> memref<128x128xf32, #tpu.memory_space<hbm>>
      tpu.enqueue_dma source(%arg6 : memref<128x128xf32, #tpu.memory_space<vmem>>) target(%dma_start3A_388 : memref<128x128xf32, #tpu.memory_space<hbm>>) target_semaphore(%run_scoped3A : memref<!tpu.dma_semaphore, #tpu.memory_space<semaphore_mem>>)
      %dma_wait3A_389 = arith.constant 0 : i32
      %dma_wait3A_390 = tpu.memref_slice %arg4[%add3A_233, %dma_wait3A_389] : memref<131072x128xf32, #tpu.memory_space<hbm>> -> memref<128x128xf32, #tpu.memory_space<hbm>>
      %dma_wait3A_391 = arith.constant 0 : i32
      %dma_wait3A_392 = tpu.memref_slice %arg4[%add3A_233, %dma_wait3A_391] : memref<131072x128xf32, #tpu.memory_space<hbm>> -> memref<128x128xf32, #tpu.memory_space<hbm>>
      tpu.wait_dma2 semaphore(%run_scoped3A : memref<!tpu.dma_semaphore, #tpu.memory_space<semaphore_mem>>) src(%arg6 : memref<128x128xf32, #tpu.memory_space<vmem>>) dst(%dma_wait3A_392 : memref<128x128xf32, #tpu.memory_space<hbm>>)
      tpu.yield
    }) : () -> ()
    %dma_wait3A_234 = arith.constant 2432 : i32
    %dma_wait3A_235 = tpu.memref_slice %arg5[%dma_wait3A_234] : memref<4096xi32, #tpu.memory_space<vmem>> -> memref<128xi32, #tpu.memory_space<vmem>>
    %dma_wait3A_236 = arith.constant 0 : i32
    %dma_wait3A_237 = arith.constant 0 : i32
    %dma_wait3A_238 = tpu.memref_slice %arg2[%dma_wait3A_236, %dma_wait3A_237] : memref<65536x128xf32, #tpu.memory_space<hbm>> -> memref<65536x128xf32, #tpu.memory_space<hbm>>
    tpu.wait_indirect_dma semaphore(%arg9 : memref<!tpu.dma_semaphore, #tpu.memory_space<semaphore_mem>>) src(%dma_wait3A_238 : memref<65536x128xf32, #tpu.memory_space<hbm>>) dst(%arg7 : memref<128x128xf32, #tpu.memory_space<vmem>>)
    %dma_start3A_239 = arith.constant 2560 : i32
    %dma_start3A_240 = tpu.memref_slice %arg5[%dma_start3A_239] : memref<4096xi32, #tpu.memory_space<vmem>> -> memref<128xi32, #tpu.memory_space<vmem>>
    %dma_start3A_241 = arith.constant 0 : i32
    %dma_start3A_242 = arith.constant 0 : i32
    %dma_start3A_243 = tpu.memref_slice %arg2[%dma_start3A_241, %dma_start3A_242] : memref<65536x128xf32, #tpu.memory_space<hbm>> -> memref<65536x128xf32, #tpu.memory_space<hbm>>
    tpu.enqueue_indirect_dma source(%dma_start3A_243 : memref<65536x128xf32, #tpu.memory_space<hbm>>) target(%arg6 : memref<128x128xf32, #tpu.memory_space<vmem>>) offsets(%dma_start3A_240 : memref<128xi32, #tpu.memory_space<vmem>>) semaphore(%arg8 : memref<!tpu.dma_semaphore, #tpu.memory_space<semaphore_mem>>)
    %add3A_244 = arith.constant 2432 : i32
    %add3A_245 = arith.addi %mul3A_2, %add3A_244 : i32
    "tpu.region"() ({
      %run_scoped3A = tpu.sem_alloc : memref<!tpu.dma_semaphore, #tpu.memory_space<semaphore_mem>>
      %dma_start3A_385 = arith.constant 0 : i32
      %dma_start3A_386 = tpu.memref_slice %arg4[%add3A_245, %dma_start3A_385] : memref<131072x128xf32, #tpu.memory_space<hbm>> -> memref<128x128xf32, #tpu.memory_space<hbm>>
      %dma_start3A_387 = arith.constant 0 : i32
      %dma_start3A_388 = tpu.memref_slice %arg4[%add3A_245, %dma_start3A_387] : memref<131072x128xf32, #tpu.memory_space<hbm>> -> memref<128x128xf32, #tpu.memory_space<hbm>>
      tpu.enqueue_dma source(%arg7 : memref<128x128xf32, #tpu.memory_space<vmem>>) target(%dma_start3A_388 : memref<128x128xf32, #tpu.memory_space<hbm>>) target_semaphore(%run_scoped3A : memref<!tpu.dma_semaphore, #tpu.memory_space<semaphore_mem>>)
      %dma_wait3A_389 = arith.constant 0 : i32
      %dma_wait3A_390 = tpu.memref_slice %arg4[%add3A_245, %dma_wait3A_389] : memref<131072x128xf32, #tpu.memory_space<hbm>> -> memref<128x128xf32, #tpu.memory_space<hbm>>
      %dma_wait3A_391 = arith.constant 0 : i32
      %dma_wait3A_392 = tpu.memref_slice %arg4[%add3A_245, %dma_wait3A_391] : memref<131072x128xf32, #tpu.memory_space<hbm>> -> memref<128x128xf32, #tpu.memory_space<hbm>>
      tpu.wait_dma2 semaphore(%run_scoped3A : memref<!tpu.dma_semaphore, #tpu.memory_space<semaphore_mem>>) src(%arg7 : memref<128x128xf32, #tpu.memory_space<vmem>>) dst(%dma_wait3A_392 : memref<128x128xf32, #tpu.memory_space<hbm>>)
      tpu.yield
    }) : () -> ()
    %dma_wait3A_246 = arith.constant 2560 : i32
    %dma_wait3A_247 = tpu.memref_slice %arg5[%dma_wait3A_246] : memref<4096xi32, #tpu.memory_space<vmem>> -> memref<128xi32, #tpu.memory_space<vmem>>
    %dma_wait3A_248 = arith.constant 0 : i32
    %dma_wait3A_249 = arith.constant 0 : i32
    %dma_wait3A_250 = tpu.memref_slice %arg2[%dma_wait3A_248, %dma_wait3A_249] : memref<65536x128xf32, #tpu.memory_space<hbm>> -> memref<65536x128xf32, #tpu.memory_space<hbm>>
    tpu.wait_indirect_dma semaphore(%arg8 : memref<!tpu.dma_semaphore, #tpu.memory_space<semaphore_mem>>) src(%dma_wait3A_250 : memref<65536x128xf32, #tpu.memory_space<hbm>>) dst(%arg6 : memref<128x128xf32, #tpu.memory_space<vmem>>)
    %dma_start3A_251 = arith.constant 2688 : i32
    %dma_start3A_252 = tpu.memref_slice %arg5[%dma_start3A_251] : memref<4096xi32, #tpu.memory_space<vmem>> -> memref<128xi32, #tpu.memory_space<vmem>>
    %dma_start3A_253 = arith.constant 0 : i32
    %dma_start3A_254 = arith.constant 0 : i32
    %dma_start3A_255 = tpu.memref_slice %arg2[%dma_start3A_253, %dma_start3A_254] : memref<65536x128xf32, #tpu.memory_space<hbm>> -> memref<65536x128xf32, #tpu.memory_space<hbm>>
    tpu.enqueue_indirect_dma source(%dma_start3A_255 : memref<65536x128xf32, #tpu.memory_space<hbm>>) target(%arg7 : memref<128x128xf32, #tpu.memory_space<vmem>>) offsets(%dma_start3A_252 : memref<128xi32, #tpu.memory_space<vmem>>) semaphore(%arg9 : memref<!tpu.dma_semaphore, #tpu.memory_space<semaphore_mem>>)
    %add3A_256 = arith.constant 2560 : i32
    %add3A_257 = arith.addi %mul3A_2, %add3A_256 : i32
    "tpu.region"() ({
      %run_scoped3A = tpu.sem_alloc : memref<!tpu.dma_semaphore, #tpu.memory_space<semaphore_mem>>
      %dma_start3A_385 = arith.constant 0 : i32
      %dma_start3A_386 = tpu.memref_slice %arg4[%add3A_257, %dma_start3A_385] : memref<131072x128xf32, #tpu.memory_space<hbm>> -> memref<128x128xf32, #tpu.memory_space<hbm>>
      %dma_start3A_387 = arith.constant 0 : i32
      %dma_start3A_388 = tpu.memref_slice %arg4[%add3A_257, %dma_start3A_387] : memref<131072x128xf32, #tpu.memory_space<hbm>> -> memref<128x128xf32, #tpu.memory_space<hbm>>
      tpu.enqueue_dma source(%arg6 : memref<128x128xf32, #tpu.memory_space<vmem>>) target(%dma_start3A_388 : memref<128x128xf32, #tpu.memory_space<hbm>>) target_semaphore(%run_scoped3A : memref<!tpu.dma_semaphore, #tpu.memory_space<semaphore_mem>>)
      %dma_wait3A_389 = arith.constant 0 : i32
      %dma_wait3A_390 = tpu.memref_slice %arg4[%add3A_257, %dma_wait3A_389] : memref<131072x128xf32, #tpu.memory_space<hbm>> -> memref<128x128xf32, #tpu.memory_space<hbm>>
      %dma_wait3A_391 = arith.constant 0 : i32
      %dma_wait3A_392 = tpu.memref_slice %arg4[%add3A_257, %dma_wait3A_391] : memref<131072x128xf32, #tpu.memory_space<hbm>> -> memref<128x128xf32, #tpu.memory_space<hbm>>
      tpu.wait_dma2 semaphore(%run_scoped3A : memref<!tpu.dma_semaphore, #tpu.memory_space<semaphore_mem>>) src(%arg6 : memref<128x128xf32, #tpu.memory_space<vmem>>) dst(%dma_wait3A_392 : memref<128x128xf32, #tpu.memory_space<hbm>>)
      tpu.yield
    }) : () -> ()
    %dma_wait3A_258 = arith.constant 2688 : i32
    %dma_wait3A_259 = tpu.memref_slice %arg5[%dma_wait3A_258] : memref<4096xi32, #tpu.memory_space<vmem>> -> memref<128xi32, #tpu.memory_space<vmem>>
    %dma_wait3A_260 = arith.constant 0 : i32
    %dma_wait3A_261 = arith.constant 0 : i32
    %dma_wait3A_262 = tpu.memref_slice %arg2[%dma_wait3A_260, %dma_wait3A_261] : memref<65536x128xf32, #tpu.memory_space<hbm>> -> memref<65536x128xf32, #tpu.memory_space<hbm>>
    tpu.wait_indirect_dma semaphore(%arg9 : memref<!tpu.dma_semaphore, #tpu.memory_space<semaphore_mem>>) src(%dma_wait3A_262 : memref<65536x128xf32, #tpu.memory_space<hbm>>) dst(%arg7 : memref<128x128xf32, #tpu.memory_space<vmem>>)
    %dma_start3A_263 = arith.constant 2816 : i32
    %dma_start3A_264 = tpu.memref_slice %arg5[%dma_start3A_263] : memref<4096xi32, #tpu.memory_space<vmem>> -> memref<128xi32, #tpu.memory_space<vmem>>
    %dma_start3A_265 = arith.constant 0 : i32
    %dma_start3A_266 = arith.constant 0 : i32
    %dma_start3A_267 = tpu.memref_slice %arg2[%dma_start3A_265, %dma_start3A_266] : memref<65536x128xf32, #tpu.memory_space<hbm>> -> memref<65536x128xf32, #tpu.memory_space<hbm>>
    tpu.enqueue_indirect_dma source(%dma_start3A_267 : memref<65536x128xf32, #tpu.memory_space<hbm>>) target(%arg6 : memref<128x128xf32, #tpu.memory_space<vmem>>) offsets(%dma_start3A_264 : memref<128xi32, #tpu.memory_space<vmem>>) semaphore(%arg8 : memref<!tpu.dma_semaphore, #tpu.memory_space<semaphore_mem>>)
    %add3A_268 = arith.constant 2688 : i32
    %add3A_269 = arith.addi %mul3A_2, %add3A_268 : i32
    "tpu.region"() ({
      %run_scoped3A = tpu.sem_alloc : memref<!tpu.dma_semaphore, #tpu.memory_space<semaphore_mem>>
      %dma_start3A_385 = arith.constant 0 : i32
      %dma_start3A_386 = tpu.memref_slice %arg4[%add3A_269, %dma_start3A_385] : memref<131072x128xf32, #tpu.memory_space<hbm>> -> memref<128x128xf32, #tpu.memory_space<hbm>>
      %dma_start3A_387 = arith.constant 0 : i32
      %dma_start3A_388 = tpu.memref_slice %arg4[%add3A_269, %dma_start3A_387] : memref<131072x128xf32, #tpu.memory_space<hbm>> -> memref<128x128xf32, #tpu.memory_space<hbm>>
      tpu.enqueue_dma source(%arg7 : memref<128x128xf32, #tpu.memory_space<vmem>>) target(%dma_start3A_388 : memref<128x128xf32, #tpu.memory_space<hbm>>) target_semaphore(%run_scoped3A : memref<!tpu.dma_semaphore, #tpu.memory_space<semaphore_mem>>)
      %dma_wait3A_389 = arith.constant 0 : i32
      %dma_wait3A_390 = tpu.memref_slice %arg4[%add3A_269, %dma_wait3A_389] : memref<131072x128xf32, #tpu.memory_space<hbm>> -> memref<128x128xf32, #tpu.memory_space<hbm>>
      %dma_wait3A_391 = arith.constant 0 : i32
      %dma_wait3A_392 = tpu.memref_slice %arg4[%add3A_269, %dma_wait3A_391] : memref<131072x128xf32, #tpu.memory_space<hbm>> -> memref<128x128xf32, #tpu.memory_space<hbm>>
      tpu.wait_dma2 semaphore(%run_scoped3A : memref<!tpu.dma_semaphore, #tpu.memory_space<semaphore_mem>>) src(%arg7 : memref<128x128xf32, #tpu.memory_space<vmem>>) dst(%dma_wait3A_392 : memref<128x128xf32, #tpu.memory_space<hbm>>)
      tpu.yield
    }) : () -> ()
    %dma_wait3A_270 = arith.constant 2816 : i32
    %dma_wait3A_271 = tpu.memref_slice %arg5[%dma_wait3A_270] : memref<4096xi32, #tpu.memory_space<vmem>> -> memref<128xi32, #tpu.memory_space<vmem>>
    %dma_wait3A_272 = arith.constant 0 : i32
    %dma_wait3A_273 = arith.constant 0 : i32
    %dma_wait3A_274 = tpu.memref_slice %arg2[%dma_wait3A_272, %dma_wait3A_273] : memref<65536x128xf32, #tpu.memory_space<hbm>> -> memref<65536x128xf32, #tpu.memory_space<hbm>>
    tpu.wait_indirect_dma semaphore(%arg8 : memref<!tpu.dma_semaphore, #tpu.memory_space<semaphore_mem>>) src(%dma_wait3A_274 : memref<65536x128xf32, #tpu.memory_space<hbm>>) dst(%arg6 : memref<128x128xf32, #tpu.memory_space<vmem>>)
    %dma_start3A_275 = arith.constant 2944 : i32
    %dma_start3A_276 = tpu.memref_slice %arg5[%dma_start3A_275] : memref<4096xi32, #tpu.memory_space<vmem>> -> memref<128xi32, #tpu.memory_space<vmem>>
    %dma_start3A_277 = arith.constant 0 : i32
    %dma_start3A_278 = arith.constant 0 : i32
    %dma_start3A_279 = tpu.memref_slice %arg2[%dma_start3A_277, %dma_start3A_278] : memref<65536x128xf32, #tpu.memory_space<hbm>> -> memref<65536x128xf32, #tpu.memory_space<hbm>>
    tpu.enqueue_indirect_dma source(%dma_start3A_279 : memref<65536x128xf32, #tpu.memory_space<hbm>>) target(%arg7 : memref<128x128xf32, #tpu.memory_space<vmem>>) offsets(%dma_start3A_276 : memref<128xi32, #tpu.memory_space<vmem>>) semaphore(%arg9 : memref<!tpu.dma_semaphore, #tpu.memory_space<semaphore_mem>>)
    %add3A_280 = arith.constant 2816 : i32
    %add3A_281 = arith.addi %mul3A_2, %add3A_280 : i32
    "tpu.region"() ({
      %run_scoped3A = tpu.sem_alloc : memref<!tpu.dma_semaphore, #tpu.memory_space<semaphore_mem>>
      %dma_start3A_385 = arith.constant 0 : i32
      %dma_start3A_386 = tpu.memref_slice %arg4[%add3A_281, %dma_start3A_385] : memref<131072x128xf32, #tpu.memory_space<hbm>> -> memref<128x128xf32, #tpu.memory_space<hbm>>
      %dma_start3A_387 = arith.constant 0 : i32
      %dma_start3A_388 = tpu.memref_slice %arg4[%add3A_281, %dma_start3A_387] : memref<131072x128xf32, #tpu.memory_space<hbm>> -> memref<128x128xf32, #tpu.memory_space<hbm>>
      tpu.enqueue_dma source(%arg6 : memref<128x128xf32, #tpu.memory_space<vmem>>) target(%dma_start3A_388 : memref<128x128xf32, #tpu.memory_space<hbm>>) target_semaphore(%run_scoped3A : memref<!tpu.dma_semaphore, #tpu.memory_space<semaphore_mem>>)
      %dma_wait3A_389 = arith.constant 0 : i32
      %dma_wait3A_390 = tpu.memref_slice %arg4[%add3A_281, %dma_wait3A_389] : memref<131072x128xf32, #tpu.memory_space<hbm>> -> memref<128x128xf32, #tpu.memory_space<hbm>>
      %dma_wait3A_391 = arith.constant 0 : i32
      %dma_wait3A_392 = tpu.memref_slice %arg4[%add3A_281, %dma_wait3A_391] : memref<131072x128xf32, #tpu.memory_space<hbm>> -> memref<128x128xf32, #tpu.memory_space<hbm>>
      tpu.wait_dma2 semaphore(%run_scoped3A : memref<!tpu.dma_semaphore, #tpu.memory_space<semaphore_mem>>) src(%arg6 : memref<128x128xf32, #tpu.memory_space<vmem>>) dst(%dma_wait3A_392 : memref<128x128xf32, #tpu.memory_space<hbm>>)
      tpu.yield
    }) : () -> ()
    %dma_wait3A_282 = arith.constant 2944 : i32
    %dma_wait3A_283 = tpu.memref_slice %arg5[%dma_wait3A_282] : memref<4096xi32, #tpu.memory_space<vmem>> -> memref<128xi32, #tpu.memory_space<vmem>>
    %dma_wait3A_284 = arith.constant 0 : i32
    %dma_wait3A_285 = arith.constant 0 : i32
    %dma_wait3A_286 = tpu.memref_slice %arg2[%dma_wait3A_284, %dma_wait3A_285] : memref<65536x128xf32, #tpu.memory_space<hbm>> -> memref<65536x128xf32, #tpu.memory_space<hbm>>
    tpu.wait_indirect_dma semaphore(%arg9 : memref<!tpu.dma_semaphore, #tpu.memory_space<semaphore_mem>>) src(%dma_wait3A_286 : memref<65536x128xf32, #tpu.memory_space<hbm>>) dst(%arg7 : memref<128x128xf32, #tpu.memory_space<vmem>>)
    %dma_start3A_287 = arith.constant 3072 : i32
    %dma_start3A_288 = tpu.memref_slice %arg5[%dma_start3A_287] : memref<4096xi32, #tpu.memory_space<vmem>> -> memref<128xi32, #tpu.memory_space<vmem>>
    %dma_start3A_289 = arith.constant 0 : i32
    %dma_start3A_290 = arith.constant 0 : i32
    %dma_start3A_291 = tpu.memref_slice %arg2[%dma_start3A_289, %dma_start3A_290] : memref<65536x128xf32, #tpu.memory_space<hbm>> -> memref<65536x128xf32, #tpu.memory_space<hbm>>
    tpu.enqueue_indirect_dma source(%dma_start3A_291 : memref<65536x128xf32, #tpu.memory_space<hbm>>) target(%arg6 : memref<128x128xf32, #tpu.memory_space<vmem>>) offsets(%dma_start3A_288 : memref<128xi32, #tpu.memory_space<vmem>>) semaphore(%arg8 : memref<!tpu.dma_semaphore, #tpu.memory_space<semaphore_mem>>)
    %add3A_292 = arith.constant 2944 : i32
    %add3A_293 = arith.addi %mul3A_2, %add3A_292 : i32
    "tpu.region"() ({
      %run_scoped3A = tpu.sem_alloc : memref<!tpu.dma_semaphore, #tpu.memory_space<semaphore_mem>>
      %dma_start3A_385 = arith.constant 0 : i32
      %dma_start3A_386 = tpu.memref_slice %arg4[%add3A_293, %dma_start3A_385] : memref<131072x128xf32, #tpu.memory_space<hbm>> -> memref<128x128xf32, #tpu.memory_space<hbm>>
      %dma_start3A_387 = arith.constant 0 : i32
      %dma_start3A_388 = tpu.memref_slice %arg4[%add3A_293, %dma_start3A_387] : memref<131072x128xf32, #tpu.memory_space<hbm>> -> memref<128x128xf32, #tpu.memory_space<hbm>>
      tpu.enqueue_dma source(%arg7 : memref<128x128xf32, #tpu.memory_space<vmem>>) target(%dma_start3A_388 : memref<128x128xf32, #tpu.memory_space<hbm>>) target_semaphore(%run_scoped3A : memref<!tpu.dma_semaphore, #tpu.memory_space<semaphore_mem>>)
      %dma_wait3A_389 = arith.constant 0 : i32
      %dma_wait3A_390 = tpu.memref_slice %arg4[%add3A_293, %dma_wait3A_389] : memref<131072x128xf32, #tpu.memory_space<hbm>> -> memref<128x128xf32, #tpu.memory_space<hbm>>
      %dma_wait3A_391 = arith.constant 0 : i32
      %dma_wait3A_392 = tpu.memref_slice %arg4[%add3A_293, %dma_wait3A_391] : memref<131072x128xf32, #tpu.memory_space<hbm>> -> memref<128x128xf32, #tpu.memory_space<hbm>>
      tpu.wait_dma2 semaphore(%run_scoped3A : memref<!tpu.dma_semaphore, #tpu.memory_space<semaphore_mem>>) src(%arg7 : memref<128x128xf32, #tpu.memory_space<vmem>>) dst(%dma_wait3A_392 : memref<128x128xf32, #tpu.memory_space<hbm>>)
      tpu.yield
    }) : () -> ()
    %dma_wait3A_294 = arith.constant 3072 : i32
    %dma_wait3A_295 = tpu.memref_slice %arg5[%dma_wait3A_294] : memref<4096xi32, #tpu.memory_space<vmem>> -> memref<128xi32, #tpu.memory_space<vmem>>
    %dma_wait3A_296 = arith.constant 0 : i32
    %dma_wait3A_297 = arith.constant 0 : i32
    %dma_wait3A_298 = tpu.memref_slice %arg2[%dma_wait3A_296, %dma_wait3A_297] : memref<65536x128xf32, #tpu.memory_space<hbm>> -> memref<65536x128xf32, #tpu.memory_space<hbm>>
    tpu.wait_indirect_dma semaphore(%arg8 : memref<!tpu.dma_semaphore, #tpu.memory_space<semaphore_mem>>) src(%dma_wait3A_298 : memref<65536x128xf32, #tpu.memory_space<hbm>>) dst(%arg6 : memref<128x128xf32, #tpu.memory_space<vmem>>)
    %dma_start3A_299 = arith.constant 3200 : i32
    %dma_start3A_300 = tpu.memref_slice %arg5[%dma_start3A_299] : memref<4096xi32, #tpu.memory_space<vmem>> -> memref<128xi32, #tpu.memory_space<vmem>>
    %dma_start3A_301 = arith.constant 0 : i32
    %dma_start3A_302 = arith.constant 0 : i32
    %dma_start3A_303 = tpu.memref_slice %arg2[%dma_start3A_301, %dma_start3A_302] : memref<65536x128xf32, #tpu.memory_space<hbm>> -> memref<65536x128xf32, #tpu.memory_space<hbm>>
    tpu.enqueue_indirect_dma source(%dma_start3A_303 : memref<65536x128xf32, #tpu.memory_space<hbm>>) target(%arg7 : memref<128x128xf32, #tpu.memory_space<vmem>>) offsets(%dma_start3A_300 : memref<128xi32, #tpu.memory_space<vmem>>) semaphore(%arg9 : memref<!tpu.dma_semaphore, #tpu.memory_space<semaphore_mem>>)
    %add3A_304 = arith.constant 3072 : i32
    %add3A_305 = arith.addi %mul3A_2, %add3A_304 : i32
    "tpu.region"() ({
      %run_scoped3A = tpu.sem_alloc : memref<!tpu.dma_semaphore, #tpu.memory_space<semaphore_mem>>
      %dma_start3A_385 = arith.constant 0 : i32
      %dma_start3A_386 = tpu.memref_slice %arg4[%add3A_305, %dma_start3A_385] : memref<131072x128xf32, #tpu.memory_space<hbm>> -> memref<128x128xf32, #tpu.memory_space<hbm>>
      %dma_start3A_387 = arith.constant 0 : i32
      %dma_start3A_388 = tpu.memref_slice %arg4[%add3A_305, %dma_start3A_387] : memref<131072x128xf32, #tpu.memory_space<hbm>> -> memref<128x128xf32, #tpu.memory_space<hbm>>
      tpu.enqueue_dma source(%arg6 : memref<128x128xf32, #tpu.memory_space<vmem>>) target(%dma_start3A_388 : memref<128x128xf32, #tpu.memory_space<hbm>>) target_semaphore(%run_scoped3A : memref<!tpu.dma_semaphore, #tpu.memory_space<semaphore_mem>>)
      %dma_wait3A_389 = arith.constant 0 : i32
      %dma_wait3A_390 = tpu.memref_slice %arg4[%add3A_305, %dma_wait3A_389] : memref<131072x128xf32, #tpu.memory_space<hbm>> -> memref<128x128xf32, #tpu.memory_space<hbm>>
      %dma_wait3A_391 = arith.constant 0 : i32
      %dma_wait3A_392 = tpu.memref_slice %arg4[%add3A_305, %dma_wait3A_391] : memref<131072x128xf32, #tpu.memory_space<hbm>> -> memref<128x128xf32, #tpu.memory_space<hbm>>
      tpu.wait_dma2 semaphore(%run_scoped3A : memref<!tpu.dma_semaphore, #tpu.memory_space<semaphore_mem>>) src(%arg6 : memref<128x128xf32, #tpu.memory_space<vmem>>) dst(%dma_wait3A_392 : memref<128x128xf32, #tpu.memory_space<hbm>>)
      tpu.yield
    }) : () -> ()
    %dma_wait3A_306 = arith.constant 3200 : i32
    %dma_wait3A_307 = tpu.memref_slice %arg5[%dma_wait3A_306] : memref<4096xi32, #tpu.memory_space<vmem>> -> memref<128xi32, #tpu.memory_space<vmem>>
    %dma_wait3A_308 = arith.constant 0 : i32
    %dma_wait3A_309 = arith.constant 0 : i32
    %dma_wait3A_310 = tpu.memref_slice %arg2[%dma_wait3A_308, %dma_wait3A_309] : memref<65536x128xf32, #tpu.memory_space<hbm>> -> memref<65536x128xf32, #tpu.memory_space<hbm>>
    tpu.wait_indirect_dma semaphore(%arg9 : memref<!tpu.dma_semaphore, #tpu.memory_space<semaphore_mem>>) src(%dma_wait3A_310 : memref<65536x128xf32, #tpu.memory_space<hbm>>) dst(%arg7 : memref<128x128xf32, #tpu.memory_space<vmem>>)
    %dma_start3A_311 = arith.constant 3328 : i32
    %dma_start3A_312 = tpu.memref_slice %arg5[%dma_start3A_311] : memref<4096xi32, #tpu.memory_space<vmem>> -> memref<128xi32, #tpu.memory_space<vmem>>
    %dma_start3A_313 = arith.constant 0 : i32
    %dma_start3A_314 = arith.constant 0 : i32
    %dma_start3A_315 = tpu.memref_slice %arg2[%dma_start3A_313, %dma_start3A_314] : memref<65536x128xf32, #tpu.memory_space<hbm>> -> memref<65536x128xf32, #tpu.memory_space<hbm>>
    tpu.enqueue_indirect_dma source(%dma_start3A_315 : memref<65536x128xf32, #tpu.memory_space<hbm>>) target(%arg6 : memref<128x128xf32, #tpu.memory_space<vmem>>) offsets(%dma_start3A_312 : memref<128xi32, #tpu.memory_space<vmem>>) semaphore(%arg8 : memref<!tpu.dma_semaphore, #tpu.memory_space<semaphore_mem>>)
    %add3A_316 = arith.constant 3200 : i32
    %add3A_317 = arith.addi %mul3A_2, %add3A_316 : i32
    "tpu.region"() ({
      %run_scoped3A = tpu.sem_alloc : memref<!tpu.dma_semaphore, #tpu.memory_space<semaphore_mem>>
      %dma_start3A_385 = arith.constant 0 : i32
      %dma_start3A_386 = tpu.memref_slice %arg4[%add3A_317, %dma_start3A_385] : memref<131072x128xf32, #tpu.memory_space<hbm>> -> memref<128x128xf32, #tpu.memory_space<hbm>>
      %dma_start3A_387 = arith.constant 0 : i32
      %dma_start3A_388 = tpu.memref_slice %arg4[%add3A_317, %dma_start3A_387] : memref<131072x128xf32, #tpu.memory_space<hbm>> -> memref<128x128xf32, #tpu.memory_space<hbm>>
      tpu.enqueue_dma source(%arg7 : memref<128x128xf32, #tpu.memory_space<vmem>>) target(%dma_start3A_388 : memref<128x128xf32, #tpu.memory_space<hbm>>) target_semaphore(%run_scoped3A : memref<!tpu.dma_semaphore, #tpu.memory_space<semaphore_mem>>)
      %dma_wait3A_389 = arith.constant 0 : i32
      %dma_wait3A_390 = tpu.memref_slice %arg4[%add3A_317, %dma_wait3A_389] : memref<131072x128xf32, #tpu.memory_space<hbm>> -> memref<128x128xf32, #tpu.memory_space<hbm>>
      %dma_wait3A_391 = arith.constant 0 : i32
      %dma_wait3A_392 = tpu.memref_slice %arg4[%add3A_317, %dma_wait3A_391] : memref<131072x128xf32, #tpu.memory_space<hbm>> -> memref<128x128xf32, #tpu.memory_space<hbm>>
      tpu.wait_dma2 semaphore(%run_scoped3A : memref<!tpu.dma_semaphore, #tpu.memory_space<semaphore_mem>>) src(%arg7 : memref<128x128xf32, #tpu.memory_space<vmem>>) dst(%dma_wait3A_392 : memref<128x128xf32, #tpu.memory_space<hbm>>)
      tpu.yield
    }) : () -> ()
    %dma_wait3A_318 = arith.constant 3328 : i32
    %dma_wait3A_319 = tpu.memref_slice %arg5[%dma_wait3A_318] : memref<4096xi32, #tpu.memory_space<vmem>> -> memref<128xi32, #tpu.memory_space<vmem>>
    %dma_wait3A_320 = arith.constant 0 : i32
    %dma_wait3A_321 = arith.constant 0 : i32
    %dma_wait3A_322 = tpu.memref_slice %arg2[%dma_wait3A_320, %dma_wait3A_321] : memref<65536x128xf32, #tpu.memory_space<hbm>> -> memref<65536x128xf32, #tpu.memory_space<hbm>>
    tpu.wait_indirect_dma semaphore(%arg8 : memref<!tpu.dma_semaphore, #tpu.memory_space<semaphore_mem>>) src(%dma_wait3A_322 : memref<65536x128xf32, #tpu.memory_space<hbm>>) dst(%arg6 : memref<128x128xf32, #tpu.memory_space<vmem>>)
    %dma_start3A_323 = arith.constant 3456 : i32
    %dma_start3A_324 = tpu.memref_slice %arg5[%dma_start3A_323] : memref<4096xi32, #tpu.memory_space<vmem>> -> memref<128xi32, #tpu.memory_space<vmem>>
    %dma_start3A_325 = arith.constant 0 : i32
    %dma_start3A_326 = arith.constant 0 : i32
    %dma_start3A_327 = tpu.memref_slice %arg2[%dma_start3A_325, %dma_start3A_326] : memref<65536x128xf32, #tpu.memory_space<hbm>> -> memref<65536x128xf32, #tpu.memory_space<hbm>>
    tpu.enqueue_indirect_dma source(%dma_start3A_327 : memref<65536x128xf32, #tpu.memory_space<hbm>>) target(%arg7 : memref<128x128xf32, #tpu.memory_space<vmem>>) offsets(%dma_start3A_324 : memref<128xi32, #tpu.memory_space<vmem>>) semaphore(%arg9 : memref<!tpu.dma_semaphore, #tpu.memory_space<semaphore_mem>>)
    %add3A_328 = arith.constant 3328 : i32
    %add3A_329 = arith.addi %mul3A_2, %add3A_328 : i32
    "tpu.region"() ({
      %run_scoped3A = tpu.sem_alloc : memref<!tpu.dma_semaphore, #tpu.memory_space<semaphore_mem>>
      %dma_start3A_385 = arith.constant 0 : i32
      %dma_start3A_386 = tpu.memref_slice %arg4[%add3A_329, %dma_start3A_385] : memref<131072x128xf32, #tpu.memory_space<hbm>> -> memref<128x128xf32, #tpu.memory_space<hbm>>
      %dma_start3A_387 = arith.constant 0 : i32
      %dma_start3A_388 = tpu.memref_slice %arg4[%add3A_329, %dma_start3A_387] : memref<131072x128xf32, #tpu.memory_space<hbm>> -> memref<128x128xf32, #tpu.memory_space<hbm>>
      tpu.enqueue_dma source(%arg6 : memref<128x128xf32, #tpu.memory_space<vmem>>) target(%dma_start3A_388 : memref<128x128xf32, #tpu.memory_space<hbm>>) target_semaphore(%run_scoped3A : memref<!tpu.dma_semaphore, #tpu.memory_space<semaphore_mem>>)
      %dma_wait3A_389 = arith.constant 0 : i32
      %dma_wait3A_390 = tpu.memref_slice %arg4[%add3A_329, %dma_wait3A_389] : memref<131072x128xf32, #tpu.memory_space<hbm>> -> memref<128x128xf32, #tpu.memory_space<hbm>>
      %dma_wait3A_391 = arith.constant 0 : i32
      %dma_wait3A_392 = tpu.memref_slice %arg4[%add3A_329, %dma_wait3A_391] : memref<131072x128xf32, #tpu.memory_space<hbm>> -> memref<128x128xf32, #tpu.memory_space<hbm>>
      tpu.wait_dma2 semaphore(%run_scoped3A : memref<!tpu.dma_semaphore, #tpu.memory_space<semaphore_mem>>) src(%arg6 : memref<128x128xf32, #tpu.memory_space<vmem>>) dst(%dma_wait3A_392 : memref<128x128xf32, #tpu.memory_space<hbm>>)
      tpu.yield
    }) : () -> ()
    %dma_wait3A_330 = arith.constant 3456 : i32
    %dma_wait3A_331 = tpu.memref_slice %arg5[%dma_wait3A_330] : memref<4096xi32, #tpu.memory_space<vmem>> -> memref<128xi32, #tpu.memory_space<vmem>>
    %dma_wait3A_332 = arith.constant 0 : i32
    %dma_wait3A_333 = arith.constant 0 : i32
    %dma_wait3A_334 = tpu.memref_slice %arg2[%dma_wait3A_332, %dma_wait3A_333] : memref<65536x128xf32, #tpu.memory_space<hbm>> -> memref<65536x128xf32, #tpu.memory_space<hbm>>
    tpu.wait_indirect_dma semaphore(%arg9 : memref<!tpu.dma_semaphore, #tpu.memory_space<semaphore_mem>>) src(%dma_wait3A_334 : memref<65536x128xf32, #tpu.memory_space<hbm>>) dst(%arg7 : memref<128x128xf32, #tpu.memory_space<vmem>>)
    %dma_start3A_335 = arith.constant 3584 : i32
    %dma_start3A_336 = tpu.memref_slice %arg5[%dma_start3A_335] : memref<4096xi32, #tpu.memory_space<vmem>> -> memref<128xi32, #tpu.memory_space<vmem>>
    %dma_start3A_337 = arith.constant 0 : i32
    %dma_start3A_338 = arith.constant 0 : i32
    %dma_start3A_339 = tpu.memref_slice %arg2[%dma_start3A_337, %dma_start3A_338] : memref<65536x128xf32, #tpu.memory_space<hbm>> -> memref<65536x128xf32, #tpu.memory_space<hbm>>
    tpu.enqueue_indirect_dma source(%dma_start3A_339 : memref<65536x128xf32, #tpu.memory_space<hbm>>) target(%arg6 : memref<128x128xf32, #tpu.memory_space<vmem>>) offsets(%dma_start3A_336 : memref<128xi32, #tpu.memory_space<vmem>>) semaphore(%arg8 : memref<!tpu.dma_semaphore, #tpu.memory_space<semaphore_mem>>)
    %add3A_340 = arith.constant 3456 : i32
    %add3A_341 = arith.addi %mul3A_2, %add3A_340 : i32
    "tpu.region"() ({
      %run_scoped3A = tpu.sem_alloc : memref<!tpu.dma_semaphore, #tpu.memory_space<semaphore_mem>>
      %dma_start3A_385 = arith.constant 0 : i32
      %dma_start3A_386 = tpu.memref_slice %arg4[%add3A_341, %dma_start3A_385] : memref<131072x128xf32, #tpu.memory_space<hbm>> -> memref<128x128xf32, #tpu.memory_space<hbm>>
      %dma_start3A_387 = arith.constant 0 : i32
      %dma_start3A_388 = tpu.memref_slice %arg4[%add3A_341, %dma_start3A_387] : memref<131072x128xf32, #tpu.memory_space<hbm>> -> memref<128x128xf32, #tpu.memory_space<hbm>>
      tpu.enqueue_dma source(%arg7 : memref<128x128xf32, #tpu.memory_space<vmem>>) target(%dma_start3A_388 : memref<128x128xf32, #tpu.memory_space<hbm>>) target_semaphore(%run_scoped3A : memref<!tpu.dma_semaphore, #tpu.memory_space<semaphore_mem>>)
      %dma_wait3A_389 = arith.constant 0 : i32
      %dma_wait3A_390 = tpu.memref_slice %arg4[%add3A_341, %dma_wait3A_389] : memref<131072x128xf32, #tpu.memory_space<hbm>> -> memref<128x128xf32, #tpu.memory_space<hbm>>
      %dma_wait3A_391 = arith.constant 0 : i32
      %dma_wait3A_392 = tpu.memref_slice %arg4[%add3A_341, %dma_wait3A_391] : memref<131072x128xf32, #tpu.memory_space<hbm>> -> memref<128x128xf32, #tpu.memory_space<hbm>>
      tpu.wait_dma2 semaphore(%run_scoped3A : memref<!tpu.dma_semaphore, #tpu.memory_space<semaphore_mem>>) src(%arg7 : memref<128x128xf32, #tpu.memory_space<vmem>>) dst(%dma_wait3A_392 : memref<128x128xf32, #tpu.memory_space<hbm>>)
      tpu.yield
    }) : () -> ()
    %dma_wait3A_342 = arith.constant 3584 : i32
    %dma_wait3A_343 = tpu.memref_slice %arg5[%dma_wait3A_342] : memref<4096xi32, #tpu.memory_space<vmem>> -> memref<128xi32, #tpu.memory_space<vmem>>
    %dma_wait3A_344 = arith.constant 0 : i32
    %dma_wait3A_345 = arith.constant 0 : i32
    %dma_wait3A_346 = tpu.memref_slice %arg2[%dma_wait3A_344, %dma_wait3A_345] : memref<65536x128xf32, #tpu.memory_space<hbm>> -> memref<65536x128xf32, #tpu.memory_space<hbm>>
    tpu.wait_indirect_dma semaphore(%arg8 : memref<!tpu.dma_semaphore, #tpu.memory_space<semaphore_mem>>) src(%dma_wait3A_346 : memref<65536x128xf32, #tpu.memory_space<hbm>>) dst(%arg6 : memref<128x128xf32, #tpu.memory_space<vmem>>)
    %dma_start3A_347 = arith.constant 3712 : i32
    %dma_start3A_348 = tpu.memref_slice %arg5[%dma_start3A_347] : memref<4096xi32, #tpu.memory_space<vmem>> -> memref<128xi32, #tpu.memory_space<vmem>>
    %dma_start3A_349 = arith.constant 0 : i32
    %dma_start3A_350 = arith.constant 0 : i32
    %dma_start3A_351 = tpu.memref_slice %arg2[%dma_start3A_349, %dma_start3A_350] : memref<65536x128xf32, #tpu.memory_space<hbm>> -> memref<65536x128xf32, #tpu.memory_space<hbm>>
    tpu.enqueue_indirect_dma source(%dma_start3A_351 : memref<65536x128xf32, #tpu.memory_space<hbm>>) target(%arg7 : memref<128x128xf32, #tpu.memory_space<vmem>>) offsets(%dma_start3A_348 : memref<128xi32, #tpu.memory_space<vmem>>) semaphore(%arg9 : memref<!tpu.dma_semaphore, #tpu.memory_space<semaphore_mem>>)
    %add3A_352 = arith.constant 3584 : i32
    %add3A_353 = arith.addi %mul3A_2, %add3A_352 : i32
    "tpu.region"() ({
      %run_scoped3A = tpu.sem_alloc : memref<!tpu.dma_semaphore, #tpu.memory_space<semaphore_mem>>
      %dma_start3A_385 = arith.constant 0 : i32
      %dma_start3A_386 = tpu.memref_slice %arg4[%add3A_353, %dma_start3A_385] : memref<131072x128xf32, #tpu.memory_space<hbm>> -> memref<128x128xf32, #tpu.memory_space<hbm>>
      %dma_start3A_387 = arith.constant 0 : i32
      %dma_start3A_388 = tpu.memref_slice %arg4[%add3A_353, %dma_start3A_387] : memref<131072x128xf32, #tpu.memory_space<hbm>> -> memref<128x128xf32, #tpu.memory_space<hbm>>
      tpu.enqueue_dma source(%arg6 : memref<128x128xf32, #tpu.memory_space<vmem>>) target(%dma_start3A_388 : memref<128x128xf32, #tpu.memory_space<hbm>>) target_semaphore(%run_scoped3A : memref<!tpu.dma_semaphore, #tpu.memory_space<semaphore_mem>>)
      %dma_wait3A_389 = arith.constant 0 : i32
      %dma_wait3A_390 = tpu.memref_slice %arg4[%add3A_353, %dma_wait3A_389] : memref<131072x128xf32, #tpu.memory_space<hbm>> -> memref<128x128xf32, #tpu.memory_space<hbm>>
      %dma_wait3A_391 = arith.constant 0 : i32
      %dma_wait3A_392 = tpu.memref_slice %arg4[%add3A_353, %dma_wait3A_391] : memref<131072x128xf32, #tpu.memory_space<hbm>> -> memref<128x128xf32, #tpu.memory_space<hbm>>
      tpu.wait_dma2 semaphore(%run_scoped3A : memref<!tpu.dma_semaphore, #tpu.memory_space<semaphore_mem>>) src(%arg6 : memref<128x128xf32, #tpu.memory_space<vmem>>) dst(%dma_wait3A_392 : memref<128x128xf32, #tpu.memory_space<hbm>>)
      tpu.yield
    }) : () -> ()
    %dma_wait3A_354 = arith.constant 3712 : i32
    %dma_wait3A_355 = tpu.memref_slice %arg5[%dma_wait3A_354] : memref<4096xi32, #tpu.memory_space<vmem>> -> memref<128xi32, #tpu.memory_space<vmem>>
    %dma_wait3A_356 = arith.constant 0 : i32
    %dma_wait3A_357 = arith.constant 0 : i32
    %dma_wait3A_358 = tpu.memref_slice %arg2[%dma_wait3A_356, %dma_wait3A_357] : memref<65536x128xf32, #tpu.memory_space<hbm>> -> memref<65536x128xf32, #tpu.memory_space<hbm>>
    tpu.wait_indirect_dma semaphore(%arg9 : memref<!tpu.dma_semaphore, #tpu.memory_space<semaphore_mem>>) src(%dma_wait3A_358 : memref<65536x128xf32, #tpu.memory_space<hbm>>) dst(%arg7 : memref<128x128xf32, #tpu.memory_space<vmem>>)
    %dma_start3A_359 = arith.constant 3840 : i32
    %dma_start3A_360 = tpu.memref_slice %arg5[%dma_start3A_359] : memref<4096xi32, #tpu.memory_space<vmem>> -> memref<128xi32, #tpu.memory_space<vmem>>
    %dma_start3A_361 = arith.constant 0 : i32
    %dma_start3A_362 = arith.constant 0 : i32
    %dma_start3A_363 = tpu.memref_slice %arg2[%dma_start3A_361, %dma_start3A_362] : memref<65536x128xf32, #tpu.memory_space<hbm>> -> memref<65536x128xf32, #tpu.memory_space<hbm>>
    tpu.enqueue_indirect_dma source(%dma_start3A_363 : memref<65536x128xf32, #tpu.memory_space<hbm>>) target(%arg6 : memref<128x128xf32, #tpu.memory_space<vmem>>) offsets(%dma_start3A_360 : memref<128xi32, #tpu.memory_space<vmem>>) semaphore(%arg8 : memref<!tpu.dma_semaphore, #tpu.memory_space<semaphore_mem>>)
    %add3A_364 = arith.constant 3712 : i32
    %add3A_365 = arith.addi %mul3A_2, %add3A_364 : i32
    "tpu.region"() ({
      %run_scoped3A = tpu.sem_alloc : memref<!tpu.dma_semaphore, #tpu.memory_space<semaphore_mem>>
      %dma_start3A_385 = arith.constant 0 : i32
      %dma_start3A_386 = tpu.memref_slice %arg4[%add3A_365, %dma_start3A_385] : memref<131072x128xf32, #tpu.memory_space<hbm>> -> memref<128x128xf32, #tpu.memory_space<hbm>>
      %dma_start3A_387 = arith.constant 0 : i32
      %dma_start3A_388 = tpu.memref_slice %arg4[%add3A_365, %dma_start3A_387] : memref<131072x128xf32, #tpu.memory_space<hbm>> -> memref<128x128xf32, #tpu.memory_space<hbm>>
      tpu.enqueue_dma source(%arg7 : memref<128x128xf32, #tpu.memory_space<vmem>>) target(%dma_start3A_388 : memref<128x128xf32, #tpu.memory_space<hbm>>) target_semaphore(%run_scoped3A : memref<!tpu.dma_semaphore, #tpu.memory_space<semaphore_mem>>)
      %dma_wait3A_389 = arith.constant 0 : i32
      %dma_wait3A_390 = tpu.memref_slice %arg4[%add3A_365, %dma_wait3A_389] : memref<131072x128xf32, #tpu.memory_space<hbm>> -> memref<128x128xf32, #tpu.memory_space<hbm>>
      %dma_wait3A_391 = arith.constant 0 : i32
      %dma_wait3A_392 = tpu.memref_slice %arg4[%add3A_365, %dma_wait3A_391] : memref<131072x128xf32, #tpu.memory_space<hbm>> -> memref<128x128xf32, #tpu.memory_space<hbm>>
      tpu.wait_dma2 semaphore(%run_scoped3A : memref<!tpu.dma_semaphore, #tpu.memory_space<semaphore_mem>>) src(%arg7 : memref<128x128xf32, #tpu.memory_space<vmem>>) dst(%dma_wait3A_392 : memref<128x128xf32, #tpu.memory_space<hbm>>)
      tpu.yield
    }) : () -> ()
    %dma_wait3A_366 = arith.constant 3840 : i32
    %dma_wait3A_367 = tpu.memref_slice %arg5[%dma_wait3A_366] : memref<4096xi32, #tpu.memory_space<vmem>> -> memref<128xi32, #tpu.memory_space<vmem>>
    %dma_wait3A_368 = arith.constant 0 : i32
    %dma_wait3A_369 = arith.constant 0 : i32
    %dma_wait3A_370 = tpu.memref_slice %arg2[%dma_wait3A_368, %dma_wait3A_369] : memref<65536x128xf32, #tpu.memory_space<hbm>> -> memref<65536x128xf32, #tpu.memory_space<hbm>>
    tpu.wait_indirect_dma semaphore(%arg8 : memref<!tpu.dma_semaphore, #tpu.memory_space<semaphore_mem>>) src(%dma_wait3A_370 : memref<65536x128xf32, #tpu.memory_space<hbm>>) dst(%arg6 : memref<128x128xf32, #tpu.memory_space<vmem>>)
    %dma_start3A_371 = arith.constant 3968 : i32
    %dma_start3A_372 = tpu.memref_slice %arg5[%dma_start3A_371] : memref<4096xi32, #tpu.memory_space<vmem>> -> memref<128xi32, #tpu.memory_space<vmem>>
    %dma_start3A_373 = arith.constant 0 : i32
    %dma_start3A_374 = arith.constant 0 : i32
    %dma_start3A_375 = tpu.memref_slice %arg2[%dma_start3A_373, %dma_start3A_374] : memref<65536x128xf32, #tpu.memory_space<hbm>> -> memref<65536x128xf32, #tpu.memory_space<hbm>>
    tpu.enqueue_indirect_dma source(%dma_start3A_375 : memref<65536x128xf32, #tpu.memory_space<hbm>>) target(%arg7 : memref<128x128xf32, #tpu.memory_space<vmem>>) offsets(%dma_start3A_372 : memref<128xi32, #tpu.memory_space<vmem>>) semaphore(%arg9 : memref<!tpu.dma_semaphore, #tpu.memory_space<semaphore_mem>>)
    %add3A_376 = arith.constant 3840 : i32
    %add3A_377 = arith.addi %mul3A_2, %add3A_376 : i32
    "tpu.region"() ({
      %run_scoped3A = tpu.sem_alloc : memref<!tpu.dma_semaphore, #tpu.memory_space<semaphore_mem>>
      %dma_start3A_385 = arith.constant 0 : i32
      %dma_start3A_386 = tpu.memref_slice %arg4[%add3A_377, %dma_start3A_385] : memref<131072x128xf32, #tpu.memory_space<hbm>> -> memref<128x128xf32, #tpu.memory_space<hbm>>
      %dma_start3A_387 = arith.constant 0 : i32
      %dma_start3A_388 = tpu.memref_slice %arg4[%add3A_377, %dma_start3A_387] : memref<131072x128xf32, #tpu.memory_space<hbm>> -> memref<128x128xf32, #tpu.memory_space<hbm>>
      tpu.enqueue_dma source(%arg6 : memref<128x128xf32, #tpu.memory_space<vmem>>) target(%dma_start3A_388 : memref<128x128xf32, #tpu.memory_space<hbm>>) target_semaphore(%run_scoped3A : memref<!tpu.dma_semaphore, #tpu.memory_space<semaphore_mem>>)
      %dma_wait3A_389 = arith.constant 0 : i32
      %dma_wait3A_390 = tpu.memref_slice %arg4[%add3A_377, %dma_wait3A_389] : memref<131072x128xf32, #tpu.memory_space<hbm>> -> memref<128x128xf32, #tpu.memory_space<hbm>>
      %dma_wait3A_391 = arith.constant 0 : i32
      %dma_wait3A_392 = tpu.memref_slice %arg4[%add3A_377, %dma_wait3A_391] : memref<131072x128xf32, #tpu.memory_space<hbm>> -> memref<128x128xf32, #tpu.memory_space<hbm>>
      tpu.wait_dma2 semaphore(%run_scoped3A : memref<!tpu.dma_semaphore, #tpu.memory_space<semaphore_mem>>) src(%arg6 : memref<128x128xf32, #tpu.memory_space<vmem>>) dst(%dma_wait3A_392 : memref<128x128xf32, #tpu.memory_space<hbm>>)
      tpu.yield
    }) : () -> ()
    %dma_wait3A_378 = arith.constant 3968 : i32
    %dma_wait3A_379 = tpu.memref_slice %arg5[%dma_wait3A_378] : memref<4096xi32, #tpu.memory_space<vmem>> -> memref<128xi32, #tpu.memory_space<vmem>>
    %dma_wait3A_380 = arith.constant 0 : i32
    %dma_wait3A_381 = arith.constant 0 : i32
    %dma_wait3A_382 = tpu.memref_slice %arg2[%dma_wait3A_380, %dma_wait3A_381] : memref<65536x128xf32, #tpu.memory_space<hbm>> -> memref<65536x128xf32, #tpu.memory_space<hbm>>
    tpu.wait_indirect_dma semaphore(%arg9 : memref<!tpu.dma_semaphore, #tpu.memory_space<semaphore_mem>>) src(%dma_wait3A_382 : memref<65536x128xf32, #tpu.memory_space<hbm>>) dst(%arg7 : memref<128x128xf32, #tpu.memory_space<vmem>>)
    %add3A_383 = arith.constant 3968 : i32
    %add3A_384 = arith.addi %mul3A_2, %add3A_383 : i32
    "tpu.region"() ({
      %run_scoped3A = tpu.sem_alloc : memref<!tpu.dma_semaphore, #tpu.memory_space<semaphore_mem>>
      %dma_start3A_385 = arith.constant 0 : i32
      %dma_start3A_386 = tpu.memref_slice %arg4[%add3A_384, %dma_start3A_385] : memref<131072x128xf32, #tpu.memory_space<hbm>> -> memref<128x128xf32, #tpu.memory_space<hbm>>
      %dma_start3A_387 = arith.constant 0 : i32
      %dma_start3A_388 = tpu.memref_slice %arg4[%add3A_384, %dma_start3A_387] : memref<131072x128xf32, #tpu.memory_space<hbm>> -> memref<128x128xf32, #tpu.memory_space<hbm>>
      tpu.enqueue_dma source(%arg7 : memref<128x128xf32, #tpu.memory_space<vmem>>) target(%dma_start3A_388 : memref<128x128xf32, #tpu.memory_space<hbm>>) target_semaphore(%run_scoped3A : memref<!tpu.dma_semaphore, #tpu.memory_space<semaphore_mem>>)
      %dma_wait3A_389 = arith.constant 0 : i32
      %dma_wait3A_390 = tpu.memref_slice %arg4[%add3A_384, %dma_wait3A_389] : memref<131072x128xf32, #tpu.memory_space<hbm>> -> memref<128x128xf32, #tpu.memory_space<hbm>>
      %dma_wait3A_391 = arith.constant 0 : i32
      %dma_wait3A_392 = tpu.memref_slice %arg4[%add3A_384, %dma_wait3A_391] : memref<131072x128xf32, #tpu.memory_space<hbm>> -> memref<128x128xf32, #tpu.memory_space<hbm>>
      tpu.wait_dma2 semaphore(%run_scoped3A : memref<!tpu.dma_semaphore, #tpu.memory_space<semaphore_mem>>) src(%arg7 : memref<128x128xf32, #tpu.memory_space<vmem>>) dst(%dma_wait3A_392 : memref<128x128xf32, #tpu.memory_space<hbm>>)
      tpu.yield
    }) : () -> ()
    return
  }
}

module attributes {stable_mosaic.version = 14 : i64} {
  func.func @_fps_body(%arg0: memref<4x3x128x128xf32, #tpu.memory_space<vmem>>, %arg1: memref<4x128x8x128xf32, #tpu.memory_space<vmem>>, %arg2: memref<3x1024xf32, #tpu.memory_space<smem>>, %arg3: memref<3x1024xf32, #tpu.memory_space<smem>>, %arg4: memref<3x1024xf32, #tpu.memory_space<smem>>, %arg5: memref<3x1024xf32, #tpu.memory_space<smem>>, %arg6: memref<128x128xf32, #tpu.memory_space<vmem>>, %arg7: memref<128x128xf32, #tpu.memory_space<vmem>>, %arg8: memref<128x128xf32, #tpu.memory_space<vmem>>, %arg9: memref<128x128xf32, #tpu.memory_space<vmem>>) attributes {dimension_semantics = [], scalar_prefetch = 0 : i64, scratch_operands = 4 : i64, tpu.core_type = #tpu.core_type<tc>} {
    %iota3A = tpu.iota {dimensions = array<i32: 0>} : vector<128x128xi32>
    %mul3A = arith.constant 128 : i32
    %mul3A_0 = vector.broadcast %mul3A : i32 to vector<128x128xi32>
    %mul3A_1 = arith.muli %iota3A, %mul3A_0 : vector<128x128xi32>
    %iota3A_2 = tpu.iota {dimensions = array<i32: 1>} : vector<128x128xi32>
    %add3A = arith.addi %mul3A_1, %iota3A_2 : vector<128x128xi32>
    %iota3A_3 = tpu.iota {dimensions = array<i32: 1>} : vector<8x128xi32>
    %eq3A = arith.constant 0 : i32
    %eq3A_4 = vector.broadcast %eq3A : i32 to vector<128x128xi32>
    %eq3A_5 = arith.cmpi eq, %add3A, %eq3A_4 : vector<128x128xi32>
    %broadcast_in_dim3A = arith.constant 1.000000e+10 : f32
    %broadcast_in_dim3A_6 = vector.broadcast %broadcast_in_dim3A : f32 to vector<128x128xf32>
    %swap3A = arith.constant 0 : index
    %swap3A_7 = arith.constant 0 : index
    %swap3A_8 = vector.load %arg6[%swap3A, %swap3A_7] : memref<128x128xf32, #tpu.memory_space<vmem>>, vector<128x128xf32>
    tpu.vector_store %arg6[%swap3A, %swap3A_7], %broadcast_in_dim3A_6 {strides = array<i32>} : memref<128x128xf32, #tpu.memory_space<vmem>>, vector<128x128xf32>,
    %get3A = arith.constant 0 : index
    %get3A_9 = arith.constant 0 : index
    %get3A_10 = arith.constant 0 : index
    %get3A_11 = arith.constant 0 : index
    %get3A_12 = vector.load %arg0[%get3A, %get3A_9, %get3A_10, %get3A_11] : memref<4x3x128x128xf32, #tpu.memory_space<vmem>>, vector<1x1x128x128xf32>
    %get3A_13 = vector.shape_cast %get3A_12 : vector<1x1x128x128xf32> to vector<128x128xf32>
    %jit3A = arith.constant 0xFF800000 : f32
    %broadcast_in_dim3A_14 = vector.broadcast %jit3A : f32 to vector<128x128xf32>
    %select_n3A = arith.select %eq3A_5, %get3A_13, %broadcast_in_dim3A_14 : vector<128x128xi1>, vector<128x128xf32>
    %reduce_max3A = vector.shape_cast %select_n3A : vector<128x128xf32> to vector<1x128x128xf32>
    %reduce_max3A_15 = arith.constant dense<0xFF800000> : vector<1xf32>
    %reduce_max3A_16 = vector.multi_reduction <maximumf>, %reduce_max3A, %reduce_max3A_15 [1, 2] : vector<1x128x128xf32> to vector<1xf32>
    %reduce_max3A_17 = vector.shape_cast %reduce_max3A_16 : vector<1xf32> to vector<1x1x1xf32>
    %reduce_max3A_18 = vector.extract %reduce_max3A_17[0, 0, 0] : f32 from vector<1x1x1xf32>
    %swap3A_19 = arith.constant 0 : index
    %swap3A_20 = arith.constant 0 : index
    %swap3A_21 = memref.load %arg2[%swap3A_19, %swap3A_20] : memref<3x1024xf32, #tpu.memory_space<smem>>
    memref.store %reduce_max3A_18, %arg2[%swap3A_19, %swap3A_20] : memref<3x1024xf32, #tpu.memory_space<smem>>
    %get3A_22 = arith.constant 0 : index
    %get3A_23 = arith.constant 1 : index
    %get3A_24 = arith.constant 0 : index
    %get3A_25 = arith.constant 0 : index
    %get3A_26 = vector.load %arg0[%get3A_22, %get3A_23, %get3A_24, %get3A_25] : memref<4x3x128x128xf32, #tpu.memory_space<vmem>>, vector<1x1x128x128xf32>
    %get3A_27 = vector.shape_cast %get3A_26 : vector<1x1x128x128xf32> to vector<128x128xf32>
    %jit3A_28 = arith.constant 0xFF800000 : f32
    %broadcast_in_dim3A_29 = vector.broadcast %jit3A_28 : f32 to vector<128x128xf32>
    %select_n3A_30 = arith.select %eq3A_5, %get3A_27, %broadcast_in_dim3A_29 : vector<128x128xi1>, vector<128x128xf32>
    %reduce_max3A_31 = vector.shape_cast %select_n3A_30 : vector<128x128xf32> to vector<1x128x128xf32>
    %reduce_max3A_32 = arith.constant dense<0xFF800000> : vector<1xf32>
    %reduce_max3A_33 = vector.multi_reduction <maximumf>, %reduce_max3A_31, %reduce_max3A_32 [1, 2] : vector<1x128x128xf32> to vector<1xf32>
    %reduce_max3A_34 = vector.shape_cast %reduce_max3A_33 : vector<1xf32> to vector<1x1x1xf32>
    %reduce_max3A_35 = vector.extract %reduce_max3A_34[0, 0, 0] : f32 from vector<1x1x1xf32>
    %swap3A_36 = arith.constant 1 : index
    %swap3A_37 = arith.constant 0 : index
    %swap3A_38 = memref.load %arg2[%swap3A_36, %swap3A_37] : memref<3x1024xf32, #tpu.memory_space<smem>>
    memref.store %reduce_max3A_35, %arg2[%swap3A_36, %swap3A_37] : memref<3x1024xf32, #tpu.memory_space<smem>>
    %get3A_39 = arith.constant 0 : index
    %get3A_40 = arith.constant 2 : index
    %get3A_41 = arith.constant 0 : index
    %get3A_42 = arith.constant 0 : index
    %get3A_43 = vector.load %arg0[%get3A_39, %get3A_40, %get3A_41, %get3A_42] : memref<4x3x128x128xf32, #tpu.memory_space<vmem>>, vector<1x1x128x128xf32>
    %get3A_44 = vector.shape_cast %get3A_43 : vector<1x1x128x128xf32> to vector<128x128xf32>
    %jit3A_45 = arith.constant 0xFF800000 : f32
    %broadcast_in_dim3A_46 = vector.broadcast %jit3A_45 : f32 to vector<128x128xf32>
    %select_n3A_47 = arith.select %eq3A_5, %get3A_44, %broadcast_in_dim3A_46 : vector<128x128xi1>, vector<128x128xf32>
    %reduce_max3A_48 = vector.shape_cast %select_n3A_47 : vector<128x128xf32> to vector<1x128x128xf32>
    %reduce_max3A_49 = arith.constant dense<0xFF800000> : vector<1xf32>
    %reduce_max3A_50 = vector.multi_reduction <maximumf>, %reduce_max3A_48, %reduce_max3A_49 [1, 2] : vector<1x128x128xf32> to vector<1xf32>
    %reduce_max3A_51 = vector.shape_cast %reduce_max3A_50 : vector<1xf32> to vector<1x1x1xf32>
    %reduce_max3A_52 = vector.extract %reduce_max3A_51[0, 0, 0] : f32 from vector<1x1x1xf32>
    %swap3A_53 = arith.constant 2 : index
    %swap3A_54 = arith.constant 0 : index
    %swap3A_55 = memref.load %arg2[%swap3A_53, %swap3A_54] : memref<3x1024xf32, #tpu.memory_space<smem>>
    memref.store %reduce_max3A_52, %arg2[%swap3A_53, %swap3A_54] : memref<3x1024xf32, #tpu.memory_space<smem>>
    %broadcast_in_dim3A_56 = arith.constant 1.000000e+10 : f32
    %broadcast_in_dim3A_57 = vector.broadcast %broadcast_in_dim3A_56 : f32 to vector<128x128xf32>
    %swap3A_58 = arith.constant 0 : index
    %swap3A_59 = arith.constant 0 : index
    %swap3A_60 = vector.load %arg7[%swap3A_58, %swap3A_59] : memref<128x128xf32, #tpu.memory_space<vmem>>, vector<128x128xf32>
    tpu.vector_store %arg7[%swap3A_58, %swap3A_59], %broadcast_in_dim3A_57 {strides = array<i32>} : memref<128x128xf32, #tpu.memory_space<vmem>>, vector<128x128xf32>,
    %get3A_61 = arith.constant 1 : index
    %get3A_62 = arith.constant 0 : index
    %get3A_63 = arith.constant 0 : index
    %get3A_64 = arith.constant 0 : index
    %get3A_65 = vector.load %arg0[%get3A_61, %get3A_62, %get3A_63, %get3A_64] : memref<4x3x128x128xf32, #tpu.memory_space<vmem>>, vector<1x1x128x128xf32>
    %get3A_66 = vector.shape_cast %get3A_65 : vector<1x1x128x128xf32> to vector<128x128xf32>
    %jit3A_67 = arith.constant 0xFF800000 : f32
    %broadcast_in_dim3A_68 = vector.broadcast %jit3A_67 : f32 to vector<128x128xf32>
    %select_n3A_69 = arith.select %eq3A_5, %get3A_66, %broadcast_in_dim3A_68 : vector<128x128xi1>, vector<128x128xf32>
    %reduce_max3A_70 = vector.shape_cast %select_n3A_69 : vector<128x128xf32> to vector<1x128x128xf32>
    %reduce_max3A_71 = arith.constant dense<0xFF800000> : vector<1xf32>
    %reduce_max3A_72 = vector.multi_reduction <maximumf>, %reduce_max3A_70, %reduce_max3A_71 [1, 2] : vector<1x128x128xf32> to vector<1xf32>
    %reduce_max3A_73 = vector.shape_cast %reduce_max3A_72 : vector<1xf32> to vector<1x1x1xf32>
    %reduce_max3A_74 = vector.extract %reduce_max3A_73[0, 0, 0] : f32 from vector<1x1x1xf32>
    %swap3A_75 = arith.constant 0 : index
    %swap3A_76 = arith.constant 0 : index
    %swap3A_77 = memref.load %arg3[%swap3A_75, %swap3A_76] : memref<3x1024xf32, #tpu.memory_space<smem>>
    memref.store %reduce_max3A_74, %arg3[%swap3A_75, %swap3A_76] : memref<3x1024xf32, #tpu.memory_space<smem>>
    %get3A_78 = arith.constant 1 : index
    %get3A_79 = arith.constant 1 : index
    %get3A_80 = arith.constant 0 : index
    %get3A_81 = arith.constant 0 : index
    %get3A_82 = vector.load %arg0[%get3A_78, %get3A_79, %get3A_80, %get3A_81] : memref<4x3x128x128xf32, #tpu.memory_space<vmem>>, vector<1x1x128x128xf32>
    %get3A_83 = vector.shape_cast %get3A_82 : vector<1x1x128x128xf32> to vector<128x128xf32>
    %jit3A_84 = arith.constant 0xFF800000 : f32
    %broadcast_in_dim3A_85 = vector.broadcast %jit3A_84 : f32 to vector<128x128xf32>
    %select_n3A_86 = arith.select %eq3A_5, %get3A_83, %broadcast_in_dim3A_85 : vector<128x128xi1>, vector<128x128xf32>
    %reduce_max3A_87 = vector.shape_cast %select_n3A_86 : vector<128x128xf32> to vector<1x128x128xf32>
    %reduce_max3A_88 = arith.constant dense<0xFF800000> : vector<1xf32>
    %reduce_max3A_89 = vector.multi_reduction <maximumf>, %reduce_max3A_87, %reduce_max3A_88 [1, 2] : vector<1x128x128xf32> to vector<1xf32>
    %reduce_max3A_90 = vector.shape_cast %reduce_max3A_89 : vector<1xf32> to vector<1x1x1xf32>
    %reduce_max3A_91 = vector.extract %reduce_max3A_90[0, 0, 0] : f32 from vector<1x1x1xf32>
    %swap3A_92 = arith.constant 1 : index
    %swap3A_93 = arith.constant 0 : index
    %swap3A_94 = memref.load %arg3[%swap3A_92, %swap3A_93] : memref<3x1024xf32, #tpu.memory_space<smem>>
    memref.store %reduce_max3A_91, %arg3[%swap3A_92, %swap3A_93] : memref<3x1024xf32, #tpu.memory_space<smem>>
    %get3A_95 = arith.constant 1 : index
    %get3A_96 = arith.constant 2 : index
    %get3A_97 = arith.constant 0 : index
    %get3A_98 = arith.constant 0 : index
    %get3A_99 = vector.load %arg0[%get3A_95, %get3A_96, %get3A_97, %get3A_98] : memref<4x3x128x128xf32, #tpu.memory_space<vmem>>, vector<1x1x128x128xf32>
    %get3A_100 = vector.shape_cast %get3A_99 : vector<1x1x128x128xf32> to vector<128x128xf32>
    %jit3A_101 = arith.constant 0xFF800000 : f32
    %broadcast_in_dim3A_102 = vector.broadcast %jit3A_101 : f32 to vector<128x128xf32>
    %select_n3A_103 = arith.select %eq3A_5, %get3A_100, %broadcast_in_dim3A_102 : vector<128x128xi1>, vector<128x128xf32>
    %reduce_max3A_104 = vector.shape_cast %select_n3A_103 : vector<128x128xf32> to vector<1x128x128xf32>
    %reduce_max3A_105 = arith.constant dense<0xFF800000> : vector<1xf32>
    %reduce_max3A_106 = vector.multi_reduction <maximumf>, %reduce_max3A_104, %reduce_max3A_105 [1, 2] : vector<1x128x128xf32> to vector<1xf32>
    %reduce_max3A_107 = vector.shape_cast %reduce_max3A_106 : vector<1xf32> to vector<1x1x1xf32>
    %reduce_max3A_108 = vector.extract %reduce_max3A_107[0, 0, 0] : f32 from vector<1x1x1xf32>
    %swap3A_109 = arith.constant 2 : index
    %swap3A_110 = arith.constant 0 : index
    %swap3A_111 = memref.load %arg3[%swap3A_109, %swap3A_110] : memref<3x1024xf32, #tpu.memory_space<smem>>
    memref.store %reduce_max3A_108, %arg3[%swap3A_109, %swap3A_110] : memref<3x1024xf32, #tpu.memory_space<smem>>
    %broadcast_in_dim3A_112 = arith.constant 1.000000e+10 : f32
    %broadcast_in_dim3A_113 = vector.broadcast %broadcast_in_dim3A_112 : f32 to vector<128x128xf32>
    %swap3A_114 = arith.constant 0 : index
    %swap3A_115 = arith.constant 0 : index
    %swap3A_116 = vector.load %arg8[%swap3A_114, %swap3A_115] : memref<128x128xf32, #tpu.memory_space<vmem>>, vector<128x128xf32>
    tpu.vector_store %arg8[%swap3A_114, %swap3A_115], %broadcast_in_dim3A_113 {strides = array<i32>} : memref<128x128xf32, #tpu.memory_space<vmem>>, vector<128x128xf32>,
    %get3A_117 = arith.constant 2 : index
    %get3A_118 = arith.constant 0 : index
    %get3A_119 = arith.constant 0 : index
    %get3A_120 = arith.constant 0 : index
    %get3A_121 = vector.load %arg0[%get3A_117, %get3A_118, %get3A_119, %get3A_120] : memref<4x3x128x128xf32, #tpu.memory_space<vmem>>, vector<1x1x128x128xf32>
    %get3A_122 = vector.shape_cast %get3A_121 : vector<1x1x128x128xf32> to vector<128x128xf32>
    %jit3A_123 = arith.constant 0xFF800000 : f32
    %broadcast_in_dim3A_124 = vector.broadcast %jit3A_123 : f32 to vector<128x128xf32>
    %select_n3A_125 = arith.select %eq3A_5, %get3A_122, %broadcast_in_dim3A_124 : vector<128x128xi1>, vector<128x128xf32>
    %reduce_max3A_126 = vector.shape_cast %select_n3A_125 : vector<128x128xf32> to vector<1x128x128xf32>
    %reduce_max3A_127 = arith.constant dense<0xFF800000> : vector<1xf32>
    %reduce_max3A_128 = vector.multi_reduction <maximumf>, %reduce_max3A_126, %reduce_max3A_127 [1, 2] : vector<1x128x128xf32> to vector<1xf32>
    %reduce_max3A_129 = vector.shape_cast %reduce_max3A_128 : vector<1xf32> to vector<1x1x1xf32>
    %reduce_max3A_130 = vector.extract %reduce_max3A_129[0, 0, 0] : f32 from vector<1x1x1xf32>
    %swap3A_131 = arith.constant 0 : index
    %swap3A_132 = arith.constant 0 : index
    %swap3A_133 = memref.load %arg4[%swap3A_131, %swap3A_132] : memref<3x1024xf32, #tpu.memory_space<smem>>
    memref.store %reduce_max3A_130, %arg4[%swap3A_131, %swap3A_132] : memref<3x1024xf32, #tpu.memory_space<smem>>
    %get3A_134 = arith.constant 2 : index
    %get3A_135 = arith.constant 1 : index
    %get3A_136 = arith.constant 0 : index
    %get3A_137 = arith.constant 0 : index
    %get3A_138 = vector.load %arg0[%get3A_134, %get3A_135, %get3A_136, %get3A_137] : memref<4x3x128x128xf32, #tpu.memory_space<vmem>>, vector<1x1x128x128xf32>
    %get3A_139 = vector.shape_cast %get3A_138 : vector<1x1x128x128xf32> to vector<128x128xf32>
    %jit3A_140 = arith.constant 0xFF800000 : f32
    %broadcast_in_dim3A_141 = vector.broadcast %jit3A_140 : f32 to vector<128x128xf32>
    %select_n3A_142 = arith.select %eq3A_5, %get3A_139, %broadcast_in_dim3A_141 : vector<128x128xi1>, vector<128x128xf32>
    %reduce_max3A_143 = vector.shape_cast %select_n3A_142 : vector<128x128xf32> to vector<1x128x128xf32>
    %reduce_max3A_144 = arith.constant dense<0xFF800000> : vector<1xf32>
    %reduce_max3A_145 = vector.multi_reduction <maximumf>, %reduce_max3A_143, %reduce_max3A_144 [1, 2] : vector<1x128x128xf32> to vector<1xf32>
    %reduce_max3A_146 = vector.shape_cast %reduce_max3A_145 : vector<1xf32> to vector<1x1x1xf32>
    %reduce_max3A_147 = vector.extract %reduce_max3A_146[0, 0, 0] : f32 from vector<1x1x1xf32>
    %swap3A_148 = arith.constant 1 : index
    %swap3A_149 = arith.constant 0 : index
    %swap3A_150 = memref.load %arg4[%swap3A_148, %swap3A_149] : memref<3x1024xf32, #tpu.memory_space<smem>>
    memref.store %reduce_max3A_147, %arg4[%swap3A_148, %swap3A_149] : memref<3x1024xf32, #tpu.memory_space<smem>>
    %get3A_151 = arith.constant 2 : index
    %get3A_152 = arith.constant 2 : index
    %get3A_153 = arith.constant 0 : index
    %get3A_154 = arith.constant 0 : index
    %get3A_155 = vector.load %arg0[%get3A_151, %get3A_152, %get3A_153, %get3A_154] : memref<4x3x128x128xf32, #tpu.memory_space<vmem>>, vector<1x1x128x128xf32>
    %get3A_156 = vector.shape_cast %get3A_155 : vector<1x1x128x128xf32> to vector<128x128xf32>
    %jit3A_157 = arith.constant 0xFF800000 : f32
    %broadcast_in_dim3A_158 = vector.broadcast %jit3A_157 : f32 to vector<128x128xf32>
    %select_n3A_159 = arith.select %eq3A_5, %get3A_156, %broadcast_in_dim3A_158 : vector<128x128xi1>, vector<128x128xf32>
    %reduce_max3A_160 = vector.shape_cast %select_n3A_159 : vector<128x128xf32> to vector<1x128x128xf32>
    %reduce_max3A_161 = arith.constant dense<0xFF800000> : vector<1xf32>
    %reduce_max3A_162 = vector.multi_reduction <maximumf>, %reduce_max3A_160, %reduce_max3A_161 [1, 2] : vector<1x128x128xf32> to vector<1xf32>
    %reduce_max3A_163 = vector.shape_cast %reduce_max3A_162 : vector<1xf32> to vector<1x1x1xf32>
    %reduce_max3A_164 = vector.extract %reduce_max3A_163[0, 0, 0] : f32 from vector<1x1x1xf32>
    %swap3A_165 = arith.constant 2 : index
    %swap3A_166 = arith.constant 0 : index
    %swap3A_167 = memref.load %arg4[%swap3A_165, %swap3A_166] : memref<3x1024xf32, #tpu.memory_space<smem>>
    memref.store %reduce_max3A_164, %arg4[%swap3A_165, %swap3A_166] : memref<3x1024xf32, #tpu.memory_space<smem>>
    %broadcast_in_dim3A_168 = arith.constant 1.000000e+10 : f32
    %broadcast_in_dim3A_169 = vector.broadcast %broadcast_in_dim3A_168 : f32 to vector<128x128xf32>
    %swap3A_170 = arith.constant 0 : index
    %swap3A_171 = arith.constant 0 : index
    %swap3A_172 = vector.load %arg9[%swap3A_170, %swap3A_171] : memref<128x128xf32, #tpu.memory_space<vmem>>, vector<128x128xf32>
    tpu.vector_store %arg9[%swap3A_170, %swap3A_171], %broadcast_in_dim3A_169 {strides = array<i32>} : memref<128x128xf32, #tpu.memory_space<vmem>>, vector<128x128xf32>,
    %get3A_173 = arith.constant 3 : index
    %get3A_174 = arith.constant 0 : index
    %get3A_175 = arith.constant 0 : index
    %get3A_176 = arith.constant 0 : index
    %get3A_177 = vector.load %arg0[%get3A_173, %get3A_174, %get3A_175, %get3A_176] : memref<4x3x128x128xf32, #tpu.memory_space<vmem>>, vector<1x1x128x128xf32>
    %get3A_178 = vector.shape_cast %get3A_177 : vector<1x1x128x128xf32> to vector<128x128xf32>
    %jit3A_179 = arith.constant 0xFF800000 : f32
    %broadcast_in_dim3A_180 = vector.broadcast %jit3A_179 : f32 to vector<128x128xf32>
    %select_n3A_181 = arith.select %eq3A_5, %get3A_178, %broadcast_in_dim3A_180 : vector<128x128xi1>, vector<128x128xf32>
    %reduce_max3A_182 = vector.shape_cast %select_n3A_181 : vector<128x128xf32> to vector<1x128x128xf32>
    %reduce_max3A_183 = arith.constant dense<0xFF800000> : vector<1xf32>
    %reduce_max3A_184 = vector.multi_reduction <maximumf>, %reduce_max3A_182, %reduce_max3A_183 [1, 2] : vector<1x128x128xf32> to vector<1xf32>
    %reduce_max3A_185 = vector.shape_cast %reduce_max3A_184 : vector<1xf32> to vector<1x1x1xf32>
    %reduce_max3A_186 = vector.extract %reduce_max3A_185[0, 0, 0] : f32 from vector<1x1x1xf32>
    %swap3A_187 = arith.constant 0 : index
    %swap3A_188 = arith.constant 0 : index
    %swap3A_189 = memref.load %arg5[%swap3A_187, %swap3A_188] : memref<3x1024xf32, #tpu.memory_space<smem>>
    memref.store %reduce_max3A_186, %arg5[%swap3A_187, %swap3A_188] : memref<3x1024xf32, #tpu.memory_space<smem>>
    %get3A_190 = arith.constant 3 : index
    %get3A_191 = arith.constant 1 : index
    %get3A_192 = arith.constant 0 : index
    %get3A_193 = arith.constant 0 : index
    %get3A_194 = vector.load %arg0[%get3A_190, %get3A_191, %get3A_192, %get3A_193] : memref<4x3x128x128xf32, #tpu.memory_space<vmem>>, vector<1x1x128x128xf32>
    %get3A_195 = vector.shape_cast %get3A_194 : vector<1x1x128x128xf32> to vector<128x128xf32>
    %jit3A_196 = arith.constant 0xFF800000 : f32
    %broadcast_in_dim3A_197 = vector.broadcast %jit3A_196 : f32 to vector<128x128xf32>
    %select_n3A_198 = arith.select %eq3A_5, %get3A_195, %broadcast_in_dim3A_197 : vector<128x128xi1>, vector<128x128xf32>
    %reduce_max3A_199 = vector.shape_cast %select_n3A_198 : vector<128x128xf32> to vector<1x128x128xf32>
    %reduce_max3A_200 = arith.constant dense<0xFF800000> : vector<1xf32>
    %reduce_max3A_201 = vector.multi_reduction <maximumf>, %reduce_max3A_199, %reduce_max3A_200 [1, 2] : vector<1x128x128xf32> to vector<1xf32>
    %reduce_max3A_202 = vector.shape_cast %reduce_max3A_201 : vector<1xf32> to vector<1x1x1xf32>
    %reduce_max3A_203 = vector.extract %reduce_max3A_202[0, 0, 0] : f32 from vector<1x1x1xf32>
    %swap3A_204 = arith.constant 1 : index
    %swap3A_205 = arith.constant 0 : index
    %swap3A_206 = memref.load %arg5[%swap3A_204, %swap3A_205] : memref<3x1024xf32, #tpu.memory_space<smem>>
    memref.store %reduce_max3A_203, %arg5[%swap3A_204, %swap3A_205] : memref<3x1024xf32, #tpu.memory_space<smem>>
    %get3A_207 = arith.constant 3 : index
    %get3A_208 = arith.constant 2 : index
    %get3A_209 = arith.constant 0 : index
    %get3A_210 = arith.constant 0 : index
    %get3A_211 = vector.load %arg0[%get3A_207, %get3A_208, %get3A_209, %get3A_210] : memref<4x3x128x128xf32, #tpu.memory_space<vmem>>, vector<1x1x128x128xf32>
    %get3A_212 = vector.shape_cast %get3A_211 : vector<1x1x128x128xf32> to vector<128x128xf32>
    %jit3A_213 = arith.constant 0xFF800000 : f32
    %broadcast_in_dim3A_214 = vector.broadcast %jit3A_213 : f32 to vector<128x128xf32>
    %select_n3A_215 = arith.select %eq3A_5, %get3A_212, %broadcast_in_dim3A_214 : vector<128x128xi1>, vector<128x128xf32>
    %reduce_max3A_216 = vector.shape_cast %select_n3A_215 : vector<128x128xf32> to vector<1x128x128xf32>
    %reduce_max3A_217 = arith.constant dense<0xFF800000> : vector<1xf32>
    %reduce_max3A_218 = vector.multi_reduction <maximumf>, %reduce_max3A_216, %reduce_max3A_217 [1, 2] : vector<1x128x128xf32> to vector<1xf32>
    %reduce_max3A_219 = vector.shape_cast %reduce_max3A_218 : vector<1xf32> to vector<1x1x1xf32>
    %reduce_max3A_220 = vector.extract %reduce_max3A_219[0, 0, 0] : f32 from vector<1x1x1xf32>
    %swap3A_221 = arith.constant 2 : index
    %swap3A_222 = arith.constant 0 : index
    %swap3A_223 = memref.load %arg5[%swap3A_221, %swap3A_222] : memref<3x1024xf32, #tpu.memory_space<smem>>
    memref.store %reduce_max3A_220, %arg5[%swap3A_221, %swap3A_222] : memref<3x1024xf32, #tpu.memory_space<smem>>
    %scan3A = arith.constant 0 : i32
    %scan3A_224 = arith.constant 511 : i32
    %scan3A_225 = arith.addi %scan3A, %scan3A_224 : i32
    %scan3A_226 = arith.constant 1 : i32
    %scan3A_227:12 = scf.for %scan3A_687 = %scan3A to %scan3A_225 step %scan3A_226 iter_args(%scan3A_688 = %reduce_max3A_18, %scan3A_689 = %reduce_max3A_35, %scan3A_690 = %reduce_max3A_52, %scan3A_691 = %reduce_max3A_74, %scan3A_692 = %reduce_max3A_91, %scan3A_693 = %reduce_max3A_108, %scan3A_694 = %reduce_max3A_130, %scan3A_695 = %reduce_max3A_147, %scan3A_696 = %reduce_max3A_164, %scan3A_697 = %reduce_max3A_186, %scan3A_698 = %reduce_max3A_203, %scan3A_699 = %reduce_max3A_220) -> (f32, f32, f32, f32, f32, f32, f32, f32, f32, f32, f32, f32)  : i32 {
      %mul3A_700 = arith.constant 2 : i32
      %mul3A_701 = arith.muli %mul3A_700, %scan3A_687 : i32
      %add3A_702 = arith.constant 1 : i32
      %add3A_703 = arith.addi %mul3A_701, %add3A_702 : i32
      %get3A_704 = arith.constant 0 : index
      %get3A_705 = arith.constant 0 : index
      %get3A_706 = arith.constant 0 : index
      %get3A_707 = arith.constant 0 : index
      %get3A_708 = vector.load %arg0[%get3A_704, %get3A_705, %get3A_706, %get3A_707] : memref<4x3x128x128xf32, #tpu.memory_space<vmem>>, vector<1x1x128x128xf32>
      %get3A_709 = vector.shape_cast %get3A_708 : vector<1x1x128x128xf32> to vector<128x128xf32>
      %get3A_710 = arith.constant 0 : index
      %get3A_711 = arith.constant 1 : index
      %get3A_712 = arith.constant 0 : index
      %get3A_713 = arith.constant 0 : index
      %get3A_714 = vector.load %arg0[%get3A_710, %get3A_711, %get3A_712, %get3A_713] : memref<4x3x128x128xf32, #tpu.memory_space<vmem>>, vector<1x1x128x128xf32>
      %get3A_715 = vector.shape_cast %get3A_714 : vector<1x1x128x128xf32> to vector<128x128xf32>
      %get3A_716 = arith.constant 0 : index
      %get3A_717 = arith.constant 2 : index
      %get3A_718 = arith.constant 0 : index
      %get3A_719 = arith.constant 0 : index
      %get3A_720 = vector.load %arg0[%get3A_716, %get3A_717, %get3A_718, %get3A_719] : memref<4x3x128x128xf32, #tpu.memory_space<vmem>>, vector<1x1x128x128xf32>
      %get3A_721 = vector.shape_cast %get3A_720 : vector<1x1x128x128xf32> to vector<128x128xf32>
      %sub3A_722 = vector.broadcast %scan3A_688 : f32 to vector<128x128xf32>
      %sub3A_723 = arith.subf %get3A_709, %sub3A_722 : vector<128x128xf32>
      %sub3A_724 = vector.broadcast %scan3A_689 : f32 to vector<128x128xf32>
      %sub3A_725 = arith.subf %get3A_715, %sub3A_724 : vector<128x128xf32>
      %sub3A_726 = vector.broadcast %scan3A_690 : f32 to vector<128x128xf32>
      %sub3A_727 = arith.subf %get3A_721, %sub3A_726 : vector<128x128xf32>
      %mul3A_728 = arith.mulf %sub3A_723, %sub3A_723 : vector<128x128xf32>
      %mul3A_729 = arith.mulf %sub3A_725, %sub3A_725 : vector<128x128xf32>
      %add3A_730 = arith.addf %mul3A_728, %mul3A_729 : vector<128x128xf32>
      %mul3A_731 = arith.mulf %sub3A_727, %sub3A_727 : vector<128x128xf32>
      %add3A_732 = arith.addf %add3A_730, %mul3A_731 : vector<128x128xf32>
      %get3A_733 = arith.constant 0 : index
      %get3A_734 = arith.constant 0 : index
      %get3A_735 = vector.load %arg6[%get3A_733, %get3A_734] : memref<128x128xf32, #tpu.memory_space<vmem>>, vector<128x128xf32>
      %min3A_736 = arith.minimumf %get3A_735, %add3A_732 : vector<128x128xf32>
      %swap3A_737 = arith.constant 0 : index
      %swap3A_738 = arith.constant 0 : index
      %swap3A_739 = vector.load %arg6[%swap3A_737, %swap3A_738] : memref<128x128xf32, #tpu.memory_space<vmem>>, vector<128x128xf32>
      tpu.vector_store %arg6[%swap3A_737, %swap3A_738], %min3A_736 {strides = array<i32>} : memref<128x128xf32, #tpu.memory_space<vmem>>, vector<128x128xf32>,
      %reduce_max3A_740 = vector.shape_cast %min3A_736 : vector<128x128xf32> to vector<1x128x128xf32>
      %reduce_max3A_741 = arith.constant dense<0xFF800000> : vector<1xf32>
      %reduce_max3A_742 = vector.multi_reduction <maximumf>, %reduce_max3A_740, %reduce_max3A_741 [1, 2] : vector<1x128x128xf32> to vector<1xf32>
      %reduce_max3A_743 = vector.shape_cast %reduce_max3A_742 : vector<1xf32> to vector<1x1x1xf32>
      %reduce_max3A_744 = vector.extract %reduce_max3A_743[0, 0, 0] : f32 from vector<1x1x1xf32>
      %eq3A_745 = vector.broadcast %reduce_max3A_744 : f32 to vector<128x128xf32>
      %eq3A_746 = arith.cmpf oeq, %min3A_736, %eq3A_745 : vector<128x128xf32>
      %jit3A_747 = arith.constant 16384 : i32
      %broadcast_in_dim3A_748 = vector.broadcast %jit3A_747 : i32 to vector<128x128xi32>
      %select_n3A_749 = arith.select %eq3A_746, %add3A, %broadcast_in_dim3A_748 : vector<128x128xi1>, vector<128x128xi32>
      %reduce_min3A_750 = vector.shape_cast %select_n3A_749 : vector<128x128xi32> to vector<1x128x128xi32>
      %reduce_min3A_751 = arith.constant dense<2147483647> : vector<1xi32>
      %reduce_min3A_752 = vector.multi_reduction <minsi>, %reduce_min3A_750, %reduce_min3A_751 [1, 2] : vector<1x128x128xi32> to vector<1xi32>
      %reduce_min3A_753 = vector.shape_cast %reduce_min3A_752 : vector<1xi32> to vector<1x1x1xi32>
      %reduce_min3A_754 = vector.extract %reduce_min3A_753[0, 0, 0] : i32 from vector<1x1x1xi32>
      %jit3A_755 = arith.constant 128 : i32
      %div3A_756 = arith.divsi %reduce_min3A_754, %jit3A_755 : i32
      %sign3A_757 = arith.constant 0 : i32
      %sign3A_758 = arith.cmpi sgt, %reduce_min3A_754, %sign3A_757 : i32
      %sign3A_759 = arith.extui %sign3A_758 : i1 to i32
      %sign3A_760 = arith.constant 0 : i32
      %sign3A_761 = arith.cmpi slt, %reduce_min3A_754, %sign3A_760 : i32
      %sign3A_762 = arith.extui %sign3A_761 : i1 to i32
      %sign3A_763 = arith.subi %sign3A_759, %sign3A_762 : i32
      %sign3A_764 = arith.constant 0 : i32
      %sign3A_765 = arith.cmpi sgt, %jit3A_755, %sign3A_764 : i32
      %sign3A_766 = arith.extui %sign3A_765 : i1 to i32
      %sign3A_767 = arith.constant 0 : i32
      %sign3A_768 = arith.cmpi slt, %jit3A_755, %sign3A_767 : i32
      %sign3A_769 = arith.extui %sign3A_768 : i1 to i32
      %sign3A_770 = arith.subi %sign3A_766, %sign3A_769 : i32
      %ne3A_771 = arith.cmpi ne, %sign3A_763, %sign3A_770 : i32
      %rem3A_772 = arith.remsi %reduce_min3A_754, %jit3A_755 : i32
      %ne3A_773 = arith.constant 0 : i32
      %ne3A_774 = arith.cmpi ne, %rem3A_772, %ne3A_773 : i32
      %and3A_775 = arith.andi %ne3A_771, %ne3A_774 : i1
      %sub3A_776 = arith.constant 1 : i32
      %sub3A_777 = arith.subi %div3A_756, %sub3A_776 : i32
      %select_n3A_778 = arith.select %and3A_775, %sub3A_777, %div3A_756 : i32
      %mul3A_779 = arith.constant 128 : i32
      %mul3A_780 = arith.muli %select_n3A_778, %mul3A_779 : i32
      %sub3A_781 = arith.subi %reduce_min3A_754, %mul3A_780 : i32
      %get3A_782 = arith.constant 0 : index
      %get3A_783 = arith.index_cast %select_n3A_778 : i32 to index
      %get3A_784 = arith.constant 0 : index
      %get3A_785 = arith.constant 0 : index
      %get3A_786 = vector.load %arg1[%get3A_782, %get3A_783, %get3A_784, %get3A_785] : memref<4x128x8x128xf32, #tpu.memory_space<vmem>>, vector<1x1x8x128xf32>
      %get3A_787 = vector.shape_cast %get3A_786 : vector<1x1x8x128xf32> to vector<1x8x128xf32>
      %squeeze3A_788 = vector.shape_cast %get3A_787 : vector<1x8x128xf32> to vector<8x128xf32>
      %eq3A_789 = vector.broadcast %sub3A_781 : i32 to vector<8x128xi32>
      %eq3A_790 = arith.cmpi eq, %iota3A_3, %eq3A_789 : vector<8x128xi32>
      %jit3A_791 = arith.constant 0xFF800000 : f32
      %broadcast_in_dim3A_792 = vector.broadcast %jit3A_791 : f32 to vector<8x128xf32>
      %select_n3A_793 = arith.select %eq3A_790, %squeeze3A_788, %broadcast_in_dim3A_792 : vector<8x128xi1>, vector<8x128xf32>
      %slice3A_794 = vector.extract_strided_slice %select_n3A_793 {offsets = [0, 0], sizes = [1, 128], strides = [1, 1]} : vector<8x128xf32> to vector<1x128xf32>
      %reduce_max3A_795 = vector.shape_cast %slice3A_794 : vector<1x128xf32> to vector<1x1x128xf32>
      %reduce_max3A_796 = arith.constant dense<0xFF800000> : vector<1xf32>
      %reduce_max3A_797 = vector.multi_reduction <maximumf>, %reduce_max3A_795, %reduce_max3A_796 [1, 2] : vector<1x1x128xf32> to vector<1xf32>
      %reduce_max3A_798 = vector.shape_cast %reduce_max3A_797 : vector<1xf32> to vector<1x1x1xf32>
      %reduce_max3A_799 = vector.extract %reduce_max3A_798[0, 0, 0] : f32 from vector<1x1x1xf32>
      %slice3A_800 = vector.extract_strided_slice %select_n3A_793 {offsets = [1, 0], sizes = [1, 128], strides = [1, 1]} : vector<8x128xf32> to vector<1x128xf32>
      %reduce_max3A_801 = vector.shape_cast %slice3A_800 : vector<1x128xf32> to vector<1x1x128xf32>
      %reduce_max3A_802 = arith.constant dense<0xFF800000> : vector<1xf32>
      %reduce_max3A_803 = vector.multi_reduction <maximumf>, %reduce_max3A_801, %reduce_max3A_802 [1, 2] : vector<1x1x128xf32> to vector<1xf32>
      %reduce_max3A_804 = vector.shape_cast %reduce_max3A_803 : vector<1xf32> to vector<1x1x1xf32>
      %reduce_max3A_805 = vector.extract %reduce_max3A_804[0, 0, 0] : f32 from vector<1x1x1xf32>
      %slice3A_806 = vector.extract_strided_slice %select_n3A_793 {offsets = [2, 0], sizes = [1, 128], strides = [1, 1]} : vector<8x128xf32> to vector<1x128xf32>
      %reduce_max3A_807 = vector.shape_cast %slice3A_806 : vector<1x128xf32> to vector<1x1x128xf32>
      %reduce_max3A_808 = arith.constant dense<0xFF800000> : vector<1xf32>
      %reduce_max3A_809 = vector.multi_reduction <maximumf>, %reduce_max3A_807, %reduce_max3A_808 [1, 2] : vector<1x1x128xf32> to vector<1xf32>
      %reduce_max3A_810 = vector.shape_cast %reduce_max3A_809 : vector<1xf32> to vector<1x1x1xf32>
      %reduce_max3A_811 = vector.extract %reduce_max3A_810[0, 0, 0] : f32 from vector<1x1x1xf32>
      %swap3A_812 = arith.constant 0 : index
      %swap3A_813 = arith.index_cast %add3A_703 : i32 to index
      %swap3A_814 = memref.load %arg2[%swap3A_812, %swap3A_813] : memref<3x1024xf32, #tpu.memory_space<smem>>
      memref.store %reduce_max3A_799, %arg2[%swap3A_812, %swap3A_813] : memref<3x1024xf32, #tpu.memory_space<smem>>
      %swap3A_815 = arith.constant 1 : index
      %swap3A_816 = arith.index_cast %add3A_703 : i32 to index
      %swap3A_817 = memref.load %arg2[%swap3A_815, %swap3A_816] : memref<3x1024xf32, #tpu.memory_space<smem>>
      memref.store %reduce_max3A_805, %arg2[%swap3A_815, %swap3A_816] : memref<3x1024xf32, #tpu.memory_space<smem>>
      %swap3A_818 = arith.constant 2 : index
      %swap3A_819 = arith.index_cast %add3A_703 : i32 to index
      %swap3A_820 = memref.load %arg2[%swap3A_818, %swap3A_819] : memref<3x1024xf32, #tpu.memory_space<smem>>
      memref.store %reduce_max3A_811, %arg2[%swap3A_818, %swap3A_819] : memref<3x1024xf32, #tpu.memory_space<smem>>
      %get3A_821 = arith.constant 1 : index
      %get3A_822 = arith.constant 0 : index
      %get3A_823 = arith.constant 0 : index
      %get3A_824 = arith.constant 0 : index
      %get3A_825 = vector.load %arg0[%get3A_821, %get3A_822, %get3A_823, %get3A_824] : memref<4x3x128x128xf32, #tpu.memory_space<vmem>>, vector<1x1x128x128xf32>
      %get3A_826 = vector.shape_cast %get3A_825 : vector<1x1x128x128xf32> to vector<128x128xf32>
      %get3A_827 = arith.constant 1 : index
      %get3A_828 = arith.constant 1 : index
      %get3A_829 = arith.constant 0 : index
      %get3A_830 = arith.constant 0 : index
      %get3A_831 = vector.load %arg0[%get3A_827, %get3A_828, %get3A_829, %get3A_830] : memref<4x3x128x128xf32, #tpu.memory_space<vmem>>, vector<1x1x128x128xf32>
      %get3A_832 = vector.shape_cast %get3A_831 : vector<1x1x128x128xf32> to vector<128x128xf32>
      %get3A_833 = arith.constant 1 : index
      %get3A_834 = arith.constant 2 : index
      %get3A_835 = arith.constant 0 : index
      %get3A_836 = arith.constant 0 : index
      %get3A_837 = vector.load %arg0[%get3A_833, %get3A_834, %get3A_835, %get3A_836] : memref<4x3x128x128xf32, #tpu.memory_space<vmem>>, vector<1x1x128x128xf32>
      %get3A_838 = vector.shape_cast %get3A_837 : vector<1x1x128x128xf32> to vector<128x128xf32>
      %sub3A_839 = vector.broadcast %scan3A_691 : f32 to vector<128x128xf32>
      %sub3A_840 = arith.subf %get3A_826, %sub3A_839 : vector<128x128xf32>
      %sub3A_841 = vector.broadcast %scan3A_692 : f32 to vector<128x128xf32>
      %sub3A_842 = arith.subf %get3A_832, %sub3A_841 : vector<128x128xf32>
      %sub3A_843 = vector.broadcast %scan3A_693 : f32 to vector<128x128xf32>
      %sub3A_844 = arith.subf %get3A_838, %sub3A_843 : vector<128x128xf32>
      %mul3A_845 = arith.mulf %sub3A_840, %sub3A_840 : vector<128x128xf32>
      %mul3A_846 = arith.mulf %sub3A_842, %sub3A_842 : vector<128x128xf32>
      %add3A_847 = arith.addf %mul3A_845, %mul3A_846 : vector<128x128xf32>
      %mul3A_848 = arith.mulf %sub3A_844, %sub3A_844 : vector<128x128xf32>
      %add3A_849 = arith.addf %add3A_847, %mul3A_848 : vector<128x128xf32>
      %get3A_850 = arith.constant 0 : index
      %get3A_851 = arith.constant 0 : index
      %get3A_852 = vector.load %arg7[%get3A_850, %get3A_851] : memref<128x128xf32, #tpu.memory_space<vmem>>, vector<128x128xf32>
      %min3A_853 = arith.minimumf %get3A_852, %add3A_849 : vector<128x128xf32>
      %swap3A_854 = arith.constant 0 : index
      %swap3A_855 = arith.constant 0 : index
      %swap3A_856 = vector.load %arg7[%swap3A_854, %swap3A_855] : memref<128x128xf32, #tpu.memory_space<vmem>>, vector<128x128xf32>
      tpu.vector_store %arg7[%swap3A_854, %swap3A_855], %min3A_853 {strides = array<i32>} : memref<128x128xf32, #tpu.memory_space<vmem>>, vector<128x128xf32>,
      %reduce_max3A_857 = vector.shape_cast %min3A_853 : vector<128x128xf32> to vector<1x128x128xf32>
      %reduce_max3A_858 = arith.constant dense<0xFF800000> : vector<1xf32>
      %reduce_max3A_859 = vector.multi_reduction <maximumf>, %reduce_max3A_857, %reduce_max3A_858 [1, 2] : vector<1x128x128xf32> to vector<1xf32>
      %reduce_max3A_860 = vector.shape_cast %reduce_max3A_859 : vector<1xf32> to vector<1x1x1xf32>
      %reduce_max3A_861 = vector.extract %reduce_max3A_860[0, 0, 0] : f32 from vector<1x1x1xf32>
      %eq3A_862 = vector.broadcast %reduce_max3A_861 : f32 to vector<128x128xf32>
      %eq3A_863 = arith.cmpf oeq, %min3A_853, %eq3A_862 : vector<128x128xf32>
      %jit3A_864 = arith.constant 16384 : i32
      %broadcast_in_dim3A_865 = vector.broadcast %jit3A_864 : i32 to vector<128x128xi32>
      %select_n3A_866 = arith.select %eq3A_863, %add3A, %broadcast_in_dim3A_865 : vector<128x128xi1>, vector<128x128xi32>
      %reduce_min3A_867 = vector.shape_cast %select_n3A_866 : vector<128x128xi32> to vector<1x128x128xi32>
      %reduce_min3A_868 = arith.constant dense<2147483647> : vector<1xi32>
      %reduce_min3A_869 = vector.multi_reduction <minsi>, %reduce_min3A_867, %reduce_min3A_868 [1, 2] : vector<1x128x128xi32> to vector<1xi32>
      %reduce_min3A_870 = vector.shape_cast %reduce_min3A_869 : vector<1xi32> to vector<1x1x1xi32>
      %reduce_min3A_871 = vector.extract %reduce_min3A_870[0, 0, 0] : i32 from vector<1x1x1xi32>
      %jit3A_872 = arith.constant 128 : i32
      %div3A_873 = arith.divsi %reduce_min3A_871, %jit3A_872 : i32
      %sign3A_874 = arith.constant 0 : i32
      %sign3A_875 = arith.cmpi sgt, %reduce_min3A_871, %sign3A_874 : i32
      %sign3A_876 = arith.extui %sign3A_875 : i1 to i32
      %sign3A_877 = arith.constant 0 : i32
      %sign3A_878 = arith.cmpi slt, %reduce_min3A_871, %sign3A_877 : i32
      %sign3A_879 = arith.extui %sign3A_878 : i1 to i32
      %sign3A_880 = arith.subi %sign3A_876, %sign3A_879 : i32
      %sign3A_881 = arith.constant 0 : i32
      %sign3A_882 = arith.cmpi sgt, %jit3A_872, %sign3A_881 : i32
      %sign3A_883 = arith.extui %sign3A_882 : i1 to i32
      %sign3A_884 = arith.constant 0 : i32
      %sign3A_885 = arith.cmpi slt, %jit3A_872, %sign3A_884 : i32
      %sign3A_886 = arith.extui %sign3A_885 : i1 to i32
      %sign3A_887 = arith.subi %sign3A_883, %sign3A_886 : i32
      %ne3A_888 = arith.cmpi ne, %sign3A_880, %sign3A_887 : i32
      %rem3A_889 = arith.remsi %reduce_min3A_871, %jit3A_872 : i32
      %ne3A_890 = arith.constant 0 : i32
      %ne3A_891 = arith.cmpi ne, %rem3A_889, %ne3A_890 : i32
      %and3A_892 = arith.andi %ne3A_888, %ne3A_891 : i1
      %sub3A_893 = arith.constant 1 : i32
      %sub3A_894 = arith.subi %div3A_873, %sub3A_893 : i32
      %select_n3A_895 = arith.select %and3A_892, %sub3A_894, %div3A_873 : i32
      %mul3A_896 = arith.constant 128 : i32
      %mul3A_897 = arith.muli %select_n3A_895, %mul3A_896 : i32
      %sub3A_898 = arith.subi %reduce_min3A_871, %mul3A_897 : i32
      %get3A_899 = arith.constant 1 : index
      %get3A_900 = arith.index_cast %select_n3A_895 : i32 to index
      %get3A_901 = arith.constant 0 : index
      %get3A_902 = arith.constant 0 : index
      %get3A_903 = vector.load %arg1[%get3A_899, %get3A_900, %get3A_901, %get3A_902] : memref<4x128x8x128xf32, #tpu.memory_space<vmem>>, vector<1x1x8x128xf32>
      %get3A_904 = vector.shape_cast %get3A_903 : vector<1x1x8x128xf32> to vector<1x8x128xf32>
      %squeeze3A_905 = vector.shape_cast %get3A_904 : vector<1x8x128xf32> to vector<8x128xf32>
      %eq3A_906 = vector.broadcast %sub3A_898 : i32 to vector<8x128xi32>
      %eq3A_907 = arith.cmpi eq, %iota3A_3, %eq3A_906 : vector<8x128xi32>
      %jit3A_908 = arith.constant 0xFF800000 : f32
      %broadcast_in_dim3A_909 = vector.broadcast %jit3A_908 : f32 to vector<8x128xf32>
      %select_n3A_910 = arith.select %eq3A_907, %squeeze3A_905, %broadcast_in_dim3A_909 : vector<8x128xi1>, vector<8x128xf32>
      %slice3A_911 = vector.extract_strided_slice %select_n3A_910 {offsets = [0, 0], sizes = [1, 128], strides = [1, 1]} : vector<8x128xf32> to vector<1x128xf32>
      %reduce_max3A_912 = vector.shape_cast %slice3A_911 : vector<1x128xf32> to vector<1x1x128xf32>
      %reduce_max3A_913 = arith.constant dense<0xFF800000> : vector<1xf32>
      %reduce_max3A_914 = vector.multi_reduction <maximumf>, %reduce_max3A_912, %reduce_max3A_913 [1, 2] : vector<1x1x128xf32> to vector<1xf32>
      %reduce_max3A_915 = vector.shape_cast %reduce_max3A_914 : vector<1xf32> to vector<1x1x1xf32>
      %reduce_max3A_916 = vector.extract %reduce_max3A_915[0, 0, 0] : f32 from vector<1x1x1xf32>
      %slice3A_917 = vector.extract_strided_slice %select_n3A_910 {offsets = [1, 0], sizes = [1, 128], strides = [1, 1]} : vector<8x128xf32> to vector<1x128xf32>
      %reduce_max3A_918 = vector.shape_cast %slice3A_917 : vector<1x128xf32> to vector<1x1x128xf32>
      %reduce_max3A_919 = arith.constant dense<0xFF800000> : vector<1xf32>
      %reduce_max3A_920 = vector.multi_reduction <maximumf>, %reduce_max3A_918, %reduce_max3A_919 [1, 2] : vector<1x1x128xf32> to vector<1xf32>
      %reduce_max3A_921 = vector.shape_cast %reduce_max3A_920 : vector<1xf32> to vector<1x1x1xf32>
      %reduce_max3A_922 = vector.extract %reduce_max3A_921[0, 0, 0] : f32 from vector<1x1x1xf32>
      %slice3A_923 = vector.extract_strided_slice %select_n3A_910 {offsets = [2, 0], sizes = [1, 128], strides = [1, 1]} : vector<8x128xf32> to vector<1x128xf32>
      %reduce_max3A_924 = vector.shape_cast %slice3A_923 : vector<1x128xf32> to vector<1x1x128xf32>
      %reduce_max3A_925 = arith.constant dense<0xFF800000> : vector<1xf32>
      %reduce_max3A_926 = vector.multi_reduction <maximumf>, %reduce_max3A_924, %reduce_max3A_925 [1, 2] : vector<1x1x128xf32> to vector<1xf32>
      %reduce_max3A_927 = vector.shape_cast %reduce_max3A_926 : vector<1xf32> to vector<1x1x1xf32>
      %reduce_max3A_928 = vector.extract %reduce_max3A_927[0, 0, 0] : f32 from vector<1x1x1xf32>
      %swap3A_929 = arith.constant 0 : index
      %swap3A_930 = arith.index_cast %add3A_703 : i32 to index
      %swap3A_931 = memref.load %arg3[%swap3A_929, %swap3A_930] : memref<3x1024xf32, #tpu.memory_space<smem>>
      memref.store %reduce_max3A_916, %arg3[%swap3A_929, %swap3A_930] : memref<3x1024xf32, #tpu.memory_space<smem>>
      %swap3A_932 = arith.constant 1 : index
      %swap3A_933 = arith.index_cast %add3A_703 : i32 to index
      %swap3A_934 = memref.load %arg3[%swap3A_932, %swap3A_933] : memref<3x1024xf32, #tpu.memory_space<smem>>
      memref.store %reduce_max3A_922, %arg3[%swap3A_932, %swap3A_933] : memref<3x1024xf32, #tpu.memory_space<smem>>
      %swap3A_935 = arith.constant 2 : index
      %swap3A_936 = arith.index_cast %add3A_703 : i32 to index
      %swap3A_937 = memref.load %arg3[%swap3A_935, %swap3A_936] : memref<3x1024xf32, #tpu.memory_space<smem>>
      memref.store %reduce_max3A_928, %arg3[%swap3A_935, %swap3A_936] : memref<3x1024xf32, #tpu.memory_space<smem>>
      %get3A_938 = arith.constant 2 : index
      %get3A_939 = arith.constant 0 : index
      %get3A_940 = arith.constant 0 : index
      %get3A_941 = arith.constant 0 : index
      %get3A_942 = vector.load %arg0[%get3A_938, %get3A_939, %get3A_940, %get3A_941] : memref<4x3x128x128xf32, #tpu.memory_space<vmem>>, vector<1x1x128x128xf32>
      %get3A_943 = vector.shape_cast %get3A_942 : vector<1x1x128x128xf32> to vector<128x128xf32>
      %get3A_944 = arith.constant 2 : index
      %get3A_945 = arith.constant 1 : index
      %get3A_946 = arith.constant 0 : index
      %get3A_947 = arith.constant 0 : index
      %get3A_948 = vector.load %arg0[%get3A_944, %get3A_945, %get3A_946, %get3A_947] : memref<4x3x128x128xf32, #tpu.memory_space<vmem>>, vector<1x1x128x128xf32>
      %get3A_949 = vector.shape_cast %get3A_948 : vector<1x1x128x128xf32> to vector<128x128xf32>
      %get3A_950 = arith.constant 2 : index
      %get3A_951 = arith.constant 2 : index
      %get3A_952 = arith.constant 0 : index
      %get3A_953 = arith.constant 0 : index
      %get3A_954 = vector.load %arg0[%get3A_950, %get3A_951, %get3A_952, %get3A_953] : memref<4x3x128x128xf32, #tpu.memory_space<vmem>>, vector<1x1x128x128xf32>
      %get3A_955 = vector.shape_cast %get3A_954 : vector<1x1x128x128xf32> to vector<128x128xf32>
      %sub3A_956 = vector.broadcast %scan3A_694 : f32 to vector<128x128xf32>
      %sub3A_957 = arith.subf %get3A_943, %sub3A_956 : vector<128x128xf32>
      %sub3A_958 = vector.broadcast %scan3A_695 : f32 to vector<128x128xf32>
      %sub3A_959 = arith.subf %get3A_949, %sub3A_958 : vector<128x128xf32>
      %sub3A_960 = vector.broadcast %scan3A_696 : f32 to vector<128x128xf32>
      %sub3A_961 = arith.subf %get3A_955, %sub3A_960 : vector<128x128xf32>
      %mul3A_962 = arith.mulf %sub3A_957, %sub3A_957 : vector<128x128xf32>
      %mul3A_963 = arith.mulf %sub3A_959, %sub3A_959 : vector<128x128xf32>
      %add3A_964 = arith.addf %mul3A_962, %mul3A_963 : vector<128x128xf32>
      %mul3A_965 = arith.mulf %sub3A_961, %sub3A_961 : vector<128x128xf32>
      %add3A_966 = arith.addf %add3A_964, %mul3A_965 : vector<128x128xf32>
      %get3A_967 = arith.constant 0 : index
      %get3A_968 = arith.constant 0 : index
      %get3A_969 = vector.load %arg8[%get3A_967, %get3A_968] : memref<128x128xf32, #tpu.memory_space<vmem>>, vector<128x128xf32>
      %min3A_970 = arith.minimumf %get3A_969, %add3A_966 : vector<128x128xf32>
      %swap3A_971 = arith.constant 0 : index
      %swap3A_972 = arith.constant 0 : index
      %swap3A_973 = vector.load %arg8[%swap3A_971, %swap3A_972] : memref<128x128xf32, #tpu.memory_space<vmem>>, vector<128x128xf32>
      tpu.vector_store %arg8[%swap3A_971, %swap3A_972], %min3A_970 {strides = array<i32>} : memref<128x128xf32, #tpu.memory_space<vmem>>, vector<128x128xf32>,
      %reduce_max3A_974 = vector.shape_cast %min3A_970 : vector<128x128xf32> to vector<1x128x128xf32>
      %reduce_max3A_975 = arith.constant dense<0xFF800000> : vector<1xf32>
      %reduce_max3A_976 = vector.multi_reduction <maximumf>, %reduce_max3A_974, %reduce_max3A_975 [1, 2] : vector<1x128x128xf32> to vector<1xf32>
      %reduce_max3A_977 = vector.shape_cast %reduce_max3A_976 : vector<1xf32> to vector<1x1x1xf32>
      %reduce_max3A_978 = vector.extract %reduce_max3A_977[0, 0, 0] : f32 from vector<1x1x1xf32>
      %eq3A_979 = vector.broadcast %reduce_max3A_978 : f32 to vector<128x128xf32>
      %eq3A_980 = arith.cmpf oeq, %min3A_970, %eq3A_979 : vector<128x128xf32>
      %jit3A_981 = arith.constant 16384 : i32
      %broadcast_in_dim3A_982 = vector.broadcast %jit3A_981 : i32 to vector<128x128xi32>
      %select_n3A_983 = arith.select %eq3A_980, %add3A, %broadcast_in_dim3A_982 : vector<128x128xi1>, vector<128x128xi32>
      %reduce_min3A_984 = vector.shape_cast %select_n3A_983 : vector<128x128xi32> to vector<1x128x128xi32>
      %reduce_min3A_985 = arith.constant dense<2147483647> : vector<1xi32>
      %reduce_min3A_986 = vector.multi_reduction <minsi>, %reduce_min3A_984, %reduce_min3A_985 [1, 2] : vector<1x128x128xi32> to vector<1xi32>
      %reduce_min3A_987 = vector.shape_cast %reduce_min3A_986 : vector<1xi32> to vector<1x1x1xi32>
      %reduce_min3A_988 = vector.extract %reduce_min3A_987[0, 0, 0] : i32 from vector<1x1x1xi32>
      %jit3A_989 = arith.constant 128 : i32
      %div3A_990 = arith.divsi %reduce_min3A_988, %jit3A_989 : i32
      %sign3A_991 = arith.constant 0 : i32
      %sign3A_992 = arith.cmpi sgt, %reduce_min3A_988, %sign3A_991 : i32
      %sign3A_993 = arith.extui %sign3A_992 : i1 to i32
      %sign3A_994 = arith.constant 0 : i32
      %sign3A_995 = arith.cmpi slt, %reduce_min3A_988, %sign3A_994 : i32
      %sign3A_996 = arith.extui %sign3A_995 : i1 to i32
      %sign3A_997 = arith.subi %sign3A_993, %sign3A_996 : i32
      %sign3A_998 = arith.constant 0 : i32
      %sign3A_999 = arith.cmpi sgt, %jit3A_989, %sign3A_998 : i32
      %sign3A_1000 = arith.extui %sign3A_999 : i1 to i32
      %sign3A_1001 = arith.constant 0 : i32
      %sign3A_1002 = arith.cmpi slt, %jit3A_989, %sign3A_1001 : i32
      %sign3A_1003 = arith.extui %sign3A_1002 : i1 to i32
      %sign3A_1004 = arith.subi %sign3A_1000, %sign3A_1003 : i32
      %ne3A_1005 = arith.cmpi ne, %sign3A_997, %sign3A_1004 : i32
      %rem3A_1006 = arith.remsi %reduce_min3A_988, %jit3A_989 : i32
      %ne3A_1007 = arith.constant 0 : i32
      %ne3A_1008 = arith.cmpi ne, %rem3A_1006, %ne3A_1007 : i32
      %and3A_1009 = arith.andi %ne3A_1005, %ne3A_1008 : i1
      %sub3A_1010 = arith.constant 1 : i32
      %sub3A_1011 = arith.subi %div3A_990, %sub3A_1010 : i32
      %select_n3A_1012 = arith.select %and3A_1009, %sub3A_1011, %div3A_990 : i32
      %mul3A_1013 = arith.constant 128 : i32
      %mul3A_1014 = arith.muli %select_n3A_1012, %mul3A_1013 : i32
      %sub3A_1015 = arith.subi %reduce_min3A_988, %mul3A_1014 : i32
      %get3A_1016 = arith.constant 2 : index
      %get3A_1017 = arith.index_cast %select_n3A_1012 : i32 to index
      %get3A_1018 = arith.constant 0 : index
      %get3A_1019 = arith.constant 0 : index
      %get3A_1020 = vector.load %arg1[%get3A_1016, %get3A_1017, %get3A_1018, %get3A_1019] : memref<4x128x8x128xf32, #tpu.memory_space<vmem>>, vector<1x1x8x128xf32>
      %get3A_1021 = vector.shape_cast %get3A_1020 : vector<1x1x8x128xf32> to vector<1x8x128xf32>
      %squeeze3A_1022 = vector.shape_cast %get3A_1021 : vector<1x8x128xf32> to vector<8x128xf32>
      %eq3A_1023 = vector.broadcast %sub3A_1015 : i32 to vector<8x128xi32>
      %eq3A_1024 = arith.cmpi eq, %iota3A_3, %eq3A_1023 : vector<8x128xi32>
      %jit3A_1025 = arith.constant 0xFF800000 : f32
      %broadcast_in_dim3A_1026 = vector.broadcast %jit3A_1025 : f32 to vector<8x128xf32>
      %select_n3A_1027 = arith.select %eq3A_1024, %squeeze3A_1022, %broadcast_in_dim3A_1026 : vector<8x128xi1>, vector<8x128xf32>
      %slice3A_1028 = vector.extract_strided_slice %select_n3A_1027 {offsets = [0, 0], sizes = [1, 128], strides = [1, 1]} : vector<8x128xf32> to vector<1x128xf32>
      %reduce_max3A_1029 = vector.shape_cast %slice3A_1028 : vector<1x128xf32> to vector<1x1x128xf32>
      %reduce_max3A_1030 = arith.constant dense<0xFF800000> : vector<1xf32>
      %reduce_max3A_1031 = vector.multi_reduction <maximumf>, %reduce_max3A_1029, %reduce_max3A_1030 [1, 2] : vector<1x1x128xf32> to vector<1xf32>
      %reduce_max3A_1032 = vector.shape_cast %reduce_max3A_1031 : vector<1xf32> to vector<1x1x1xf32>
      %reduce_max3A_1033 = vector.extract %reduce_max3A_1032[0, 0, 0] : f32 from vector<1x1x1xf32>
      %slice3A_1034 = vector.extract_strided_slice %select_n3A_1027 {offsets = [1, 0], sizes = [1, 128], strides = [1, 1]} : vector<8x128xf32> to vector<1x128xf32>
      %reduce_max3A_1035 = vector.shape_cast %slice3A_1034 : vector<1x128xf32> to vector<1x1x128xf32>
      %reduce_max3A_1036 = arith.constant dense<0xFF800000> : vector<1xf32>
      %reduce_max3A_1037 = vector.multi_reduction <maximumf>, %reduce_max3A_1035, %reduce_max3A_1036 [1, 2] : vector<1x1x128xf32> to vector<1xf32>
      %reduce_max3A_1038 = vector.shape_cast %reduce_max3A_1037 : vector<1xf32> to vector<1x1x1xf32>
      %reduce_max3A_1039 = vector.extract %reduce_max3A_1038[0, 0, 0] : f32 from vector<1x1x1xf32>
      %slice3A_1040 = vector.extract_strided_slice %select_n3A_1027 {offsets = [2, 0], sizes = [1, 128], strides = [1, 1]} : vector<8x128xf32> to vector<1x128xf32>
      %reduce_max3A_1041 = vector.shape_cast %slice3A_1040 : vector<1x128xf32> to vector<1x1x128xf32>
      %reduce_max3A_1042 = arith.constant dense<0xFF800000> : vector<1xf32>
      %reduce_max3A_1043 = vector.multi_reduction <maximumf>, %reduce_max3A_1041, %reduce_max3A_1042 [1, 2] : vector<1x1x128xf32> to vector<1xf32>
      %reduce_max3A_1044 = vector.shape_cast %reduce_max3A_1043 : vector<1xf32> to vector<1x1x1xf32>
      %reduce_max3A_1045 = vector.extract %reduce_max3A_1044[0, 0, 0] : f32 from vector<1x1x1xf32>
      %swap3A_1046 = arith.constant 0 : index
      %swap3A_1047 = arith.index_cast %add3A_703 : i32 to index
      %swap3A_1048 = memref.load %arg4[%swap3A_1046, %swap3A_1047] : memref<3x1024xf32, #tpu.memory_space<smem>>
      memref.store %reduce_max3A_1033, %arg4[%swap3A_1046, %swap3A_1047] : memref<3x1024xf32, #tpu.memory_space<smem>>
      %swap3A_1049 = arith.constant 1 : index
      %swap3A_1050 = arith.index_cast %add3A_703 : i32 to index
      %swap3A_1051 = memref.load %arg4[%swap3A_1049, %swap3A_1050] : memref<3x1024xf32, #tpu.memory_space<smem>>
      memref.store %reduce_max3A_1039, %arg4[%swap3A_1049, %swap3A_1050] : memref<3x1024xf32, #tpu.memory_space<smem>>
      %swap3A_1052 = arith.constant 2 : index
      %swap3A_1053 = arith.index_cast %add3A_703 : i32 to index
      %swap3A_1054 = memref.load %arg4[%swap3A_1052, %swap3A_1053] : memref<3x1024xf32, #tpu.memory_space<smem>>
      memref.store %reduce_max3A_1045, %arg4[%swap3A_1052, %swap3A_1053] : memref<3x1024xf32, #tpu.memory_space<smem>>
      %get3A_1055 = arith.constant 3 : index
      %get3A_1056 = arith.constant 0 : index
      %get3A_1057 = arith.constant 0 : index
      %get3A_1058 = arith.constant 0 : index
      %get3A_1059 = vector.load %arg0[%get3A_1055, %get3A_1056, %get3A_1057, %get3A_1058] : memref<4x3x128x128xf32, #tpu.memory_space<vmem>>, vector<1x1x128x128xf32>
      %get3A_1060 = vector.shape_cast %get3A_1059 : vector<1x1x128x128xf32> to vector<128x128xf32>
      %get3A_1061 = arith.constant 3 : index
      %get3A_1062 = arith.constant 1 : index
      %get3A_1063 = arith.constant 0 : index
      %get3A_1064 = arith.constant 0 : index
      %get3A_1065 = vector.load %arg0[%get3A_1061, %get3A_1062, %get3A_1063, %get3A_1064] : memref<4x3x128x128xf32, #tpu.memory_space<vmem>>, vector<1x1x128x128xf32>
      %get3A_1066 = vector.shape_cast %get3A_1065 : vector<1x1x128x128xf32> to vector<128x128xf32>
      %get3A_1067 = arith.constant 3 : index
      %get3A_1068 = arith.constant 2 : index
      %get3A_1069 = arith.constant 0 : index
      %get3A_1070 = arith.constant 0 : index
      %get3A_1071 = vector.load %arg0[%get3A_1067, %get3A_1068, %get3A_1069, %get3A_1070] : memref<4x3x128x128xf32, #tpu.memory_space<vmem>>, vector<1x1x128x128xf32>
      %get3A_1072 = vector.shape_cast %get3A_1071 : vector<1x1x128x128xf32> to vector<128x128xf32>
      %sub3A_1073 = vector.broadcast %scan3A_697 : f32 to vector<128x128xf32>
      %sub3A_1074 = arith.subf %get3A_1060, %sub3A_1073 : vector<128x128xf32>
      %sub3A_1075 = vector.broadcast %scan3A_698 : f32 to vector<128x128xf32>
      %sub3A_1076 = arith.subf %get3A_1066, %sub3A_1075 : vector<128x128xf32>
      %sub3A_1077 = vector.broadcast %scan3A_699 : f32 to vector<128x128xf32>
      %sub3A_1078 = arith.subf %get3A_1072, %sub3A_1077 : vector<128x128xf32>
      %mul3A_1079 = arith.mulf %sub3A_1074, %sub3A_1074 : vector<128x128xf32>
      %mul3A_1080 = arith.mulf %sub3A_1076, %sub3A_1076 : vector<128x128xf32>
      %add3A_1081 = arith.addf %mul3A_1079, %mul3A_1080 : vector<128x128xf32>
      %mul3A_1082 = arith.mulf %sub3A_1078, %sub3A_1078 : vector<128x128xf32>
      %add3A_1083 = arith.addf %add3A_1081, %mul3A_1082 : vector<128x128xf32>
      %get3A_1084 = arith.constant 0 : index
      %get3A_1085 = arith.constant 0 : index
      %get3A_1086 = vector.load %arg9[%get3A_1084, %get3A_1085] : memref<128x128xf32, #tpu.memory_space<vmem>>, vector<128x128xf32>
      %min3A_1087 = arith.minimumf %get3A_1086, %add3A_1083 : vector<128x128xf32>
      %swap3A_1088 = arith.constant 0 : index
      %swap3A_1089 = arith.constant 0 : index
      %swap3A_1090 = vector.load %arg9[%swap3A_1088, %swap3A_1089] : memref<128x128xf32, #tpu.memory_space<vmem>>, vector<128x128xf32>
      tpu.vector_store %arg9[%swap3A_1088, %swap3A_1089], %min3A_1087 {strides = array<i32>} : memref<128x128xf32, #tpu.memory_space<vmem>>, vector<128x128xf32>,
      %reduce_max3A_1091 = vector.shape_cast %min3A_1087 : vector<128x128xf32> to vector<1x128x128xf32>
      %reduce_max3A_1092 = arith.constant dense<0xFF800000> : vector<1xf32>
      %reduce_max3A_1093 = vector.multi_reduction <maximumf>, %reduce_max3A_1091, %reduce_max3A_1092 [1, 2] : vector<1x128x128xf32> to vector<1xf32>
      %reduce_max3A_1094 = vector.shape_cast %reduce_max3A_1093 : vector<1xf32> to vector<1x1x1xf32>
      %reduce_max3A_1095 = vector.extract %reduce_max3A_1094[0, 0, 0] : f32 from vector<1x1x1xf32>
      %eq3A_1096 = vector.broadcast %reduce_max3A_1095 : f32 to vector<128x128xf32>
      %eq3A_1097 = arith.cmpf oeq, %min3A_1087, %eq3A_1096 : vector<128x128xf32>
      %jit3A_1098 = arith.constant 16384 : i32
      %broadcast_in_dim3A_1099 = vector.broadcast %jit3A_1098 : i32 to vector<128x128xi32>
      %select_n3A_1100 = arith.select %eq3A_1097, %add3A, %broadcast_in_dim3A_1099 : vector<128x128xi1>, vector<128x128xi32>
      %reduce_min3A_1101 = vector.shape_cast %select_n3A_1100 : vector<128x128xi32> to vector<1x128x128xi32>
      %reduce_min3A_1102 = arith.constant dense<2147483647> : vector<1xi32>
      %reduce_min3A_1103 = vector.multi_reduction <minsi>, %reduce_min3A_1101, %reduce_min3A_1102 [1, 2] : vector<1x128x128xi32> to vector<1xi32>
      %reduce_min3A_1104 = vector.shape_cast %reduce_min3A_1103 : vector<1xi32> to vector<1x1x1xi32>
      %reduce_min3A_1105 = vector.extract %reduce_min3A_1104[0, 0, 0] : i32 from vector<1x1x1xi32>
      %jit3A_1106 = arith.constant 128 : i32
      %div3A_1107 = arith.divsi %reduce_min3A_1105, %jit3A_1106 : i32
      %sign3A_1108 = arith.constant 0 : i32
      %sign3A_1109 = arith.cmpi sgt, %reduce_min3A_1105, %sign3A_1108 : i32
      %sign3A_1110 = arith.extui %sign3A_1109 : i1 to i32
      %sign3A_1111 = arith.constant 0 : i32
      %sign3A_1112 = arith.cmpi slt, %reduce_min3A_1105, %sign3A_1111 : i32
      %sign3A_1113 = arith.extui %sign3A_1112 : i1 to i32
      %sign3A_1114 = arith.subi %sign3A_1110, %sign3A_1113 : i32
      %sign3A_1115 = arith.constant 0 : i32
      %sign3A_1116 = arith.cmpi sgt, %jit3A_1106, %sign3A_1115 : i32
      %sign3A_1117 = arith.extui %sign3A_1116 : i1 to i32
      %sign3A_1118 = arith.constant 0 : i32
      %sign3A_1119 = arith.cmpi slt, %jit3A_1106, %sign3A_1118 : i32
      %sign3A_1120 = arith.extui %sign3A_1119 : i1 to i32
      %sign3A_1121 = arith.subi %sign3A_1117, %sign3A_1120 : i32
      %ne3A_1122 = arith.cmpi ne, %sign3A_1114, %sign3A_1121 : i32
      %rem3A_1123 = arith.remsi %reduce_min3A_1105, %jit3A_1106 : i32
      %ne3A_1124 = arith.constant 0 : i32
      %ne3A_1125 = arith.cmpi ne, %rem3A_1123, %ne3A_1124 : i32
      %and3A_1126 = arith.andi %ne3A_1122, %ne3A_1125 : i1
      %sub3A_1127 = arith.constant 1 : i32
      %sub3A_1128 = arith.subi %div3A_1107, %sub3A_1127 : i32
      %select_n3A_1129 = arith.select %and3A_1126, %sub3A_1128, %div3A_1107 : i32
      %mul3A_1130 = arith.constant 128 : i32
      %mul3A_1131 = arith.muli %select_n3A_1129, %mul3A_1130 : i32
      %sub3A_1132 = arith.subi %reduce_min3A_1105, %mul3A_1131 : i32
      %get3A_1133 = arith.constant 3 : index
      %get3A_1134 = arith.index_cast %select_n3A_1129 : i32 to index
      %get3A_1135 = arith.constant 0 : index
      %get3A_1136 = arith.constant 0 : index
      %get3A_1137 = vector.load %arg1[%get3A_1133, %get3A_1134, %get3A_1135, %get3A_1136] : memref<4x128x8x128xf32, #tpu.memory_space<vmem>>, vector<1x1x8x128xf32>
      %get3A_1138 = vector.shape_cast %get3A_1137 : vector<1x1x8x128xf32> to vector<1x8x128xf32>
      %squeeze3A_1139 = vector.shape_cast %get3A_1138 : vector<1x8x128xf32> to vector<8x128xf32>
      %eq3A_1140 = vector.broadcast %sub3A_1132 : i32 to vector<8x128xi32>
      %eq3A_1141 = arith.cmpi eq, %iota3A_3, %eq3A_1140 : vector<8x128xi32>
      %jit3A_1142 = arith.constant 0xFF800000 : f32
      %broadcast_in_dim3A_1143 = vector.broadcast %jit3A_1142 : f32 to vector<8x128xf32>
      %select_n3A_1144 = arith.select %eq3A_1141, %squeeze3A_1139, %broadcast_in_dim3A_1143 : vector<8x128xi1>, vector<8x128xf32>
      %slice3A_1145 = vector.extract_strided_slice %select_n3A_1144 {offsets = [0, 0], sizes = [1, 128], strides = [1, 1]} : vector<8x128xf32> to vector<1x128xf32>
      %reduce_max3A_1146 = vector.shape_cast %slice3A_1145 : vector<1x128xf32> to vector<1x1x128xf32>
      %reduce_max3A_1147 = arith.constant dense<0xFF800000> : vector<1xf32>
      %reduce_max3A_1148 = vector.multi_reduction <maximumf>, %reduce_max3A_1146, %reduce_max3A_1147 [1, 2] : vector<1x1x128xf32> to vector<1xf32>
      %reduce_max3A_1149 = vector.shape_cast %reduce_max3A_1148 : vector<1xf32> to vector<1x1x1xf32>
      %reduce_max3A_1150 = vector.extract %reduce_max3A_1149[0, 0, 0] : f32 from vector<1x1x1xf32>
      %slice3A_1151 = vector.extract_strided_slice %select_n3A_1144 {offsets = [1, 0], sizes = [1, 128], strides = [1, 1]} : vector<8x128xf32> to vector<1x128xf32>
      %reduce_max3A_1152 = vector.shape_cast %slice3A_1151 : vector<1x128xf32> to vector<1x1x128xf32>
      %reduce_max3A_1153 = arith.constant dense<0xFF800000> : vector<1xf32>
      %reduce_max3A_1154 = vector.multi_reduction <maximumf>, %reduce_max3A_1152, %reduce_max3A_1153 [1, 2] : vector<1x1x128xf32> to vector<1xf32>
      %reduce_max3A_1155 = vector.shape_cast %reduce_max3A_1154 : vector<1xf32> to vector<1x1x1xf32>
      %reduce_max3A_1156 = vector.extract %reduce_max3A_1155[0, 0, 0] : f32 from vector<1x1x1xf32>
      %slice3A_1157 = vector.extract_strided_slice %select_n3A_1144 {offsets = [2, 0], sizes = [1, 128], strides = [1, 1]} : vector<8x128xf32> to vector<1x128xf32>
      %reduce_max3A_1158 = vector.shape_cast %slice3A_1157 : vector<1x128xf32> to vector<1x1x128xf32>
      %reduce_max3A_1159 = arith.constant dense<0xFF800000> : vector<1xf32>
      %reduce_max3A_1160 = vector.multi_reduction <maximumf>, %reduce_max3A_1158, %reduce_max3A_1159 [1, 2] : vector<1x1x128xf32> to vector<1xf32>
      %reduce_max3A_1161 = vector.shape_cast %reduce_max3A_1160 : vector<1xf32> to vector<1x1x1xf32>
      %reduce_max3A_1162 = vector.extract %reduce_max3A_1161[0, 0, 0] : f32 from vector<1x1x1xf32>
      %swap3A_1163 = arith.constant 0 : index
      %swap3A_1164 = arith.index_cast %add3A_703 : i32 to index
      %swap3A_1165 = memref.load %arg5[%swap3A_1163, %swap3A_1164] : memref<3x1024xf32, #tpu.memory_space<smem>>
      memref.store %reduce_max3A_1150, %arg5[%swap3A_1163, %swap3A_1164] : memref<3x1024xf32, #tpu.memory_space<smem>>
      %swap3A_1166 = arith.constant 1 : index
      %swap3A_1167 = arith.index_cast %add3A_703 : i32 to index
      %swap3A_1168 = memref.load %arg5[%swap3A_1166, %swap3A_1167] : memref<3x1024xf32, #tpu.memory_space<smem>>
      memref.store %reduce_max3A_1156, %arg5[%swap3A_1166, %swap3A_1167] : memref<3x1024xf32, #tpu.memory_space<smem>>
      %swap3A_1169 = arith.constant 2 : index
      %swap3A_1170 = arith.index_cast %add3A_703 : i32 to index
      %swap3A_1171 = memref.load %arg5[%swap3A_1169, %swap3A_1170] : memref<3x1024xf32, #tpu.memory_space<smem>>
      memref.store %reduce_max3A_1162, %arg5[%swap3A_1169, %swap3A_1170] : memref<3x1024xf32, #tpu.memory_space<smem>>
      %add3A_1172 = arith.constant 1 : i32
      %add3A_1173 = arith.addi %add3A_703, %add3A_1172 : i32
      %get3A_1174 = arith.constant 0 : index
      %get3A_1175 = arith.constant 0 : index
      %get3A_1176 = arith.constant 0 : index
      %get3A_1177 = arith.constant 0 : index
      %get3A_1178 = vector.load %arg0[%get3A_1174, %get3A_1175, %get3A_1176, %get3A_1177] : memref<4x3x128x128xf32, #tpu.memory_space<vmem>>, vector<1x1x128x128xf32>
      %get3A_1179 = vector.shape_cast %get3A_1178 : vector<1x1x128x128xf32> to vector<128x128xf32>
      %get3A_1180 = arith.constant 0 : index
      %get3A_1181 = arith.constant 1 : index
      %get3A_1182 = arith.constant 0 : index
      %get3A_1183 = arith.constant 0 : index
      %get3A_1184 = vector.load %arg0[%get3A_1180, %get3A_1181, %get3A_1182, %get3A_1183] : memref<4x3x128x128xf32, #tpu.memory_space<vmem>>, vector<1x1x128x128xf32>
      %get3A_1185 = vector.shape_cast %get3A_1184 : vector<1x1x128x128xf32> to vector<128x128xf32>
      %get3A_1186 = arith.constant 0 : index
      %get3A_1187 = arith.constant 2 : index
      %get3A_1188 = arith.constant 0 : index
      %get3A_1189 = arith.constant 0 : index
      %get3A_1190 = vector.load %arg0[%get3A_1186, %get3A_1187, %get3A_1188, %get3A_1189] : memref<4x3x128x128xf32, #tpu.memory_space<vmem>>, vector<1x1x128x128xf32>
      %get3A_1191 = vector.shape_cast %get3A_1190 : vector<1x1x128x128xf32> to vector<128x128xf32>
      %sub3A_1192 = vector.broadcast %reduce_max3A_799 : f32 to vector<128x128xf32>
      %sub3A_1193 = arith.subf %get3A_1179, %sub3A_1192 : vector<128x128xf32>
      %sub3A_1194 = vector.broadcast %reduce_max3A_805 : f32 to vector<128x128xf32>
      %sub3A_1195 = arith.subf %get3A_1185, %sub3A_1194 : vector<128x128xf32>
      %sub3A_1196 = vector.broadcast %reduce_max3A_811 : f32 to vector<128x128xf32>
      %sub3A_1197 = arith.subf %get3A_1191, %sub3A_1196 : vector<128x128xf32>
      %mul3A_1198 = arith.mulf %sub3A_1193, %sub3A_1193 : vector<128x128xf32>
      %mul3A_1199 = arith.mulf %sub3A_1195, %sub3A_1195 : vector<128x128xf32>
      %add3A_1200 = arith.addf %mul3A_1198, %mul3A_1199 : vector<128x128xf32>
      %mul3A_1201 = arith.mulf %sub3A_1197, %sub3A_1197 : vector<128x128xf32>
      %add3A_1202 = arith.addf %add3A_1200, %mul3A_1201 : vector<128x128xf32>
      %get3A_1203 = arith.constant 0 : index
      %get3A_1204 = arith.constant 0 : index
      %get3A_1205 = vector.load %arg6[%get3A_1203, %get3A_1204] : memref<128x128xf32, #tpu.memory_space<vmem>>, vector<128x128xf32>
      %min3A_1206 = arith.minimumf %get3A_1205, %add3A_1202 : vector<128x128xf32>
      %swap3A_1207 = arith.constant 0 : index
      %swap3A_1208 = arith.constant 0 : index
      %swap3A_1209 = vector.load %arg6[%swap3A_1207, %swap3A_1208] : memref<128x128xf32, #tpu.memory_space<vmem>>, vector<128x128xf32>
      tpu.vector_store %arg6[%swap3A_1207, %swap3A_1208], %min3A_1206 {strides = array<i32>} : memref<128x128xf32, #tpu.memory_space<vmem>>, vector<128x128xf32>,
      %reduce_max3A_1210 = vector.shape_cast %min3A_1206 : vector<128x128xf32> to vector<1x128x128xf32>
      %reduce_max3A_1211 = arith.constant dense<0xFF800000> : vector<1xf32>
      %reduce_max3A_1212 = vector.multi_reduction <maximumf>, %reduce_max3A_1210, %reduce_max3A_1211 [1, 2] : vector<1x128x128xf32> to vector<1xf32>
      %reduce_max3A_1213 = vector.shape_cast %reduce_max3A_1212 : vector<1xf32> to vector<1x1x1xf32>
      %reduce_max3A_1214 = vector.extract %reduce_max3A_1213[0, 0, 0] : f32 from vector<1x1x1xf32>
      %eq3A_1215 = vector.broadcast %reduce_max3A_1214 : f32 to vector<128x128xf32>
      %eq3A_1216 = arith.cmpf oeq, %min3A_1206, %eq3A_1215 : vector<128x128xf32>
      %jit3A_1217 = arith.constant 16384 : i32
      %broadcast_in_dim3A_1218 = vector.broadcast %jit3A_1217 : i32 to vector<128x128xi32>
      %select_n3A_1219 = arith.select %eq3A_1216, %add3A, %broadcast_in_dim3A_1218 : vector<128x128xi1>, vector<128x128xi32>
      %reduce_min3A_1220 = vector.shape_cast %select_n3A_1219 : vector<128x128xi32> to vector<1x128x128xi32>
      %reduce_min3A_1221 = arith.constant dense<2147483647> : vector<1xi32>
      %reduce_min3A_1222 = vector.multi_reduction <minsi>, %reduce_min3A_1220, %reduce_min3A_1221 [1, 2] : vector<1x128x128xi32> to vector<1xi32>
      %reduce_min3A_1223 = vector.shape_cast %reduce_min3A_1222 : vector<1xi32> to vector<1x1x1xi32>
      %reduce_min3A_1224 = vector.extract %reduce_min3A_1223[0, 0, 0] : i32 from vector<1x1x1xi32>
      %jit3A_1225 = arith.constant 128 : i32
      %div3A_1226 = arith.divsi %reduce_min3A_1224, %jit3A_1225 : i32
      %sign3A_1227 = arith.constant 0 : i32
      %sign3A_1228 = arith.cmpi sgt, %reduce_min3A_1224, %sign3A_1227 : i32
      %sign3A_1229 = arith.extui %sign3A_1228 : i1 to i32
      %sign3A_1230 = arith.constant 0 : i32
      %sign3A_1231 = arith.cmpi slt, %reduce_min3A_1224, %sign3A_1230 : i32
      %sign3A_1232 = arith.extui %sign3A_1231 : i1 to i32
      %sign3A_1233 = arith.subi %sign3A_1229, %sign3A_1232 : i32
      %sign3A_1234 = arith.constant 0 : i32
      %sign3A_1235 = arith.cmpi sgt, %jit3A_1225, %sign3A_1234 : i32
      %sign3A_1236 = arith.extui %sign3A_1235 : i1 to i32
      %sign3A_1237 = arith.constant 0 : i32
      %sign3A_1238 = arith.cmpi slt, %jit3A_1225, %sign3A_1237 : i32
      %sign3A_1239 = arith.extui %sign3A_1238 : i1 to i32
      %sign3A_1240 = arith.subi %sign3A_1236, %sign3A_1239 : i32
      %ne3A_1241 = arith.cmpi ne, %sign3A_1233, %sign3A_1240 : i32
      %rem3A_1242 = arith.remsi %reduce_min3A_1224, %jit3A_1225 : i32
      %ne3A_1243 = arith.constant 0 : i32
      %ne3A_1244 = arith.cmpi ne, %rem3A_1242, %ne3A_1243 : i32
      %and3A_1245 = arith.andi %ne3A_1241, %ne3A_1244 : i1
      %sub3A_1246 = arith.constant 1 : i32
      %sub3A_1247 = arith.subi %div3A_1226, %sub3A_1246 : i32
      %select_n3A_1248 = arith.select %and3A_1245, %sub3A_1247, %div3A_1226 : i32
      %mul3A_1249 = arith.constant 128 : i32
      %mul3A_1250 = arith.muli %select_n3A_1248, %mul3A_1249 : i32
      %sub3A_1251 = arith.subi %reduce_min3A_1224, %mul3A_1250 : i32
      %get3A_1252 = arith.constant 0 : index
      %get3A_1253 = arith.index_cast %select_n3A_1248 : i32 to index
      %get3A_1254 = arith.constant 0 : index
      %get3A_1255 = arith.constant 0 : index
      %get3A_1256 = vector.load %arg1[%get3A_1252, %get3A_1253, %get3A_1254, %get3A_1255] : memref<4x128x8x128xf32, #tpu.memory_space<vmem>>, vector<1x1x8x128xf32>
      %get3A_1257 = vector.shape_cast %get3A_1256 : vector<1x1x8x128xf32> to vector<1x8x128xf32>
      %squeeze3A_1258 = vector.shape_cast %get3A_1257 : vector<1x8x128xf32> to vector<8x128xf32>
      %eq3A_1259 = vector.broadcast %sub3A_1251 : i32 to vector<8x128xi32>
      %eq3A_1260 = arith.cmpi eq, %iota3A_3, %eq3A_1259 : vector<8x128xi32>
      %jit3A_1261 = arith.constant 0xFF800000 : f32
      %broadcast_in_dim3A_1262 = vector.broadcast %jit3A_1261 : f32 to vector<8x128xf32>
      %select_n3A_1263 = arith.select %eq3A_1260, %squeeze3A_1258, %broadcast_in_dim3A_1262 : vector<8x128xi1>, vector<8x128xf32>
      %slice3A_1264 = vector.extract_strided_slice %select_n3A_1263 {offsets = [0, 0], sizes = [1, 128], strides = [1, 1]} : vector<8x128xf32> to vector<1x128xf32>
      %reduce_max3A_1265 = vector.shape_cast %slice3A_1264 : vector<1x128xf32> to vector<1x1x128xf32>
      %reduce_max3A_1266 = arith.constant dense<0xFF800000> : vector<1xf32>
      %reduce_max3A_1267 = vector.multi_reduction <maximumf>, %reduce_max3A_1265, %reduce_max3A_1266 [1, 2] : vector<1x1x128xf32> to vector<1xf32>
      %reduce_max3A_1268 = vector.shape_cast %reduce_max3A_1267 : vector<1xf32> to vector<1x1x1xf32>
      %reduce_max3A_1269 = vector.extract %reduce_max3A_1268[0, 0, 0] : f32 from vector<1x1x1xf32>
      %slice3A_1270 = vector.extract_strided_slice %select_n3A_1263 {offsets = [1, 0], sizes = [1, 128], strides = [1, 1]} : vector<8x128xf32> to vector<1x128xf32>
      %reduce_max3A_1271 = vector.shape_cast %slice3A_1270 : vector<1x128xf32> to vector<1x1x128xf32>
      %reduce_max3A_1272 = arith.constant dense<0xFF800000> : vector<1xf32>
      %reduce_max3A_1273 = vector.multi_reduction <maximumf>, %reduce_max3A_1271, %reduce_max3A_1272 [1, 2] : vector<1x1x128xf32> to vector<1xf32>
      %reduce_max3A_1274 = vector.shape_cast %reduce_max3A_1273 : vector<1xf32> to vector<1x1x1xf32>
      %reduce_max3A_1275 = vector.extract %reduce_max3A_1274[0, 0, 0] : f32 from vector<1x1x1xf32>
      %slice3A_1276 = vector.extract_strided_slice %select_n3A_1263 {offsets = [2, 0], sizes = [1, 128], strides = [1, 1]} : vector<8x128xf32> to vector<1x128xf32>
      %reduce_max3A_1277 = vector.shape_cast %slice3A_1276 : vector<1x128xf32> to vector<1x1x128xf32>
      %reduce_max3A_1278 = arith.constant dense<0xFF800000> : vector<1xf32>
      %reduce_max3A_1279 = vector.multi_reduction <maximumf>, %reduce_max3A_1277, %reduce_max3A_1278 [1, 2] : vector<1x1x128xf32> to vector<1xf32>
      %reduce_max3A_1280 = vector.shape_cast %reduce_max3A_1279 : vector<1xf32> to vector<1x1x1xf32>
      %reduce_max3A_1281 = vector.extract %reduce_max3A_1280[0, 0, 0] : f32 from vector<1x1x1xf32>
      %swap3A_1282 = arith.constant 0 : index
      %swap3A_1283 = arith.index_cast %add3A_1173 : i32 to index
      %swap3A_1284 = memref.load %arg2[%swap3A_1282, %swap3A_1283] : memref<3x1024xf32, #tpu.memory_space<smem>>
      memref.store %reduce_max3A_1269, %arg2[%swap3A_1282, %swap3A_1283] : memref<3x1024xf32, #tpu.memory_space<smem>>
      %swap3A_1285 = arith.constant 1 : index
      %swap3A_1286 = arith.index_cast %add3A_1173 : i32 to index
      %swap3A_1287 = memref.load %arg2[%swap3A_1285, %swap3A_1286] : memref<3x1024xf32, #tpu.memory_space<smem>>
      memref.store %reduce_max3A_1275, %arg2[%swap3A_1285, %swap3A_1286] : memref<3x1024xf32, #tpu.memory_space<smem>>
      %swap3A_1288 = arith.constant 2 : index
      %swap3A_1289 = arith.index_cast %add3A_1173 : i32 to index
      %swap3A_1290 = memref.load %arg2[%swap3A_1288, %swap3A_1289] : memref<3x1024xf32, #tpu.memory_space<smem>>
      memref.store %reduce_max3A_1281, %arg2[%swap3A_1288, %swap3A_1289] : memref<3x1024xf32, #tpu.memory_space<smem>>
      %get3A_1291 = arith.constant 1 : index
      %get3A_1292 = arith.constant 0 : index
      %get3A_1293 = arith.constant 0 : index
      %get3A_1294 = arith.constant 0 : index
      %get3A_1295 = vector.load %arg0[%get3A_1291, %get3A_1292, %get3A_1293, %get3A_1294] : memref<4x3x128x128xf32, #tpu.memory_space<vmem>>, vector<1x1x128x128xf32>
      %get3A_1296 = vector.shape_cast %get3A_1295 : vector<1x1x128x128xf32> to vector<128x128xf32>
      %get3A_1297 = arith.constant 1 : index
      %get3A_1298 = arith.constant 1 : index
      %get3A_1299 = arith.constant 0 : index
      %get3A_1300 = arith.constant 0 : index
      %get3A_1301 = vector.load %arg0[%get3A_1297, %get3A_1298, %get3A_1299, %get3A_1300] : memref<4x3x128x128xf32, #tpu.memory_space<vmem>>, vector<1x1x128x128xf32>
      %get3A_1302 = vector.shape_cast %get3A_1301 : vector<1x1x128x128xf32> to vector<128x128xf32>
      %get3A_1303 = arith.constant 1 : index
      %get3A_1304 = arith.constant 2 : index
      %get3A_1305 = arith.constant 0 : index
      %get3A_1306 = arith.constant 0 : index
      %get3A_1307 = vector.load %arg0[%get3A_1303, %get3A_1304, %get3A_1305, %get3A_1306] : memref<4x3x128x128xf32, #tpu.memory_space<vmem>>, vector<1x1x128x128xf32>
      %get3A_1308 = vector.shape_cast %get3A_1307 : vector<1x1x128x128xf32> to vector<128x128xf32>
      %sub3A_1309 = vector.broadcast %reduce_max3A_916 : f32 to vector<128x128xf32>
      %sub3A_1310 = arith.subf %get3A_1296, %sub3A_1309 : vector<128x128xf32>
      %sub3A_1311 = vector.broadcast %reduce_max3A_922 : f32 to vector<128x128xf32>
      %sub3A_1312 = arith.subf %get3A_1302, %sub3A_1311 : vector<128x128xf32>
      %sub3A_1313 = vector.broadcast %reduce_max3A_928 : f32 to vector<128x128xf32>
      %sub3A_1314 = arith.subf %get3A_1308, %sub3A_1313 : vector<128x128xf32>
      %mul3A_1315 = arith.mulf %sub3A_1310, %sub3A_1310 : vector<128x128xf32>
      %mul3A_1316 = arith.mulf %sub3A_1312, %sub3A_1312 : vector<128x128xf32>
      %add3A_1317 = arith.addf %mul3A_1315, %mul3A_1316 : vector<128x128xf32>
      %mul3A_1318 = arith.mulf %sub3A_1314, %sub3A_1314 : vector<128x128xf32>
      %add3A_1319 = arith.addf %add3A_1317, %mul3A_1318 : vector<128x128xf32>
      %get3A_1320 = arith.constant 0 : index
      %get3A_1321 = arith.constant 0 : index
      %get3A_1322 = vector.load %arg7[%get3A_1320, %get3A_1321] : memref<128x128xf32, #tpu.memory_space<vmem>>, vector<128x128xf32>
      %min3A_1323 = arith.minimumf %get3A_1322, %add3A_1319 : vector<128x128xf32>
      %swap3A_1324 = arith.constant 0 : index
      %swap3A_1325 = arith.constant 0 : index
      %swap3A_1326 = vector.load %arg7[%swap3A_1324, %swap3A_1325] : memref<128x128xf32, #tpu.memory_space<vmem>>, vector<128x128xf32>
      tpu.vector_store %arg7[%swap3A_1324, %swap3A_1325], %min3A_1323 {strides = array<i32>} : memref<128x128xf32, #tpu.memory_space<vmem>>, vector<128x128xf32>,
      %reduce_max3A_1327 = vector.shape_cast %min3A_1323 : vector<128x128xf32> to vector<1x128x128xf32>
      %reduce_max3A_1328 = arith.constant dense<0xFF800000> : vector<1xf32>
      %reduce_max3A_1329 = vector.multi_reduction <maximumf>, %reduce_max3A_1327, %reduce_max3A_1328 [1, 2] : vector<1x128x128xf32> to vector<1xf32>
      %reduce_max3A_1330 = vector.shape_cast %reduce_max3A_1329 : vector<1xf32> to vector<1x1x1xf32>
      %reduce_max3A_1331 = vector.extract %reduce_max3A_1330[0, 0, 0] : f32 from vector<1x1x1xf32>
      %eq3A_1332 = vector.broadcast %reduce_max3A_1331 : f32 to vector<128x128xf32>
      %eq3A_1333 = arith.cmpf oeq, %min3A_1323, %eq3A_1332 : vector<128x128xf32>
      %jit3A_1334 = arith.constant 16384 : i32
      %broadcast_in_dim3A_1335 = vector.broadcast %jit3A_1334 : i32 to vector<128x128xi32>
      %select_n3A_1336 = arith.select %eq3A_1333, %add3A, %broadcast_in_dim3A_1335 : vector<128x128xi1>, vector<128x128xi32>
      %reduce_min3A_1337 = vector.shape_cast %select_n3A_1336 : vector<128x128xi32> to vector<1x128x128xi32>
      %reduce_min3A_1338 = arith.constant dense<2147483647> : vector<1xi32>
      %reduce_min3A_1339 = vector.multi_reduction <minsi>, %reduce_min3A_1337, %reduce_min3A_1338 [1, 2] : vector<1x128x128xi32> to vector<1xi32>
      %reduce_min3A_1340 = vector.shape_cast %reduce_min3A_1339 : vector<1xi32> to vector<1x1x1xi32>
      %reduce_min3A_1341 = vector.extract %reduce_min3A_1340[0, 0, 0] : i32 from vector<1x1x1xi32>
      %jit3A_1342 = arith.constant 128 : i32
      %div3A_1343 = arith.divsi %reduce_min3A_1341, %jit3A_1342 : i32
      %sign3A_1344 = arith.constant 0 : i32
      %sign3A_1345 = arith.cmpi sgt, %reduce_min3A_1341, %sign3A_1344 : i32
      %sign3A_1346 = arith.extui %sign3A_1345 : i1 to i32
      %sign3A_1347 = arith.constant 0 : i32
      %sign3A_1348 = arith.cmpi slt, %reduce_min3A_1341, %sign3A_1347 : i32
      %sign3A_1349 = arith.extui %sign3A_1348 : i1 to i32
      %sign3A_1350 = arith.subi %sign3A_1346, %sign3A_1349 : i32
      %sign3A_1351 = arith.constant 0 : i32
      %sign3A_1352 = arith.cmpi sgt, %jit3A_1342, %sign3A_1351 : i32
      %sign3A_1353 = arith.extui %sign3A_1352 : i1 to i32
      %sign3A_1354 = arith.constant 0 : i32
      %sign3A_1355 = arith.cmpi slt, %jit3A_1342, %sign3A_1354 : i32
      %sign3A_1356 = arith.extui %sign3A_1355 : i1 to i32
      %sign3A_1357 = arith.subi %sign3A_1353, %sign3A_1356 : i32
      %ne3A_1358 = arith.cmpi ne, %sign3A_1350, %sign3A_1357 : i32
      %rem3A_1359 = arith.remsi %reduce_min3A_1341, %jit3A_1342 : i32
      %ne3A_1360 = arith.constant 0 : i32
      %ne3A_1361 = arith.cmpi ne, %rem3A_1359, %ne3A_1360 : i32
      %and3A_1362 = arith.andi %ne3A_1358, %ne3A_1361 : i1
      %sub3A_1363 = arith.constant 1 : i32
      %sub3A_1364 = arith.subi %div3A_1343, %sub3A_1363 : i32
      %select_n3A_1365 = arith.select %and3A_1362, %sub3A_1364, %div3A_1343 : i32
      %mul3A_1366 = arith.constant 128 : i32
      %mul3A_1367 = arith.muli %select_n3A_1365, %mul3A_1366 : i32
      %sub3A_1368 = arith.subi %reduce_min3A_1341, %mul3A_1367 : i32
      %get3A_1369 = arith.constant 1 : index
      %get3A_1370 = arith.index_cast %select_n3A_1365 : i32 to index
      %get3A_1371 = arith.constant 0 : index
      %get3A_1372 = arith.constant 0 : index
      %get3A_1373 = vector.load %arg1[%get3A_1369, %get3A_1370, %get3A_1371, %get3A_1372] : memref<4x128x8x128xf32, #tpu.memory_space<vmem>>, vector<1x1x8x128xf32>
      %get3A_1374 = vector.shape_cast %get3A_1373 : vector<1x1x8x128xf32> to vector<1x8x128xf32>
      %squeeze3A_1375 = vector.shape_cast %get3A_1374 : vector<1x8x128xf32> to vector<8x128xf32>
      %eq3A_1376 = vector.broadcast %sub3A_1368 : i32 to vector<8x128xi32>
      %eq3A_1377 = arith.cmpi eq, %iota3A_3, %eq3A_1376 : vector<8x128xi32>
      %jit3A_1378 = arith.constant 0xFF800000 : f32
      %broadcast_in_dim3A_1379 = vector.broadcast %jit3A_1378 : f32 to vector<8x128xf32>
      %select_n3A_1380 = arith.select %eq3A_1377, %squeeze3A_1375, %broadcast_in_dim3A_1379 : vector<8x128xi1>, vector<8x128xf32>
      %slice3A_1381 = vector.extract_strided_slice %select_n3A_1380 {offsets = [0, 0], sizes = [1, 128], strides = [1, 1]} : vector<8x128xf32> to vector<1x128xf32>
      %reduce_max3A_1382 = vector.shape_cast %slice3A_1381 : vector<1x128xf32> to vector<1x1x128xf32>
      %reduce_max3A_1383 = arith.constant dense<0xFF800000> : vector<1xf32>
      %reduce_max3A_1384 = vector.multi_reduction <maximumf>, %reduce_max3A_1382, %reduce_max3A_1383 [1, 2] : vector<1x1x128xf32> to vector<1xf32>
      %reduce_max3A_1385 = vector.shape_cast %reduce_max3A_1384 : vector<1xf32> to vector<1x1x1xf32>
      %reduce_max3A_1386 = vector.extract %reduce_max3A_1385[0, 0, 0] : f32 from vector<1x1x1xf32>
      %slice3A_1387 = vector.extract_strided_slice %select_n3A_1380 {offsets = [1, 0], sizes = [1, 128], strides = [1, 1]} : vector<8x128xf32> to vector<1x128xf32>
      %reduce_max3A_1388 = vector.shape_cast %slice3A_1387 : vector<1x128xf32> to vector<1x1x128xf32>
      %reduce_max3A_1389 = arith.constant dense<0xFF800000> : vector<1xf32>
      %reduce_max3A_1390 = vector.multi_reduction <maximumf>, %reduce_max3A_1388, %reduce_max3A_1389 [1, 2] : vector<1x1x128xf32> to vector<1xf32>
      %reduce_max3A_1391 = vector.shape_cast %reduce_max3A_1390 : vector<1xf32> to vector<1x1x1xf32>
      %reduce_max3A_1392 = vector.extract %reduce_max3A_1391[0, 0, 0] : f32 from vector<1x1x1xf32>
      %slice3A_1393 = vector.extract_strided_slice %select_n3A_1380 {offsets = [2, 0], sizes = [1, 128], strides = [1, 1]} : vector<8x128xf32> to vector<1x128xf32>
      %reduce_max3A_1394 = vector.shape_cast %slice3A_1393 : vector<1x128xf32> to vector<1x1x128xf32>
      %reduce_max3A_1395 = arith.constant dense<0xFF800000> : vector<1xf32>
      %reduce_max3A_1396 = vector.multi_reduction <maximumf>, %reduce_max3A_1394, %reduce_max3A_1395 [1, 2] : vector<1x1x128xf32> to vector<1xf32>
      %reduce_max3A_1397 = vector.shape_cast %reduce_max3A_1396 : vector<1xf32> to vector<1x1x1xf32>
      %reduce_max3A_1398 = vector.extract %reduce_max3A_1397[0, 0, 0] : f32 from vector<1x1x1xf32>
      %swap3A_1399 = arith.constant 0 : index
      %swap3A_1400 = arith.index_cast %add3A_1173 : i32 to index
      %swap3A_1401 = memref.load %arg3[%swap3A_1399, %swap3A_1400] : memref<3x1024xf32, #tpu.memory_space<smem>>
      memref.store %reduce_max3A_1386, %arg3[%swap3A_1399, %swap3A_1400] : memref<3x1024xf32, #tpu.memory_space<smem>>
      %swap3A_1402 = arith.constant 1 : index
      %swap3A_1403 = arith.index_cast %add3A_1173 : i32 to index
      %swap3A_1404 = memref.load %arg3[%swap3A_1402, %swap3A_1403] : memref<3x1024xf32, #tpu.memory_space<smem>>
      memref.store %reduce_max3A_1392, %arg3[%swap3A_1402, %swap3A_1403] : memref<3x1024xf32, #tpu.memory_space<smem>>
      %swap3A_1405 = arith.constant 2 : index
      %swap3A_1406 = arith.index_cast %add3A_1173 : i32 to index
      %swap3A_1407 = memref.load %arg3[%swap3A_1405, %swap3A_1406] : memref<3x1024xf32, #tpu.memory_space<smem>>
      memref.store %reduce_max3A_1398, %arg3[%swap3A_1405, %swap3A_1406] : memref<3x1024xf32, #tpu.memory_space<smem>>
      %get3A_1408 = arith.constant 2 : index
      %get3A_1409 = arith.constant 0 : index
      %get3A_1410 = arith.constant 0 : index
      %get3A_1411 = arith.constant 0 : index
      %get3A_1412 = vector.load %arg0[%get3A_1408, %get3A_1409, %get3A_1410, %get3A_1411] : memref<4x3x128x128xf32, #tpu.memory_space<vmem>>, vector<1x1x128x128xf32>
      %get3A_1413 = vector.shape_cast %get3A_1412 : vector<1x1x128x128xf32> to vector<128x128xf32>
      %get3A_1414 = arith.constant 2 : index
      %get3A_1415 = arith.constant 1 : index
      %get3A_1416 = arith.constant 0 : index
      %get3A_1417 = arith.constant 0 : index
      %get3A_1418 = vector.load %arg0[%get3A_1414, %get3A_1415, %get3A_1416, %get3A_1417] : memref<4x3x128x128xf32, #tpu.memory_space<vmem>>, vector<1x1x128x128xf32>
      %get3A_1419 = vector.shape_cast %get3A_1418 : vector<1x1x128x128xf32> to vector<128x128xf32>
      %get3A_1420 = arith.constant 2 : index
      %get3A_1421 = arith.constant 2 : index
      %get3A_1422 = arith.constant 0 : index
      %get3A_1423 = arith.constant 0 : index
      %get3A_1424 = vector.load %arg0[%get3A_1420, %get3A_1421, %get3A_1422, %get3A_1423] : memref<4x3x128x128xf32, #tpu.memory_space<vmem>>, vector<1x1x128x128xf32>
      %get3A_1425 = vector.shape_cast %get3A_1424 : vector<1x1x128x128xf32> to vector<128x128xf32>
      %sub3A_1426 = vector.broadcast %reduce_max3A_1033 : f32 to vector<128x128xf32>
      %sub3A_1427 = arith.subf %get3A_1413, %sub3A_1426 : vector<128x128xf32>
      %sub3A_1428 = vector.broadcast %reduce_max3A_1039 : f32 to vector<128x128xf32>
      %sub3A_1429 = arith.subf %get3A_1419, %sub3A_1428 : vector<128x128xf32>
      %sub3A_1430 = vector.broadcast %reduce_max3A_1045 : f32 to vector<128x128xf32>
      %sub3A_1431 = arith.subf %get3A_1425, %sub3A_1430 : vector<128x128xf32>
      %mul3A_1432 = arith.mulf %sub3A_1427, %sub3A_1427 : vector<128x128xf32>
      %mul3A_1433 = arith.mulf %sub3A_1429, %sub3A_1429 : vector<128x128xf32>
      %add3A_1434 = arith.addf %mul3A_1432, %mul3A_1433 : vector<128x128xf32>
      %mul3A_1435 = arith.mulf %sub3A_1431, %sub3A_1431 : vector<128x128xf32>
      %add3A_1436 = arith.addf %add3A_1434, %mul3A_1435 : vector<128x128xf32>
      %get3A_1437 = arith.constant 0 : index
      %get3A_1438 = arith.constant 0 : index
      %get3A_1439 = vector.load %arg8[%get3A_1437, %get3A_1438] : memref<128x128xf32, #tpu.memory_space<vmem>>, vector<128x128xf32>
      %min3A_1440 = arith.minimumf %get3A_1439, %add3A_1436 : vector<128x128xf32>
      %swap3A_1441 = arith.constant 0 : index
      %swap3A_1442 = arith.constant 0 : index
      %swap3A_1443 = vector.load %arg8[%swap3A_1441, %swap3A_1442] : memref<128x128xf32, #tpu.memory_space<vmem>>, vector<128x128xf32>
      tpu.vector_store %arg8[%swap3A_1441, %swap3A_1442], %min3A_1440 {strides = array<i32>} : memref<128x128xf32, #tpu.memory_space<vmem>>, vector<128x128xf32>,
      %reduce_max3A_1444 = vector.shape_cast %min3A_1440 : vector<128x128xf32> to vector<1x128x128xf32>
      %reduce_max3A_1445 = arith.constant dense<0xFF800000> : vector<1xf32>
      %reduce_max3A_1446 = vector.multi_reduction <maximumf>, %reduce_max3A_1444, %reduce_max3A_1445 [1, 2] : vector<1x128x128xf32> to vector<1xf32>
      %reduce_max3A_1447 = vector.shape_cast %reduce_max3A_1446 : vector<1xf32> to vector<1x1x1xf32>
      %reduce_max3A_1448 = vector.extract %reduce_max3A_1447[0, 0, 0] : f32 from vector<1x1x1xf32>
      %eq3A_1449 = vector.broadcast %reduce_max3A_1448 : f32 to vector<128x128xf32>
      %eq3A_1450 = arith.cmpf oeq, %min3A_1440, %eq3A_1449 : vector<128x128xf32>
      %jit3A_1451 = arith.constant 16384 : i32
      %broadcast_in_dim3A_1452 = vector.broadcast %jit3A_1451 : i32 to vector<128x128xi32>
      %select_n3A_1453 = arith.select %eq3A_1450, %add3A, %broadcast_in_dim3A_1452 : vector<128x128xi1>, vector<128x128xi32>
      %reduce_min3A_1454 = vector.shape_cast %select_n3A_1453 : vector<128x128xi32> to vector<1x128x128xi32>
      %reduce_min3A_1455 = arith.constant dense<2147483647> : vector<1xi32>
      %reduce_min3A_1456 = vector.multi_reduction <minsi>, %reduce_min3A_1454, %reduce_min3A_1455 [1, 2] : vector<1x128x128xi32> to vector<1xi32>
      %reduce_min3A_1457 = vector.shape_cast %reduce_min3A_1456 : vector<1xi32> to vector<1x1x1xi32>
      %reduce_min3A_1458 = vector.extract %reduce_min3A_1457[0, 0, 0] : i32 from vector<1x1x1xi32>
      %jit3A_1459 = arith.constant 128 : i32
      %div3A_1460 = arith.divsi %reduce_min3A_1458, %jit3A_1459 : i32
      %sign3A_1461 = arith.constant 0 : i32
      %sign3A_1462 = arith.cmpi sgt, %reduce_min3A_1458, %sign3A_1461 : i32
      %sign3A_1463 = arith.extui %sign3A_1462 : i1 to i32
      %sign3A_1464 = arith.constant 0 : i32
      %sign3A_1465 = arith.cmpi slt, %reduce_min3A_1458, %sign3A_1464 : i32
      %sign3A_1466 = arith.extui %sign3A_1465 : i1 to i32
      %sign3A_1467 = arith.subi %sign3A_1463, %sign3A_1466 : i32
      %sign3A_1468 = arith.constant 0 : i32
      %sign3A_1469 = arith.cmpi sgt, %jit3A_1459, %sign3A_1468 : i32
      %sign3A_1470 = arith.extui %sign3A_1469 : i1 to i32
      %sign3A_1471 = arith.constant 0 : i32
      %sign3A_1472 = arith.cmpi slt, %jit3A_1459, %sign3A_1471 : i32
      %sign3A_1473 = arith.extui %sign3A_1472 : i1 to i32
      %sign3A_1474 = arith.subi %sign3A_1470, %sign3A_1473 : i32
      %ne3A_1475 = arith.cmpi ne, %sign3A_1467, %sign3A_1474 : i32
      %rem3A_1476 = arith.remsi %reduce_min3A_1458, %jit3A_1459 : i32
      %ne3A_1477 = arith.constant 0 : i32
      %ne3A_1478 = arith.cmpi ne, %rem3A_1476, %ne3A_1477 : i32
      %and3A_1479 = arith.andi %ne3A_1475, %ne3A_1478 : i1
      %sub3A_1480 = arith.constant 1 : i32
      %sub3A_1481 = arith.subi %div3A_1460, %sub3A_1480 : i32
      %select_n3A_1482 = arith.select %and3A_1479, %sub3A_1481, %div3A_1460 : i32
      %mul3A_1483 = arith.constant 128 : i32
      %mul3A_1484 = arith.muli %select_n3A_1482, %mul3A_1483 : i32
      %sub3A_1485 = arith.subi %reduce_min3A_1458, %mul3A_1484 : i32
      %get3A_1486 = arith.constant 2 : index
      %get3A_1487 = arith.index_cast %select_n3A_1482 : i32 to index
      %get3A_1488 = arith.constant 0 : index
      %get3A_1489 = arith.constant 0 : index
      %get3A_1490 = vector.load %arg1[%get3A_1486, %get3A_1487, %get3A_1488, %get3A_1489] : memref<4x128x8x128xf32, #tpu.memory_space<vmem>>, vector<1x1x8x128xf32>
      %get3A_1491 = vector.shape_cast %get3A_1490 : vector<1x1x8x128xf32> to vector<1x8x128xf32>
      %squeeze3A_1492 = vector.shape_cast %get3A_1491 : vector<1x8x128xf32> to vector<8x128xf32>
      %eq3A_1493 = vector.broadcast %sub3A_1485 : i32 to vector<8x128xi32>
      %eq3A_1494 = arith.cmpi eq, %iota3A_3, %eq3A_1493 : vector<8x128xi32>
      %jit3A_1495 = arith.constant 0xFF800000 : f32
      %broadcast_in_dim3A_1496 = vector.broadcast %jit3A_1495 : f32 to vector<8x128xf32>
      %select_n3A_1497 = arith.select %eq3A_1494, %squeeze3A_1492, %broadcast_in_dim3A_1496 : vector<8x128xi1>, vector<8x128xf32>
      %slice3A_1498 = vector.extract_strided_slice %select_n3A_1497 {offsets = [0, 0], sizes = [1, 128], strides = [1, 1]} : vector<8x128xf32> to vector<1x128xf32>
      %reduce_max3A_1499 = vector.shape_cast %slice3A_1498 : vector<1x128xf32> to vector<1x1x128xf32>
      %reduce_max3A_1500 = arith.constant dense<0xFF800000> : vector<1xf32>
      %reduce_max3A_1501 = vector.multi_reduction <maximumf>, %reduce_max3A_1499, %reduce_max3A_1500 [1, 2] : vector<1x1x128xf32> to vector<1xf32>
      %reduce_max3A_1502 = vector.shape_cast %reduce_max3A_1501 : vector<1xf32> to vector<1x1x1xf32>
      %reduce_max3A_1503 = vector.extract %reduce_max3A_1502[0, 0, 0] : f32 from vector<1x1x1xf32>
      %slice3A_1504 = vector.extract_strided_slice %select_n3A_1497 {offsets = [1, 0], sizes = [1, 128], strides = [1, 1]} : vector<8x128xf32> to vector<1x128xf32>
      %reduce_max3A_1505 = vector.shape_cast %slice3A_1504 : vector<1x128xf32> to vector<1x1x128xf32>
      %reduce_max3A_1506 = arith.constant dense<0xFF800000> : vector<1xf32>
      %reduce_max3A_1507 = vector.multi_reduction <maximumf>, %reduce_max3A_1505, %reduce_max3A_1506 [1, 2] : vector<1x1x128xf32> to vector<1xf32>
      %reduce_max3A_1508 = vector.shape_cast %reduce_max3A_1507 : vector<1xf32> to vector<1x1x1xf32>
      %reduce_max3A_1509 = vector.extract %reduce_max3A_1508[0, 0, 0] : f32 from vector<1x1x1xf32>
      %slice3A_1510 = vector.extract_strided_slice %select_n3A_1497 {offsets = [2, 0], sizes = [1, 128], strides = [1, 1]} : vector<8x128xf32> to vector<1x128xf32>
      %reduce_max3A_1511 = vector.shape_cast %slice3A_1510 : vector<1x128xf32> to vector<1x1x128xf32>
      %reduce_max3A_1512 = arith.constant dense<0xFF800000> : vector<1xf32>
      %reduce_max3A_1513 = vector.multi_reduction <maximumf>, %reduce_max3A_1511, %reduce_max3A_1512 [1, 2] : vector<1x1x128xf32> to vector<1xf32>
      %reduce_max3A_1514 = vector.shape_cast %reduce_max3A_1513 : vector<1xf32> to vector<1x1x1xf32>
      %reduce_max3A_1515 = vector.extract %reduce_max3A_1514[0, 0, 0] : f32 from vector<1x1x1xf32>
      %swap3A_1516 = arith.constant 0 : index
      %swap3A_1517 = arith.index_cast %add3A_1173 : i32 to index
      %swap3A_1518 = memref.load %arg4[%swap3A_1516, %swap3A_1517] : memref<3x1024xf32, #tpu.memory_space<smem>>
      memref.store %reduce_max3A_1503, %arg4[%swap3A_1516, %swap3A_1517] : memref<3x1024xf32, #tpu.memory_space<smem>>
      %swap3A_1519 = arith.constant 1 : index
      %swap3A_1520 = arith.index_cast %add3A_1173 : i32 to index
      %swap3A_1521 = memref.load %arg4[%swap3A_1519, %swap3A_1520] : memref<3x1024xf32, #tpu.memory_space<smem>>
      memref.store %reduce_max3A_1509, %arg4[%swap3A_1519, %swap3A_1520] : memref<3x1024xf32, #tpu.memory_space<smem>>
      %swap3A_1522 = arith.constant 2 : index
      %swap3A_1523 = arith.index_cast %add3A_1173 : i32 to index
      %swap3A_1524 = memref.load %arg4[%swap3A_1522, %swap3A_1523] : memref<3x1024xf32, #tpu.memory_space<smem>>
      memref.store %reduce_max3A_1515, %arg4[%swap3A_1522, %swap3A_1523] : memref<3x1024xf32, #tpu.memory_space<smem>>
      %get3A_1525 = arith.constant 3 : index
      %get3A_1526 = arith.constant 0 : index
      %get3A_1527 = arith.constant 0 : index
      %get3A_1528 = arith.constant 0 : index
      %get3A_1529 = vector.load %arg0[%get3A_1525, %get3A_1526, %get3A_1527, %get3A_1528] : memref<4x3x128x128xf32, #tpu.memory_space<vmem>>, vector<1x1x128x128xf32>
      %get3A_1530 = vector.shape_cast %get3A_1529 : vector<1x1x128x128xf32> to vector<128x128xf32>
      %get3A_1531 = arith.constant 3 : index
      %get3A_1532 = arith.constant 1 : index
      %get3A_1533 = arith.constant 0 : index
      %get3A_1534 = arith.constant 0 : index
      %get3A_1535 = vector.load %arg0[%get3A_1531, %get3A_1532, %get3A_1533, %get3A_1534] : memref<4x3x128x128xf32, #tpu.memory_space<vmem>>, vector<1x1x128x128xf32>
      %get3A_1536 = vector.shape_cast %get3A_1535 : vector<1x1x128x128xf32> to vector<128x128xf32>
      %get3A_1537 = arith.constant 3 : index
      %get3A_1538 = arith.constant 2 : index
      %get3A_1539 = arith.constant 0 : index
      %get3A_1540 = arith.constant 0 : index
      %get3A_1541 = vector.load %arg0[%get3A_1537, %get3A_1538, %get3A_1539, %get3A_1540] : memref<4x3x128x128xf32, #tpu.memory_space<vmem>>, vector<1x1x128x128xf32>
      %get3A_1542 = vector.shape_cast %get3A_1541 : vector<1x1x128x128xf32> to vector<128x128xf32>
      %sub3A_1543 = vector.broadcast %reduce_max3A_1150 : f32 to vector<128x128xf32>
      %sub3A_1544 = arith.subf %get3A_1530, %sub3A_1543 : vector<128x128xf32>
      %sub3A_1545 = vector.broadcast %reduce_max3A_1156 : f32 to vector<128x128xf32>
      %sub3A_1546 = arith.subf %get3A_1536, %sub3A_1545 : vector<128x128xf32>
      %sub3A_1547 = vector.broadcast %reduce_max3A_1162 : f32 to vector<128x128xf32>
      %sub3A_1548 = arith.subf %get3A_1542, %sub3A_1547 : vector<128x128xf32>
      %mul3A_1549 = arith.mulf %sub3A_1544, %sub3A_1544 : vector<128x128xf32>
      %mul3A_1550 = arith.mulf %sub3A_1546, %sub3A_1546 : vector<128x128xf32>
      %add3A_1551 = arith.addf %mul3A_1549, %mul3A_1550 : vector<128x128xf32>
      %mul3A_1552 = arith.mulf %sub3A_1548, %sub3A_1548 : vector<128x128xf32>
      %add3A_1553 = arith.addf %add3A_1551, %mul3A_1552 : vector<128x128xf32>
      %get3A_1554 = arith.constant 0 : index
      %get3A_1555 = arith.constant 0 : index
      %get3A_1556 = vector.load %arg9[%get3A_1554, %get3A_1555] : memref<128x128xf32, #tpu.memory_space<vmem>>, vector<128x128xf32>
      %min3A_1557 = arith.minimumf %get3A_1556, %add3A_1553 : vector<128x128xf32>
      %swap3A_1558 = arith.constant 0 : index
      %swap3A_1559 = arith.constant 0 : index
      %swap3A_1560 = vector.load %arg9[%swap3A_1558, %swap3A_1559] : memref<128x128xf32, #tpu.memory_space<vmem>>, vector<128x128xf32>
      tpu.vector_store %arg9[%swap3A_1558, %swap3A_1559], %min3A_1557 {strides = array<i32>} : memref<128x128xf32, #tpu.memory_space<vmem>>, vector<128x128xf32>,
      %reduce_max3A_1561 = vector.shape_cast %min3A_1557 : vector<128x128xf32> to vector<1x128x128xf32>
      %reduce_max3A_1562 = arith.constant dense<0xFF800000> : vector<1xf32>
      %reduce_max3A_1563 = vector.multi_reduction <maximumf>, %reduce_max3A_1561, %reduce_max3A_1562 [1, 2] : vector<1x128x128xf32> to vector<1xf32>
      %reduce_max3A_1564 = vector.shape_cast %reduce_max3A_1563 : vector<1xf32> to vector<1x1x1xf32>
      %reduce_max3A_1565 = vector.extract %reduce_max3A_1564[0, 0, 0] : f32 from vector<1x1x1xf32>
      %eq3A_1566 = vector.broadcast %reduce_max3A_1565 : f32 to vector<128x128xf32>
      %eq3A_1567 = arith.cmpf oeq, %min3A_1557, %eq3A_1566 : vector<128x128xf32>
      %jit3A_1568 = arith.constant 16384 : i32
      %broadcast_in_dim3A_1569 = vector.broadcast %jit3A_1568 : i32 to vector<128x128xi32>
      %select_n3A_1570 = arith.select %eq3A_1567, %add3A, %broadcast_in_dim3A_1569 : vector<128x128xi1>, vector<128x128xi32>
      %reduce_min3A_1571 = vector.shape_cast %select_n3A_1570 : vector<128x128xi32> to vector<1x128x128xi32>
      %reduce_min3A_1572 = arith.constant dense<2147483647> : vector<1xi32>
      %reduce_min3A_1573 = vector.multi_reduction <minsi>, %reduce_min3A_1571, %reduce_min3A_1572 [1, 2] : vector<1x128x128xi32> to vector<1xi32>
      %reduce_min3A_1574 = vector.shape_cast %reduce_min3A_1573 : vector<1xi32> to vector<1x1x1xi32>
      %reduce_min3A_1575 = vector.extract %reduce_min3A_1574[0, 0, 0] : i32 from vector<1x1x1xi32>
      %jit3A_1576 = arith.constant 128 : i32
      %div3A_1577 = arith.divsi %reduce_min3A_1575, %jit3A_1576 : i32
      %sign3A_1578 = arith.constant 0 : i32
      %sign3A_1579 = arith.cmpi sgt, %reduce_min3A_1575, %sign3A_1578 : i32
      %sign3A_1580 = arith.extui %sign3A_1579 : i1 to i32
      %sign3A_1581 = arith.constant 0 : i32
      %sign3A_1582 = arith.cmpi slt, %reduce_min3A_1575, %sign3A_1581 : i32
      %sign3A_1583 = arith.extui %sign3A_1582 : i1 to i32
      %sign3A_1584 = arith.subi %sign3A_1580, %sign3A_1583 : i32
      %sign3A_1585 = arith.constant 0 : i32
      %sign3A_1586 = arith.cmpi sgt, %jit3A_1576, %sign3A_1585 : i32
      %sign3A_1587 = arith.extui %sign3A_1586 : i1 to i32
      %sign3A_1588 = arith.constant 0 : i32
      %sign3A_1589 = arith.cmpi slt, %jit3A_1576, %sign3A_1588 : i32
      %sign3A_1590 = arith.extui %sign3A_1589 : i1 to i32
      %sign3A_1591 = arith.subi %sign3A_1587, %sign3A_1590 : i32
      %ne3A_1592 = arith.cmpi ne, %sign3A_1584, %sign3A_1591 : i32
      %rem3A_1593 = arith.remsi %reduce_min3A_1575, %jit3A_1576 : i32
      %ne3A_1594 = arith.constant 0 : i32
      %ne3A_1595 = arith.cmpi ne, %rem3A_1593, %ne3A_1594 : i32
      %and3A_1596 = arith.andi %ne3A_1592, %ne3A_1595 : i1
      %sub3A_1597 = arith.constant 1 : i32
      %sub3A_1598 = arith.subi %div3A_1577, %sub3A_1597 : i32
      %select_n3A_1599 = arith.select %and3A_1596, %sub3A_1598, %div3A_1577 : i32
      %mul3A_1600 = arith.constant 128 : i32
      %mul3A_1601 = arith.muli %select_n3A_1599, %mul3A_1600 : i32
      %sub3A_1602 = arith.subi %reduce_min3A_1575, %mul3A_1601 : i32
      %get3A_1603 = arith.constant 3 : index
      %get3A_1604 = arith.index_cast %select_n3A_1599 : i32 to index
      %get3A_1605 = arith.constant 0 : index
      %get3A_1606 = arith.constant 0 : index
      %get3A_1607 = vector.load %arg1[%get3A_1603, %get3A_1604, %get3A_1605, %get3A_1606] : memref<4x128x8x128xf32, #tpu.memory_space<vmem>>, vector<1x1x8x128xf32>
      %get3A_1608 = vector.shape_cast %get3A_1607 : vector<1x1x8x128xf32> to vector<1x8x128xf32>
      %squeeze3A_1609 = vector.shape_cast %get3A_1608 : vector<1x8x128xf32> to vector<8x128xf32>
      %eq3A_1610 = vector.broadcast %sub3A_1602 : i32 to vector<8x128xi32>
      %eq3A_1611 = arith.cmpi eq, %iota3A_3, %eq3A_1610 : vector<8x128xi32>
      %jit3A_1612 = arith.constant 0xFF800000 : f32
      %broadcast_in_dim3A_1613 = vector.broadcast %jit3A_1612 : f32 to vector<8x128xf32>
      %select_n3A_1614 = arith.select %eq3A_1611, %squeeze3A_1609, %broadcast_in_dim3A_1613 : vector<8x128xi1>, vector<8x128xf32>
      %slice3A_1615 = vector.extract_strided_slice %select_n3A_1614 {offsets = [0, 0], sizes = [1, 128], strides = [1, 1]} : vector<8x128xf32> to vector<1x128xf32>
      %reduce_max3A_1616 = vector.shape_cast %slice3A_1615 : vector<1x128xf32> to vector<1x1x128xf32>
      %reduce_max3A_1617 = arith.constant dense<0xFF800000> : vector<1xf32>
      %reduce_max3A_1618 = vector.multi_reduction <maximumf>, %reduce_max3A_1616, %reduce_max3A_1617 [1, 2] : vector<1x1x128xf32> to vector<1xf32>
      %reduce_max3A_1619 = vector.shape_cast %reduce_max3A_1618 : vector<1xf32> to vector<1x1x1xf32>
      %reduce_max3A_1620 = vector.extract %reduce_max3A_1619[0, 0, 0] : f32 from vector<1x1x1xf32>
      %slice3A_1621 = vector.extract_strided_slice %select_n3A_1614 {offsets = [1, 0], sizes = [1, 128], strides = [1, 1]} : vector<8x128xf32> to vector<1x128xf32>
      %reduce_max3A_1622 = vector.shape_cast %slice3A_1621 : vector<1x128xf32> to vector<1x1x128xf32>
      %reduce_max3A_1623 = arith.constant dense<0xFF800000> : vector<1xf32>
      %reduce_max3A_1624 = vector.multi_reduction <maximumf>, %reduce_max3A_1622, %reduce_max3A_1623 [1, 2] : vector<1x1x128xf32> to vector<1xf32>
      %reduce_max3A_1625 = vector.shape_cast %reduce_max3A_1624 : vector<1xf32> to vector<1x1x1xf32>
      %reduce_max3A_1626 = vector.extract %reduce_max3A_1625[0, 0, 0] : f32 from vector<1x1x1xf32>
      %slice3A_1627 = vector.extract_strided_slice %select_n3A_1614 {offsets = [2, 0], sizes = [1, 128], strides = [1, 1]} : vector<8x128xf32> to vector<1x128xf32>
      %reduce_max3A_1628 = vector.shape_cast %slice3A_1627 : vector<1x128xf32> to vector<1x1x128xf32>
      %reduce_max3A_1629 = arith.constant dense<0xFF800000> : vector<1xf32>
      %reduce_max3A_1630 = vector.multi_reduction <maximumf>, %reduce_max3A_1628, %reduce_max3A_1629 [1, 2] : vector<1x1x128xf32> to vector<1xf32>
      %reduce_max3A_1631 = vector.shape_cast %reduce_max3A_1630 : vector<1xf32> to vector<1x1x1xf32>
      %reduce_max3A_1632 = vector.extract %reduce_max3A_1631[0, 0, 0] : f32 from vector<1x1x1xf32>
      %swap3A_1633 = arith.constant 0 : index
      %swap3A_1634 = arith.index_cast %add3A_1173 : i32 to index
      %swap3A_1635 = memref.load %arg5[%swap3A_1633, %swap3A_1634] : memref<3x1024xf32, #tpu.memory_space<smem>>
      memref.store %reduce_max3A_1620, %arg5[%swap3A_1633, %swap3A_1634] : memref<3x1024xf32, #tpu.memory_space<smem>>
      %swap3A_1636 = arith.constant 1 : index
      %swap3A_1637 = arith.index_cast %add3A_1173 : i32 to index
      %swap3A_1638 = memref.load %arg5[%swap3A_1636, %swap3A_1637] : memref<3x1024xf32, #tpu.memory_space<smem>>
      memref.store %reduce_max3A_1626, %arg5[%swap3A_1636, %swap3A_1637] : memref<3x1024xf32, #tpu.memory_space<smem>>
      %swap3A_1639 = arith.constant 2 : index
      %swap3A_1640 = arith.index_cast %add3A_1173 : i32 to index
      %swap3A_1641 = memref.load %arg5[%swap3A_1639, %swap3A_1640] : memref<3x1024xf32, #tpu.memory_space<smem>>
      memref.store %reduce_max3A_1632, %arg5[%swap3A_1639, %swap3A_1640] : memref<3x1024xf32, #tpu.memory_space<smem>>
      scf.yield %reduce_max3A_1269, %reduce_max3A_1275, %reduce_max3A_1281, %reduce_max3A_1386, %reduce_max3A_1392, %reduce_max3A_1398, %reduce_max3A_1503, %reduce_max3A_1509, %reduce_max3A_1515, %reduce_max3A_1620, %reduce_max3A_1626, %reduce_max3A_1632 : f32, f32, f32, f32, f32, f32, f32, f32, f32, f32, f32, f32
    }
    %scan3A_228 = arith.constant 511 : i32
    %get3A_229 = arith.constant 0 : index
    %get3A_230 = arith.constant 0 : index
    %get3A_231 = arith.constant 0 : index
    %get3A_232 = arith.constant 0 : index
    %get3A_233 = vector.load %arg0[%get3A_229, %get3A_230, %get3A_231, %get3A_232] : memref<4x3x128x128xf32, #tpu.memory_space<vmem>>, vector<1x1x128x128xf32>
    %get3A_234 = vector.shape_cast %get3A_233 : vector<1x1x128x128xf32> to vector<128x128xf32>
    %get3A_235 = arith.constant 0 : index
    %get3A_236 = arith.constant 1 : index
    %get3A_237 = arith.constant 0 : index
    %get3A_238 = arith.constant 0 : index
    %get3A_239 = vector.load %arg0[%get3A_235, %get3A_236, %get3A_237, %get3A_238] : memref<4x3x128x128xf32, #tpu.memory_space<vmem>>, vector<1x1x128x128xf32>
    %get3A_240 = vector.shape_cast %get3A_239 : vector<1x1x128x128xf32> to vector<128x128xf32>
    %get3A_241 = arith.constant 0 : index
    %get3A_242 = arith.constant 2 : index
    %get3A_243 = arith.constant 0 : index
    %get3A_244 = arith.constant 0 : index
    %get3A_245 = vector.load %arg0[%get3A_241, %get3A_242, %get3A_243, %get3A_244] : memref<4x3x128x128xf32, #tpu.memory_space<vmem>>, vector<1x1x128x128xf32>
    %get3A_246 = vector.shape_cast %get3A_245 : vector<1x1x128x128xf32> to vector<128x128xf32>
    %sub3A = vector.broadcast %scan3A_227#0 : f32 to vector<128x128xf32>
    %sub3A_247 = arith.subf %get3A_234, %sub3A : vector<128x128xf32>
    %sub3A_248 = vector.broadcast %scan3A_227#1 : f32 to vector<128x128xf32>
    %sub3A_249 = arith.subf %get3A_240, %sub3A_248 : vector<128x128xf32>
    %sub3A_250 = vector.broadcast %scan3A_227#2 : f32 to vector<128x128xf32>
    %sub3A_251 = arith.subf %get3A_246, %sub3A_250 : vector<128x128xf32>
    %mul3A_252 = arith.mulf %sub3A_247, %sub3A_247 : vector<128x128xf32>
    %mul3A_253 = arith.mulf %sub3A_249, %sub3A_249 : vector<128x128xf32>
    %add3A_254 = arith.addf %mul3A_252, %mul3A_253 : vector<128x128xf32>
    %mul3A_255 = arith.mulf %sub3A_251, %sub3A_251 : vector<128x128xf32>
    %add3A_256 = arith.addf %add3A_254, %mul3A_255 : vector<128x128xf32>
    %get3A_257 = arith.constant 0 : index
    %get3A_258 = arith.constant 0 : index
    %get3A_259 = vector.load %arg6[%get3A_257, %get3A_258] : memref<128x128xf32, #tpu.memory_space<vmem>>, vector<128x128xf32>
    %min3A = arith.minimumf %get3A_259, %add3A_256 : vector<128x128xf32>
    %swap3A_260 = arith.constant 0 : index
    %swap3A_261 = arith.constant 0 : index
    %swap3A_262 = vector.load %arg6[%swap3A_260, %swap3A_261] : memref<128x128xf32, #tpu.memory_space<vmem>>, vector<128x128xf32>
    tpu.vector_store %arg6[%swap3A_260, %swap3A_261], %min3A {strides = array<i32>} : memref<128x128xf32, #tpu.memory_space<vmem>>, vector<128x128xf32>,
    %reduce_max3A_263 = vector.shape_cast %min3A : vector<128x128xf32> to vector<1x128x128xf32>
    %reduce_max3A_264 = arith.constant dense<0xFF800000> : vector<1xf32>
    %reduce_max3A_265 = vector.multi_reduction <maximumf>, %reduce_max3A_263, %reduce_max3A_264 [1, 2] : vector<1x128x128xf32> to vector<1xf32>
    %reduce_max3A_266 = vector.shape_cast %reduce_max3A_265 : vector<1xf32> to vector<1x1x1xf32>
    %reduce_max3A_267 = vector.extract %reduce_max3A_266[0, 0, 0] : f32 from vector<1x1x1xf32>
    %eq3A_268 = vector.broadcast %reduce_max3A_267 : f32 to vector<128x128xf32>
    %eq3A_269 = arith.cmpf oeq, %min3A, %eq3A_268 : vector<128x128xf32>
    %jit3A_270 = arith.constant 16384 : i32
    %broadcast_in_dim3A_271 = vector.broadcast %jit3A_270 : i32 to vector<128x128xi32>
    %select_n3A_272 = arith.select %eq3A_269, %add3A, %broadcast_in_dim3A_271 : vector<128x128xi1>, vector<128x128xi32>
    %reduce_min3A = vector.shape_cast %select_n3A_272 : vector<128x128xi32> to vector<1x128x128xi32>
    %reduce_min3A_273 = arith.constant dense<2147483647> : vector<1xi32>
    %reduce_min3A_274 = vector.multi_reduction <minsi>, %reduce_min3A, %reduce_min3A_273 [1, 2] : vector<1x128x128xi32> to vector<1xi32>
    %reduce_min3A_275 = vector.shape_cast %reduce_min3A_274 : vector<1xi32> to vector<1x1x1xi32>
    %reduce_min3A_276 = vector.extract %reduce_min3A_275[0, 0, 0] : i32 from vector<1x1x1xi32>
    %jit3A_277 = arith.constant 128 : i32
    %div3A = arith.divsi %reduce_min3A_276, %jit3A_277 : i32
    %sign3A = arith.constant 0 : i32
    %sign3A_278 = arith.cmpi sgt, %reduce_min3A_276, %sign3A : i32
    %sign3A_279 = arith.extui %sign3A_278 : i1 to i32
    %sign3A_280 = arith.constant 0 : i32
    %sign3A_281 = arith.cmpi slt, %reduce_min3A_276, %sign3A_280 : i32
    %sign3A_282 = arith.extui %sign3A_281 : i1 to i32
    %sign3A_283 = arith.subi %sign3A_279, %sign3A_282 : i32
    %sign3A_284 = arith.constant 0 : i32
    %sign3A_285 = arith.cmpi sgt, %jit3A_277, %sign3A_284 : i32
    %sign3A_286 = arith.extui %sign3A_285 : i1 to i32
    %sign3A_287 = arith.constant 0 : i32
    %sign3A_288 = arith.cmpi slt, %jit3A_277, %sign3A_287 : i32
    %sign3A_289 = arith.extui %sign3A_288 : i1 to i32
    %sign3A_290 = arith.subi %sign3A_286, %sign3A_289 : i32
    %ne3A = arith.cmpi ne, %sign3A_283, %sign3A_290 : i32
    %rem3A = arith.remsi %reduce_min3A_276, %jit3A_277 : i32
    %ne3A_291 = arith.constant 0 : i32
    %ne3A_292 = arith.cmpi ne, %rem3A, %ne3A_291 : i32
    %and3A = arith.andi %ne3A, %ne3A_292 : i1
    %sub3A_293 = arith.constant 1 : i32
    %sub3A_294 = arith.subi %div3A, %sub3A_293 : i32
    %select_n3A_295 = arith.select %and3A, %sub3A_294, %div3A : i32
    %mul3A_296 = arith.constant 128 : i32
    %mul3A_297 = arith.muli %select_n3A_295, %mul3A_296 : i32
    %sub3A_298 = arith.subi %reduce_min3A_276, %mul3A_297 : i32
    %get3A_299 = arith.constant 0 : index
    %get3A_300 = arith.index_cast %select_n3A_295 : i32 to index
    %get3A_301 = arith.constant 0 : index
    %get3A_302 = arith.constant 0 : index
    %get3A_303 = vector.load %arg1[%get3A_299, %get3A_300, %get3A_301, %get3A_302] : memref<4x128x8x128xf32, #tpu.memory_space<vmem>>, vector<1x1x8x128xf32>
    %get3A_304 = vector.shape_cast %get3A_303 : vector<1x1x8x128xf32> to vector<1x8x128xf32>
    %squeeze3A = vector.shape_cast %get3A_304 : vector<1x8x128xf32> to vector<8x128xf32>
    %eq3A_305 = vector.broadcast %sub3A_298 : i32 to vector<8x128xi32>
    %eq3A_306 = arith.cmpi eq, %iota3A_3, %eq3A_305 : vector<8x128xi32>
    %jit3A_307 = arith.constant 0xFF800000 : f32
    %broadcast_in_dim3A_308 = vector.broadcast %jit3A_307 : f32 to vector<8x128xf32>
    %select_n3A_309 = arith.select %eq3A_306, %squeeze3A, %broadcast_in_dim3A_308 : vector<8x128xi1>, vector<8x128xf32>
    %slice3A = vector.extract_strided_slice %select_n3A_309 {offsets = [0, 0], sizes = [1, 128], strides = [1, 1]} : vector<8x128xf32> to vector<1x128xf32>
    %reduce_max3A_310 = vector.shape_cast %slice3A : vector<1x128xf32> to vector<1x1x128xf32>
    %reduce_max3A_311 = arith.constant dense<0xFF800000> : vector<1xf32>
    %reduce_max3A_312 = vector.multi_reduction <maximumf>, %reduce_max3A_310, %reduce_max3A_311 [1, 2] : vector<1x1x128xf32> to vector<1xf32>
    %reduce_max3A_313 = vector.shape_cast %reduce_max3A_312 : vector<1xf32> to vector<1x1x1xf32>
    %reduce_max3A_314 = vector.extract %reduce_max3A_313[0, 0, 0] : f32 from vector<1x1x1xf32>
    %slice3A_315 = vector.extract_strided_slice %select_n3A_309 {offsets = [1, 0], sizes = [1, 128], strides = [1, 1]} : vector<8x128xf32> to vector<1x128xf32>
    %reduce_max3A_316 = vector.shape_cast %slice3A_315 : vector<1x128xf32> to vector<1x1x128xf32>
    %reduce_max3A_317 = arith.constant dense<0xFF800000> : vector<1xf32>
    %reduce_max3A_318 = vector.multi_reduction <maximumf>, %reduce_max3A_316, %reduce_max3A_317 [1, 2] : vector<1x1x128xf32> to vector<1xf32>
    %reduce_max3A_319 = vector.shape_cast %reduce_max3A_318 : vector<1xf32> to vector<1x1x1xf32>
    %reduce_max3A_320 = vector.extract %reduce_max3A_319[0, 0, 0] : f32 from vector<1x1x1xf32>
    %slice3A_321 = vector.extract_strided_slice %select_n3A_309 {offsets = [2, 0], sizes = [1, 128], strides = [1, 1]} : vector<8x128xf32> to vector<1x128xf32>
    %reduce_max3A_322 = vector.shape_cast %slice3A_321 : vector<1x128xf32> to vector<1x1x128xf32>
    %reduce_max3A_323 = arith.constant dense<0xFF800000> : vector<1xf32>
    %reduce_max3A_324 = vector.multi_reduction <maximumf>, %reduce_max3A_322, %reduce_max3A_323 [1, 2] : vector<1x1x128xf32> to vector<1xf32>
    %reduce_max3A_325 = vector.shape_cast %reduce_max3A_324 : vector<1xf32> to vector<1x1x1xf32>
    %reduce_max3A_326 = vector.extract %reduce_max3A_325[0, 0, 0] : f32 from vector<1x1x1xf32>
    %swap3A_327 = arith.constant 0 : index
    %swap3A_328 = arith.constant 1023 : index
    %swap3A_329 = memref.load %arg2[%swap3A_327, %swap3A_328] : memref<3x1024xf32, #tpu.memory_space<smem>>
    memref.store %reduce_max3A_314, %arg2[%swap3A_327, %swap3A_328] : memref<3x1024xf32, #tpu.memory_space<smem>>
    %swap3A_330 = arith.constant 1 : index
    %swap3A_331 = arith.constant 1023 : index
    %swap3A_332 = memref.load %arg2[%swap3A_330, %swap3A_331] : memref<3x1024xf32, #tpu.memory_space<smem>>
    memref.store %reduce_max3A_320, %arg2[%swap3A_330, %swap3A_331] : memref<3x1024xf32, #tpu.memory_space<smem>>
    %swap3A_333 = arith.constant 2 : index
    %swap3A_334 = arith.constant 1023 : index
    %swap3A_335 = memref.load %arg2[%swap3A_333, %swap3A_334] : memref<3x1024xf32, #tpu.memory_space<smem>>
    memref.store %reduce_max3A_326, %arg2[%swap3A_333, %swap3A_334] : memref<3x1024xf32, #tpu.memory_space<smem>>
    %get3A_336 = arith.constant 1 : index
    %get3A_337 = arith.constant 0 : index
    %get3A_338 = arith.constant 0 : index
    %get3A_339 = arith.constant 0 : index
    %get3A_340 = vector.load %arg0[%get3A_336, %get3A_337, %get3A_338, %get3A_339] : memref<4x3x128x128xf32, #tpu.memory_space<vmem>>, vector<1x1x128x128xf32>
    %get3A_341 = vector.shape_cast %get3A_340 : vector<1x1x128x128xf32> to vector<128x128xf32>
    %get3A_342 = arith.constant 1 : index
    %get3A_343 = arith.constant 1 : index
    %get3A_344 = arith.constant 0 : index
    %get3A_345 = arith.constant 0 : index
    %get3A_346 = vector.load %arg0[%get3A_342, %get3A_343, %get3A_344, %get3A_345] : memref<4x3x128x128xf32, #tpu.memory_space<vmem>>, vector<1x1x128x128xf32>
    %get3A_347 = vector.shape_cast %get3A_346 : vector<1x1x128x128xf32> to vector<128x128xf32>
    %get3A_348 = arith.constant 1 : index
    %get3A_349 = arith.constant 2 : index
    %get3A_350 = arith.constant 0 : index
    %get3A_351 = arith.constant 0 : index
    %get3A_352 = vector.load %arg0[%get3A_348, %get3A_349, %get3A_350, %get3A_351] : memref<4x3x128x128xf32, #tpu.memory_space<vmem>>, vector<1x1x128x128xf32>
    %get3A_353 = vector.shape_cast %get3A_352 : vector<1x1x128x128xf32> to vector<128x128xf32>
    %sub3A_354 = vector.broadcast %scan3A_227#3 : f32 to vector<128x128xf32>
    %sub3A_355 = arith.subf %get3A_341, %sub3A_354 : vector<128x128xf32>
    %sub3A_356 = vector.broadcast %scan3A_227#4 : f32 to vector<128x128xf32>
    %sub3A_357 = arith.subf %get3A_347, %sub3A_356 : vector<128x128xf32>
    %sub3A_358 = vector.broadcast %scan3A_227#5 : f32 to vector<128x128xf32>
    %sub3A_359 = arith.subf %get3A_353, %sub3A_358 : vector<128x128xf32>
    %mul3A_360 = arith.mulf %sub3A_355, %sub3A_355 : vector<128x128xf32>
    %mul3A_361 = arith.mulf %sub3A_357, %sub3A_357 : vector<128x128xf32>
    %add3A_362 = arith.addf %mul3A_360, %mul3A_361 : vector<128x128xf32>
    %mul3A_363 = arith.mulf %sub3A_359, %sub3A_359 : vector<128x128xf32>
    %add3A_364 = arith.addf %add3A_362, %mul3A_363 : vector<128x128xf32>
    %get3A_365 = arith.constant 0 : index
    %get3A_366 = arith.constant 0 : index
    %get3A_367 = vector.load %arg7[%get3A_365, %get3A_366] : memref<128x128xf32, #tpu.memory_space<vmem>>, vector<128x128xf32>
    %min3A_368 = arith.minimumf %get3A_367, %add3A_364 : vector<128x128xf32>
    %swap3A_369 = arith.constant 0 : index
    %swap3A_370 = arith.constant 0 : index
    %swap3A_371 = vector.load %arg7[%swap3A_369, %swap3A_370] : memref<128x128xf32, #tpu.memory_space<vmem>>, vector<128x128xf32>
    tpu.vector_store %arg7[%swap3A_369, %swap3A_370], %min3A_368 {strides = array<i32>} : memref<128x128xf32, #tpu.memory_space<vmem>>, vector<128x128xf32>,
    %reduce_max3A_372 = vector.shape_cast %min3A_368 : vector<128x128xf32> to vector<1x128x128xf32>
    %reduce_max3A_373 = arith.constant dense<0xFF800000> : vector<1xf32>
    %reduce_max3A_374 = vector.multi_reduction <maximumf>, %reduce_max3A_372, %reduce_max3A_373 [1, 2] : vector<1x128x128xf32> to vector<1xf32>
    %reduce_max3A_375 = vector.shape_cast %reduce_max3A_374 : vector<1xf32> to vector<1x1x1xf32>
    %reduce_max3A_376 = vector.extract %reduce_max3A_375[0, 0, 0] : f32 from vector<1x1x1xf32>
    %eq3A_377 = vector.broadcast %reduce_max3A_376 : f32 to vector<128x128xf32>
    %eq3A_378 = arith.cmpf oeq, %min3A_368, %eq3A_377 : vector<128x128xf32>
    %jit3A_379 = arith.constant 16384 : i32
    %broadcast_in_dim3A_380 = vector.broadcast %jit3A_379 : i32 to vector<128x128xi32>
    %select_n3A_381 = arith.select %eq3A_378, %add3A, %broadcast_in_dim3A_380 : vector<128x128xi1>, vector<128x128xi32>
    %reduce_min3A_382 = vector.shape_cast %select_n3A_381 : vector<128x128xi32> to vector<1x128x128xi32>
    %reduce_min3A_383 = arith.constant dense<2147483647> : vector<1xi32>
    %reduce_min3A_384 = vector.multi_reduction <minsi>, %reduce_min3A_382, %reduce_min3A_383 [1, 2] : vector<1x128x128xi32> to vector<1xi32>
    %reduce_min3A_385 = vector.shape_cast %reduce_min3A_384 : vector<1xi32> to vector<1x1x1xi32>
    %reduce_min3A_386 = vector.extract %reduce_min3A_385[0, 0, 0] : i32 from vector<1x1x1xi32>
    %jit3A_387 = arith.constant 128 : i32
    %div3A_388 = arith.divsi %reduce_min3A_386, %jit3A_387 : i32
    %sign3A_389 = arith.constant 0 : i32
    %sign3A_390 = arith.cmpi sgt, %reduce_min3A_386, %sign3A_389 : i32
    %sign3A_391 = arith.extui %sign3A_390 : i1 to i32
    %sign3A_392 = arith.constant 0 : i32
    %sign3A_393 = arith.cmpi slt, %reduce_min3A_386, %sign3A_392 : i32
    %sign3A_394 = arith.extui %sign3A_393 : i1 to i32
    %sign3A_395 = arith.subi %sign3A_391, %sign3A_394 : i32
    %sign3A_396 = arith.constant 0 : i32
    %sign3A_397 = arith.cmpi sgt, %jit3A_387, %sign3A_396 : i32
    %sign3A_398 = arith.extui %sign3A_397 : i1 to i32
    %sign3A_399 = arith.constant 0 : i32
    %sign3A_400 = arith.cmpi slt, %jit3A_387, %sign3A_399 : i32
    %sign3A_401 = arith.extui %sign3A_400 : i1 to i32
    %sign3A_402 = arith.subi %sign3A_398, %sign3A_401 : i32
    %ne3A_403 = arith.cmpi ne, %sign3A_395, %sign3A_402 : i32
    %rem3A_404 = arith.remsi %reduce_min3A_386, %jit3A_387 : i32
    %ne3A_405 = arith.constant 0 : i32
    %ne3A_406 = arith.cmpi ne, %rem3A_404, %ne3A_405 : i32
    %and3A_407 = arith.andi %ne3A_403, %ne3A_406 : i1
    %sub3A_408 = arith.constant 1 : i32
    %sub3A_409 = arith.subi %div3A_388, %sub3A_408 : i32
    %select_n3A_410 = arith.select %and3A_407, %sub3A_409, %div3A_388 : i32
    %mul3A_411 = arith.constant 128 : i32
    %mul3A_412 = arith.muli %select_n3A_410, %mul3A_411 : i32
    %sub3A_413 = arith.subi %reduce_min3A_386, %mul3A_412 : i32
    %get3A_414 = arith.constant 1 : index
    %get3A_415 = arith.index_cast %select_n3A_410 : i32 to index
    %get3A_416 = arith.constant 0 : index
    %get3A_417 = arith.constant 0 : index
    %get3A_418 = vector.load %arg1[%get3A_414, %get3A_415, %get3A_416, %get3A_417] : memref<4x128x8x128xf32, #tpu.memory_space<vmem>>, vector<1x1x8x128xf32>
    %get3A_419 = vector.shape_cast %get3A_418 : vector<1x1x8x128xf32> to vector<1x8x128xf32>
    %squeeze3A_420 = vector.shape_cast %get3A_419 : vector<1x8x128xf32> to vector<8x128xf32>
    %eq3A_421 = vector.broadcast %sub3A_413 : i32 to vector<8x128xi32>
    %eq3A_422 = arith.cmpi eq, %iota3A_3, %eq3A_421 : vector<8x128xi32>
    %jit3A_423 = arith.constant 0xFF800000 : f32
    %broadcast_in_dim3A_424 = vector.broadcast %jit3A_423 : f32 to vector<8x128xf32>
    %select_n3A_425 = arith.select %eq3A_422, %squeeze3A_420, %broadcast_in_dim3A_424 : vector<8x128xi1>, vector<8x128xf32>
    %slice3A_426 = vector.extract_strided_slice %select_n3A_425 {offsets = [0, 0], sizes = [1, 128], strides = [1, 1]} : vector<8x128xf32> to vector<1x128xf32>
    %reduce_max3A_427 = vector.shape_cast %slice3A_426 : vector<1x128xf32> to vector<1x1x128xf32>
    %reduce_max3A_428 = arith.constant dense<0xFF800000> : vector<1xf32>
    %reduce_max3A_429 = vector.multi_reduction <maximumf>, %reduce_max3A_427, %reduce_max3A_428 [1, 2] : vector<1x1x128xf32> to vector<1xf32>
    %reduce_max3A_430 = vector.shape_cast %reduce_max3A_429 : vector<1xf32> to vector<1x1x1xf32>
    %reduce_max3A_431 = vector.extract %reduce_max3A_430[0, 0, 0] : f32 from vector<1x1x1xf32>
    %slice3A_432 = vector.extract_strided_slice %select_n3A_425 {offsets = [1, 0], sizes = [1, 128], strides = [1, 1]} : vector<8x128xf32> to vector<1x128xf32>
    %reduce_max3A_433 = vector.shape_cast %slice3A_432 : vector<1x128xf32> to vector<1x1x128xf32>
    %reduce_max3A_434 = arith.constant dense<0xFF800000> : vector<1xf32>
    %reduce_max3A_435 = vector.multi_reduction <maximumf>, %reduce_max3A_433, %reduce_max3A_434 [1, 2] : vector<1x1x128xf32> to vector<1xf32>
    %reduce_max3A_436 = vector.shape_cast %reduce_max3A_435 : vector<1xf32> to vector<1x1x1xf32>
    %reduce_max3A_437 = vector.extract %reduce_max3A_436[0, 0, 0] : f32 from vector<1x1x1xf32>
    %slice3A_438 = vector.extract_strided_slice %select_n3A_425 {offsets = [2, 0], sizes = [1, 128], strides = [1, 1]} : vector<8x128xf32> to vector<1x128xf32>
    %reduce_max3A_439 = vector.shape_cast %slice3A_438 : vector<1x128xf32> to vector<1x1x128xf32>
    %reduce_max3A_440 = arith.constant dense<0xFF800000> : vector<1xf32>
    %reduce_max3A_441 = vector.multi_reduction <maximumf>, %reduce_max3A_439, %reduce_max3A_440 [1, 2] : vector<1x1x128xf32> to vector<1xf32>
    %reduce_max3A_442 = vector.shape_cast %reduce_max3A_441 : vector<1xf32> to vector<1x1x1xf32>
    %reduce_max3A_443 = vector.extract %reduce_max3A_442[0, 0, 0] : f32 from vector<1x1x1xf32>
    %swap3A_444 = arith.constant 0 : index
    %swap3A_445 = arith.constant 1023 : index
    %swap3A_446 = memref.load %arg3[%swap3A_444, %swap3A_445] : memref<3x1024xf32, #tpu.memory_space<smem>>
    memref.store %reduce_max3A_431, %arg3[%swap3A_444, %swap3A_445] : memref<3x1024xf32, #tpu.memory_space<smem>>
    %swap3A_447 = arith.constant 1 : index
    %swap3A_448 = arith.constant 1023 : index
    %swap3A_449 = memref.load %arg3[%swap3A_447, %swap3A_448] : memref<3x1024xf32, #tpu.memory_space<smem>>
    memref.store %reduce_max3A_437, %arg3[%swap3A_447, %swap3A_448] : memref<3x1024xf32, #tpu.memory_space<smem>>
    %swap3A_450 = arith.constant 2 : index
    %swap3A_451 = arith.constant 1023 : index
    %swap3A_452 = memref.load %arg3[%swap3A_450, %swap3A_451] : memref<3x1024xf32, #tpu.memory_space<smem>>
    memref.store %reduce_max3A_443, %arg3[%swap3A_450, %swap3A_451] : memref<3x1024xf32, #tpu.memory_space<smem>>
    %get3A_453 = arith.constant 2 : index
    %get3A_454 = arith.constant 0 : index
    %get3A_455 = arith.constant 0 : index
    %get3A_456 = arith.constant 0 : index
    %get3A_457 = vector.load %arg0[%get3A_453, %get3A_454, %get3A_455, %get3A_456] : memref<4x3x128x128xf32, #tpu.memory_space<vmem>>, vector<1x1x128x128xf32>
    %get3A_458 = vector.shape_cast %get3A_457 : vector<1x1x128x128xf32> to vector<128x128xf32>
    %get3A_459 = arith.constant 2 : index
    %get3A_460 = arith.constant 1 : index
    %get3A_461 = arith.constant 0 : index
    %get3A_462 = arith.constant 0 : index
    %get3A_463 = vector.load %arg0[%get3A_459, %get3A_460, %get3A_461, %get3A_462] : memref<4x3x128x128xf32, #tpu.memory_space<vmem>>, vector<1x1x128x128xf32>
    %get3A_464 = vector.shape_cast %get3A_463 : vector<1x1x128x128xf32> to vector<128x128xf32>
    %get3A_465 = arith.constant 2 : index
    %get3A_466 = arith.constant 2 : index
    %get3A_467 = arith.constant 0 : index
    %get3A_468 = arith.constant 0 : index
    %get3A_469 = vector.load %arg0[%get3A_465, %get3A_466, %get3A_467, %get3A_468] : memref<4x3x128x128xf32, #tpu.memory_space<vmem>>, vector<1x1x128x128xf32>
    %get3A_470 = vector.shape_cast %get3A_469 : vector<1x1x128x128xf32> to vector<128x128xf32>
    %sub3A_471 = vector.broadcast %scan3A_227#6 : f32 to vector<128x128xf32>
    %sub3A_472 = arith.subf %get3A_458, %sub3A_471 : vector<128x128xf32>
    %sub3A_473 = vector.broadcast %scan3A_227#7 : f32 to vector<128x128xf32>
    %sub3A_474 = arith.subf %get3A_464, %sub3A_473 : vector<128x128xf32>
    %sub3A_475 = vector.broadcast %scan3A_227#8 : f32 to vector<128x128xf32>
    %sub3A_476 = arith.subf %get3A_470, %sub3A_475 : vector<128x128xf32>
    %mul3A_477 = arith.mulf %sub3A_472, %sub3A_472 : vector<128x128xf32>
    %mul3A_478 = arith.mulf %sub3A_474, %sub3A_474 : vector<128x128xf32>
    %add3A_479 = arith.addf %mul3A_477, %mul3A_478 : vector<128x128xf32>
    %mul3A_480 = arith.mulf %sub3A_476, %sub3A_476 : vector<128x128xf32>
    %add3A_481 = arith.addf %add3A_479, %mul3A_480 : vector<128x128xf32>
    %get3A_482 = arith.constant 0 : index
    %get3A_483 = arith.constant 0 : index
    %get3A_484 = vector.load %arg8[%get3A_482, %get3A_483] : memref<128x128xf32, #tpu.memory_space<vmem>>, vector<128x128xf32>
    %min3A_485 = arith.minimumf %get3A_484, %add3A_481 : vector<128x128xf32>
    %swap3A_486 = arith.constant 0 : index
    %swap3A_487 = arith.constant 0 : index
    %swap3A_488 = vector.load %arg8[%swap3A_486, %swap3A_487] : memref<128x128xf32, #tpu.memory_space<vmem>>, vector<128x128xf32>
    tpu.vector_store %arg8[%swap3A_486, %swap3A_487], %min3A_485 {strides = array<i32>} : memref<128x128xf32, #tpu.memory_space<vmem>>, vector<128x128xf32>,
    %reduce_max3A_489 = vector.shape_cast %min3A_485 : vector<128x128xf32> to vector<1x128x128xf32>
    %reduce_max3A_490 = arith.constant dense<0xFF800000> : vector<1xf32>
    %reduce_max3A_491 = vector.multi_reduction <maximumf>, %reduce_max3A_489, %reduce_max3A_490 [1, 2] : vector<1x128x128xf32> to vector<1xf32>
    %reduce_max3A_492 = vector.shape_cast %reduce_max3A_491 : vector<1xf32> to vector<1x1x1xf32>
    %reduce_max3A_493 = vector.extract %reduce_max3A_492[0, 0, 0] : f32 from vector<1x1x1xf32>
    %eq3A_494 = vector.broadcast %reduce_max3A_493 : f32 to vector<128x128xf32>
    %eq3A_495 = arith.cmpf oeq, %min3A_485, %eq3A_494 : vector<128x128xf32>
    %jit3A_496 = arith.constant 16384 : i32
    %broadcast_in_dim3A_497 = vector.broadcast %jit3A_496 : i32 to vector<128x128xi32>
    %select_n3A_498 = arith.select %eq3A_495, %add3A, %broadcast_in_dim3A_497 : vector<128x128xi1>, vector<128x128xi32>
    %reduce_min3A_499 = vector.shape_cast %select_n3A_498 : vector<128x128xi32> to vector<1x128x128xi32>
    %reduce_min3A_500 = arith.constant dense<2147483647> : vector<1xi32>
    %reduce_min3A_501 = vector.multi_reduction <minsi>, %reduce_min3A_499, %reduce_min3A_500 [1, 2] : vector<1x128x128xi32> to vector<1xi32>
    %reduce_min3A_502 = vector.shape_cast %reduce_min3A_501 : vector<1xi32> to vector<1x1x1xi32>
    %reduce_min3A_503 = vector.extract %reduce_min3A_502[0, 0, 0] : i32 from vector<1x1x1xi32>
    %jit3A_504 = arith.constant 128 : i32
    %div3A_505 = arith.divsi %reduce_min3A_503, %jit3A_504 : i32
    %sign3A_506 = arith.constant 0 : i32
    %sign3A_507 = arith.cmpi sgt, %reduce_min3A_503, %sign3A_506 : i32
    %sign3A_508 = arith.extui %sign3A_507 : i1 to i32
    %sign3A_509 = arith.constant 0 : i32
    %sign3A_510 = arith.cmpi slt, %reduce_min3A_503, %sign3A_509 : i32
    %sign3A_511 = arith.extui %sign3A_510 : i1 to i32
    %sign3A_512 = arith.subi %sign3A_508, %sign3A_511 : i32
    %sign3A_513 = arith.constant 0 : i32
    %sign3A_514 = arith.cmpi sgt, %jit3A_504, %sign3A_513 : i32
    %sign3A_515 = arith.extui %sign3A_514 : i1 to i32
    %sign3A_516 = arith.constant 0 : i32
    %sign3A_517 = arith.cmpi slt, %jit3A_504, %sign3A_516 : i32
    %sign3A_518 = arith.extui %sign3A_517 : i1 to i32
    %sign3A_519 = arith.subi %sign3A_515, %sign3A_518 : i32
    %ne3A_520 = arith.cmpi ne, %sign3A_512, %sign3A_519 : i32
    %rem3A_521 = arith.remsi %reduce_min3A_503, %jit3A_504 : i32
    %ne3A_522 = arith.constant 0 : i32
    %ne3A_523 = arith.cmpi ne, %rem3A_521, %ne3A_522 : i32
    %and3A_524 = arith.andi %ne3A_520, %ne3A_523 : i1
    %sub3A_525 = arith.constant 1 : i32
    %sub3A_526 = arith.subi %div3A_505, %sub3A_525 : i32
    %select_n3A_527 = arith.select %and3A_524, %sub3A_526, %div3A_505 : i32
    %mul3A_528 = arith.constant 128 : i32
    %mul3A_529 = arith.muli %select_n3A_527, %mul3A_528 : i32
    %sub3A_530 = arith.subi %reduce_min3A_503, %mul3A_529 : i32
    %get3A_531 = arith.constant 2 : index
    %get3A_532 = arith.index_cast %select_n3A_527 : i32 to index
    %get3A_533 = arith.constant 0 : index
    %get3A_534 = arith.constant 0 : index
    %get3A_535 = vector.load %arg1[%get3A_531, %get3A_532, %get3A_533, %get3A_534] : memref<4x128x8x128xf32, #tpu.memory_space<vmem>>, vector<1x1x8x128xf32>
    %get3A_536 = vector.shape_cast %get3A_535 : vector<1x1x8x128xf32> to vector<1x8x128xf32>
    %squeeze3A_537 = vector.shape_cast %get3A_536 : vector<1x8x128xf32> to vector<8x128xf32>
    %eq3A_538 = vector.broadcast %sub3A_530 : i32 to vector<8x128xi32>
    %eq3A_539 = arith.cmpi eq, %iota3A_3, %eq3A_538 : vector<8x128xi32>
    %jit3A_540 = arith.constant 0xFF800000 : f32
    %broadcast_in_dim3A_541 = vector.broadcast %jit3A_540 : f32 to vector<8x128xf32>
    %select_n3A_542 = arith.select %eq3A_539, %squeeze3A_537, %broadcast_in_dim3A_541 : vector<8x128xi1>, vector<8x128xf32>
    %slice3A_543 = vector.extract_strided_slice %select_n3A_542 {offsets = [0, 0], sizes = [1, 128], strides = [1, 1]} : vector<8x128xf32> to vector<1x128xf32>
    %reduce_max3A_544 = vector.shape_cast %slice3A_543 : vector<1x128xf32> to vector<1x1x128xf32>
    %reduce_max3A_545 = arith.constant dense<0xFF800000> : vector<1xf32>
    %reduce_max3A_546 = vector.multi_reduction <maximumf>, %reduce_max3A_544, %reduce_max3A_545 [1, 2] : vector<1x1x128xf32> to vector<1xf32>
    %reduce_max3A_547 = vector.shape_cast %reduce_max3A_546 : vector<1xf32> to vector<1x1x1xf32>
    %reduce_max3A_548 = vector.extract %reduce_max3A_547[0, 0, 0] : f32 from vector<1x1x1xf32>
    %slice3A_549 = vector.extract_strided_slice %select_n3A_542 {offsets = [1, 0], sizes = [1, 128], strides = [1, 1]} : vector<8x128xf32> to vector<1x128xf32>
    %reduce_max3A_550 = vector.shape_cast %slice3A_549 : vector<1x128xf32> to vector<1x1x128xf32>
    %reduce_max3A_551 = arith.constant dense<0xFF800000> : vector<1xf32>
    %reduce_max3A_552 = vector.multi_reduction <maximumf>, %reduce_max3A_550, %reduce_max3A_551 [1, 2] : vector<1x1x128xf32> to vector<1xf32>
    %reduce_max3A_553 = vector.shape_cast %reduce_max3A_552 : vector<1xf32> to vector<1x1x1xf32>
    %reduce_max3A_554 = vector.extract %reduce_max3A_553[0, 0, 0] : f32 from vector<1x1x1xf32>
    %slice3A_555 = vector.extract_strided_slice %select_n3A_542 {offsets = [2, 0], sizes = [1, 128], strides = [1, 1]} : vector<8x128xf32> to vector<1x128xf32>
    %reduce_max3A_556 = vector.shape_cast %slice3A_555 : vector<1x128xf32> to vector<1x1x128xf32>
    %reduce_max3A_557 = arith.constant dense<0xFF800000> : vector<1xf32>
    %reduce_max3A_558 = vector.multi_reduction <maximumf>, %reduce_max3A_556, %reduce_max3A_557 [1, 2] : vector<1x1x128xf32> to vector<1xf32>
    %reduce_max3A_559 = vector.shape_cast %reduce_max3A_558 : vector<1xf32> to vector<1x1x1xf32>
    %reduce_max3A_560 = vector.extract %reduce_max3A_559[0, 0, 0] : f32 from vector<1x1x1xf32>
    %swap3A_561 = arith.constant 0 : index
    %swap3A_562 = arith.constant 1023 : index
    %swap3A_563 = memref.load %arg4[%swap3A_561, %swap3A_562] : memref<3x1024xf32, #tpu.memory_space<smem>>
    memref.store %reduce_max3A_548, %arg4[%swap3A_561, %swap3A_562] : memref<3x1024xf32, #tpu.memory_space<smem>>
    %swap3A_564 = arith.constant 1 : index
    %swap3A_565 = arith.constant 1023 : index
    %swap3A_566 = memref.load %arg4[%swap3A_564, %swap3A_565] : memref<3x1024xf32, #tpu.memory_space<smem>>
    memref.store %reduce_max3A_554, %arg4[%swap3A_564, %swap3A_565] : memref<3x1024xf32, #tpu.memory_space<smem>>
    %swap3A_567 = arith.constant 2 : index
    %swap3A_568 = arith.constant 1023 : index
    %swap3A_569 = memref.load %arg4[%swap3A_567, %swap3A_568] : memref<3x1024xf32, #tpu.memory_space<smem>>
    memref.store %reduce_max3A_560, %arg4[%swap3A_567, %swap3A_568] : memref<3x1024xf32, #tpu.memory_space<smem>>
    %get3A_570 = arith.constant 3 : index
    %get3A_571 = arith.constant 0 : index
    %get3A_572 = arith.constant 0 : index
    %get3A_573 = arith.constant 0 : index
    %get3A_574 = vector.load %arg0[%get3A_570, %get3A_571, %get3A_572, %get3A_573] : memref<4x3x128x128xf32, #tpu.memory_space<vmem>>, vector<1x1x128x128xf32>
    %get3A_575 = vector.shape_cast %get3A_574 : vector<1x1x128x128xf32> to vector<128x128xf32>
    %get3A_576 = arith.constant 3 : index
    %get3A_577 = arith.constant 1 : index
    %get3A_578 = arith.constant 0 : index
    %get3A_579 = arith.constant 0 : index
    %get3A_580 = vector.load %arg0[%get3A_576, %get3A_577, %get3A_578, %get3A_579] : memref<4x3x128x128xf32, #tpu.memory_space<vmem>>, vector<1x1x128x128xf32>
    %get3A_581 = vector.shape_cast %get3A_580 : vector<1x1x128x128xf32> to vector<128x128xf32>
    %get3A_582 = arith.constant 3 : index
    %get3A_583 = arith.constant 2 : index
    %get3A_584 = arith.constant 0 : index
    %get3A_585 = arith.constant 0 : index
    %get3A_586 = vector.load %arg0[%get3A_582, %get3A_583, %get3A_584, %get3A_585] : memref<4x3x128x128xf32, #tpu.memory_space<vmem>>, vector<1x1x128x128xf32>
    %get3A_587 = vector.shape_cast %get3A_586 : vector<1x1x128x128xf32> to vector<128x128xf32>
    %sub3A_588 = vector.broadcast %scan3A_227#9 : f32 to vector<128x128xf32>
    %sub3A_589 = arith.subf %get3A_575, %sub3A_588 : vector<128x128xf32>
    %sub3A_590 = vector.broadcast %scan3A_227#10 : f32 to vector<128x128xf32>
    %sub3A_591 = arith.subf %get3A_581, %sub3A_590 : vector<128x128xf32>
    %sub3A_592 = vector.broadcast %scan3A_227#11 : f32 to vector<128x128xf32>
    %sub3A_593 = arith.subf %get3A_587, %sub3A_592 : vector<128x128xf32>
    %mul3A_594 = arith.mulf %sub3A_589, %sub3A_589 : vector<128x128xf32>
    %mul3A_595 = arith.mulf %sub3A_591, %sub3A_591 : vector<128x128xf32>
    %add3A_596 = arith.addf %mul3A_594, %mul3A_595 : vector<128x128xf32>
    %mul3A_597 = arith.mulf %sub3A_593, %sub3A_593 : vector<128x128xf32>
    %add3A_598 = arith.addf %add3A_596, %mul3A_597 : vector<128x128xf32>
    %get3A_599 = arith.constant 0 : index
    %get3A_600 = arith.constant 0 : index
    %get3A_601 = vector.load %arg9[%get3A_599, %get3A_600] : memref<128x128xf32, #tpu.memory_space<vmem>>, vector<128x128xf32>
    %min3A_602 = arith.minimumf %get3A_601, %add3A_598 : vector<128x128xf32>
    %swap3A_603 = arith.constant 0 : index
    %swap3A_604 = arith.constant 0 : index
    %swap3A_605 = vector.load %arg9[%swap3A_603, %swap3A_604] : memref<128x128xf32, #tpu.memory_space<vmem>>, vector<128x128xf32>
    tpu.vector_store %arg9[%swap3A_603, %swap3A_604], %min3A_602 {strides = array<i32>} : memref<128x128xf32, #tpu.memory_space<vmem>>, vector<128x128xf32>,
    %reduce_max3A_606 = vector.shape_cast %min3A_602 : vector<128x128xf32> to vector<1x128x128xf32>
    %reduce_max3A_607 = arith.constant dense<0xFF800000> : vector<1xf32>
    %reduce_max3A_608 = vector.multi_reduction <maximumf>, %reduce_max3A_606, %reduce_max3A_607 [1, 2] : vector<1x128x128xf32> to vector<1xf32>
    %reduce_max3A_609 = vector.shape_cast %reduce_max3A_608 : vector<1xf32> to vector<1x1x1xf32>
    %reduce_max3A_610 = vector.extract %reduce_max3A_609[0, 0, 0] : f32 from vector<1x1x1xf32>
    %eq3A_611 = vector.broadcast %reduce_max3A_610 : f32 to vector<128x128xf32>
    %eq3A_612 = arith.cmpf oeq, %min3A_602, %eq3A_611 : vector<128x128xf32>
    %jit3A_613 = arith.constant 16384 : i32
    %broadcast_in_dim3A_614 = vector.broadcast %jit3A_613 : i32 to vector<128x128xi32>
    %select_n3A_615 = arith.select %eq3A_612, %add3A, %broadcast_in_dim3A_614 : vector<128x128xi1>, vector<128x128xi32>
    %reduce_min3A_616 = vector.shape_cast %select_n3A_615 : vector<128x128xi32> to vector<1x128x128xi32>
    %reduce_min3A_617 = arith.constant dense<2147483647> : vector<1xi32>
    %reduce_min3A_618 = vector.multi_reduction <minsi>, %reduce_min3A_616, %reduce_min3A_617 [1, 2] : vector<1x128x128xi32> to vector<1xi32>
    %reduce_min3A_619 = vector.shape_cast %reduce_min3A_618 : vector<1xi32> to vector<1x1x1xi32>
    %reduce_min3A_620 = vector.extract %reduce_min3A_619[0, 0, 0] : i32 from vector<1x1x1xi32>
    %jit3A_621 = arith.constant 128 : i32
    %div3A_622 = arith.divsi %reduce_min3A_620, %jit3A_621 : i32
    %sign3A_623 = arith.constant 0 : i32
    %sign3A_624 = arith.cmpi sgt, %reduce_min3A_620, %sign3A_623 : i32
    %sign3A_625 = arith.extui %sign3A_624 : i1 to i32
    %sign3A_626 = arith.constant 0 : i32
    %sign3A_627 = arith.cmpi slt, %reduce_min3A_620, %sign3A_626 : i32
    %sign3A_628 = arith.extui %sign3A_627 : i1 to i32
    %sign3A_629 = arith.subi %sign3A_625, %sign3A_628 : i32
    %sign3A_630 = arith.constant 0 : i32
    %sign3A_631 = arith.cmpi sgt, %jit3A_621, %sign3A_630 : i32
    %sign3A_632 = arith.extui %sign3A_631 : i1 to i32
    %sign3A_633 = arith.constant 0 : i32
    %sign3A_634 = arith.cmpi slt, %jit3A_621, %sign3A_633 : i32
    %sign3A_635 = arith.extui %sign3A_634 : i1 to i32
    %sign3A_636 = arith.subi %sign3A_632, %sign3A_635 : i32
    %ne3A_637 = arith.cmpi ne, %sign3A_629, %sign3A_636 : i32
    %rem3A_638 = arith.remsi %reduce_min3A_620, %jit3A_621 : i32
    %ne3A_639 = arith.constant 0 : i32
    %ne3A_640 = arith.cmpi ne, %rem3A_638, %ne3A_639 : i32
    %and3A_641 = arith.andi %ne3A_637, %ne3A_640 : i1
    %sub3A_642 = arith.constant 1 : i32
    %sub3A_643 = arith.subi %div3A_622, %sub3A_642 : i32
    %select_n3A_644 = arith.select %and3A_641, %sub3A_643, %div3A_622 : i32
    %mul3A_645 = arith.constant 128 : i32
    %mul3A_646 = arith.muli %select_n3A_644, %mul3A_645 : i32
    %sub3A_647 = arith.subi %reduce_min3A_620, %mul3A_646 : i32
    %get3A_648 = arith.constant 3 : index
    %get3A_649 = arith.index_cast %select_n3A_644 : i32 to index
    %get3A_650 = arith.constant 0 : index
    %get3A_651 = arith.constant 0 : index
    %get3A_652 = vector.load %arg1[%get3A_648, %get3A_649, %get3A_650, %get3A_651] : memref<4x128x8x128xf32, #tpu.memory_space<vmem>>, vector<1x1x8x128xf32>
    %get3A_653 = vector.shape_cast %get3A_652 : vector<1x1x8x128xf32> to vector<1x8x128xf32>
    %squeeze3A_654 = vector.shape_cast %get3A_653 : vector<1x8x128xf32> to vector<8x128xf32>
    %eq3A_655 = vector.broadcast %sub3A_647 : i32 to vector<8x128xi32>
    %eq3A_656 = arith.cmpi eq, %iota3A_3, %eq3A_655 : vector<8x128xi32>
    %jit3A_657 = arith.constant 0xFF800000 : f32
    %broadcast_in_dim3A_658 = vector.broadcast %jit3A_657 : f32 to vector<8x128xf32>
    %select_n3A_659 = arith.select %eq3A_656, %squeeze3A_654, %broadcast_in_dim3A_658 : vector<8x128xi1>, vector<8x128xf32>
    %slice3A_660 = vector.extract_strided_slice %select_n3A_659 {offsets = [0, 0], sizes = [1, 128], strides = [1, 1]} : vector<8x128xf32> to vector<1x128xf32>
    %reduce_max3A_661 = vector.shape_cast %slice3A_660 : vector<1x128xf32> to vector<1x1x128xf32>
    %reduce_max3A_662 = arith.constant dense<0xFF800000> : vector<1xf32>
    %reduce_max3A_663 = vector.multi_reduction <maximumf>, %reduce_max3A_661, %reduce_max3A_662 [1, 2] : vector<1x1x128xf32> to vector<1xf32>
    %reduce_max3A_664 = vector.shape_cast %reduce_max3A_663 : vector<1xf32> to vector<1x1x1xf32>
    %reduce_max3A_665 = vector.extract %reduce_max3A_664[0, 0, 0] : f32 from vector<1x1x1xf32>
    %slice3A_666 = vector.extract_strided_slice %select_n3A_659 {offsets = [1, 0], sizes = [1, 128], strides = [1, 1]} : vector<8x128xf32> to vector<1x128xf32>
    %reduce_max3A_667 = vector.shape_cast %slice3A_666 : vector<1x128xf32> to vector<1x1x128xf32>
    %reduce_max3A_668 = arith.constant dense<0xFF800000> : vector<1xf32>
    %reduce_max3A_669 = vector.multi_reduction <maximumf>, %reduce_max3A_667, %reduce_max3A_668 [1, 2] : vector<1x1x128xf32> to vector<1xf32>
    %reduce_max3A_670 = vector.shape_cast %reduce_max3A_669 : vector<1xf32> to vector<1x1x1xf32>
    %reduce_max3A_671 = vector.extract %reduce_max3A_670[0, 0, 0] : f32 from vector<1x1x1xf32>
    %slice3A_672 = vector.extract_strided_slice %select_n3A_659 {offsets = [2, 0], sizes = [1, 128], strides = [1, 1]} : vector<8x128xf32> to vector<1x128xf32>
    %reduce_max3A_673 = vector.shape_cast %slice3A_672 : vector<1x128xf32> to vector<1x1x128xf32>
    %reduce_max3A_674 = arith.constant dense<0xFF800000> : vector<1xf32>
    %reduce_max3A_675 = vector.multi_reduction <maximumf>, %reduce_max3A_673, %reduce_max3A_674 [1, 2] : vector<1x1x128xf32> to vector<1xf32>
    %reduce_max3A_676 = vector.shape_cast %reduce_max3A_675 : vector<1xf32> to vector<1x1x1xf32>
    %reduce_max3A_677 = vector.extract %reduce_max3A_676[0, 0, 0] : f32 from vector<1x1x1xf32>
    %swap3A_678 = arith.constant 0 : index
    %swap3A_679 = arith.constant 1023 : index
    %swap3A_680 = memref.load %arg5[%swap3A_678, %swap3A_679] : memref<3x1024xf32, #tpu.memory_space<smem>>
    memref.store %reduce_max3A_665, %arg5[%swap3A_678, %swap3A_679] : memref<3x1024xf32, #tpu.memory_space<smem>>
    %swap3A_681 = arith.constant 1 : index
    %swap3A_682 = arith.constant 1023 : index
    %swap3A_683 = memref.load %arg5[%swap3A_681, %swap3A_682] : memref<3x1024xf32, #tpu.memory_space<smem>>
    memref.store %reduce_max3A_671, %arg5[%swap3A_681, %swap3A_682] : memref<3x1024xf32, #tpu.memory_space<smem>>
    %swap3A_684 = arith.constant 2 : index
    %swap3A_685 = arith.constant 1023 : index
    %swap3A_686 = memref.load %arg5[%swap3A_684, %swap3A_685] : memref<3x1024xf32, #tpu.memory_space<smem>>
    memref.store %reduce_max3A_677, %arg5[%swap3A_684, %swap3A_685] : memref<3x1024xf32, #tpu.memory_space<smem>>
    return
  }
}

module attributes {stable_mosaic.version = 14 : i64} {
  func.func @_bq_body(%arg0: i32, %arg1: i32, %arg2: memref<128x8xf32, #tpu.memory_space<vmem>>, %arg3: memref<1x32x8x512xf32, #tpu.memory_space<vmem>>, %arg4: memref<128x32xi32, #tpu.memory_space<vmem>>) attributes {dimension_semantics = [#tpu.dimension_semantics<arbitrary>, #tpu.dimension_semantics<arbitrary>], iteration_bounds = array<i64: 4, 8>, scalar_prefetch = 0 : i64, scratch_operands = 0 : i64, tpu.core_type = #tpu.core_type<tc>, window_params = [{transform_indices = @transform_0, window_bounds = array<i64: 128, 8>}, {transform_indices = @transform_1, window_bounds = array<i64: 1, 32, 8, 512>}, {transform_indices = @transform_2, window_bounds = array<i64: 128, 32>}]} {
    %get3A = arith.constant 0 : index
    %get3A_0 = arith.constant 0 : index
    %get3A_1 = vector.load %arg2[%get3A, %get3A_0] : memref<128x8xf32, #tpu.memory_space<vmem>>, vector<128x8xf32>
    %slice3A = vector.extract_strided_slice %get3A_1 {offsets = [0, 0], sizes = [128, 1], strides = [1, 1]} : vector<128x8xf32> to vector<128x1xf32>
    %slice3A_2 = vector.extract_strided_slice %get3A_1 {offsets = [0, 1], sizes = [128, 1], strides = [1, 1]} : vector<128x8xf32> to vector<128x1xf32>
    %slice3A_3 = vector.extract_strided_slice %get3A_1 {offsets = [0, 2], sizes = [128, 1], strides = [1, 1]} : vector<128x8xf32> to vector<128x1xf32>
    %mul3A = arith.mulf %slice3A, %slice3A : vector<128x1xf32>
    %mul3A_4 = arith.mulf %slice3A_2, %slice3A_2 : vector<128x1xf32>
    %add3A = arith.addf %mul3A, %mul3A_4 : vector<128x1xf32>
    %mul3A_5 = arith.mulf %slice3A_3, %slice3A_3 : vector<128x1xf32>
    %add3A_6 = arith.addf %add3A, %mul3A_5 : vector<128x1xf32>
    %iota3A = tpu.iota {dimensions = array<i32: 0>} : vector<512x512xi32>
    %iota3A_7 = tpu.iota {dimensions = array<i32: 1>} : vector<512x512xi32>
    %le3A = arith.cmpi sle, %iota3A, %iota3A_7 : vector<512x512xi32>
    %convert_element_type3A = arith.extui %le3A : vector<512x512xi1> to vector<512x512xi32>
    %convert_element_type3A_8 = arith.sitofp %convert_element_type3A : vector<512x512xi32> to vector<512x512xf32>
    %broadcast_in_dim3A = arith.constant 0.000000e+00 : f32
    %broadcast_in_dim3A_9 = vector.broadcast %broadcast_in_dim3A : f32 to vector<128x1xf32>
    %broadcast_in_dim3A_10 = arith.constant 0.000000e+00 : f32
    %broadcast_in_dim3A_11 = vector.broadcast %broadcast_in_dim3A_10 : f32 to vector<128x32xf32>
    %scan3A = arith.constant 0 : i32
    %scan3A_12 = arith.constant 32 : i32
    %scan3A_13 = arith.addi %scan3A, %scan3A_12 : i32
    %scan3A_14 = arith.constant 1 : i32
    %scan3A_15:2 = scf.for %scan3A_34 = %scan3A to %scan3A_13 step %scan3A_14 iter_args(%scan3A_35 = %broadcast_in_dim3A_9, %scan3A_36 = %broadcast_in_dim3A_11) -> (vector<128x1xf32>, vector<128x32xf32>)  : i32 {
      %reduce_min3A = vector.shape_cast %scan3A_35 : vector<128x1xf32> to vector<1x128x1xf32>
      %reduce_min3A_37 = arith.constant dense<0x7F800000> : vector<1xf32>
      %reduce_min3A_38 = vector.multi_reduction <minimumf>, %reduce_min3A, %reduce_min3A_37 [1, 2] : vector<1x128x1xf32> to vector<1xf32>
      %reduce_min3A_39 = vector.shape_cast %reduce_min3A_38 : vector<1xf32> to vector<1x1x1xf32>
      %reduce_min3A_40 = vector.extract %reduce_min3A_39[0, 0, 0] : f32 from vector<1x1x1xf32>
      %lt3A_41 = arith.constant 3.200000e+01 : f32
      %lt3A_42 = arith.cmpf olt, %reduce_min3A_40, %lt3A_41 : f32
      %convert_element_type3A_43 = arith.extui %lt3A_42 : i1 to i32
      %cond3A = arith.constant 0 : i32
      %cond3A_44 = arith.cmpi ne, %convert_element_type3A_43, %cond3A : i32
      %cond3A_45:2 = scf.if %cond3A_44 -> (vector<128x1xf32>, vector<128x32xf32>) {
        %get3A_46 = arith.constant 0 : index
        %get3A_47 = arith.index_cast %scan3A_34 : i32 to index
        %get3A_48 = arith.constant 0 : index
        %get3A_49 = arith.constant 0 : index
        %get3A_50 = vector.load %arg3[%get3A_46, %get3A_47, %get3A_48, %get3A_49] : memref<1x32x8x512xf32, #tpu.memory_space<vmem>>, vector<1x1x8x512xf32>
        %get3A_51 = vector.shape_cast %get3A_50 : vector<1x1x8x512xf32> to vector<8x512xf32>
        %dot_general3A = arith.constant dense<0.000000e+00> : vector<128x512xf32>
        %dot_general3A_52 = tpu.matmul %get3A_1, %get3A_51, %dot_general3A {dimension_numbers = #tpu.dot_dimension_numbers<[1], [0], [0], [1], [0, 0, 1, 1], [], []>, transpose_lhs_hint = false} : vector<128x8xf32>, vector<8x512xf32>, vector<128x512xf32> -> vector<128x512xf32>
        %slice3A_53 = vector.extract_strided_slice %get3A_51 {offsets = [0, 0], sizes = [1, 512], strides = [1, 1]} : vector<8x512xf32> to vector<1x512xf32>
        %slice3A_54 = vector.extract_strided_slice %get3A_51 {offsets = [1, 0], sizes = [1, 512], strides = [1, 1]} : vector<8x512xf32> to vector<1x512xf32>
        %slice3A_55 = vector.extract_strided_slice %get3A_51 {offsets = [2, 0], sizes = [1, 512], strides = [1, 1]} : vector<8x512xf32> to vector<1x512xf32>
        %mul3A_56 = arith.mulf %slice3A_53, %slice3A_53 : vector<1x512xf32>
        %mul3A_57 = arith.mulf %slice3A_54, %slice3A_54 : vector<1x512xf32>
        %add3A_58 = arith.addf %mul3A_56, %mul3A_57 : vector<1x512xf32>
        %mul3A_59 = arith.mulf %slice3A_55, %slice3A_55 : vector<1x512xf32>
        %add3A_60 = arith.addf %add3A_58, %mul3A_59 : vector<1x512xf32>
        %add3A_61 = vector.broadcast %add3A_6 : vector<128x1xf32> to vector<128x512xf32>
        %add3A_62 = vector.broadcast %add3A_60 : vector<1x512xf32> to vector<128x512xf32>
        %add3A_63 = arith.addf %add3A_61, %add3A_62 : vector<128x512xf32>
        %mul3A_64 = arith.constant 2.000000e+00 : f32
        %mul3A_65 = vector.broadcast %mul3A_64 : f32 to vector<128x512xf32>
        %mul3A_66 = arith.mulf %mul3A_65, %dot_general3A_52 : vector<128x512xf32>
        %sub3A = arith.subf %add3A_63, %mul3A_66 : vector<128x512xf32>
        %le3A_67 = arith.constant 4.000000e-02 : f32
        %le3A_68 = vector.broadcast %le3A_67 : f32 to vector<128x512xf32>
        %le3A_69 = arith.cmpf ole, %sub3A, %le3A_68 : vector<128x512xf32>
        %convert_element_type3A_70 = arith.extui %le3A_69 : vector<128x512xi1> to vector<128x512xi32>
        %convert_element_type3A_71 = arith.sitofp %convert_element_type3A_70 : vector<128x512xi32> to vector<128x512xf32>
        %dot_general3A_72 = arith.constant dense<0.000000e+00> : vector<128x512xf32>
        %dot_general3A_73 = tpu.matmul %convert_element_type3A_71, %convert_element_type3A_8, %dot_general3A_72 {dimension_numbers = #tpu.dot_dimension_numbers<[1], [0], [0], [1], [0, 0, 1, 1], [], []>, transpose_lhs_hint = false} : vector<128x512xf32>, vector<512x512xf32>, vector<128x512xf32> -> vector<128x512xf32>
        %add3A_74 = vector.broadcast %scan3A_35 : vector<128x1xf32> to vector<128x512xf32>
        %add3A_75 = arith.addf %dot_general3A_73, %add3A_74 : vector<128x512xf32>
        %lt3A_76 = arith.constant 1.000000e+00 : f32
        %lt3A_77 = vector.broadcast %lt3A_76 : f32 to vector<128x512xf32>
        %lt3A_78 = arith.cmpf olt, %add3A_75, %lt3A_77 : vector<128x512xf32>
        %convert_element_type3A_79 = arith.extui %lt3A_78 : vector<128x512xi1> to vector<128x512xi32>
        %convert_element_type3A_80 = arith.sitofp %convert_element_type3A_79 : vector<128x512xi32> to vector<128x512xf32>
        %reduce_sum3A = arith.constant dense<0.000000e+00> : vector<128xf32>
        %reduce_sum3A_81 = vector.multi_reduction <add>, %convert_element_type3A_80, %reduce_sum3A [1] : vector<128x512xf32> to vector<128xf32>
        %broadcast_in_dim3A_82 = vector.shape_cast %reduce_sum3A_81 : vector<128xf32> to vector<128x1xf32>
        %lt3A_83 = arith.constant 2.000000e+00 : f32
        %lt3A_84 = vector.broadcast %lt3A_83 : f32 to vector<128x512xf32>
        %lt3A_85 = arith.cmpf olt, %add3A_75, %lt3A_84 : vector<128x512xf32>
        %convert_element_type3A_86 = arith.extui %lt3A_85 : vector<128x512xi1> to vector<128x512xi32>
        %convert_element_type3A_87 = arith.sitofp %convert_element_type3A_86 : vector<128x512xi32> to vector<128x512xf32>
        %reduce_sum3A_88 = arith.constant dense<0.000000e+00> : vector<128xf32>
        %reduce_sum3A_89 = vector.multi_reduction <add>, %convert_element_type3A_87, %reduce_sum3A_88 [1] : vector<128x512xf32> to vector<128xf32>
        %broadcast_in_dim3A_90 = vector.shape_cast %reduce_sum3A_89 : vector<128xf32> to vector<128x1xf32>
        %lt3A_91 = arith.constant 3.000000e+00 : f32
        %lt3A_92 = vector.broadcast %lt3A_91 : f32 to vector<128x512xf32>
        %lt3A_93 = arith.cmpf olt, %add3A_75, %lt3A_92 : vector<128x512xf32>
        %convert_element_type3A_94 = arith.extui %lt3A_93 : vector<128x512xi1> to vector<128x512xi32>
        %convert_element_type3A_95 = arith.sitofp %convert_element_type3A_94 : vector<128x512xi32> to vector<128x512xf32>
        %reduce_sum3A_96 = arith.constant dense<0.000000e+00> : vector<128xf32>
        %reduce_sum3A_97 = vector.multi_reduction <add>, %convert_element_type3A_95, %reduce_sum3A_96 [1] : vector<128x512xf32> to vector<128xf32>
        %broadcast_in_dim3A_98 = vector.shape_cast %reduce_sum3A_97 : vector<128xf32> to vector<128x1xf32>
        %lt3A_99 = arith.constant 4.000000e+00 : f32
        %lt3A_100 = vector.broadcast %lt3A_99 : f32 to vector<128x512xf32>
        %lt3A_101 = arith.cmpf olt, %add3A_75, %lt3A_100 : vector<128x512xf32>
        %convert_element_type3A_102 = arith.extui %lt3A_101 : vector<128x512xi1> to vector<128x512xi32>
        %convert_element_type3A_103 = arith.sitofp %convert_element_type3A_102 : vector<128x512xi32> to vector<128x512xf32>
        %reduce_sum3A_104 = arith.constant dense<0.000000e+00> : vector<128xf32>
        %reduce_sum3A_105 = vector.multi_reduction <add>, %convert_element_type3A_103, %reduce_sum3A_104 [1] : vector<128x512xf32> to vector<128xf32>
        %broadcast_in_dim3A_106 = vector.shape_cast %reduce_sum3A_105 : vector<128xf32> to vector<128x1xf32>
        %lt3A_107 = arith.constant 5.000000e+00 : f32
        %lt3A_108 = vector.broadcast %lt3A_107 : f32 to vector<128x512xf32>
        %lt3A_109 = arith.cmpf olt, %add3A_75, %lt3A_108 : vector<128x512xf32>
        %convert_element_type3A_110 = arith.extui %lt3A_109 : vector<128x512xi1> to vector<128x512xi32>
        %convert_element_type3A_111 = arith.sitofp %convert_element_type3A_110 : vector<128x512xi32> to vector<128x512xf32>
        %reduce_sum3A_112 = arith.constant dense<0.000000e+00> : vector<128xf32>
        %reduce_sum3A_113 = vector.multi_reduction <add>, %convert_element_type3A_111, %reduce_sum3A_112 [1] : vector<128x512xf32> to vector<128xf32>
        %broadcast_in_dim3A_114 = vector.shape_cast %reduce_sum3A_113 : vector<128xf32> to vector<128x1xf32>
        %lt3A_115 = arith.constant 6.000000e+00 : f32
        %lt3A_116 = vector.broadcast %lt3A_115 : f32 to vector<128x512xf32>
        %lt3A_117 = arith.cmpf olt, %add3A_75, %lt3A_116 : vector<128x512xf32>
        %convert_element_type3A_118 = arith.extui %lt3A_117 : vector<128x512xi1> to vector<128x512xi32>
        %convert_element_type3A_119 = arith.sitofp %convert_element_type3A_118 : vector<128x512xi32> to vector<128x512xf32>
        %reduce_sum3A_120 = arith.constant dense<0.000000e+00> : vector<128xf32>
        %reduce_sum3A_121 = vector.multi_reduction <add>, %convert_element_type3A_119, %reduce_sum3A_120 [1] : vector<128x512xf32> to vector<128xf32>
        %broadcast_in_dim3A_122 = vector.shape_cast %reduce_sum3A_121 : vector<128xf32> to vector<128x1xf32>
        %lt3A_123 = arith.constant 7.000000e+00 : f32
        %lt3A_124 = vector.broadcast %lt3A_123 : f32 to vector<128x512xf32>
        %lt3A_125 = arith.cmpf olt, %add3A_75, %lt3A_124 : vector<128x512xf32>
        %convert_element_type3A_126 = arith.extui %lt3A_125 : vector<128x512xi1> to vector<128x512xi32>
        %convert_element_type3A_127 = arith.sitofp %convert_element_type3A_126 : vector<128x512xi32> to vector<128x512xf32>
        %reduce_sum3A_128 = arith.constant dense<0.000000e+00> : vector<128xf32>
        %reduce_sum3A_129 = vector.multi_reduction <add>, %convert_element_type3A_127, %reduce_sum3A_128 [1] : vector<128x512xf32> to vector<128xf32>
        %broadcast_in_dim3A_130 = vector.shape_cast %reduce_sum3A_129 : vector<128xf32> to vector<128x1xf32>
        %lt3A_131 = arith.constant 8.000000e+00 : f32
        %lt3A_132 = vector.broadcast %lt3A_131 : f32 to vector<128x512xf32>
        %lt3A_133 = arith.cmpf olt, %add3A_75, %lt3A_132 : vector<128x512xf32>
        %convert_element_type3A_134 = arith.extui %lt3A_133 : vector<128x512xi1> to vector<128x512xi32>
        %convert_element_type3A_135 = arith.sitofp %convert_element_type3A_134 : vector<128x512xi32> to vector<128x512xf32>
        %reduce_sum3A_136 = arith.constant dense<0.000000e+00> : vector<128xf32>
        %reduce_sum3A_137 = vector.multi_reduction <add>, %convert_element_type3A_135, %reduce_sum3A_136 [1] : vector<128x512xf32> to vector<128xf32>
        %broadcast_in_dim3A_138 = vector.shape_cast %reduce_sum3A_137 : vector<128xf32> to vector<128x1xf32>
        %lt3A_139 = arith.constant 9.000000e+00 : f32
        %lt3A_140 = vector.broadcast %lt3A_139 : f32 to vector<128x512xf32>
        %lt3A_141 = arith.cmpf olt, %add3A_75, %lt3A_140 : vector<128x512xf32>
        %convert_element_type3A_142 = arith.extui %lt3A_141 : vector<128x512xi1> to vector<128x512xi32>
        %convert_element_type3A_143 = arith.sitofp %convert_element_type3A_142 : vector<128x512xi32> to vector<128x512xf32>
        %reduce_sum3A_144 = arith.constant dense<0.000000e+00> : vector<128xf32>
        %reduce_sum3A_145 = vector.multi_reduction <add>, %convert_element_type3A_143, %reduce_sum3A_144 [1] : vector<128x512xf32> to vector<128xf32>
        %broadcast_in_dim3A_146 = vector.shape_cast %reduce_sum3A_145 : vector<128xf32> to vector<128x1xf32>
        %lt3A_147 = arith.constant 1.000000e+01 : f32
        %lt3A_148 = vector.broadcast %lt3A_147 : f32 to vector<128x512xf32>
        %lt3A_149 = arith.cmpf olt, %add3A_75, %lt3A_148 : vector<128x512xf32>
        %convert_element_type3A_150 = arith.extui %lt3A_149 : vector<128x512xi1> to vector<128x512xi32>
        %convert_element_type3A_151 = arith.sitofp %convert_element_type3A_150 : vector<128x512xi32> to vector<128x512xf32>
        %reduce_sum3A_152 = arith.constant dense<0.000000e+00> : vector<128xf32>
        %reduce_sum3A_153 = vector.multi_reduction <add>, %convert_element_type3A_151, %reduce_sum3A_152 [1] : vector<128x512xf32> to vector<128xf32>
        %broadcast_in_dim3A_154 = vector.shape_cast %reduce_sum3A_153 : vector<128xf32> to vector<128x1xf32>
        %lt3A_155 = arith.constant 1.100000e+01 : f32
        %lt3A_156 = vector.broadcast %lt3A_155 : f32 to vector<128x512xf32>
        %lt3A_157 = arith.cmpf olt, %add3A_75, %lt3A_156 : vector<128x512xf32>
        %convert_element_type3A_158 = arith.extui %lt3A_157 : vector<128x512xi1> to vector<128x512xi32>
        %convert_element_type3A_159 = arith.sitofp %convert_element_type3A_158 : vector<128x512xi32> to vector<128x512xf32>
        %reduce_sum3A_160 = arith.constant dense<0.000000e+00> : vector<128xf32>
        %reduce_sum3A_161 = vector.multi_reduction <add>, %convert_element_type3A_159, %reduce_sum3A_160 [1] : vector<128x512xf32> to vector<128xf32>
        %broadcast_in_dim3A_162 = vector.shape_cast %reduce_sum3A_161 : vector<128xf32> to vector<128x1xf32>
        %lt3A_163 = arith.constant 1.200000e+01 : f32
        %lt3A_164 = vector.broadcast %lt3A_163 : f32 to vector<128x512xf32>
        %lt3A_165 = arith.cmpf olt, %add3A_75, %lt3A_164 : vector<128x512xf32>
        %convert_element_type3A_166 = arith.extui %lt3A_165 : vector<128x512xi1> to vector<128x512xi32>
        %convert_element_type3A_167 = arith.sitofp %convert_element_type3A_166 : vector<128x512xi32> to vector<128x512xf32>
        %reduce_sum3A_168 = arith.constant dense<0.000000e+00> : vector<128xf32>
        %reduce_sum3A_169 = vector.multi_reduction <add>, %convert_element_type3A_167, %reduce_sum3A_168 [1] : vector<128x512xf32> to vector<128xf32>
        %broadcast_in_dim3A_170 = vector.shape_cast %reduce_sum3A_169 : vector<128xf32> to vector<128x1xf32>
        %lt3A_171 = arith.constant 1.300000e+01 : f32
        %lt3A_172 = vector.broadcast %lt3A_171 : f32 to vector<128x512xf32>
        %lt3A_173 = arith.cmpf olt, %add3A_75, %lt3A_172 : vector<128x512xf32>
        %convert_element_type3A_174 = arith.extui %lt3A_173 : vector<128x512xi1> to vector<128x512xi32>
        %convert_element_type3A_175 = arith.sitofp %convert_element_type3A_174 : vector<128x512xi32> to vector<128x512xf32>
        %reduce_sum3A_176 = arith.constant dense<0.000000e+00> : vector<128xf32>
        %reduce_sum3A_177 = vector.multi_reduction <add>, %convert_element_type3A_175, %reduce_sum3A_176 [1] : vector<128x512xf32> to vector<128xf32>
        %broadcast_in_dim3A_178 = vector.shape_cast %reduce_sum3A_177 : vector<128xf32> to vector<128x1xf32>
        %lt3A_179 = arith.constant 1.400000e+01 : f32
        %lt3A_180 = vector.broadcast %lt3A_179 : f32 to vector<128x512xf32>
        %lt3A_181 = arith.cmpf olt, %add3A_75, %lt3A_180 : vector<128x512xf32>
        %convert_element_type3A_182 = arith.extui %lt3A_181 : vector<128x512xi1> to vector<128x512xi32>
        %convert_element_type3A_183 = arith.sitofp %convert_element_type3A_182 : vector<128x512xi32> to vector<128x512xf32>
        %reduce_sum3A_184 = arith.constant dense<0.000000e+00> : vector<128xf32>
        %reduce_sum3A_185 = vector.multi_reduction <add>, %convert_element_type3A_183, %reduce_sum3A_184 [1] : vector<128x512xf32> to vector<128xf32>
        %broadcast_in_dim3A_186 = vector.shape_cast %reduce_sum3A_185 : vector<128xf32> to vector<128x1xf32>
        %lt3A_187 = arith.constant 1.500000e+01 : f32
        %lt3A_188 = vector.broadcast %lt3A_187 : f32 to vector<128x512xf32>
        %lt3A_189 = arith.cmpf olt, %add3A_75, %lt3A_188 : vector<128x512xf32>
        %convert_element_type3A_190 = arith.extui %lt3A_189 : vector<128x512xi1> to vector<128x512xi32>
        %convert_element_type3A_191 = arith.sitofp %convert_element_type3A_190 : vector<128x512xi32> to vector<128x512xf32>
        %reduce_sum3A_192 = arith.constant dense<0.000000e+00> : vector<128xf32>
        %reduce_sum3A_193 = vector.multi_reduction <add>, %convert_element_type3A_191, %reduce_sum3A_192 [1] : vector<128x512xf32> to vector<128xf32>
        %broadcast_in_dim3A_194 = vector.shape_cast %reduce_sum3A_193 : vector<128xf32> to vector<128x1xf32>
        %lt3A_195 = arith.constant 1.600000e+01 : f32
        %lt3A_196 = vector.broadcast %lt3A_195 : f32 to vector<128x512xf32>
        %lt3A_197 = arith.cmpf olt, %add3A_75, %lt3A_196 : vector<128x512xf32>
        %convert_element_type3A_198 = arith.extui %lt3A_197 : vector<128x512xi1> to vector<128x512xi32>
        %convert_element_type3A_199 = arith.sitofp %convert_element_type3A_198 : vector<128x512xi32> to vector<128x512xf32>
        %reduce_sum3A_200 = arith.constant dense<0.000000e+00> : vector<128xf32>
        %reduce_sum3A_201 = vector.multi_reduction <add>, %convert_element_type3A_199, %reduce_sum3A_200 [1] : vector<128x512xf32> to vector<128xf32>
        %broadcast_in_dim3A_202 = vector.shape_cast %reduce_sum3A_201 : vector<128xf32> to vector<128x1xf32>
        %lt3A_203 = arith.constant 1.700000e+01 : f32
        %lt3A_204 = vector.broadcast %lt3A_203 : f32 to vector<128x512xf32>
        %lt3A_205 = arith.cmpf olt, %add3A_75, %lt3A_204 : vector<128x512xf32>
        %convert_element_type3A_206 = arith.extui %lt3A_205 : vector<128x512xi1> to vector<128x512xi32>
        %convert_element_type3A_207 = arith.sitofp %convert_element_type3A_206 : vector<128x512xi32> to vector<128x512xf32>
        %reduce_sum3A_208 = arith.constant dense<0.000000e+00> : vector<128xf32>
        %reduce_sum3A_209 = vector.multi_reduction <add>, %convert_element_type3A_207, %reduce_sum3A_208 [1] : vector<128x512xf32> to vector<128xf32>
        %broadcast_in_dim3A_210 = vector.shape_cast %reduce_sum3A_209 : vector<128xf32> to vector<128x1xf32>
        %lt3A_211 = arith.constant 1.800000e+01 : f32
        %lt3A_212 = vector.broadcast %lt3A_211 : f32 to vector<128x512xf32>
        %lt3A_213 = arith.cmpf olt, %add3A_75, %lt3A_212 : vector<128x512xf32>
        %convert_element_type3A_214 = arith.extui %lt3A_213 : vector<128x512xi1> to vector<128x512xi32>
        %convert_element_type3A_215 = arith.sitofp %convert_element_type3A_214 : vector<128x512xi32> to vector<128x512xf32>
        %reduce_sum3A_216 = arith.constant dense<0.000000e+00> : vector<128xf32>
        %reduce_sum3A_217 = vector.multi_reduction <add>, %convert_element_type3A_215, %reduce_sum3A_216 [1] : vector<128x512xf32> to vector<128xf32>
        %broadcast_in_dim3A_218 = vector.shape_cast %reduce_sum3A_217 : vector<128xf32> to vector<128x1xf32>
        %lt3A_219 = arith.constant 1.900000e+01 : f32
        %lt3A_220 = vector.broadcast %lt3A_219 : f32 to vector<128x512xf32>
        %lt3A_221 = arith.cmpf olt, %add3A_75, %lt3A_220 : vector<128x512xf32>
        %convert_element_type3A_222 = arith.extui %lt3A_221 : vector<128x512xi1> to vector<128x512xi32>
        %convert_element_type3A_223 = arith.sitofp %convert_element_type3A_222 : vector<128x512xi32> to vector<128x512xf32>
        %reduce_sum3A_224 = arith.constant dense<0.000000e+00> : vector<128xf32>
        %reduce_sum3A_225 = vector.multi_reduction <add>, %convert_element_type3A_223, %reduce_sum3A_224 [1] : vector<128x512xf32> to vector<128xf32>
        %broadcast_in_dim3A_226 = vector.shape_cast %reduce_sum3A_225 : vector<128xf32> to vector<128x1xf32>
        %lt3A_227 = arith.constant 2.000000e+01 : f32
        %lt3A_228 = vector.broadcast %lt3A_227 : f32 to vector<128x512xf32>
        %lt3A_229 = arith.cmpf olt, %add3A_75, %lt3A_228 : vector<128x512xf32>
        %convert_element_type3A_230 = arith.extui %lt3A_229 : vector<128x512xi1> to vector<128x512xi32>
        %convert_element_type3A_231 = arith.sitofp %convert_element_type3A_230 : vector<128x512xi32> to vector<128x512xf32>
        %reduce_sum3A_232 = arith.constant dense<0.000000e+00> : vector<128xf32>
        %reduce_sum3A_233 = vector.multi_reduction <add>, %convert_element_type3A_231, %reduce_sum3A_232 [1] : vector<128x512xf32> to vector<128xf32>
        %broadcast_in_dim3A_234 = vector.shape_cast %reduce_sum3A_233 : vector<128xf32> to vector<128x1xf32>
        %lt3A_235 = arith.constant 2.100000e+01 : f32
        %lt3A_236 = vector.broadcast %lt3A_235 : f32 to vector<128x512xf32>
        %lt3A_237 = arith.cmpf olt, %add3A_75, %lt3A_236 : vector<128x512xf32>
        %convert_element_type3A_238 = arith.extui %lt3A_237 : vector<128x512xi1> to vector<128x512xi32>
        %convert_element_type3A_239 = arith.sitofp %convert_element_type3A_238 : vector<128x512xi32> to vector<128x512xf32>
        %reduce_sum3A_240 = arith.constant dense<0.000000e+00> : vector<128xf32>
        %reduce_sum3A_241 = vector.multi_reduction <add>, %convert_element_type3A_239, %reduce_sum3A_240 [1] : vector<128x512xf32> to vector<128xf32>
        %broadcast_in_dim3A_242 = vector.shape_cast %reduce_sum3A_241 : vector<128xf32> to vector<128x1xf32>
        %lt3A_243 = arith.constant 2.200000e+01 : f32
        %lt3A_244 = vector.broadcast %lt3A_243 : f32 to vector<128x512xf32>
        %lt3A_245 = arith.cmpf olt, %add3A_75, %lt3A_244 : vector<128x512xf32>
        %convert_element_type3A_246 = arith.extui %lt3A_245 : vector<128x512xi1> to vector<128x512xi32>
        %convert_element_type3A_247 = arith.sitofp %convert_element_type3A_246 : vector<128x512xi32> to vector<128x512xf32>
        %reduce_sum3A_248 = arith.constant dense<0.000000e+00> : vector<128xf32>
        %reduce_sum3A_249 = vector.multi_reduction <add>, %convert_element_type3A_247, %reduce_sum3A_248 [1] : vector<128x512xf32> to vector<128xf32>
        %broadcast_in_dim3A_250 = vector.shape_cast %reduce_sum3A_249 : vector<128xf32> to vector<128x1xf32>
        %lt3A_251 = arith.constant 2.300000e+01 : f32
        %lt3A_252 = vector.broadcast %lt3A_251 : f32 to vector<128x512xf32>
        %lt3A_253 = arith.cmpf olt, %add3A_75, %lt3A_252 : vector<128x512xf32>
        %convert_element_type3A_254 = arith.extui %lt3A_253 : vector<128x512xi1> to vector<128x512xi32>
        %convert_element_type3A_255 = arith.sitofp %convert_element_type3A_254 : vector<128x512xi32> to vector<128x512xf32>
        %reduce_sum3A_256 = arith.constant dense<0.000000e+00> : vector<128xf32>
        %reduce_sum3A_257 = vector.multi_reduction <add>, %convert_element_type3A_255, %reduce_sum3A_256 [1] : vector<128x512xf32> to vector<128xf32>
        %broadcast_in_dim3A_258 = vector.shape_cast %reduce_sum3A_257 : vector<128xf32> to vector<128x1xf32>
        %lt3A_259 = arith.constant 2.400000e+01 : f32
        %lt3A_260 = vector.broadcast %lt3A_259 : f32 to vector<128x512xf32>
        %lt3A_261 = arith.cmpf olt, %add3A_75, %lt3A_260 : vector<128x512xf32>
        %convert_element_type3A_262 = arith.extui %lt3A_261 : vector<128x512xi1> to vector<128x512xi32>
        %convert_element_type3A_263 = arith.sitofp %convert_element_type3A_262 : vector<128x512xi32> to vector<128x512xf32>
        %reduce_sum3A_264 = arith.constant dense<0.000000e+00> : vector<128xf32>
        %reduce_sum3A_265 = vector.multi_reduction <add>, %convert_element_type3A_263, %reduce_sum3A_264 [1] : vector<128x512xf32> to vector<128xf32>
        %broadcast_in_dim3A_266 = vector.shape_cast %reduce_sum3A_265 : vector<128xf32> to vector<128x1xf32>
        %lt3A_267 = arith.constant 2.500000e+01 : f32
        %lt3A_268 = vector.broadcast %lt3A_267 : f32 to vector<128x512xf32>
        %lt3A_269 = arith.cmpf olt, %add3A_75, %lt3A_268 : vector<128x512xf32>
        %convert_element_type3A_270 = arith.extui %lt3A_269 : vector<128x512xi1> to vector<128x512xi32>
        %convert_element_type3A_271 = arith.sitofp %convert_element_type3A_270 : vector<128x512xi32> to vector<128x512xf32>
        %reduce_sum3A_272 = arith.constant dense<0.000000e+00> : vector<128xf32>
        %reduce_sum3A_273 = vector.multi_reduction <add>, %convert_element_type3A_271, %reduce_sum3A_272 [1] : vector<128x512xf32> to vector<128xf32>
        %broadcast_in_dim3A_274 = vector.shape_cast %reduce_sum3A_273 : vector<128xf32> to vector<128x1xf32>
        %lt3A_275 = arith.constant 2.600000e+01 : f32
        %lt3A_276 = vector.broadcast %lt3A_275 : f32 to vector<128x512xf32>
        %lt3A_277 = arith.cmpf olt, %add3A_75, %lt3A_276 : vector<128x512xf32>
        %convert_element_type3A_278 = arith.extui %lt3A_277 : vector<128x512xi1> to vector<128x512xi32>
        %convert_element_type3A_279 = arith.sitofp %convert_element_type3A_278 : vector<128x512xi32> to vector<128x512xf32>
        %reduce_sum3A_280 = arith.constant dense<0.000000e+00> : vector<128xf32>
        %reduce_sum3A_281 = vector.multi_reduction <add>, %convert_element_type3A_279, %reduce_sum3A_280 [1] : vector<128x512xf32> to vector<128xf32>
        %broadcast_in_dim3A_282 = vector.shape_cast %reduce_sum3A_281 : vector<128xf32> to vector<128x1xf32>
        %lt3A_283 = arith.constant 2.700000e+01 : f32
        %lt3A_284 = vector.broadcast %lt3A_283 : f32 to vector<128x512xf32>
        %lt3A_285 = arith.cmpf olt, %add3A_75, %lt3A_284 : vector<128x512xf32>
        %convert_element_type3A_286 = arith.extui %lt3A_285 : vector<128x512xi1> to vector<128x512xi32>
        %convert_element_type3A_287 = arith.sitofp %convert_element_type3A_286 : vector<128x512xi32> to vector<128x512xf32>
        %reduce_sum3A_288 = arith.constant dense<0.000000e+00> : vector<128xf32>
        %reduce_sum3A_289 = vector.multi_reduction <add>, %convert_element_type3A_287, %reduce_sum3A_288 [1] : vector<128x512xf32> to vector<128xf32>
        %broadcast_in_dim3A_290 = vector.shape_cast %reduce_sum3A_289 : vector<128xf32> to vector<128x1xf32>
        %lt3A_291 = arith.constant 2.800000e+01 : f32
        %lt3A_292 = vector.broadcast %lt3A_291 : f32 to vector<128x512xf32>
        %lt3A_293 = arith.cmpf olt, %add3A_75, %lt3A_292 : vector<128x512xf32>
        %convert_element_type3A_294 = arith.extui %lt3A_293 : vector<128x512xi1> to vector<128x512xi32>
        %convert_element_type3A_295 = arith.sitofp %convert_element_type3A_294 : vector<128x512xi32> to vector<128x512xf32>
        %reduce_sum3A_296 = arith.constant dense<0.000000e+00> : vector<128xf32>
        %reduce_sum3A_297 = vector.multi_reduction <add>, %convert_element_type3A_295, %reduce_sum3A_296 [1] : vector<128x512xf32> to vector<128xf32>
        %broadcast_in_dim3A_298 = vector.shape_cast %reduce_sum3A_297 : vector<128xf32> to vector<128x1xf32>
        %lt3A_299 = arith.constant 2.900000e+01 : f32
        %lt3A_300 = vector.broadcast %lt3A_299 : f32 to vector<128x512xf32>
        %lt3A_301 = arith.cmpf olt, %add3A_75, %lt3A_300 : vector<128x512xf32>
        %convert_element_type3A_302 = arith.extui %lt3A_301 : vector<128x512xi1> to vector<128x512xi32>
        %convert_element_type3A_303 = arith.sitofp %convert_element_type3A_302 : vector<128x512xi32> to vector<128x512xf32>
        %reduce_sum3A_304 = arith.constant dense<0.000000e+00> : vector<128xf32>
        %reduce_sum3A_305 = vector.multi_reduction <add>, %convert_element_type3A_303, %reduce_sum3A_304 [1] : vector<128x512xf32> to vector<128xf32>
        %broadcast_in_dim3A_306 = vector.shape_cast %reduce_sum3A_305 : vector<128xf32> to vector<128x1xf32>
        %lt3A_307 = arith.constant 3.000000e+01 : f32
        %lt3A_308 = vector.broadcast %lt3A_307 : f32 to vector<128x512xf32>
        %lt3A_309 = arith.cmpf olt, %add3A_75, %lt3A_308 : vector<128x512xf32>
        %convert_element_type3A_310 = arith.extui %lt3A_309 : vector<128x512xi1> to vector<128x512xi32>
        %convert_element_type3A_311 = arith.sitofp %convert_element_type3A_310 : vector<128x512xi32> to vector<128x512xf32>
        %reduce_sum3A_312 = arith.constant dense<0.000000e+00> : vector<128xf32>
        %reduce_sum3A_313 = vector.multi_reduction <add>, %convert_element_type3A_311, %reduce_sum3A_312 [1] : vector<128x512xf32> to vector<128xf32>
        %broadcast_in_dim3A_314 = vector.shape_cast %reduce_sum3A_313 : vector<128xf32> to vector<128x1xf32>
        %lt3A_315 = arith.constant 3.100000e+01 : f32
        %lt3A_316 = vector.broadcast %lt3A_315 : f32 to vector<128x512xf32>
        %lt3A_317 = arith.cmpf olt, %add3A_75, %lt3A_316 : vector<128x512xf32>
        %convert_element_type3A_318 = arith.extui %lt3A_317 : vector<128x512xi1> to vector<128x512xi32>
        %convert_element_type3A_319 = arith.sitofp %convert_element_type3A_318 : vector<128x512xi32> to vector<128x512xf32>
        %reduce_sum3A_320 = arith.constant dense<0.000000e+00> : vector<128xf32>
        %reduce_sum3A_321 = vector.multi_reduction <add>, %convert_element_type3A_319, %reduce_sum3A_320 [1] : vector<128x512xf32> to vector<128xf32>
        %broadcast_in_dim3A_322 = vector.shape_cast %reduce_sum3A_321 : vector<128xf32> to vector<128x1xf32>
        %lt3A_323 = arith.constant 3.200000e+01 : f32
        %lt3A_324 = vector.broadcast %lt3A_323 : f32 to vector<128x512xf32>
        %lt3A_325 = arith.cmpf olt, %add3A_75, %lt3A_324 : vector<128x512xf32>
        %convert_element_type3A_326 = arith.extui %lt3A_325 : vector<128x512xi1> to vector<128x512xi32>
        %convert_element_type3A_327 = arith.sitofp %convert_element_type3A_326 : vector<128x512xi32> to vector<128x512xf32>
        %reduce_sum3A_328 = arith.constant dense<0.000000e+00> : vector<128xf32>
        %reduce_sum3A_329 = vector.multi_reduction <add>, %convert_element_type3A_327, %reduce_sum3A_328 [1] : vector<128x512xf32> to vector<128xf32>
        %broadcast_in_dim3A_330 = vector.shape_cast %reduce_sum3A_329 : vector<128xf32> to vector<128x1xf32>
        %concatenate3A = tpu.concatenate %broadcast_in_dim3A_82, %broadcast_in_dim3A_90, %broadcast_in_dim3A_98, %broadcast_in_dim3A_106, %broadcast_in_dim3A_114, %broadcast_in_dim3A_122, %broadcast_in_dim3A_130, %broadcast_in_dim3A_138, %broadcast_in_dim3A_146, %broadcast_in_dim3A_154, %broadcast_in_dim3A_162, %broadcast_in_dim3A_170, %broadcast_in_dim3A_178, %broadcast_in_dim3A_186, %broadcast_in_dim3A_194, %broadcast_in_dim3A_202, %broadcast_in_dim3A_210, %broadcast_in_dim3A_218, %broadcast_in_dim3A_226, %broadcast_in_dim3A_234, %broadcast_in_dim3A_242, %broadcast_in_dim3A_250, %broadcast_in_dim3A_258, %broadcast_in_dim3A_266, %broadcast_in_dim3A_274, %broadcast_in_dim3A_282, %broadcast_in_dim3A_290, %broadcast_in_dim3A_298, %broadcast_in_dim3A_306, %broadcast_in_dim3A_314, %broadcast_in_dim3A_322, %broadcast_in_dim3A_330 in 1 : vector<128x1xf32>, vector<128x1xf32>, vector<128x1xf32>, vector<128x1xf32>, vector<128x1xf32>, vector<128x1xf32>, vector<128x1xf32>, vector<128x1xf32>, vector<128x1xf32>, vector<128x1xf32>, vector<128x1xf32>, vector<128x1xf32>, vector<128x1xf32>, vector<128x1xf32>, vector<128x1xf32>, vector<128x1xf32>, vector<128x1xf32>, vector<128x1xf32>, vector<128x1xf32>, vector<128x1xf32>, vector<128x1xf32>, vector<128x1xf32>, vector<128x1xf32>, vector<128x1xf32>, vector<128x1xf32>, vector<128x1xf32>, vector<128x1xf32>, vector<128x1xf32>, vector<128x1xf32>, vector<128x1xf32>, vector<128x1xf32>, vector<128x1xf32> -> vector<128x32xf32>
        %add3A_331 = arith.addf %scan3A_36, %concatenate3A : vector<128x32xf32>
        %slice3A_332 = vector.extract_strided_slice %add3A_75 {offsets = [0, 511], sizes = [128, 1], strides = [1, 1]} : vector<128x512xf32> to vector<128x1xf32>
        scf.yield %slice3A_332, %add3A_331 : vector<128x1xf32>, vector<128x32xf32>
      } else {
        scf.yield %scan3A_35, %scan3A_36 : vector<128x1xf32>, vector<128x32xf32>
      }
      scf.yield %cond3A_45#0, %cond3A_45#1 : vector<128x1xf32>, vector<128x32xf32>
    }
    %scan3A_16 = arith.constant 32 : i32
    %convert_element_type3A_17 = arith.fptosi %scan3A_15#1 : vector<128x32xf32> to vector<128x32xi32>
    %slice3A_18 = vector.extract_strided_slice %convert_element_type3A_17 {offsets = [0, 0], sizes = [128, 1], strides = [1, 1]} : vector<128x32xi32> to vector<128x1xi32>
    %lt3A = arith.constant 16384 : i32
    %lt3A_19 = vector.broadcast %lt3A : i32 to vector<128x1xi32>
    %lt3A_20 = arith.cmpi slt, %slice3A_18, %lt3A_19 : vector<128x1xi32>
    %jit3A = arith.constant 16383 : i32
    %broadcast_in_dim3A_21 = vector.broadcast %jit3A : i32 to vector<128x1xi32>
    %select_n3A = arith.select %lt3A_20, %slice3A_18, %broadcast_in_dim3A_21 : vector<128x1xi1>, vector<128x1xi32>
    %lt3A_22 = arith.constant 16384 : i32
    %lt3A_23 = vector.broadcast %lt3A_22 : i32 to vector<128x32xi32>
    %lt3A_24 = arith.cmpi slt, %convert_element_type3A_17, %lt3A_23 : vector<128x32xi32>
    %broadcast_in_dim3A_25 = vector.shape_cast %select_n3A : vector<128x1xi32> to vector<128x1xi32>
    %broadcast_in_dim3A_26 = vector.broadcast %broadcast_in_dim3A_25 : vector<128x1xi32> to vector<128x32xi32>
    %select_n3A_27 = arith.select %lt3A_24, %convert_element_type3A_17, %broadcast_in_dim3A_26 : vector<128x32xi1>, vector<128x32xi32>
    %mul3A_28 = arith.constant 16384 : i32
    %mul3A_29 = arith.muli %arg0, %mul3A_28 : i32
    %add3A_30 = vector.broadcast %mul3A_29 : i32 to vector<128x32xi32>
    %add3A_31 = arith.addi %select_n3A_27, %add3A_30 : vector<128x32xi32>
    %swap3A = arith.constant 0 : index
    %swap3A_32 = arith.constant 0 : index
    %swap3A_33 = vector.load %arg4[%swap3A, %swap3A_32] : memref<128x32xi32, #tpu.memory_space<vmem>>, vector<128x32xi32>
    tpu.vector_store %arg4[%swap3A, %swap3A_32], %add3A_31 {strides = array<i32>} : memref<128x32xi32, #tpu.memory_space<vmem>>, vector<128x32xi32>,
    return
  }
  func.func @transform_0(%arg0: i32, %arg1: i32) -> (i32, i32) {
    %mul3A = arith.constant 8 : i32
    %mul3A_0 = arith.muli %arg0, %mul3A : i32
    %add3A = arith.addi %mul3A_0, %arg1 : i32
    %c0_i32 = arith.constant 0 : i32
    %c0_i32_1 = arith.constant 0 : i32
    return %add3A, %c0_i32 : i32, i32
  }
  func.func @transform_1(%arg0: i32, %arg1: i32) -> (i32, i32, i32, i32) {
    %c0_i32 = arith.constant 0 : i32
    %c0_i32_0 = arith.constant 0 : i32
    %c0_i32_1 = arith.constant 0 : i32
    %c0_i32_2 = arith.constant 0 : i32
    return %arg0, %c0_i32, %c0_i32_0, %c0_i32_1 : i32, i32, i32, i32
  }
  func.func @transform_2(%arg0: i32, %arg1: i32) -> (i32, i32) {
    %mul3A = arith.constant 8 : i32
    %mul3A_0 = arith.muli %arg0, %mul3A : i32
    %add3A = arith.addi %mul3A_0, %arg1 : i32
    %c0_i32 = arith.constant 0 : i32
    %c0_i32_1 = arith.constant 0 : i32
    return %add3A, %c0_i32 : i32, i32
  }
}

module attributes {stable_mosaic.version = 14 : i64} {
  func.func @_mlp1_body(%arg0: i32, %arg1: memref<512x128xf32, #tpu.memory_space<vmem>>, %arg2: memref<16x8xf32, #tpu.memory_space<vmem>>, %arg3: memref<128x128xf32, #tpu.memory_space<vmem>>, %arg4: memref<512x128xf32, #tpu.memory_space<vmem>>, %arg5: memref<8x128xf32, #tpu.memory_space<vmem>>) attributes {dimension_semantics = [#tpu.dimension_semantics<arbitrary>], iteration_bounds = array<i64: 256>, scalar_prefetch = 0 : i64, scratch_operands = 0 : i64, tpu.core_type = #tpu.core_type<tc>, window_params = [{transform_indices = @transform_0, window_bounds = array<i64: 512, 128>}, {transform_indices = @transform_1, window_bounds = array<i64: 16, 8>}, {pipeline_mode = #tpu.pipeline_mode<synchronous>, transform_indices = @transform_2, window_bounds = array<i64: 128, 128>}, {transform_indices = @transform_3, window_bounds = array<i64: 512, 128>}, {pipeline_mode = #tpu.pipeline_mode<synchronous>, transform_indices = @transform_4, window_bounds = array<i64: 8, 128>}]} {
    %get3A = arith.constant 0 : index
    %get3A_0 = arith.constant 0 : index
    %get3A_1 = vector.load %arg1[%get3A, %get3A_0] : memref<512x128xf32, #tpu.memory_space<vmem>>, vector<512x128xf32>
    %get3A_2 = arith.constant 0 : index
    %get3A_3 = arith.constant 0 : index
    %get3A_4 = vector.load %arg3[%get3A_2, %get3A_3] : memref<128x128xf32, #tpu.memory_space<vmem>>, vector<128x128xf32>
    %dot_general3A = arith.constant dense<0.000000e+00> : vector<512x128xf32>
    %dot_general3A_5 = tpu.matmul %get3A_1, %get3A_4, %dot_general3A {dimension_numbers = #tpu.dot_dimension_numbers<[1], [0], [0], [1], [0, 0, 1, 1], [], []>, transpose_lhs_hint = false} : vector<512x128xf32>, vector<128x128xf32>, vector<512x128xf32> -> vector<512x128xf32>
    %get3A_6 = arith.constant 0 : index
    %get3A_7 = arith.constant 0 : index
    %get3A_8 = vector.load %arg2[%get3A_6, %get3A_7] : memref<16x8xf32, #tpu.memory_space<vmem>>, vector<16x8xf32>
    %slice3A = vector.extract_strided_slice %get3A_4 {offsets = [0, 0], sizes = [8, 128], strides = [1, 1]} : vector<128x128xf32> to vector<8x128xf32>
    %dot_general3A_9 = arith.constant dense<0.000000e+00> : vector<16x128xf32>
    %dot_general3A_10 = tpu.matmul %get3A_8, %slice3A, %dot_general3A_9 {dimension_numbers = #tpu.dot_dimension_numbers<[1], [0], [0], [1], [0, 0, 1, 1], [], []>, transpose_lhs_hint = false} : vector<16x8xf32>, vector<8x128xf32>, vector<16x128xf32> -> vector<16x128xf32>
    %broadcast_in_dim3A = vector.shape_cast %dot_general3A_10 : vector<16x128xf32> to vector<16x1x128xf32>
    %broadcast_in_dim3A_11 = vector.shape_cast %broadcast_in_dim3A : vector<16x1x128xf32> to vector<16x1x128xf32>
    %broadcast_in_dim3A_12 = vector.broadcast %broadcast_in_dim3A_11 : vector<16x1x128xf32> to vector<16x32x128xf32>
    %reshape3A = vector.shape_cast %broadcast_in_dim3A_12 : vector<16x32x128xf32> to vector<512x128xf32>
    %sub3A = arith.subf %dot_general3A_5, %reshape3A : vector<512x128xf32>
    %swap3A = arith.constant 0 : index
    %swap3A_13 = arith.constant 0 : index
    %swap3A_14 = vector.load %arg4[%swap3A, %swap3A_13] : memref<512x128xf32, #tpu.memory_space<vmem>>, vector<512x128xf32>
    tpu.vector_store %arg4[%swap3A, %swap3A_13], %sub3A {strides = array<i32>} : memref<512x128xf32, #tpu.memory_space<vmem>>, vector<512x128xf32>,
    %eq3A = arith.constant 0 : i32
    %eq3A_15 = arith.cmpi eq, %arg0, %eq3A : i32
    %convert_element_type3A = arith.extui %eq3A_15 : i1 to i32
    %cond3A = arith.constant 0 : i32
    %cond3A_16 = arith.cmpi ne, %convert_element_type3A, %cond3A : i32
    scf.if %cond3A_16 {
      %broadcast_in_dim3A_30 = arith.constant 0.000000e+00 : f32
      %broadcast_in_dim3A_31 = vector.broadcast %broadcast_in_dim3A_30 : f32 to vector<8x128xf32>
      %swap3A_32 = arith.constant 0 : index
      %swap3A_33 = arith.constant 0 : index
      %swap3A_34 = vector.load %arg5[%swap3A_32, %swap3A_33] : memref<8x128xf32, #tpu.memory_space<vmem>>, vector<8x128xf32>
      tpu.vector_store %arg5[%swap3A_32, %swap3A_33], %broadcast_in_dim3A_31 {strides = array<i32>} : memref<8x128xf32, #tpu.memory_space<vmem>>, vector<8x128xf32>,
    } else {
    }
    %reduce_sum3A = arith.constant dense<0.000000e+00> : vector<128xf32>
    %reduce_sum3A_17 = vector.multi_reduction <add>, %sub3A, %reduce_sum3A [0] : vector<512x128xf32> to vector<128xf32>
    %broadcast_in_dim3A_18 = vector.shape_cast %reduce_sum3A_17 : vector<128xf32> to vector<1x128xf32>
    %mul3A = arith.mulf %sub3A, %sub3A : vector<512x128xf32>
    %reduce_sum3A_19 = arith.constant dense<0.000000e+00> : vector<128xf32>
    %reduce_sum3A_20 = vector.multi_reduction <add>, %mul3A, %reduce_sum3A_19 [0] : vector<512x128xf32> to vector<128xf32>
    %broadcast_in_dim3A_21 = vector.shape_cast %reduce_sum3A_20 : vector<128xf32> to vector<1x128xf32>
    %get3A_22 = arith.constant 0 : index
    %get3A_23 = arith.constant 0 : index
    %get3A_24 = vector.load %arg5[%get3A_22, %get3A_23] : memref<8x128xf32, #tpu.memory_space<vmem>>, vector<8x128xf32>
    %broadcast_in_dim3A_25 = arith.constant 0.000000e+00 : f32
    %broadcast_in_dim3A_26 = vector.broadcast %broadcast_in_dim3A_25 : f32 to vector<6x128xf32>
    %concatenate3A = tpu.concatenate %broadcast_in_dim3A_18, %broadcast_in_dim3A_21, %broadcast_in_dim3A_26 in 0 : vector<1x128xf32>, vector<1x128xf32>, vector<6x128xf32> -> vector<8x128xf32>
    %add3A = arith.addf %get3A_24, %concatenate3A : vector<8x128xf32>
    %swap3A_27 = arith.constant 0 : index
    %swap3A_28 = arith.constant 0 : index
    %swap3A_29 = vector.load %arg5[%swap3A_27, %swap3A_28] : memref<8x128xf32, #tpu.memory_space<vmem>>, vector<8x128xf32>
    tpu.vector_store %arg5[%swap3A_27, %swap3A_28], %add3A {strides = array<i32>} : memref<8x128xf32, #tpu.memory_space<vmem>>, vector<8x128xf32>,
    return
  }
  func.func @transform_0(%arg0: i32) -> (i32, i32) {
    %c0_i32 = arith.constant 0 : i32
    %c0_i32_0 = arith.constant 0 : i32
    return %arg0, %c0_i32 : i32, i32
  }
  func.func @transform_1(%arg0: i32) -> (i32, i32) {
    %c0_i32 = arith.constant 0 : i32
    %c0_i32_0 = arith.constant 0 : i32
    return %arg0, %c0_i32 : i32, i32
  }
  func.func @transform_2(%arg0: i32) -> (i32, i32) {
    %c0_i32 = arith.constant 0 : i32
    %c0_i32_0 = arith.constant 0 : i32
    %c0_i32_1 = arith.constant 0 : i32
    return %c0_i32, %c0_i32_0 : i32, i32
  }
  func.func @transform_3(%arg0: i32) -> (i32, i32) {
    %c0_i32 = arith.constant 0 : i32
    %c0_i32_0 = arith.constant 0 : i32
    return %arg0, %c0_i32 : i32, i32
  }
  func.func @transform_4(%arg0: i32) -> (i32, i32) {
    %c0_i32 = arith.constant 0 : i32
    %c0_i32_0 = arith.constant 0 : i32
    %c0_i32_1 = arith.constant 0 : i32
    return %c0_i32, %c0_i32_0 : i32, i32
  }
}

module attributes {stable_mosaic.version = 14 : i64} {
  func.func @_mlp_mid_body(%arg0: i32, %arg1: memref<512x128xf32, #tpu.memory_space<vmem>>, %arg2: memref<8x128xf32, #tpu.memory_space<vmem>>, %arg3: memref<8x128xf32, #tpu.memory_space<vmem>>, %arg4: memref<8x128xf32, #tpu.memory_space<vmem>>, %arg5: memref<128x128xf32, #tpu.memory_space<vmem>>, %arg6: memref<512x128xf32, #tpu.memory_space<vmem>>, %arg7: memref<8x128xf32, #tpu.memory_space<vmem>>) attributes {dimension_semantics = [#tpu.dimension_semantics<arbitrary>], iteration_bounds = array<i64: 256>, scalar_prefetch = 0 : i64, scratch_operands = 0 : i64, tpu.core_type = #tpu.core_type<tc>, window_params = [{transform_indices = @transform_0, window_bounds = array<i64: 512, 128>}, {pipeline_mode = #tpu.pipeline_mode<synchronous>, transform_indices = @transform_1, window_bounds = array<i64: 8, 128>}, {pipeline_mode = #tpu.pipeline_mode<synchronous>, transform_indices = @transform_2, window_bounds = array<i64: 8, 128>}, {pipeline_mode = #tpu.pipeline_mode<synchronous>, transform_indices = @transform_3, window_bounds = array<i64: 8, 128>}, {pipeline_mode = #tpu.pipeline_mode<synchronous>, transform_indices = @transform_4, window_bounds = array<i64: 128, 128>}, {transform_indices = @transform_5, window_bounds = array<i64: 512, 128>}, {pipeline_mode = #tpu.pipeline_mode<synchronous>, transform_indices = @transform_6, window_bounds = array<i64: 8, 128>}]} {
    %get3A = arith.constant 0 : index
    %get3A_0 = arith.constant 0 : index
    %get3A_1 = vector.load %arg2[%get3A, %get3A_0] : memref<8x128xf32, #tpu.memory_space<vmem>>, vector<8x128xf32>
    %slice3A = vector.extract_strided_slice %get3A_1 {offsets = [0, 0], sizes = [1, 128], strides = [1, 1]} : vector<8x128xf32> to vector<1x128xf32>
    %mul3A = arith.constant 7.62939453E-6 : f32
    %mul3A_2 = vector.broadcast %mul3A : f32 to vector<1x128xf32>
    %mul3A_3 = arith.mulf %slice3A, %mul3A_2 : vector<1x128xf32>
    %slice3A_4 = vector.extract_strided_slice %get3A_1 {offsets = [1, 0], sizes = [1, 128], strides = [1, 1]} : vector<8x128xf32> to vector<1x128xf32>
    %mul3A_5 = arith.constant 7.62939453E-6 : f32
    %mul3A_6 = vector.broadcast %mul3A_5 : f32 to vector<1x128xf32>
    %mul3A_7 = arith.mulf %slice3A_4, %mul3A_6 : vector<1x128xf32>
    %mul3A_8 = arith.mulf %mul3A_3, %mul3A_3 : vector<1x128xf32>
    %sub3A = arith.subf %mul3A_7, %mul3A_8 : vector<1x128xf32>
    %get3A_9 = arith.constant 0 : index
    %get3A_10 = arith.constant 0 : index
    %get3A_11 = vector.load %arg3[%get3A_9, %get3A_10] : memref<8x128xf32, #tpu.memory_space<vmem>>, vector<1x128xf32>
    %get3A_12 = arith.constant 1 : index
    %get3A_13 = arith.constant 0 : index
    %get3A_14 = vector.load %arg3[%get3A_12, %get3A_13] : memref<8x128xf32, #tpu.memory_space<vmem>>, vector<1x128xf32>
    %get3A_15 = arith.constant 0 : index
    %get3A_16 = arith.constant 0 : index
    %get3A_17 = vector.load %arg4[%get3A_15, %get3A_16] : memref<8x128xf32, #tpu.memory_space<vmem>>, vector<1x128xf32>
    %add3A = arith.constant 9.99999974E-6 : f32
    %add3A_18 = vector.broadcast %add3A : f32 to vector<1x128xf32>
    %add3A_19 = arith.addf %sub3A, %add3A_18 : vector<1x128xf32>
    %sqrt3A = math.sqrt %add3A_19 : vector<1x128xf32>
    %div3A = arith.divf %get3A_11, %sqrt3A : vector<1x128xf32>
    %mul3A_20 = arith.mulf %mul3A_3, %div3A : vector<1x128xf32>
    %sub3A_21 = arith.subf %get3A_14, %mul3A_20 : vector<1x128xf32>
    %get3A_22 = arith.constant 0 : index
    %get3A_23 = arith.constant 0 : index
    %get3A_24 = vector.load %arg1[%get3A_22, %get3A_23] : memref<512x128xf32, #tpu.memory_space<vmem>>, vector<512x128xf32>
    %mul3A_25 = vector.broadcast %div3A : vector<1x128xf32> to vector<512x128xf32>
    %mul3A_26 = arith.mulf %get3A_24, %mul3A_25 : vector<512x128xf32>
    %add3A_27 = vector.broadcast %sub3A_21 : vector<1x128xf32> to vector<512x128xf32>
    %add3A_28 = arith.addf %mul3A_26, %add3A_27 : vector<512x128xf32>
    %max3A = arith.constant 0.000000e+00 : f32
    %max3A_29 = vector.broadcast %max3A : f32 to vector<512x128xf32>
    %max3A_30 = arith.maximumf %add3A_28, %max3A_29 : vector<512x128xf32>
    %get3A_31 = arith.constant 0 : index
    %get3A_32 = arith.constant 0 : index
    %get3A_33 = vector.load %arg5[%get3A_31, %get3A_32] : memref<128x128xf32, #tpu.memory_space<vmem>>, vector<128x128xf32>
    %dot_general3A = arith.constant dense<0.000000e+00> : vector<512x128xf32>
    %dot_general3A_34 = tpu.matmul %max3A_30, %get3A_33, %dot_general3A {dimension_numbers = #tpu.dot_dimension_numbers<[1], [0], [0], [1], [0, 0, 1, 1], [], []>, transpose_lhs_hint = false} : vector<512x128xf32>, vector<128x128xf32>, vector<512x128xf32> -> vector<512x128xf32>
    %add3A_35 = vector.broadcast %get3A_17 : vector<1x128xf32> to vector<512x128xf32>
    %add3A_36 = arith.addf %dot_general3A_34, %add3A_35 : vector<512x128xf32>
    %swap3A = arith.constant 0 : index
    %swap3A_37 = arith.constant 0 : index
    %swap3A_38 = vector.load %arg6[%swap3A, %swap3A_37] : memref<512x128xf32, #tpu.memory_space<vmem>>, vector<512x128xf32>
    tpu.vector_store %arg6[%swap3A, %swap3A_37], %add3A_36 {strides = array<i32>} : memref<512x128xf32, #tpu.memory_space<vmem>>, vector<512x128xf32>,
    %eq3A = arith.constant 0 : i32
    %eq3A_39 = arith.cmpi eq, %arg0, %eq3A : i32
    %convert_element_type3A = arith.extui %eq3A_39 : i1 to i32
    %cond3A = arith.constant 0 : i32
    %cond3A_40 = arith.cmpi ne, %convert_element_type3A, %cond3A : i32
    scf.if %cond3A_40 {
      %broadcast_in_dim3A_55 = arith.constant 0.000000e+00 : f32
      %broadcast_in_dim3A_56 = vector.broadcast %broadcast_in_dim3A_55 : f32 to vector<8x128xf32>
      %swap3A_57 = arith.constant 0 : index
      %swap3A_58 = arith.constant 0 : index
      %swap3A_59 = vector.load %arg7[%swap3A_57, %swap3A_58] : memref<8x128xf32, #tpu.memory_space<vmem>>, vector<8x128xf32>
      tpu.vector_store %arg7[%swap3A_57, %swap3A_58], %broadcast_in_dim3A_56 {strides = array<i32>} : memref<8x128xf32, #tpu.memory_space<vmem>>, vector<8x128xf32>,
    } else {
    }
    %reduce_sum3A = arith.constant dense<0.000000e+00> : vector<128xf32>
    %reduce_sum3A_41 = vector.multi_reduction <add>, %add3A_36, %reduce_sum3A [0] : vector<512x128xf32> to vector<128xf32>
    %broadcast_in_dim3A = vector.shape_cast %reduce_sum3A_41 : vector<128xf32> to vector<1x128xf32>
    %mul3A_42 = arith.mulf %add3A_36, %add3A_36 : vector<512x128xf32>
    %reduce_sum3A_43 = arith.constant dense<0.000000e+00> : vector<128xf32>
    %reduce_sum3A_44 = vector.multi_reduction <add>, %mul3A_42, %reduce_sum3A_43 [0] : vector<512x128xf32> to vector<128xf32>
    %broadcast_in_dim3A_45 = vector.shape_cast %reduce_sum3A_44 : vector<128xf32> to vector<1x128xf32>
    %get3A_46 = arith.constant 0 : index
    %get3A_47 = arith.constant 0 : index
    %get3A_48 = vector.load %arg7[%get3A_46, %get3A_47] : memref<8x128xf32, #tpu.memory_space<vmem>>, vector<8x128xf32>
    %broadcast_in_dim3A_49 = arith.constant 0.000000e+00 : f32
    %broadcast_in_dim3A_50 = vector.broadcast %broadcast_in_dim3A_49 : f32 to vector<6x128xf32>
    %concatenate3A = tpu.concatenate %broadcast_in_dim3A, %broadcast_in_dim3A_45, %broadcast_in_dim3A_50 in 0 : vector<1x128xf32>, vector<1x128xf32>, vector<6x128xf32> -> vector<8x128xf32>
    %add3A_51 = arith.addf %get3A_48, %concatenate3A : vector<8x128xf32>
    %swap3A_52 = arith.constant 0 : index
    %swap3A_53 = arith.constant 0 : index
    %swap3A_54 = vector.load %arg7[%swap3A_52, %swap3A_53] : memref<8x128xf32, #tpu.memory_space<vmem>>, vector<8x128xf32>
    tpu.vector_store %arg7[%swap3A_52, %swap3A_53], %add3A_51 {strides = array<i32>} : memref<8x128xf32, #tpu.memory_space<vmem>>, vector<8x128xf32>,
    return
  }
  func.func @transform_0(%arg0: i32) -> (i32, i32) {
    %c0_i32 = arith.constant 0 : i32
    %c0_i32_0 = arith.constant 0 : i32
    return %arg0, %c0_i32 : i32, i32
  }
  func.func @transform_1(%arg0: i32) -> (i32, i32) {
    %c0_i32 = arith.constant 0 : i32
    %c0_i32_0 = arith.constant 0 : i32
    %c0_i32_1 = arith.constant 0 : i32
    return %c0_i32, %c0_i32_0 : i32, i32
  }
  func.func @transform_2(%arg0: i32) -> (i32, i32) {
    %c0_i32 = arith.constant 0 : i32
    %c0_i32_0 = arith.constant 0 : i32
    %c0_i32_1 = arith.constant 0 : i32
    return %c0_i32, %c0_i32_0 : i32, i32
  }
  func.func @transform_3(%arg0: i32) -> (i32, i32) {
    %c0_i32 = arith.constant 0 : i32
    %c0_i32_0 = arith.constant 0 : i32
    %c0_i32_1 = arith.constant 0 : i32
    return %c0_i32, %c0_i32_0 : i32, i32
  }
  func.func @transform_4(%arg0: i32) -> (i32, i32) {
    %c0_i32 = arith.constant 0 : i32
    %c0_i32_0 = arith.constant 0 : i32
    %c0_i32_1 = arith.constant 0 : i32
    return %c0_i32, %c0_i32_0 : i32, i32
  }
  func.func @transform_5(%arg0: i32) -> (i32, i32) {
    %c0_i32 = arith.constant 0 : i32
    %c0_i32_0 = arith.constant 0 : i32
    return %arg0, %c0_i32 : i32, i32
  }
  func.func @transform_6(%arg0: i32) -> (i32, i32) {
    %c0_i32 = arith.constant 0 : i32
    %c0_i32_0 = arith.constant 0 : i32
    %c0_i32_1 = arith.constant 0 : i32
    return %c0_i32, %c0_i32_0 : i32, i32
  }
}

module attributes {stable_mosaic.version = 14 : i64} {
  func.func @_mlp3_body(%arg0: i32, %arg1: memref<512x128xf32, #tpu.memory_space<vmem>>, %arg2: memref<8x128xf32, #tpu.memory_space<vmem>>, %arg3: memref<8x128xf32, #tpu.memory_space<vmem>>, %arg4: memref<8x256xf32, #tpu.memory_space<vmem>>, %arg5: memref<128x256xf32, #tpu.memory_space<vmem>>, %arg6: memref<16x256xf32, #tpu.memory_space<vmem>>, %arg7: memref<16x256xf32, #tpu.memory_space<vmem>>, %arg8: memref<8x256xf32, #tpu.memory_space<vmem>>) attributes {dimension_semantics = [#tpu.dimension_semantics<arbitrary>], iteration_bounds = array<i64: 256>, scalar_prefetch = 0 : i64, scratch_operands = 0 : i64, tpu.core_type = #tpu.core_type<tc>, window_params = [{transform_indices = @transform_0, window_bounds = array<i64: 512, 128>}, {pipeline_mode = #tpu.pipeline_mode<synchronous>, transform_indices = @transform_1, window_bounds = array<i64: 8, 128>}, {pipeline_mode = #tpu.pipeline_mode<synchronous>, transform_indices = @transform_2, window_bounds = array<i64: 8, 128>}, {pipeline_mode = #tpu.pipeline_mode<synchronous>, transform_indices = @transform_3, window_bounds = array<i64: 8, 256>}, {pipeline_mode = #tpu.pipeline_mode<synchronous>, transform_indices = @transform_4, window_bounds = array<i64: 128, 256>}, {transform_indices = @transform_5, window_bounds = array<i64: 16, 256>}, {transform_indices = @transform_6, window_bounds = array<i64: 16, 256>}, {pipeline_mode = #tpu.pipeline_mode<synchronous>, transform_indices = @transform_7, window_bounds = array<i64: 8, 256>}]} {
    %get3A = arith.constant 0 : index
    %get3A_0 = arith.constant 0 : index
    %get3A_1 = vector.load %arg2[%get3A, %get3A_0] : memref<8x128xf32, #tpu.memory_space<vmem>>, vector<8x128xf32>
    %slice3A = vector.extract_strided_slice %get3A_1 {offsets = [0, 0], sizes = [1, 128], strides = [1, 1]} : vector<8x128xf32> to vector<1x128xf32>
    %mul3A = arith.constant 7.62939453E-6 : f32
    %mul3A_2 = vector.broadcast %mul3A : f32 to vector<1x128xf32>
    %mul3A_3 = arith.mulf %slice3A, %mul3A_2 : vector<1x128xf32>
    %slice3A_4 = vector.extract_strided_slice %get3A_1 {offsets = [1, 0], sizes = [1, 128], strides = [1, 1]} : vector<8x128xf32> to vector<1x128xf32>
    %mul3A_5 = arith.constant 7.62939453E-6 : f32
    %mul3A_6 = vector.broadcast %mul3A_5 : f32 to vector<1x128xf32>
    %mul3A_7 = arith.mulf %slice3A_4, %mul3A_6 : vector<1x128xf32>
    %mul3A_8 = arith.mulf %mul3A_3, %mul3A_3 : vector<1x128xf32>
    %sub3A = arith.subf %mul3A_7, %mul3A_8 : vector<1x128xf32>
    %get3A_9 = arith.constant 0 : index
    %get3A_10 = arith.constant 0 : index
    %get3A_11 = vector.load %arg3[%get3A_9, %get3A_10] : memref<8x128xf32, #tpu.memory_space<vmem>>, vector<1x128xf32>
    %get3A_12 = arith.constant 1 : index
    %get3A_13 = arith.constant 0 : index
    %get3A_14 = vector.load %arg3[%get3A_12, %get3A_13] : memref<8x128xf32, #tpu.memory_space<vmem>>, vector<1x128xf32>
    %get3A_15 = arith.constant 0 : index
    %get3A_16 = arith.constant 0 : index
    %get3A_17 = vector.load %arg4[%get3A_15, %get3A_16] : memref<8x256xf32, #tpu.memory_space<vmem>>, vector<1x256xf32>
    %add3A = arith.constant 9.99999974E-6 : f32
    %add3A_18 = vector.broadcast %add3A : f32 to vector<1x128xf32>
    %add3A_19 = arith.addf %sub3A, %add3A_18 : vector<1x128xf32>
    %sqrt3A = math.sqrt %add3A_19 : vector<1x128xf32>
    %div3A = arith.divf %get3A_11, %sqrt3A : vector<1x128xf32>
    %mul3A_20 = arith.mulf %mul3A_3, %div3A : vector<1x128xf32>
    %sub3A_21 = arith.subf %get3A_14, %mul3A_20 : vector<1x128xf32>
    %get3A_22 = arith.constant 0 : index
    %get3A_23 = arith.constant 0 : index
    %get3A_24 = vector.load %arg1[%get3A_22, %get3A_23] : memref<512x128xf32, #tpu.memory_space<vmem>>, vector<512x128xf32>
    %mul3A_25 = vector.broadcast %div3A : vector<1x128xf32> to vector<512x128xf32>
    %mul3A_26 = arith.mulf %get3A_24, %mul3A_25 : vector<512x128xf32>
    %add3A_27 = vector.broadcast %sub3A_21 : vector<1x128xf32> to vector<512x128xf32>
    %add3A_28 = arith.addf %mul3A_26, %add3A_27 : vector<512x128xf32>
    %max3A = arith.constant 0.000000e+00 : f32
    %max3A_29 = vector.broadcast %max3A : f32 to vector<512x128xf32>
    %max3A_30 = arith.maximumf %add3A_28, %max3A_29 : vector<512x128xf32>
    %get3A_31 = arith.constant 0 : index
    %get3A_32 = arith.constant 0 : index
    %get3A_33 = vector.load %arg5[%get3A_31, %get3A_32] : memref<128x256xf32, #tpu.memory_space<vmem>>, vector<128x256xf32>
    %dot_general3A = arith.constant dense<0.000000e+00> : vector<512x256xf32>
    %dot_general3A_34 = tpu.matmul %max3A_30, %get3A_33, %dot_general3A {dimension_numbers = #tpu.dot_dimension_numbers<[1], [0], [0], [1], [0, 0, 1, 1], [], []>, transpose_lhs_hint = false} : vector<512x128xf32>, vector<128x256xf32>, vector<512x256xf32> -> vector<512x256xf32>
    %add3A_35 = vector.broadcast %get3A_17 : vector<1x256xf32> to vector<512x256xf32>
    %add3A_36 = arith.addf %dot_general3A_34, %add3A_35 : vector<512x256xf32>
    %reshape3A = vector.shape_cast %add3A_36 : vector<512x256xf32> to vector<16x32x256xf32>
    %reduce_max3A = arith.constant dense<0xFF800000> : vector<16x256xf32>
    %reduce_max3A_37 = vector.multi_reduction <maximumf>, %reshape3A, %reduce_max3A [1] : vector<16x32x256xf32> to vector<16x256xf32>
    %swap3A = arith.constant 0 : index
    %swap3A_38 = arith.constant 0 : index
    %swap3A_39 = vector.load %arg6[%swap3A, %swap3A_38] : memref<16x256xf32, #tpu.memory_space<vmem>>, vector<16x256xf32>
    tpu.vector_store %arg6[%swap3A, %swap3A_38], %reduce_max3A_37 {strides = array<i32>} : memref<16x256xf32, #tpu.memory_space<vmem>>, vector<16x256xf32>,
    %reduce_min3A = arith.constant dense<0x7F800000> : vector<16x256xf32>
    %reduce_min3A_40 = vector.multi_reduction <minimumf>, %reshape3A, %reduce_min3A [1] : vector<16x32x256xf32> to vector<16x256xf32>
    %swap3A_41 = arith.constant 0 : index
    %swap3A_42 = arith.constant 0 : index
    %swap3A_43 = vector.load %arg7[%swap3A_41, %swap3A_42] : memref<16x256xf32, #tpu.memory_space<vmem>>, vector<16x256xf32>
    tpu.vector_store %arg7[%swap3A_41, %swap3A_42], %reduce_min3A_40 {strides = array<i32>} : memref<16x256xf32, #tpu.memory_space<vmem>>, vector<16x256xf32>,
    %eq3A = arith.constant 0 : i32
    %eq3A_44 = arith.cmpi eq, %arg0, %eq3A : i32
    %convert_element_type3A = arith.extui %eq3A_44 : i1 to i32
    %cond3A = arith.constant 0 : i32
    %cond3A_45 = arith.cmpi ne, %convert_element_type3A, %cond3A : i32
    scf.if %cond3A_45 {
      %broadcast_in_dim3A_60 = arith.constant 0.000000e+00 : f32
      %broadcast_in_dim3A_61 = vector.broadcast %broadcast_in_dim3A_60 : f32 to vector<8x256xf32>
      %swap3A_62 = arith.constant 0 : index
      %swap3A_63 = arith.constant 0 : index
      %swap3A_64 = vector.load %arg8[%swap3A_62, %swap3A_63] : memref<8x256xf32, #tpu.memory_space<vmem>>, vector<8x256xf32>
      tpu.vector_store %arg8[%swap3A_62, %swap3A_63], %broadcast_in_dim3A_61 {strides = array<i32>} : memref<8x256xf32, #tpu.memory_space<vmem>>, vector<8x256xf32>,
    } else {
    }
    %reduce_sum3A = arith.constant dense<0.000000e+00> : vector<256xf32>
    %reduce_sum3A_46 = vector.multi_reduction <add>, %add3A_36, %reduce_sum3A [0] : vector<512x256xf32> to vector<256xf32>
    %broadcast_in_dim3A = vector.shape_cast %reduce_sum3A_46 : vector<256xf32> to vector<1x256xf32>
    %mul3A_47 = arith.mulf %add3A_36, %add3A_36 : vector<512x256xf32>
    %reduce_sum3A_48 = arith.constant dense<0.000000e+00> : vector<256xf32>
    %reduce_sum3A_49 = vector.multi_reduction <add>, %mul3A_47, %reduce_sum3A_48 [0] : vector<512x256xf32> to vector<256xf32>
    %broadcast_in_dim3A_50 = vector.shape_cast %reduce_sum3A_49 : vector<256xf32> to vector<1x256xf32>
    %get3A_51 = arith.constant 0 : index
    %get3A_52 = arith.constant 0 : index
    %get3A_53 = vector.load %arg8[%get3A_51, %get3A_52] : memref<8x256xf32, #tpu.memory_space<vmem>>, vector<8x256xf32>
    %broadcast_in_dim3A_54 = arith.constant 0.000000e+00 : f32
    %broadcast_in_dim3A_55 = vector.broadcast %broadcast_in_dim3A_54 : f32 to vector<6x256xf32>
    %concatenate3A = tpu.concatenate %broadcast_in_dim3A, %broadcast_in_dim3A_50, %broadcast_in_dim3A_55 in 0 : vector<1x256xf32>, vector<1x256xf32>, vector<6x256xf32> -> vector<8x256xf32>
    %add3A_56 = arith.addf %get3A_53, %concatenate3A : vector<8x256xf32>
    %swap3A_57 = arith.constant 0 : index
    %swap3A_58 = arith.constant 0 : index
    %swap3A_59 = vector.load %arg8[%swap3A_57, %swap3A_58] : memref<8x256xf32, #tpu.memory_space<vmem>>, vector<8x256xf32>
    tpu.vector_store %arg8[%swap3A_57, %swap3A_58], %add3A_56 {strides = array<i32>} : memref<8x256xf32, #tpu.memory_space<vmem>>, vector<8x256xf32>,
    return
  }
  func.func @transform_0(%arg0: i32) -> (i32, i32) {
    %c0_i32 = arith.constant 0 : i32
    %c0_i32_0 = arith.constant 0 : i32
    return %arg0, %c0_i32 : i32, i32
  }
  func.func @transform_1(%arg0: i32) -> (i32, i32) {
    %c0_i32 = arith.constant 0 : i32
    %c0_i32_0 = arith.constant 0 : i32
    %c0_i32_1 = arith.constant 0 : i32
    return %c0_i32, %c0_i32_0 : i32, i32
  }
  func.func @transform_2(%arg0: i32) -> (i32, i32) {
    %c0_i32 = arith.constant 0 : i32
    %c0_i32_0 = arith.constant 0 : i32
    %c0_i32_1 = arith.constant 0 : i32
    return %c0_i32, %c0_i32_0 : i32, i32
  }
  func.func @transform_3(%arg0: i32) -> (i32, i32) {
    %c0_i32 = arith.constant 0 : i32
    %c0_i32_0 = arith.constant 0 : i32
    %c0_i32_1 = arith.constant 0 : i32
    return %c0_i32, %c0_i32_0 : i32, i32
  }
  func.func @transform_4(%arg0: i32) -> (i32, i32) {
    %c0_i32 = arith.constant 0 : i32
    %c0_i32_0 = arith.constant 0 : i32
    %c0_i32_1 = arith.constant 0 : i32
    return %c0_i32, %c0_i32_0 : i32, i32
  }
  func.func @transform_5(%arg0: i32) -> (i32, i32) {
    %c0_i32 = arith.constant 0 : i32
    %c0_i32_0 = arith.constant 0 : i32
    return %arg0, %c0_i32 : i32, i32
  }
  func.func @transform_6(%arg0: i32) -> (i32, i32) {
    %c0_i32 = arith.constant 0 : i32
    %c0_i32_0 = arith.constant 0 : i32
    return %arg0, %c0_i32 : i32, i32
  }
  func.func @transform_7(%arg0: i32) -> (i32, i32) {
    %c0_i32 = arith.constant 0 : i32
    %c0_i32_0 = arith.constant 0 : i32
    %c0_i32_1 = arith.constant 0 : i32
    return %c0_i32, %c0_i32_0 : i32, i32
  }
}

module attributes {stable_mosaic.version = 14 : i64} {
  func.func @_mlp4_body(%arg0: i32, %arg1: memref<512x256xf32, #tpu.memory_space<vmem>>, %arg2: memref<512x256xf32, #tpu.memory_space<vmem>>, %arg3: memref<8x256xf32, #tpu.memory_space<vmem>>, %arg4: memref<8x256xf32, #tpu.memory_space<vmem>>, %arg5: memref<512x256xf32, #tpu.memory_space<vmem>>) attributes {dimension_semantics = [#tpu.dimension_semantics<arbitrary>], iteration_bounds = array<i64: 8>, scalar_prefetch = 0 : i64, scratch_operands = 0 : i64, tpu.core_type = #tpu.core_type<tc>, window_params = [{transform_indices = @transform_0, window_bounds = array<i64: 512, 256>}, {transform_indices = @transform_1, window_bounds = array<i64: 512, 256>}, {pipeline_mode = #tpu.pipeline_mode<synchronous>, transform_indices = @transform_2, window_bounds = array<i64: 8, 256>}, {pipeline_mode = #tpu.pipeline_mode<synchronous>, transform_indices = @transform_3, window_bounds = array<i64: 8, 256>}, {transform_indices = @transform_4, window_bounds = array<i64: 512, 256>}]} {
    %get3A = arith.constant 0 : index
    %get3A_0 = arith.constant 0 : index
    %get3A_1 = vector.load %arg3[%get3A, %get3A_0] : memref<8x256xf32, #tpu.memory_space<vmem>>, vector<8x256xf32>
    %slice3A = vector.extract_strided_slice %get3A_1 {offsets = [0, 0], sizes = [1, 256], strides = [1, 1]} : vector<8x256xf32> to vector<1x256xf32>
    %mul3A = arith.constant 7.62939453E-6 : f32
    %mul3A_2 = vector.broadcast %mul3A : f32 to vector<1x256xf32>
    %mul3A_3 = arith.mulf %slice3A, %mul3A_2 : vector<1x256xf32>
    %slice3A_4 = vector.extract_strided_slice %get3A_1 {offsets = [1, 0], sizes = [1, 256], strides = [1, 1]} : vector<8x256xf32> to vector<1x256xf32>
    %mul3A_5 = arith.constant 7.62939453E-6 : f32
    %mul3A_6 = vector.broadcast %mul3A_5 : f32 to vector<1x256xf32>
    %mul3A_7 = arith.mulf %slice3A_4, %mul3A_6 : vector<1x256xf32>
    %mul3A_8 = arith.mulf %mul3A_3, %mul3A_3 : vector<1x256xf32>
    %sub3A = arith.subf %mul3A_7, %mul3A_8 : vector<1x256xf32>
    %get3A_9 = arith.constant 0 : index
    %get3A_10 = arith.constant 0 : index
    %get3A_11 = vector.load %arg4[%get3A_9, %get3A_10] : memref<8x256xf32, #tpu.memory_space<vmem>>, vector<1x256xf32>
    %get3A_12 = arith.constant 1 : index
    %get3A_13 = arith.constant 0 : index
    %get3A_14 = vector.load %arg4[%get3A_12, %get3A_13] : memref<8x256xf32, #tpu.memory_space<vmem>>, vector<1x256xf32>
    %add3A = arith.constant 9.99999974E-6 : f32
    %add3A_15 = vector.broadcast %add3A : f32 to vector<1x256xf32>
    %add3A_16 = arith.addf %sub3A, %add3A_15 : vector<1x256xf32>
    %sqrt3A = math.sqrt %add3A_16 : vector<1x256xf32>
    %div3A = arith.divf %get3A_11, %sqrt3A : vector<1x256xf32>
    %mul3A_17 = arith.mulf %mul3A_3, %div3A : vector<1x256xf32>
    %sub3A_18 = arith.subf %get3A_14, %mul3A_17 : vector<1x256xf32>
    %ge3A = arith.constant 0.000000e+00 : f32
    %ge3A_19 = vector.broadcast %ge3A : f32 to vector<1x256xf32>
    %ge3A_20 = arith.cmpf oge, %div3A, %ge3A_19 : vector<1x256xf32>
    %get3A_21 = arith.constant 0 : index
    %get3A_22 = arith.constant 0 : index
    %get3A_23 = vector.load %arg1[%get3A_21, %get3A_22] : memref<512x256xf32, #tpu.memory_space<vmem>>, vector<512x256xf32>
    %get3A_24 = arith.constant 0 : index
    %get3A_25 = arith.constant 0 : index
    %get3A_26 = vector.load %arg2[%get3A_24, %get3A_25] : memref<512x256xf32, #tpu.memory_space<vmem>>, vector<512x256xf32>
    %broadcast_in_dim3A = vector.shape_cast %ge3A_20 : vector<1x256xi1> to vector<1x256xi1>
    %broadcast_in_dim3A_27 = vector.broadcast %broadcast_in_dim3A : vector<1x256xi1> to vector<512x256xi1>
    %select_n3A = arith.select %broadcast_in_dim3A_27, %get3A_23, %get3A_26 : vector<512x256xi1>, vector<512x256xf32>
    %mul3A_28 = vector.broadcast %div3A : vector<1x256xf32> to vector<512x256xf32>
    %mul3A_29 = arith.mulf %select_n3A, %mul3A_28 : vector<512x256xf32>
    %add3A_30 = vector.broadcast %sub3A_18 : vector<1x256xf32> to vector<512x256xf32>
    %add3A_31 = arith.addf %mul3A_29, %add3A_30 : vector<512x256xf32>
    %max3A = arith.constant 0.000000e+00 : f32
    %max3A_32 = vector.broadcast %max3A : f32 to vector<512x256xf32>
    %max3A_33 = arith.maximumf %add3A_31, %max3A_32 : vector<512x256xf32>
    %swap3A = arith.constant 0 : index
    %swap3A_34 = arith.constant 0 : index
    %swap3A_35 = vector.load %arg5[%swap3A, %swap3A_34] : memref<512x256xf32, #tpu.memory_space<vmem>>, vector<512x256xf32>
    tpu.vector_store %arg5[%swap3A, %swap3A_34], %max3A_33 {strides = array<i32>} : memref<512x256xf32, #tpu.memory_space<vmem>>, vector<512x256xf32>,
    return
  }
  func.func @transform_0(%arg0: i32) -> (i32, i32) {
    %c0_i32 = arith.constant 0 : i32
    %c0_i32_0 = arith.constant 0 : i32
    return %arg0, %c0_i32 : i32, i32
  }
  func.func @transform_1(%arg0: i32) -> (i32, i32) {
    %c0_i32 = arith.constant 0 : i32
    %c0_i32_0 = arith.constant 0 : i32
    return %arg0, %c0_i32 : i32, i32
  }
  func.func @transform_2(%arg0: i32) -> (i32, i32) {
    %c0_i32 = arith.constant 0 : i32
    %c0_i32_0 = arith.constant 0 : i32
    %c0_i32_1 = arith.constant 0 : i32
    return %c0_i32, %c0_i32_0 : i32, i32
  }
  func.func @transform_3(%arg0: i32) -> (i32, i32) {
    %c0_i32 = arith.constant 0 : i32
    %c0_i32_0 = arith.constant 0 : i32
    %c0_i32_1 = arith.constant 0 : i32
    return %c0_i32, %c0_i32_0 : i32, i32
  }
  func.func @transform_4(%arg0: i32) -> (i32, i32) {
    %c0_i32 = arith.constant 0 : i32
    %c0_i32_0 = arith.constant 0 : i32
    return %arg0, %c0_i32 : i32, i32
  }
}

</mosaic_0001>

<sc_bundles>
// kernel: kernel.9.cloned.1.call-start
scs
__scs_entry_jumppad:
0x0: {  	(pc) =	sbr.rel $0x88, $3  }
0x1: {  	(tag) =	ssettag $0x0;
	lr =	simm.s32 $0x1  }
0x2: {  	[smem:$0x3F93] =	sst lr;
	_ =	strace $0xD0000000  }
0x3: {  	_ = 	snop  }
0x4: {  	_ = 	snop  }
0x5: {  	_ = 	snop  }
0x6: {  	_ = 	snop  }
0x7: {  	_ = 	snop  }
__scs_overlays_trampoline_lowered:
0x8: {  	[smem:$0x3FA2] =	sst s0  }
0x9: {  	[smem:$0x3FA3] =	sst s1  }
0xa: {  	[smem:$0x3FA4] =	sst s2  }
0xb: {  	[smem:$0x3FA5] =	sst s3  }
0xc: {  	[smem:$0x3FA6] =	sst s4  }
0xd: {  	[smem:$0x3FA7] =	sst s5  }
0xe: {  	[smem:$0x3FA8] =	sst s6  }
0xf: {  	[smem:$0x3FA9] =	sst s7  }
0x10: {  	[smem:$0x3FAA] =	sst s8  }
0x11: {  	[smem:$0x3FAB] =	sst s9;
	s0 =	simm.s32 @!p0 $0x0  }
0x12: {  	s1 =	sld [smem:$0x3F91];
	s0 =	simm.s32 @p0 $0x1  }
0x13: {  	[smem:$0x3FAC] =	sst s0;
	s0 =	simm.s32 @!p1 $0x0  }
0x14: {  	s2 =	sld [smem:$0x3F90];
	s0 =	simm.s32 @p1 $0x1  }
0x15: {  	[smem:$0x3FAD] =	sst s0;
	s0 =	simm.s32 @!p2 $0x0  }
0x16: {  	s3 =	sld [smem:$0x3FDB];
	s0 =	simm.s32 @p2 $0x1  }
0x17: {  	s4 =	simm.s32 $0x1BF5;
	[smem:$0x3FAF] =	sst s0  }
0x18: {  	s0 =	sld [smem:$0x3F92];
	_ =	swait.ge [sflag:s4], $0x0  }
0x19: {  	s7 =	sld [smem:$0x3F93]  }
0x1a: {  	s8 =	sadd.s32 $0xFFFFE003, lr  }
0x1b: {  	s9 =	sadd.s32 $0xFFFFFEF7, lr;
	s5 =	simm.s32 $0xFFFFFFFF;
	p2 =	slt.u32 s8, $0xFFFFF086  }
0x1c: {  	p1 =	slt.u32 s9, $0xF7A;
	s5 =	simm.s32 @!p2 $0x0  }
0x1d: {  	s5 =	simm.s32 @p1 $0x1;
	p0 =	seq.s32 s7, s2  }
0x1e: {  	s7 =	smul.u32 @!p0 $0xF7A, s2;
	p2 =	seq.s32 @!p0 s5, $0x0  }
0x1f: {  	s9 =	smul.u32 $0xF7A, s1;
	s8 =	simm.s32 @!p0 $0x1BF5;
	p2 =	por !p2, p0  }
0x20: {  	[sflag:s8] =	ssyncset.s32 @!p0 $0xFFFFF086;
	s6 =	sadd.s32 @!p0 s3, s7;
	s7 =	simm.s32 @!p0 $0x108  }
0x21: {  	s3 =	sadd.s32 s3, s9;
	s6 =	sadd.s32 @!p0 $0x88, s6;
	s7 =	simm.s32 @p2 $0x1082  }
0x22: {  	[simem:s7], [sflag:s8] =	dma.local @!p0 [hbm:s6], $0xF7A  }
0x23: {  	s9 =	sor.u32 $0xD0000000, s2;
	s6 =	simm.s32 $0x108;
	_ =	swait.ge @!p0 [sflag:s8], $0x0  }
0x24: {  	s3 =	sadd.s32 $0x88, s3;
	s6 =	simm.s32 @!p1 $0x1082;
	[sflag:s4] =	ssyncset.s32 $0xFFFFF086  }
0x25: {  	[simem:s6], [sflag:s4] =	dma.local [hbm:s3], $0xF7A  }
0x26: {  	[smem:$0x3F93] =	sst s1;
	(tag) =	ssettag s2;
	_ =	strace s9  }
0x27: {  	s1 =	sld [smem:$0x3FA3]  }
0x28: {  	s2 =	sld [smem:$0x3FA4]  }
0x29: {  	s4 =	sld [smem:$0x3FA6]  }
0x2a: {  	p0 =	seq.s32 s5, $0x0;
	s5 =	sld [smem:$0x3FA7]  }
0x2b: {  	s6 =	sld [smem:$0x3FA8]  }
0x2c: {  	s7 =	sld [smem:$0x3FA9]  }
0x2d: {  	s3 =	simm.s32 $0x108;
	s8 =	sld [smem:$0x3FAA]  }
0x2e: {  	s3 =	simm.s32 @!p0 $0x1082;
	s9 =	sld [smem:$0x3FAB]  }
0x2f: {  	lr =	sadd.s32 s0, s3;
	s0 =	sld [smem:$0x3FA2]  }
0x30: {  	s3 =	sld [smem:$0x3FA5]  }
0x31: {  	[smem:$0x3FAE] =	sst s10  }
0x32: {  	s10 =	sld [smem:$0x3FAC];
	_ =	sdelay $0x3  }
0x33: {  	p0 =	seq.s32 s10, $0x1;
	s10 =	sld [smem:$0x3FAE];
	_ =	sdelay $0x3  }
0x34: {  	[smem:$0x3FAE] =	sst s10  }
0x35: {  	s10 =	sld [smem:$0x3FAD];
	_ =	sdelay $0x3  }
0x36: {  	p1 =	seq.s32 s10, $0x1;
	s10 =	sld [smem:$0x3FAE];
	_ =	sdelay $0x3  }
0x37: {  	[smem:$0x3FAE] =	sst s10  }
0x38: {  	s10 =	sld [smem:$0x3FAF]  }
0x39: {  	_ = 	snop;
	(pc) =	sbr.ind lr, $3  }
0x3a: {  	_ = 	snop  }
0x3b: {  	_ = 	snop  }
0x3c: {  	p2 =	seq.s32 s10, $0x1;
	s10 =	sld [smem:$0x3FAE]  }
0x3d: {  	_ =	shalt  }
0x3e: {  	_ =	shalt  }
0x3f: {  	_ =	shalt  }
0x40: {  	_ =	shalt  }
0x41: {  	_ =	shalt  }
0x42: {  	_ =	shalt  }
0x43: {  	_ =	shalt  }
0x44: {  	_ =	shalt  }
0x45: {  	_ =	shalt  }
0x46: {  	_ =	shalt  }
0x47: {  	_ =	shalt  }
0x48: {  	_ =	shalt  }
0x49: {  	_ =	shalt  }
0x4a: {  	_ =	shalt  }
0x4b: {  	_ =	shalt  }
0x4c: {  	_ =	shalt  }
0x4d: {  	_ =	shalt  }
0x4e: {  	_ =	shalt  }
0x4f: {  	_ =	shalt  }
0x50: {  	_ =	shalt  }
0x51: {  	_ =	shalt  }
0x52: {  	_ =	shalt  }
0x53: {  	_ =	shalt  }
0x54: {  	_ =	shalt  }
0x55: {  	_ =	shalt  }
0x56: {  	_ =	shalt  }
0x57: {  	_ =	shalt  }
0x58: {  	_ =	shalt  }
0x59: {  	_ =	shalt  }
0x5a: {  	_ =	shalt  }
0x5b: {  	_ =	shalt  }
0x5c: {  	_ =	shalt  }
0x5d: {  	_ =	shalt  }
0x5e: {  	_ =	shalt  }
0x5f: {  	_ =	shalt  }
0x60: {  	_ =	shalt  }
0x61: {  	_ =	shalt  }
0x62: {  	_ =	shalt  }
0x63: {  	_ =	shalt  }
0x64: {  	_ =	shalt  }
0x65: {  	_ =	shalt  }
0x66: {  	_ =	shalt  }
0x67: {  	_ =	shalt  }
0x68: {  	_ =	shalt  }
0x69: {  	_ =	shalt  }
0x6a: {  	_ =	shalt  }
0x6b: {  	_ =	shalt  }
0x6c: {  	_ =	shalt  }
0x6d: {  	_ =	shalt  }
0x6e: {  	_ =	shalt  }
0x6f: {  	_ =	shalt  }
0x70: {  	_ =	shalt  }
0x71: {  	_ =	shalt  }
0x72: {  	_ =	shalt  }
0x73: {  	_ =	shalt  }
0x74: {  	_ =	shalt  }
0x75: {  	_ =	shalt  }
0x76: {  	_ =	shalt  }
0x77: {  	_ =	shalt  }
0x78: {  	_ =	shalt  }
0x79: {  	_ =	shalt  }
0x7a: {  	_ =	shalt  }
0x7b: {  	_ =	shalt  }
0x7c: {  	_ =	shalt  }
0x7d: {  	_ =	shalt  }
0x7e: {  	_ =	shalt  }
0x7f: {  	_ =	shalt  }
0x80: {  	_ =	shalt  }
0x81: {  	_ =	shalt  }
0x82: {  	_ =	shalt  }
0x83: {  	_ =	shalt  }
0x84: {  	_ =	shalt  }
0x85: {  	_ =	shalt  }
0x86: {  	_ =	shalt  }
0x87: {  	_ =	shalt  }
.Lfunc_end0:
.L_simem_size_0:
called_computation_lowered:
.L_overlay_start_0:
0x88: {  	s2 =	sld [smem:$0x3FD9]  }
0x89: {  	s3 =	sld [smem:$0x3FFE];
	_ =	sdelay $0x1  }
0x8a: {  	s1 =	srdreg.scid  }
0x8b: {  	s0 =	sand.u32 $0x1, s1  }
0x8c: {  	s14 =	sshll.u32 s0, $0xA;
	s2 =	sadd.s32 s3, s2  }
0x8d: {  	s2 =	sadd.s32 s2, s14  }
0x8e: {  	[smem:$0x3FBA] =	sst s2  }
0x8f: {  	_ = 	snop  }
0x90: {  	s2 =	sld [smem:$0x3FD0];
	_ =	sdelay $0x2  }
0x91: {  	s15 =	simm.s32 $0xA;
	s4 =	simm.s32 $0x10  }
0x92: {  	[smem:s4], [sflag:s15] =	dma.local [hbm:s2], $0x1  }
0x93: {  	_ =	swait.eq [sflag:s15], $0x1  }
0x94: {  	[sflag:s15] =	ssyncset.done $0x0  }
0x95: {  	[sflag:s15] =	ssyncadd.s32 $0xFFFFFFFF  }
0x96: {  	s16 =	sld [smem:$0x11];
	(tm) =	ssettm $0x1  }
0x97: {  	s17 =	sld [smem:$0x3FFB];
	_ =	sdelay $0x3  }
0x98: {  	_ =	strace s17  }
0x99: {  	s3 =	sld [smem:$0x3FFC];
	_ =	sdelay $0x3  }
0x9a: {  	_ =	strace s3  }
0x9b: {  	s3 =	sld [smem:$0x3FFD];
	_ =	sdelay $0x3  }
0x9c: {  	_ =	strace s3  }
0x9d: {  	_ =	strace $0x8FFFFFFF  }
0x9e: {  	s18 =	sld [smem:$0x3FDB];
	_ =	sdelay $0x1  }
0x9f: {  	s19 =	simm.s32 $_scs_section_size  }
0xa0: {  	s5 =	simm.s32 $_size__tile_overlayer_lowered;
	s6 =	simm.s32 $_tile_overlayer_lowered  }
0xa1: {  	s22 =	simm.s32 $0x1BFF;
	s21 =	sshll.u32 s6, $0x1;
	s3 =	sadd.s32 s19, s18  }
0xa2: {  	s7 =	simm.s32 $0x0;
	s20 =	sshll.u32 s5, $0x1;
	s5 =	sadd.s32 s21, s3  }
0xa3: {  	[timem:s7], [sflag:s22] =	dma.local [hbm:s5], s20  }
0xa4: {  	_ =	swait.ge [sflag:s22], s20  }
0xa5: {  	s4 =	ssub.s32 $0x0, s20;
	[sflag:s22] =	ssyncset.done $0x0  }
0xa6: {  	[sflag:s22] =	ssyncadd.s32 s4;
	_ =	sdelay $0x1  }
0xa7: {  	s23 =	simm.s32 $0x1B8B  }
0xa8: {  	_ =	swait.ge [sflag:s23], $0x1  }
0xa9: {  	[sflag:s23] =	ssyncset.done $0x0  }
0xaa: {  	s25 =	simm.s32 $0x1B8E;
	s24 =	sld [smem:$0x3FFE];
	[sflag:s23] =	ssyncadd.s32 $0xFFFFFFFF  }
0xab: {  	s26 =	simm.s32 $execute0_lowered;
	[smem:$0x3FD2] =	sst s25  }
0xac: {  	s5 =	sshll.u32 s26, $0x1;
	_ =	strace $0x80000046;
	[dreg:$0x1] =	wrdreg $0xFFFFFFFF  }
0xad: {  	s28 =	simm.s32 $_size_execute0_lowered;
	s3 =	sadd.s32 s3, s5;
	[dreg:$0x0] =	wrdreg $0x0  }
0xae: {  	s5 =	sshll.u32 s28, $0x1;
	[dreg:$0x2] =	wrdreg s3  }
0xaf: {  	[dreg:$0x3] =	wrdreg s5  }
0xb0: {  	[dreg:$0x4] =	wrdreg $0xC0  }
0xb1: {  	_ =	task [dreg:s7], $0x5FFFF  }
0xb2: {  	[dreg:$0x1] =	wrdreg $0xFFFFFFFF  }
0xb3: {  	[dreg:$0x0] =	wrdreg $0x60  }
0xb4: {  	[dreg:$0x2] =	wrdreg s24  }
0xb5: {  	[dreg:$0x3] =	wrdreg s16  }
0xb6: {  	[dreg:$0x4] =	wrdreg $0x9  }
0xb7: {  	_ =	task.clear_ibuf [dreg:s7], $0x5FFFF;
	_ =	strace $0x90000046  }
0xb8: {  	s29 =	simm.s32 $0x9;
	_ =	strace $0x80000048  }
0xb9: {  	_ =	swait.ge [sflag:s29], $0x1  }
0xba: {  	[sflag:s29] =	ssyncadd.s32 $0xFFFFFFFF  }
0xbb: {  	_ =	strace $0x90000048  }
0xbc: {  	_ =	sfence  }
0xbd: {  	s30 =	sld [smem:$0x0];
	_ =	sdelay $0x2  }
0xbe: {  	s31 =	sshll.u32 s1, $0xD;
	s1 =	sshrl.u32 s1, $0x2  }
0xbf: {  	s3 =	sand.u32 $0x4000, s31;
	s1 =	sadd.s32 s1, s30  }
0xc0: {  	s0 =	sor.u32 s3, s0;
	s1 =	sshll.u32 s1, $0x11  }
0xc1: {  	s0 =	sor.u32 s1, s0  }
0xc2: {  	s0 =	sadd.s32 $0x8F2B, s0  }
0xc3: {  	[sflag:s0] =	ssyncadd.remote.s32 $0x1  }
0xc4: {  	_ =	sfence.sel $0xFFFF  }
0xc5: {  	[dreg:$0x0] =	wrdreg $0xFFFFFFFF;
	(pc) =	sbr.abs _section_cstart, $3  }
0xc6: {  	[dreg:$0x1] =	wrdreg $0xFFFFFFFF  }
0xc7: {  	_ =	task.clear_ibuf [dreg:s7], $0x2FFFF;
	_ =	strace $0x9FFFFFFF  }
0xc8: {  	(tm) =	ssettm $0x7FFFFFFF  }
0xc9: {  	_ =	shalt  }
tec
execute0_lowered:
.L_overlay_start_1:
0x0: {  	(tag) =	ssettag $0x1  }
0x1: {  	s0 =	srdreg.scid  }
0x2: {  	s10 =	stileid.u32;
	s1 =	sand.u32 $0x1, s0  }
0x3: {  	s3 =	rddreg [dreg:$0x0];
	s4 =	sshll.u32 s10, $0xD;
	s5 =	sshll.u32 s1, $0xC  }
0x4: {  	s26 =	rddreg [dreg:$0x1];
	s4 =	sor.u32 s5, s4  }
0x5: {  	s2 =	simm.s32 $0x0;
	s5 =	sshll.u32 s4, $0x4;
	s6 =	sshrl.u32 s4, $0x3  }
0x6: {  	[smem:$0x7FF] =	sst s2;
	s4 =	sadd.s32 s5, s3;
	s0 =	sadd.s32 s26, s6  }
0x7: {  	_ =	strace $0x80000047;
	[dreg:$0x3] =	wrdreg s0;
	s5 =	sadd.s32 $0x2A00, s4  }
0x8: {  	s6 =	sadd.s32 $0x3200, s4;
	[dreg:$0x4] =	wrdreg s5  }
0x9: {  	s7 =	sadd.s32 $0x3A00, s4;
	[dreg:$0x5] =	wrdreg s6  }
0xa: {  	s8 =	sadd.s32 $0x4200, s4;
	[dreg:$0x6] =	wrdreg s7  }
0xb: {  	s9 =	sadd.s32 $0x4A00, s4;
	[dreg:$0x7] =	wrdreg s8  }
0xc: {  	s11 =	sadd.s32 $0x5200, s4;
	[dreg:$0x8] =	wrdreg s9  }
0xd: {  	s12 =	sadd.s32 $0x5A00, s4;
	[dreg:$0x9] =	wrdreg s11  }
0xe: {  	s13 =	sadd.s32 $0x6200, s4;
	[dreg:$0xa] =	wrdreg s12  }
0xf: {  	s14 =	sadd.s32 $0x6A00, s4;
	[dreg:$0xb] =	wrdreg s13  }
0x10: {  	s15 =	sadd.s32 $0x7200, s4;
	[dreg:$0xc] =	wrdreg s14  }
0x11: {  	s16 =	sadd.s32 $0x7A00, s4;
	[dreg:$0xd] =	wrdreg s15  }
0x12: {  	s17 =	sadd.s32 $0x8200, s4;
	[dreg:$0xe] =	wrdreg s16  }
0x13: {  	s18 =	sadd.s32 $0x8A00, s4;
	[dreg:$0xf] =	wrdreg s17  }
0x14: {  	s19 =	sadd.s32 $0x9200, s4;
	[dreg:$0x10] =	wrdreg s18  }
0x15: {  	s20 =	sadd.s32 $0x9A00, s4;
	[dreg:$0x11] =	wrdreg s19  }
0x16: {  	s21 =	sadd.s32 $0xA200, s4;
	[dreg:$0x12] =	wrdreg s20  }
0x17: {  	s22 =	sadd.s32 $0xAA00, s4;
	[dreg:$0x13] =	wrdreg s21  }
0x18: {  	s23 =	sadd.s32 $0xB200, s4;
	[dreg:$0x14] =	wrdreg s22  }
0x19: {  	s24 =	sadd.s32 $0xBA00, s4;
	[dreg:$0x15] =	wrdreg s23  }
0x1a: {  	s25 =	sadd.s32 $0xC200, s4;
	[dreg:$0x16] =	wrdreg s24  }
0x1b: {  	s26 =	sadd.s32 $0xCA00, s4;
	[dreg:$0x17] =	wrdreg s25  }
0x1c: {  	[dreg:$0x18] =	wrdreg s26  }
0x1d: {  	s5 =	sadd.s32 $0xD200, s4;
	s0 =	rddreg [dreg:$0x3]  }
0x1e: {  	s6 =	sadd.s32 $0xDA00, s4;
	[dreg:$0x19] =	wrdreg s5  }
0x1f: {  	s7 =	sadd.s32 $0xE200, s4;
	[dreg:$0x1a] =	wrdreg s6  }
0x20: {  	s8 =	sadd.s32 $0xEA00, s4;
	[dreg:$0x1b] =	wrdreg s7  }
0x21: {  	s9 =	sadd.s32 $0xF200, s4;
	[dreg:$0x1c] =	wrdreg s8  }
0x22: {  	s31 =	simm.s32 $0x600;
	s11 =	sadd.s32 $0xFA00, s4;
	[dreg:$0x1d] =	wrdreg s9  }
0x23: {  	s30 =	simm.s32 $0x680;
	s12 =	sadd.s32 $0x10200, s4;
	[dreg:$0x1e] =	wrdreg s11  }
0x24: {  	s29 =	simm.s32 $0x700;
	s13 =	sadd.s32 $0x10A00, s4;
	[dreg:$0x1f] =	wrdreg s12  }
0x25: {  	s28 =	simm.s32 $0x780;
	s14 =	sadd.s32 $0x11200, s4;
	[smem:$0x7F1] =	sst s13  }
0x26: {  	p0 =	por $0x0, $0x0;
	s15 =	sadd.s32 $0x11A00, s4;
	[smem:$0x7F2] =	sst s14  }
0x27: {  	s1 =	ssub.s32 $0x2, s1;
	s16 =	sadd.s32 $0x12200, s4;
	[smem:$0x7F3] =	sst s15  }
0x28: {  	s3 =	sadd.s32 $0x202A00, s3;
	s17 =	simm.s32 $0x100;
	[smem:$0x7F4] =	sst s16  }
0x29: {  	s18 =	sshrl.u32 s1, $0x1;
	s19 =	simm.s32 $0x180;
	[smem:$0x7F5] =	sst s17  }
0x2a: {  	s20 =	simm.s32 $0x200;
	s21 =	simm.s32 $0x280;
	[smem:$0x7F6] =	sst s19  }
0x2b: {  	s4 =	simm.s32 $0x3;
	s22 =	simm.s32 $0x300;
	[smem:$0x7F7] =	sst s20  }
0x2c: {  	s23 =	simm.s32 $0x380;
	s24 =	simm.s32 $0x400;
	[smem:$0x7F8] =	sst s21  }
0x2d: {  	s25 =	simm.s32 $0x480;
	s26 =	simm.s32 $0x500;
	[smem:$0x7F9] =	sst s22  }
0x2e: {  	s1 =	ssub.s32 s1, s18;
	s5 =	simm.s32 $0x80;
	[smem:$0x7FA] =	sst s23  }
0x2f: {  	s7 =	simm.s32 $0x1000;
	s9 =	simm.s32 $0x1;
	[smem:$0x7FB] =	sst s24  }
0x30: {  	s6 =	simm.s32 $0x5000;
	[smem:$0x7FC] =	sst s25;
	s8 =	simm.s32 $0x2  }
0x31: {  	[smem:$0x7FD] =	sst s26;
	s26 =	simm.s32 $0x800;
	s1 =	smax.u32 s1, $0x1  }
0x32: {  	s25 =	simm.s32 $0x880;
	s24 =	simm.s32 $0x900;
	p1 =	sne.s32 s1, $0x1  }
.Ltmp0:
0x33: {  	s23 =	simm.s32 $0x980;
	s22 =	simm.s32 $0xA00;
	(pc) =	sbr.rel @!p1 .LBB2_1-.Ltmp0, $4  }
0x34: {  	s21 =	simm.s32 $0xA80;
	s20 =	simm.s32 $0xB00;
	s19 =	simm.s32 $0xB80  }
0x35: {  	s18 =	simm.s32 $0xC00;
	s17 =	simm.s32 $0xC80;
	s16 =	simm.s32 $0xD00  }
0x36: {  	s15 =	simm.s32 $0xD80;
	s14 =	simm.s32 $0xE00;
	s13 =	simm.s32 $0xE80  }
0x37: {  	s12 =	simm.s32 $0xF00;
	s11 =	simm.s32 $0xF80;
	s1 =	sadd.s32 $0xFFFFFFFF, s1  }
0x38: {  	[tilespmem:s2], [sflag:$0x3] =	stream.linear.gather [hbm4b:s0+s2], $0x1000, $0x38;
	[tilespmem:$0x9000] =	vst v63  }
0x39: {  	_ =	swait.ge [sflag:s4], $0x1000  }
0x3a: {  	[sflag:s4] =	ssyncset.done $0x0  }
0x3b: {  	[sflag:s4] =	ssyncadd.s32 $0xFFFFF000  }
0x3c: {  	[tilespmem:s7], [sflag:$0x1] =	stream.indirect.gather [hbm4b:s3+s5], $0x80, s2, s5, $0xb8;
	[tilespmem:$0x9000] =	vst v63  }
0x3d: {  	_ =	swait.ge [sflag:s9], $0x4000  }
0x3e: {  	[sflag:s9] =	ssyncset.done $0x0  }
0x3f: {  	[sflag:s9] =	ssyncadd.s32 $0xFFFFC000  }
0x40: {  	[tilespmem:s6], [sflag:$0x2] =	stream.indirect.gather [hbm4b:s3+s5], $0x80, s5, s5, $0xb8;
	[tilespmem:$0x9000] =	vst v63  }
0x41: {  	s10 =	rddreg [dreg:$0x4]  }
0x42: {  	[hbm4b:s10+s2] =	stream.linear.scatter [tilespmem:s7], [sflag:$0x3], $0x4000, $0x38;
	[tilespmem:$0x9000] =	vst v63  }
0x43: {  	_ =	swait.ge [sflag:s4], $0x4000  }
0x44: {  	[sflag:s4] =	ssyncset.done $0x0  }
0x45: {  	[sflag:s4] =	ssyncadd.s32 $0xFFFFC000  }
0x46: {  	_ =	swait.ge [sflag:s8], $0x4000  }
0x47: {  	s0 =	sld [smem:$0x7F5]  }
0x48: {  	[sflag:s8] =	ssyncset.done $0x0  }
0x49: {  	[sflag:s8] =	ssyncadd.s32 $0xFFFFC000  }
0x4a: {  	[tilespmem:s7], [sflag:$0x1] =	stream.indirect.gather [hbm4b:s3+s5], $0x80, s0, s5, $0xb8;
	[tilespmem:$0x9000] =	vst v63  }
0x4b: {  	s10 =	smov.u32 s1;
	s1 =	rddreg [dreg:$0x5]  }
0x4c: {  	[hbm4b:s1+s2] =	stream.linear.scatter [tilespmem:s6], [sflag:$0x3], $0x4000, $0x38;
	[tilespmem:$0x9000] =	vst v63  }
0x4d: {  	_ =	swait.ge [sflag:s4], $0x4000  }
0x4e: {  	[sflag:s4] =	ssyncset.done $0x0  }
0x4f: {  	[sflag:s4] =	ssyncadd.s32 $0xFFFFC000  }
0x50: {  	_ =	swait.ge [sflag:s9], $0x4000  }
0x51: {  	s0 =	sld [smem:$0x7F6]  }
0x52: {  	[sflag:s9] =	ssyncset.done $0x0  }
0x53: {  	[sflag:s9] =	ssyncadd.s32 $0xFFFFC000  }
0x54: {  	[tilespmem:s6], [sflag:$0x2] =	stream.indirect.gather [hbm4b:s3+s5], $0x80, s0, s5, $0xb8;
	[tilespmem:$0x9000] =	vst v63  }
0x55: {  	s1 =	rddreg [dreg:$0x6]  }
0x56: {  	[hbm4b:s1+s2] =	stream.linear.scatter [tilespmem:s7], [sflag:$0x3], $0x4000, $0x38;
	[tilespmem:$0x9000] =	vst v63  }
0x57: {  	_ =	swait.ge [sflag:s4], $0x4000  }
0x58: {  	[sflag:s4] =	ssyncset.done $0x0  }
0x59: {  	[sflag:s4] =	ssyncadd.s32 $0xFFFFC000  }
0x5a: {  	_ =	swait.ge [sflag:s8], $0x4000  }
0x5b: {  	s0 =	sld [smem:$0x7F7]  }
0x5c: {  	[sflag:s8] =	ssyncset.done $0x0  }
0x5d: {  	[sflag:s8] =	ssyncadd.s32 $0xFFFFC000  }
0x5e: {  	[tilespmem:s7], [sflag:$0x1] =	stream.indirect.gather [hbm4b:s3+s5], $0x80, s0, s5, $0xb8;
	[tilespmem:$0x9000] =	vst v63  }
0x5f: {  	s1 =	rddreg [dreg:$0x7]  }
0x60: {  	[hbm4b:s1+s2] =	stream.linear.scatter [tilespmem:s6], [sflag:$0x3], $0x4000, $0x38;
	[tilespmem:$0x9000] =	vst v63  }
0x61: {  	_ =	swait.ge [sflag:s4], $0x4000  }
0x62: {  	[sflag:s4] =	ssyncset.done $0x0  }
0x63: {  	[sflag:s4] =	ssyncadd.s32 $0xFFFFC000  }
0x64: {  	_ =	swait.ge [sflag:s9], $0x4000  }
0x65: {  	s0 =	sld [smem:$0x7F8]  }
0x66: {  	[sflag:s9] =	ssyncset.done $0x0  }
0x67: {  	[sflag:s9] =	ssyncadd.s32 $0xFFFFC000  }
0x68: {  	[tilespmem:s6], [sflag:$0x2] =	stream.indirect.gather [hbm4b:s3+s5], $0x80, s0, s5, $0xb8;
	[tilespmem:$0x9000] =	vst v63  }
0x69: {  	s1 =	rddreg [dreg:$0x8]  }
0x6a: {  	[hbm4b:s1+s2] =	stream.linear.scatter [tilespmem:s7], [sflag:$0x3], $0x4000, $0x38;
	[tilespmem:$0x9000] =	vst v63  }
0x6b: {  	_ =	swait.ge [sflag:s4], $0x4000  }
0x6c: {  	[sflag:s4] =	ssyncset.done $0x0  }
0x6d: {  	[sflag:s4] =	ssyncadd.s32 $0xFFFFC000  }
0x6e: {  	_ =	swait.ge [sflag:s8], $0x4000  }
0x6f: {  	s0 =	sld [smem:$0x7F9]  }
0x70: {  	[sflag:s8] =	ssyncset.done $0x0  }
0x71: {  	[sflag:s8] =	ssyncadd.s32 $0xFFFFC000  }
0x72: {  	[tilespmem:s7], [sflag:$0x1] =	stream.indirect.gather [hbm4b:s3+s5], $0x80, s0, s5, $0xb8;
	[tilespmem:$0x9000] =	vst v63  }
0x73: {  	s1 =	rddreg [dreg:$0x9]  }
0x74: {  	[hbm4b:s1+s2] =	stream.linear.scatter [tilespmem:s6], [sflag:$0x3], $0x4000, $0x38;
	[tilespmem:$0x9000] =	vst v63  }
0x75: {  	_ =	swait.ge [sflag:s4], $0x4000  }
0x76: {  	[sflag:s4] =	ssyncset.done $0x0  }
0x77: {  	[sflag:s4] =	ssyncadd.s32 $0xFFFFC000  }
0x78: {  	_ =	swait.ge [sflag:s9], $0x4000  }
0x79: {  	s0 =	sld [smem:$0x7FA]  }
0x7a: {  	[sflag:s9] =	ssyncset.done $0x0  }
0x7b: {  	[sflag:s9] =	ssyncadd.s32 $0xFFFFC000  }
0x7c: {  	[tilespmem:s6], [sflag:$0x2] =	stream.indirect.gather [hbm4b:s3+s5], $0x80, s0, s5, $0xb8;
	[tilespmem:$0x9000] =	vst v63  }
0x7d: {  	s1 =	rddreg [dreg:$0xa]  }
0x7e: {  	[hbm4b:s1+s2] =	stream.linear.scatter [tilespmem:s7], [sflag:$0x3], $0x4000, $0x38;
	[tilespmem:$0x9000] =	vst v63  }
0x7f: {  	_ =	swait.ge [sflag:s4], $0x4000  }
0x80: {  	[sflag:s4] =	ssyncset.done $0x0  }
0x81: {  	[sflag:s4] =	ssyncadd.s32 $0xFFFFC000  }
0x82: {  	_ =	swait.ge [sflag:s8], $0x4000  }
0x83: {  	s0 =	sld [smem:$0x7FB]  }
0x84: {  	[sflag:s8] =	ssyncset.done $0x0  }
0x85: {  	[sflag:s8] =	ssyncadd.s32 $0xFFFFC000  }
0x86: {  	[tilespmem:s7], [sflag:$0x1] =	stream.indirect.gather [hbm4b:s3+s5], $0x80, s0, s5, $0xb8;
	[tilespmem:$0x9000] =	vst v63  }
0x87: {  	s1 =	rddreg [dreg:$0xb]  }
0x88: {  	[hbm4b:s1+s2] =	stream.linear.scatter [tilespmem:s6], [sflag:$0x3], $0x4000, $0x38;
	[tilespmem:$0x9000] =	vst v63  }
0x89: {  	_ =	swait.ge [sflag:s4], $0x4000  }
0x8a: {  	[sflag:s4] =	ssyncset.done $0x0  }
0x8b: {  	[sflag:s4] =	ssyncadd.s32 $0xFFFFC000  }
0x8c: {  	_ =	swait.ge [sflag:s9], $0x4000  }
0x8d: {  	s0 =	sld [smem:$0x7FC]  }
0x8e: {  	[sflag:s9] =	ssyncset.done $0x0  }
0x8f: {  	[sflag:s9] =	ssyncadd.s32 $0xFFFFC000  }
0x90: {  	[tilespmem:s6], [sflag:$0x2] =	stream.indirect.gather [hbm4b:s3+s5], $0x80, s0, s5, $0xb8;
	[tilespmem:$0x9000] =	vst v63  }
0x91: {  	s1 =	rddreg [dreg:$0xc]  }
0x92: {  	[hbm4b:s1+s2] =	stream.linear.scatter [tilespmem:s7], [sflag:$0x3], $0x4000, $0x38;
	[tilespmem:$0x9000] =	vst v63  }
0x93: {  	_ =	swait.ge [sflag:s4], $0x4000  }
0x94: {  	[sflag:s4] =	ssyncset.done $0x0  }
0x95: {  	[sflag:s4] =	ssyncadd.s32 $0xFFFFC000  }
0x96: {  	_ =	swait.ge [sflag:s8], $0x4000  }
0x97: {  	s0 =	sld [smem:$0x7FD]  }
0x98: {  	[sflag:s8] =	ssyncset.done $0x0  }
0x99: {  	[sflag:s8] =	ssyncadd.s32 $0xFFFFC000  }
0x9a: {  	[tilespmem:s7], [sflag:$0x1] =	stream.indirect.gather [hbm4b:s3+s5], $0x80, s0, s5, $0xb8;
	[tilespmem:$0x9000] =	vst v63  }
0x9b: {  	s1 =	rddreg [dreg:$0xd]  }
0x9c: {  	[hbm4b:s1+s2] =	stream.linear.scatter [tilespmem:s6], [sflag:$0x3], $0x4000, $0x38;
	[tilespmem:$0x9000] =	vst v63  }
0x9d: {  	_ =	swait.ge [sflag:s4], $0x4000  }
0x9e: {  	[sflag:s4] =	ssyncset.done $0x0  }
0x9f: {  	[sflag:s4] =	ssyncadd.s32 $0xFFFFC000  }
0xa0: {  	_ =	swait.ge [sflag:s9], $0x4000  }
0xa1: {  	[sflag:s9] =	ssyncset.done $0x0  }
0xa2: {  	s1 =	simm.s32 $0x580;
	[sflag:s9] =	ssyncadd.s32 $0xFFFFC000  }
0xa3: {  	[tilespmem:s6], [sflag:$0x2] =	stream.indirect.gather [hbm4b:s3+s5], $0x80, s1, s5, $0xb8;
	[tilespmem:$0x9000] =	vst v63  }
0xa4: {  	s0 =	rddreg [dreg:$0xe]  }
0xa5: {  	[hbm4b:s0+s2] =	stream.linear.scatter [tilespmem:s7], [sflag:$0x3], $0x4000, $0x38;
	[tilespmem:$0x9000] =	vst v63  }
0xa6: {  	_ =	swait.ge [sflag:s4], $0x4000  }
0xa7: {  	[sflag:s4] =	ssyncset.done $0x0  }
0xa8: {  	[sflag:s4] =	ssyncadd.s32 $0xFFFFC000  }
0xa9: {  	_ =	swait.ge [sflag:s8], $0x4000  }
0xaa: {  	[sflag:s8] =	ssyncset.done $0x0  }
0xab: {  	[sflag:s8] =	ssyncadd.s32 $0xFFFFC000  }
0xac: {  	[tilespmem:s7], [sflag:$0x1] =	stream.indirect.gather [hbm4b:s3+s5], $0x80, s31, s5, $0xb8;
	[tilespmem:$0x9000] =	vst v63  }
0xad: {  	s1 =	rddreg [dreg:$0xf]  }
0xae: {  	[hbm4b:s1+s2] =	stream.linear.scatter [tilespmem:s6], [sflag:$0x3], $0x4000, $0x38;
	[tilespmem:$0x9000] =	vst v63  }
0xaf: {  	_ =	swait.ge [sflag:s4], $0x4000  }
0xb0: {  	[sflag:s4] =	ssyncset.done $0x0  }
0xb1: {  	[sflag:s4] =	ssyncadd.s32 $0xFFFFC000  }
0xb2: {  	_ =	swait.ge [sflag:s9], $0x4000  }
0xb3: {  	[sflag:s9] =	ssyncset.done $0x0  }
0xb4: {  	[sflag:s9] =	ssyncadd.s32 $0xFFFFC000  }
0xb5: {  	[tilespmem:s6], [sflag:$0x2] =	stream.indirect.gather [hbm4b:s3+s5], $0x80, s30, s5, $0xb8;
	[tilespmem:$0x9000] =	vst v63  }
0xb6: {  	s1 =	rddreg [dreg:$0x10]  }
0xb7: {  	[hbm4b:s1+s2] =	stream.linear.scatter [tilespmem:s7], [sflag:$0x3], $0x4000, $0x38;
	[tilespmem:$0x9000] =	vst v63  }
0xb8: {  	_ =	swait.ge [sflag:s4], $0x4000  }
0xb9: {  	[sflag:s4] =	ssyncset.done $0x0  }
0xba: {  	[sflag:s4] =	ssyncadd.s32 $0xFFFFC000  }
0xbb: {  	_ =	swait.ge [sflag:s8], $0x4000  }
0xbc: {  	[sflag:s8] =	ssyncset.done $0x0  }
0xbd: {  	[sflag:s8] =	ssyncadd.s32 $0xFFFFC000  }
0xbe: {  	[tilespmem:s7], [sflag:$0x1] =	stream.indirect.gather [hbm4b:s3+s5], $0x80, s29, s5, $0xb8;
	[tilespmem:$0x9000] =	vst v63  }
0xbf: {  	s1 =	rddreg [dreg:$0x11]  }
0xc0: {  	[hbm4b:s1+s2] =	stream.linear.scatter [tilespmem:s6], [sflag:$0x3], $0x4000, $0x38;
	[tilespmem:$0x9000] =	vst v63  }
0xc1: {  	_ =	swait.ge [sflag:s4], $0x4000  }
0xc2: {  	[sflag:s4] =	ssyncset.done $0x0  }
0xc3: {  	[sflag:s4] =	ssyncadd.s32 $0xFFFFC000  }
0xc4: {  	_ =	swait.ge [sflag:s9], $0x4000  }
0xc5: {  	[sflag:s9] =	ssyncset.done $0x0  }
0xc6: {  	[sflag:s9] =	ssyncadd.s32 $0xFFFFC000  }
0xc7: {  	[tilespmem:s6], [sflag:$0x2] =	stream.indirect.gather [hbm4b:s3+s5], $0x80, s28, s5, $0xb8;
	[tilespmem:$0x9000] =	vst v63  }
0xc8: {  	s1 =	rddreg [dreg:$0x12]  }
0xc9: {  	[hbm4b:s1+s2] =	stream.linear.scatter [tilespmem:s7], [sflag:$0x3], $0x4000, $0x38;
	[tilespmem:$0x9000] =	vst v63  }
0xca: {  	_ =	swait.ge [sflag:s4], $0x4000  }
0xcb: {  	[sflag:s4] =	ssyncset.done $0x0  }
0xcc: {  	[sflag:s4] =	ssyncadd.s32 $0xFFFFC000  }
0xcd: {  	_ =	swait.ge [sflag:s8], $0x4000  }
0xce: {  	[sflag:s8] =	ssyncset.done $0x0  }
0xcf: {  	[sflag:s8] =	ssyncadd.s32 $0xFFFFC000  }
0xd0: {  	[tilespmem:s7], [sflag:$0x1] =	stream.indirect.gather [hbm4b:s3+s5], $0x80, s26, s5, $0xb8;
	[tilespmem:$0x9000] =	vst v63  }
0xd1: {  	s1 =	rddreg [dreg:$0x13]  }
0xd2: {  	[hbm4b:s1+s2] =	stream.linear.scatter [tilespmem:s6], [sflag:$0x3], $0x4000, $0x38;
	[tilespmem:$0x9000] =	vst v63  }
0xd3: {  	_ =	swait.ge [sflag:s4], $0x4000  }
0xd4: {  	[sflag:s4] =	ssyncset.done $0x0  }
0xd5: {  	[sflag:s4] =	ssyncadd.s32 $0xFFFFC000  }
0xd6: {  	_ =	swait.ge [sflag:s9], $0x4000  }
0xd7: {  	[sflag:s9] =	ssyncset.done $0x0  }
0xd8: {  	[sflag:s9] =	ssyncadd.s32 $0xFFFFC000  }
0xd9: {  	[tilespmem:s6], [sflag:$0x2] =	stream.indirect.gather [hbm4b:s3+s5], $0x80, s25, s5, $0xb8;
	[tilespmem:$0x9000] =	vst v63  }
0xda: {  	s1 =	rddreg [dreg:$0x14]  }
0xdb: {  	[hbm4b:s1+s2] =	stream.linear.scatter [tilespmem:s7], [sflag:$0x3], $0x4000, $0x38;
	[tilespmem:$0x9000] =	vst v63  }
0xdc: {  	_ =	swait.ge [sflag:s4], $0x4000  }
0xdd: {  	[sflag:s4] =	ssyncset.done $0x0  }
0xde: {  	[sflag:s4] =	ssyncadd.s32 $0xFFFFC000  }
0xdf: {  	_ =	swait.ge [sflag:s8], $0x4000  }
0xe0: {  	[sflag:s8] =	ssyncset.done $0x0  }
0xe1: {  	[sflag:s8] =	ssyncadd.s32 $0xFFFFC000  }
0xe2: {  	[tilespmem:s7], [sflag:$0x1] =	stream.indirect.gather [hbm4b:s3+s5], $0x80, s24, s5, $0xb8;
	[tilespmem:$0x9000] =	vst v63  }
0xe3: {  	s1 =	rddreg [dreg:$0x15]  }
0xe4: {  	[hbm4b:s1+s2] =	stream.linear.scatter [tilespmem:s6], [sflag:$0x3], $0x4000, $0x38;
	[tilespmem:$0x9000] =	vst v63  }
0xe5: {  	_ =	swait.ge [sflag:s4], $0x4000  }
0xe6: {  	[sflag:s4] =	ssyncset.done $0x0  }
0xe7: {  	[sflag:s4] =	ssyncadd.s32 $0xFFFFC000  }
0xe8: {  	_ =	swait.ge [sflag:s9], $0x4000  }
0xe9: {  	[sflag:s9] =	ssyncset.done $0x0  }
0xea: {  	[sflag:s9] =	ssyncadd.s32 $0xFFFFC000  }
0xeb: {  	[tilespmem:s6], [sflag:$0x2] =	stream.indirect.gather [hbm4b:s3+s5], $0x80, s23, s5, $0xb8;
	[tilespmem:$0x9000] =	vst v63  }
0xec: {  	s1 =	rddreg [dreg:$0x16]  }
0xed: {  	[hbm4b:s1+s2] =	stream.linear.scatter [tilespmem:s7], [sflag:$0x3], $0x4000, $0x38;
	[tilespmem:$0x9000] =	vst v63  }
0xee: {  	_ =	swait.ge [sflag:s4], $0x4000  }
0xef: {  	[sflag:s4] =	ssyncset.done $0x0  }
0xf0: {  	[sflag:s4] =	ssyncadd.s32 $0xFFFFC000  }
0xf1: {  	_ =	swait.ge [sflag:s8], $0x4000  }
0xf2: {  	[sflag:s8] =	ssyncset.done $0x0  }
0xf3: {  	[sflag:s8] =	ssyncadd.s32 $0xFFFFC000  }
0xf4: {  	[tilespmem:s7], [sflag:$0x1] =	stream.indirect.gather [hbm4b:s3+s5], $0x80, s22, s5, $0xb8;
	[tilespmem:$0x9000] =	vst v63  }
0xf5: {  	s1 =	rddreg [dreg:$0x17]  }
0xf6: {  	[hbm4b:s1+s2] =	stream.linear.scatter [tilespmem:s6], [sflag:$0x3], $0x4000, $0x38;
	[tilespmem:$0x9000] =	vst v63  }
0xf7: {  	_ =	swait.ge [sflag:s4], $0x4000  }
0xf8: {  	[sflag:s4] =	ssyncset.done $0x0  }
0xf9: {  	[sflag:s4] =	ssyncadd.s32 $0xFFFFC000  }
0xfa: {  	_ =	swait.ge [sflag:s9], $0x4000  }
0xfb: {  	[sflag:s9] =	ssyncset.done $0x0  }
0xfc: {  	[sflag:s9] =	ssyncadd.s32 $0xFFFFC000  }
0xfd: {  	[tilespmem:s6], [sflag:$0x2] =	stream.indirect.gather [hbm4b:s3+s5], $0x80, s21, s5, $0xb8;
	[tilespmem:$0x9000] =	vst v63  }
0xfe: {  	s1 =	rddreg [dreg:$0x18]  }
0xff: {  	[hbm4b:s1+s2] =	stream.linear.scatter [tilespmem:s7], [sflag:$0x3], $0x4000, $0x38;
	[tilespmem:$0x9000] =	vst v63  }
0x100: {  	_ =	swait.ge [sflag:s4], $0x4000  }
0x101: {  	[sflag:s4] =	ssyncset.done $0x0  }
0x102: {  	[sflag:s4] =	ssyncadd.s32 $0xFFFFC000  }
0x103: {  	_ =	swait.ge [sflag:s8], $0x4000  }
0x104: {  	[sflag:s8] =	ssyncset.done $0x0  }
0x105: {  	[sflag:s8] =	ssyncadd.s32 $0xFFFFC000  }
0x106: {  	[tilespmem:s7], [sflag:$0x1] =	stream.indirect.gather [hbm4b:s3+s5], $0x80, s20, s5, $0xb8;
	[tilespmem:$0x9000] =	vst v63  }
0x107: {  	s1 =	rddreg [dreg:$0x19]  }
0x108: {  	[hbm4b:s1+s2] =	stream.linear.scatter [tilespmem:s6], [sflag:$0x3], $0x4000, $0x38;
	[tilespmem:$0x9000] =	vst v63  }
0x109: {  	_ =	swait.ge [sflag:s4], $0x4000  }
0x10a: {  	[sflag:s4] =	ssyncset.done $0x0  }
0x10b: {  	[sflag:s4] =	ssyncadd.s32 $0xFFFFC000  }
0x10c: {  	_ =	swait.ge [sflag:s9], $0x4000  }
0x10d: {  	[sflag:s9] =	ssyncset.done $0x0  }
0x10e: {  	[sflag:s9] =	ssyncadd.s32 $0xFFFFC000  }
0x10f: {  	[tilespmem:s6], [sflag:$0x2] =	stream.indirect.gather [hbm4b:s3+s5], $0x80, s19, s5, $0xb8;
	[tilespmem:$0x9000] =	vst v63  }
0x110: {  	s1 =	rddreg [dreg:$0x1a]  }
0x111: {  	[hbm4b:s1+s2] =	stream.linear.scatter [tilespmem:s7], [sflag:$0x3], $0x4000, $0x38;
	[tilespmem:$0x9000] =	vst v63  }
0x112: {  	_ =	swait.ge [sflag:s4], $0x4000  }
0x113: {  	[sflag:s4] =	ssyncset.done $0x0  }
0x114: {  	[sflag:s4] =	ssyncadd.s32 $0xFFFFC000  }
0x115: {  	_ =	swait.ge [sflag:s8], $0x4000  }
0x116: {  	[sflag:s8] =	ssyncset.done $0x0  }
0x117: {  	[sflag:s8] =	ssyncadd.s32 $0xFFFFC000  }
0x118: {  	[tilespmem:s7], [sflag:$0x1] =	stream.indirect.gather [hbm4b:s3+s5], $0x80, s18, s5, $0xb8;
	[tilespmem:$0x9000] =	vst v63  }
0x119: {  	s1 =	rddreg [dreg:$0x1b]  }
0x11a: {  	[hbm4b:s1+s2] =	stream.linear.scatter [tilespmem:s6], [sflag:$0x3], $0x4000, $0x38;
	[tilespmem:$0x9000] =	vst v63  }
0x11b: {  	_ =	swait.ge [sflag:s4], $0x4000  }
0x11c: {  	[sflag:s4] =	ssyncset.done $0x0  }
0x11d: {  	[sflag:s4] =	ssyncadd.s32 $0xFFFFC000  }
0x11e: {  	_ =	swait.ge [sflag:s9], $0x4000  }
0x11f: {  	[sflag:s9] =	ssyncset.done $0x0  }
0x120: {  	[sflag:s9] =	ssyncadd.s32 $0xFFFFC000  }
0x121: {  	[tilespmem:s6], [sflag:$0x2] =	stream.indirect.gather [hbm4b:s3+s5], $0x80, s17, s5, $0xb8;
	[tilespmem:$0x9000] =	vst v63  }
0x122: {  	s1 =	rddreg [dreg:$0x1c]  }
0x123: {  	[hbm4b:s1+s2] =	stream.linear.scatter [tilespmem:s7], [sflag:$0x3], $0x4000, $0x38;
	[tilespmem:$0x9000] =	vst v63  }
0x124: {  	_ =	swait.ge [sflag:s4], $0x4000  }
0x125: {  	[sflag:s4] =	ssyncset.done $0x0  }
0x126: {  	[sflag:s4] =	ssyncadd.s32 $0xFFFFC000  }
0x127: {  	_ =	swait.ge [sflag:s8], $0x4000  }
0x128: {  	[sflag:s8] =	ssyncset.done $0x0  }
0x129: {  	[sflag:s8] =	ssyncadd.s32 $0xFFFFC000  }
0x12a: {  	[tilespmem:s7], [sflag:$0x1] =	stream.indirect.gather [hbm4b:s3+s5], $0x80, s16, s5, $0xb8;
	[tilespmem:$0x9000] =	vst v63  }
0x12b: {  	s1 =	rddreg [dreg:$0x1d]  }
0x12c: {  	[hbm4b:s1+s2] =	stream.linear.scatter [tilespmem:s6], [sflag:$0x3], $0x4000, $0x38;
	[tilespmem:$0x9000] =	vst v63  }
0x12d: {  	_ =	swait.ge [sflag:s4], $0x4000  }
0x12e: {  	[sflag:s4] =	ssyncset.done $0x0  }
0x12f: {  	[sflag:s4] =	ssyncadd.s32 $0xFFFFC000  }
0x130: {  	_ =	swait.ge [sflag:s9], $0x4000  }
0x131: {  	[sflag:s9] =	ssyncset.done $0x0  }
0x132: {  	[sflag:s9] =	ssyncadd.s32 $0xFFFFC000  }
0x133: {  	[tilespmem:s6], [sflag:$0x2] =	stream.indirect.gather [hbm4b:s3+s5], $0x80, s15, s5, $0xb8;
	[tilespmem:$0x9000] =	vst v63  }
0x134: {  	s1 =	rddreg [dreg:$0x1e]  }
0x135: {  	[hbm4b:s1+s2] =	stream.linear.scatter [tilespmem:s7], [sflag:$0x3], $0x4000, $0x38;
	[tilespmem:$0x9000] =	vst v63  }
0x136: {  	_ =	swait.ge [sflag:s4], $0x4000  }
0x137: {  	[sflag:s4] =	ssyncset.done $0x0  }
0x138: {  	[sflag:s4] =	ssyncadd.s32 $0xFFFFC000  }
0x139: {  	_ =	swait.ge [sflag:s8], $0x4000  }
0x13a: {  	[sflag:s8] =	ssyncset.done $0x0  }
0x13b: {  	[sflag:s8] =	ssyncadd.s32 $0xFFFFC000  }
0x13c: {  	[tilespmem:s7], [sflag:$0x1] =	stream.indirect.gather [hbm4b:s3+s5], $0x80, s14, s5, $0xb8;
	[tilespmem:$0x9000] =	vst v63  }
0x13d: {  	s1 =	rddreg [dreg:$0x1f]  }
0x13e: {  	[hbm4b:s1+s2] =	stream.linear.scatter [tilespmem:s6], [sflag:$0x3], $0x4000, $0x38;
	[tilespmem:$0x9000] =	vst v63  }
0x13f: {  	_ =	swait.ge [sflag:s4], $0x4000  }
0x140: {  	[sflag:s4] =	ssyncset.done $0x0  }
0x141: {  	[sflag:s4] =	ssyncadd.s32 $0xFFFFC000  }
0x142: {  	_ =	swait.ge [sflag:s9], $0x4000  }
0x143: {  	[sflag:s9] =	ssyncset.done $0x0  }
0x144: {  	s1 =	sld [smem:$0x7F1];
	[sflag:s9] =	ssyncadd.s32 $0xFFFFC000  }
0x145: {  	[tilespmem:s6], [sflag:$0x2] =	stream.indirect.gather [hbm4b:s3+s5], $0x80, s13, s5, $0xb8;
	[tilespmem:$0x9000] =	vst v63  }
0x146: {  	_ = 	snop  }
0x147: {  	[hbm4b:s1+s2] =	stream.linear.scatter [tilespmem:s7], [sflag:$0x3], $0x4000, $0x38;
	[tilespmem:$0x9000] =	vst v63  }
0x148: {  	_ =	swait.ge [sflag:s4], $0x4000  }
0x149: {  	[sflag:s4] =	ssyncset.done $0x0  }
0x14a: {  	[sflag:s4] =	ssyncadd.s32 $0xFFFFC000  }
0x14b: {  	_ =	swait.ge [sflag:s8], $0x4000  }
0x14c: {  	[sflag:s8] =	ssyncset.done $0x0  }
0x14d: {  	s1 =	sld [smem:$0x7F2];
	[sflag:s8] =	ssyncadd.s32 $0xFFFFC000  }
0x14e: {  	[tilespmem:s7], [sflag:$0x1] =	stream.indirect.gather [hbm4b:s3+s5], $0x80, s12, s5, $0xb8;
	[tilespmem:$0x9000] =	vst v63  }
0x14f: {  	_ = 	snop  }
0x150: {  	[hbm4b:s1+s2] =	stream.linear.scatter [tilespmem:s6], [sflag:$0x3], $0x4000, $0x38;
	[tilespmem:$0x9000] =	vst v63  }
0x151: {  	_ =	swait.ge [sflag:s4], $0x4000  }
0x152: {  	[sflag:s4] =	ssyncset.done $0x0  }
0x153: {  	[sflag:s4] =	ssyncadd.s32 $0xFFFFC000  }
0x154: {  	_ =	swait.ge [sflag:s9], $0x4000  }
0x155: {  	[sflag:s9] =	ssyncset.done $0x0  }
0x156: {  	s1 =	sld [smem:$0x7F3];
	[sflag:s9] =	ssyncadd.s32 $0xFFFFC000  }
0x157: {  	[tilespmem:s6], [sflag:$0x2] =	stream.indirect.gather [hbm4b:s3+s5], $0x80, s11, s5, $0xb8;
	[tilespmem:$0x9000] =	vst v63  }
0x158: {  	_ = 	snop  }
0x159: {  	[hbm4b:s1+s2] =	stream.linear.scatter [tilespmem:s7], [sflag:$0x3], $0x4000, $0x38;
	[tilespmem:$0x9000] =	vst v63  }
0x15a: {  	_ =	swait.ge [sflag:s4], $0x4000  }
0x15b: {  	[sflag:s4] =	ssyncset.done $0x0  }
0x15c: {  	[sflag:s4] =	ssyncadd.s32 $0xFFFFC000  }
0x15d: {  	_ =	swait.ge [sflag:s8], $0x4000  }
0x15e: {  	p1 =	sne.s32 s10, $0x1;
	s1 =	sld [smem:$0x7F4]  }
.Ltmp1:
0x15f: {  	[sflag:s8] =	ssyncset.done $0x0;
	(pc) =	sbr.rel @!p1 .LBB2_3-.Ltmp1, $4  }
0x160: {  	[sflag:s8] =	ssyncadd.s32 $0xFFFFC000  }
0x161: {  	[hbm4b:s1+s2] =	stream.linear.scatter [tilespmem:s6], [sflag:$0x3], $0x4000, $0x38;
	[tilespmem:$0x9000] =	vst v63  }
0x162: {  	p0 =	por $0x1, $0x1;
	_ =	swait.ge [sflag:s4], $0x4000  }
0x163: {  	s1 =	sadd.s32 $0xFFFFFFFF, s10;
	s0 =	rddreg [dreg:$0x3];
	[sflag:s4] =	ssyncset.done $0x0  }
.LBB2_4:
0x164: {  	[sflag:s4] =	ssyncadd.s32 $0xFFFFC000  }
0x165: {  	[tilespmem:s2], [sflag:$0x3] =	stream.linear.gather [hbm4b:s0+s2], $0x1000, $0x38;
	[tilespmem:$0x9000] =	vst v63  }
0x166: {  	_ =	swait.ge [sflag:s4], $0x1000  }
0x167: {  	[sflag:s4] =	ssyncset.done $0x0  }
0x168: {  	[sflag:s4] =	ssyncadd.s32 $0xFFFFF000  }
0x169: {  	[tilespmem:s7], [sflag:$0x1] =	stream.indirect.gather [hbm4b:s3+s5], $0x80, s2, s5, $0xb8;
	[tilespmem:$0x9000] =	vst v63  }
0x16a: {  	_ =	swait.ge [sflag:s9], $0x4000  }
0x16b: {  	[sflag:s9] =	ssyncset.done $0x0  }
0x16c: {  	[sflag:s9] =	ssyncadd.s32 $0xFFFFC000  }
0x16d: {  	[tilespmem:s6], [sflag:$0x2] =	stream.indirect.gather [hbm4b:s3+s5], $0x80, s5, s5, $0xb8;
	[tilespmem:$0x9000] =	vst v63  }
0x16e: {  	s10 =	rddreg [dreg:$0x4]  }
0x16f: {  	[hbm4b:s10+s2] =	stream.linear.scatter [tilespmem:s7], [sflag:$0x3], $0x4000, $0x38;
	[tilespmem:$0x9000] =	vst v63  }
0x170: {  	_ =	swait.ge [sflag:s4], $0x4000  }
0x171: {  	[sflag:s4] =	ssyncset.done $0x0  }
0x172: {  	[sflag:s4] =	ssyncadd.s32 $0xFFFFC000  }
0x173: {  	_ =	swait.ge [sflag:s8], $0x4000  }
0x174: {  	s0 =	sld [smem:$0x7F5]  }
0x175: {  	[sflag:s8] =	ssyncset.done $0x0  }
0x176: {  	[sflag:s8] =	ssyncadd.s32 $0xFFFFC000  }
0x177: {  	[tilespmem:s7], [sflag:$0x1] =	stream.indirect.gather [hbm4b:s3+s5], $0x80, s0, s5, $0xb8;
	[tilespmem:$0x9000] =	vst v63  }
0x178: {  	s10 =	rddreg [dreg:$0x5]  }
0x179: {  	[hbm4b:s10+s2] =	stream.linear.scatter [tilespmem:s6], [sflag:$0x3], $0x4000, $0x38;
	[tilespmem:$0x9000] =	vst v63  }
0x17a: {  	_ =	swait.ge [sflag:s4], $0x4000  }
0x17b: {  	[sflag:s4] =	ssyncset.done $0x0  }
0x17c: {  	[sflag:s4] =	ssyncadd.s32 $0xFFFFC000  }
0x17d: {  	_ =	swait.ge [sflag:s9], $0x4000  }
0x17e: {  	s0 =	sld [smem:$0x7F6]  }
0x17f: {  	[sflag:s9] =	ssyncset.done $0x0  }
0x180: {  	[sflag:s9] =	ssyncadd.s32 $0xFFFFC000  }
0x181: {  	[tilespmem:s6], [sflag:$0x2] =	stream.indirect.gather [hbm4b:s3+s5], $0x80, s0, s5, $0xb8;
	[tilespmem:$0x9000] =	vst v63  }
0x182: {  	s10 =	rddreg [dreg:$0x6]  }
0x183: {  	[hbm4b:s10+s2] =	stream.linear.scatter [tilespmem:s7], [sflag:$0x3], $0x4000, $0x38;
	[tilespmem:$0x9000] =	vst v63  }
0x184: {  	_ =	swait.ge [sflag:s4], $0x4000  }
0x185: {  	[sflag:s4] =	ssyncset.done $0x0  }
0x186: {  	[sflag:s4] =	ssyncadd.s32 $0xFFFFC000  }
0x187: {  	_ =	swait.ge [sflag:s8], $0x4000  }
0x188: {  	s0 =	sld [smem:$0x7F7]  }
0x189: {  	[sflag:s8] =	ssyncset.done $0x0  }
0x18a: {  	[sflag:s8] =	ssyncadd.s32 $0xFFFFC000  }
0x18b: {  	[tilespmem:s7], [sflag:$0x1] =	stream.indirect.gather [hbm4b:s3+s5], $0x80, s0, s5, $0xb8;
	[tilespmem:$0x9000] =	vst v63  }
0x18c: {  	s10 =	rddreg [dreg:$0x7]  }
0x18d: {  	[hbm4b:s10+s2] =	stream.linear.scatter [tilespmem:s6], [sflag:$0x3], $0x4000, $0x38;
	[tilespmem:$0x9000] =	vst v63  }
0x18e: {  	_ =	swait.ge [sflag:s4], $0x4000  }
0x18f: {  	[sflag:s4] =	ssyncset.done $0x0  }
0x190: {  	[sflag:s4] =	ssyncadd.s32 $0xFFFFC000  }
0x191: {  	_ =	swait.ge [sflag:s9], $0x4000  }
0x192: {  	s0 =	sld [smem:$0x7F8]  }
0x193: {  	[sflag:s9] =	ssyncset.done $0x0  }
0x194: {  	[sflag:s9] =	ssyncadd.s32 $0xFFFFC000  }
0x195: {  	[tilespmem:s6], [sflag:$0x2] =	stream.indirect.gather [hbm4b:s3+s5], $0x80, s0, s5, $0xb8;
	[tilespmem:$0x9000] =	vst v63  }
0x196: {  	s10 =	rddreg [dreg:$0x8]  }
0x197: {  	[hbm4b:s10+s2] =	stream.linear.scatter [tilespmem:s7], [sflag:$0x3], $0x4000, $0x38;
	[tilespmem:$0x9000] =	vst v63  }
0x198: {  	_ =	swait.ge [sflag:s4], $0x4000  }
0x199: {  	[sflag:s4] =	ssyncset.done $0x0  }
0x19a: {  	[sflag:s4] =	ssyncadd.s32 $0xFFFFC000  }
0x19b: {  	_ =	swait.ge [sflag:s8], $0x4000  }
0x19c: {  	s0 =	sld [smem:$0x7F9]  }
0x19d: {  	[sflag:s8] =	ssyncset.done $0x0  }
0x19e: {  	[sflag:s8] =	ssyncadd.s32 $0xFFFFC000  }
0x19f: {  	[tilespmem:s7], [sflag:$0x1] =	stream.indirect.gather [hbm4b:s3+s5], $0x80, s0, s5, $0xb8;
	[tilespmem:$0x9000] =	vst v63  }
0x1a0: {  	s10 =	rddreg [dreg:$0x9]  }
0x1a1: {  	[hbm4b:s10+s2] =	stream.linear.scatter [tilespmem:s6], [sflag:$0x3], $0x4000, $0x38;
	[tilespmem:$0x9000] =	vst v63  }
0x1a2: {  	_ =	swait.ge [sflag:s4], $0x4000  }
0x1a3: {  	[sflag:s4] =	ssyncset.done $0x0  }
0x1a4: {  	[sflag:s4] =	ssyncadd.s32 $0xFFFFC000  }
0x1a5: {  	_ =	swait.ge [sflag:s9], $0x4000  }
0x1a6: {  	s0 =	sld [smem:$0x7FA]  }
0x1a7: {  	[sflag:s9] =	ssyncset.done $0x0  }
0x1a8: {  	[sflag:s9] =	ssyncadd.s32 $0xFFFFC000  }
0x1a9: {  	[tilespmem:s6], [sflag:$0x2] =	stream.indirect.gather [hbm4b:s3+s5], $0x80, s0, s5, $0xb8;
	[tilespmem:$0x9000] =	vst v63  }
0x1aa: {  	s10 =	rddreg [dreg:$0xa]  }
0x1ab: {  	[hbm4b:s10+s2] =	stream.linear.scatter [tilespmem:s7], [sflag:$0x3], $0x4000, $0x38;
	[tilespmem:$0x9000] =	vst v63  }
0x1ac: {  	_ =	swait.ge [sflag:s4], $0x4000  }
0x1ad: {  	[sflag:s4] =	ssyncset.done $0x0  }
0x1ae: {  	[sflag:s4] =	ssyncadd.s32 $0xFFFFC000  }
0x1af: {  	_ =	swait.ge [sflag:s8], $0x4000  }
0x1b0: {  	s0 =	sld [smem:$0x7FB]  }
0x1b1: {  	[sflag:s8] =	ssyncset.done $0x0  }
0x1b2: {  	[sflag:s8] =	ssyncadd.s32 $0xFFFFC000  }
0x1b3: {  	[tilespmem:s7], [sflag:$0x1] =	stream.indirect.gather [hbm4b:s3+s5], $0x80, s0, s5, $0xb8;
	[tilespmem:$0x9000] =	vst v63  }
0x1b4: {  	s10 =	rddreg [dreg:$0xb]  }
0x1b5: {  	[hbm4b:s10+s2] =	stream.linear.scatter [tilespmem:s6], [sflag:$0x3], $0x4000, $0x38;
	[tilespmem:$0x9000] =	vst v63  }
0x1b6: {  	_ =	swait.ge [sflag:s4], $0x4000  }
0x1b7: {  	[sflag:s4] =	ssyncset.done $0x0  }
0x1b8: {  	[sflag:s4] =	ssyncadd.s32 $0xFFFFC000  }
0x1b9: {  	_ =	swait.ge [sflag:s9], $0x4000  }
0x1ba: {  	s0 =	sld [smem:$0x7FC]  }
0x1bb: {  	[sflag:s9] =	ssyncset.done $0x0  }
0x1bc: {  	[sflag:s9] =	ssyncadd.s32 $0xFFFFC000  }
0x1bd: {  	[tilespmem:s6], [sflag:$0x2] =	stream.indirect.gather [hbm4b:s3+s5], $0x80, s0, s5, $0xb8;
	[tilespmem:$0x9000] =	vst v63  }
0x1be: {  	s10 =	rddreg [dreg:$0xc]  }
0x1bf: {  	[hbm4b:s10+s2] =	stream.linear.scatter [tilespmem:s7], [sflag:$0x3], $0x4000, $0x38;
	[tilespmem:$0x9000] =	vst v63  }
0x1c0: {  	_ =	swait.ge [sflag:s4], $0x4000  }
0x1c1: {  	[sflag:s4] =	ssyncset.done $0x0  }
0x1c2: {  	[sflag:s4] =	ssyncadd.s32 $0xFFFFC000  }
0x1c3: {  	_ =	swait.ge [sflag:s8], $0x4000  }
0x1c4: {  	s0 =	sld [smem:$0x7FD]  }
0x1c5: {  	[sflag:s8] =	ssyncset.done $0x0  }
0x1c6: {  	[sflag:s8] =	ssyncadd.s32 $0xFFFFC000  }
0x1c7: {  	[tilespmem:s7], [sflag:$0x1] =	stream.indirect.gather [hbm4b:s3+s5], $0x80, s0, s5, $0xb8;
	[tilespmem:$0x9000] =	vst v63  }
0x1c8: {  	s10 =	rddreg [dreg:$0xd]  }
0x1c9: {  	[hbm4b:s10+s2] =	stream.linear.scatter [tilespmem:s6], [sflag:$0x3], $0x4000, $0x38;
	[tilespmem:$0x9000] =	vst v63  }
0x1ca: {  	_ =	swait.ge [sflag:s4], $0x4000  }
0x1cb: {  	[sflag:s4] =	ssyncset.done $0x0  }
0x1cc: {  	[sflag:s4] =	ssyncadd.s32 $0xFFFFC000  }
0x1cd: {  	_ =	swait.ge [sflag:s9], $0x4000  }
0x1ce: {  	[sflag:s9] =	ssyncset.done $0x0  }
0x1cf: {  	s10 =	simm.s32 $0x580;
	[sflag:s9] =	ssyncadd.s32 $0xFFFFC000  }
0x1d0: {  	[tilespmem:s6], [sflag:$0x2] =	stream.indirect.gather [hbm4b:s3+s5], $0x80, s10, s5, $0xb8;
	[tilespmem:$0x9000] =	vst v63  }
0x1d1: {  	s0 =	rddreg [dreg:$0xe]  }
0x1d2: {  	[hbm4b:s0+s2] =	stream.linear.scatter [tilespmem:s7], [sflag:$0x3], $0x4000, $0x38;
	[tilespmem:$0x9000] =	vst v63  }
0x1d3: {  	_ =	swait.ge [sflag:s4], $0x4000  }
0x1d4: {  	[sflag:s4] =	ssyncset.done $0x0  }
0x1d5: {  	[sflag:s4] =	ssyncadd.s32 $0xFFFFC000  }
0x1d6: {  	_ =	swait.ge [sflag:s8], $0x4000  }
0x1d7: {  	[sflag:s8] =	ssyncset.done $0x0  }
0x1d8: {  	[sflag:s8] =	ssyncadd.s32 $0xFFFFC000  }
0x1d9: {  	[tilespmem:s7], [sflag:$0x1] =	stream.indirect.gather [hbm4b:s3+s5], $0x80, s31, s5, $0xb8;
	[tilespmem:$0x9000] =	vst v63  }
0x1da: {  	s10 =	rddreg [dreg:$0xf]  }
0x1db: {  	[hbm4b:s10+s2] =	stream.linear.scatter [tilespmem:s6], [sflag:$0x3], $0x4000, $0x38;
	[tilespmem:$0x9000] =	vst v63  }
0x1dc: {  	_ =	swait.ge [sflag:s4], $0x4000  }
0x1dd: {  	[sflag:s4] =	ssyncset.done $0x0  }
0x1de: {  	[sflag:s4] =	ssyncadd.s32 $0xFFFFC000  }
0x1df: {  	_ =	swait.ge [sflag:s9], $0x4000  }
0x1e0: {  	[sflag:s9] =	ssyncset.done $0x0  }
0x1e1: {  	[sflag:s9] =	ssyncadd.s32 $0xFFFFC000  }
0x1e2: {  	[tilespmem:s6], [sflag:$0x2] =	stream.indirect.gather [hbm4b:s3+s5], $0x80, s30, s5, $0xb8;
	[tilespmem:$0x9000] =	vst v63  }
0x1e3: {  	s10 =	rddreg [dreg:$0x10]  }
0x1e4: {  	[hbm4b:s10+s2] =	stream.linear.scatter [tilespmem:s7], [sflag:$0x3], $0x4000, $0x38;
	[tilespmem:$0x9000] =	vst v63  }
0x1e5: {  	_ =	swait.ge [sflag:s4], $0x4000  }
0x1e6: {  	[sflag:s4] =	ssyncset.done $0x0  }
0x1e7: {  	[sflag:s4] =	ssyncadd.s32 $0xFFFFC000  }
0x1e8: {  	_ =	swait.ge [sflag:s8], $0x4000  }
0x1e9: {  	[sflag:s8] =	ssyncset.done $0x0  }
0x1ea: {  	[sflag:s8] =	ssyncadd.s32 $0xFFFFC000  }
0x1eb: {  	[tilespmem:s7], [sflag:$0x1] =	stream.indirect.gather [hbm4b:s3+s5], $0x80, s29, s5, $0xb8;
	[tilespmem:$0x9000] =	vst v63  }
0x1ec: {  	s10 =	rddreg [dreg:$0x11]  }
0x1ed: {  	[hbm4b:s10+s2] =	stream.linear.scatter [tilespmem:s6], [sflag:$0x3], $0x4000, $0x38;
	[tilespmem:$0x9000] =	vst v63  }
0x1ee: {  	_ =	swait.ge [sflag:s4], $0x4000  }
0x1ef: {  	[sflag:s4] =	ssyncset.done $0x0  }
0x1f0: {  	[sflag:s4] =	ssyncadd.s32 $0xFFFFC000  }
0x1f1: {  	_ =	swait.ge [sflag:s9], $0x4000  }
0x1f2: {  	[sflag:s9] =	ssyncset.done $0x0  }
0x1f3: {  	[sflag:s9] =	ssyncadd.s32 $0xFFFFC000  }
0x1f4: {  	[tilespmem:s6], [sflag:$0x2] =	stream.indirect.gather [hbm4b:s3+s5], $0x80, s28, s5, $0xb8;
	[tilespmem:$0x9000] =	vst v63  }
0x1f5: {  	s10 =	rddreg [dreg:$0x12]  }
0x1f6: {  	[hbm4b:s10+s2] =	stream.linear.scatter [tilespmem:s7], [sflag:$0x3], $0x4000, $0x38;
	[tilespmem:$0x9000] =	vst v63  }
0x1f7: {  	_ =	swait.ge [sflag:s4], $0x4000  }
0x1f8: {  	[sflag:s4] =	ssyncset.done $0x0  }
0x1f9: {  	[sflag:s4] =	ssyncadd.s32 $0xFFFFC000  }
0x1fa: {  	_ =	swait.ge [sflag:s8], $0x4000  }
0x1fb: {  	[sflag:s8] =	ssyncset.done $0x0  }
0x1fc: {  	[sflag:s8] =	ssyncadd.s32 $0xFFFFC000  }
0x1fd: {  	[tilespmem:s7], [sflag:$0x1] =	stream.indirect.gather [hbm4b:s3+s5], $0x80, s26, s5, $0xb8;
	[tilespmem:$0x9000] =	vst v63  }
0x1fe: {  	s10 =	rddreg [dreg:$0x13]  }
0x1ff: {  	[hbm4b:s10+s2] =	stream.linear.scatter [tilespmem:s6], [sflag:$0x3], $0x4000, $0x38;
	[tilespmem:$0x9000] =	vst v63  }
0x200: {  	_ =	swait.ge [sflag:s4], $0x4000  }
0x201: {  	[sflag:s4] =	ssyncset.done $0x0  }
0x202: {  	[sflag:s4] =	ssyncadd.s32 $0xFFFFC000  }
0x203: {  	_ =	swait.ge [sflag:s9], $0x4000  }
0x204: {  	[sflag:s9] =	ssyncset.done $0x0  }
0x205: {  	[sflag:s9] =	ssyncadd.s32 $0xFFFFC000  }
0x206: {  	[tilespmem:s6], [sflag:$0x2] =	stream.indirect.gather [hbm4b:s3+s5], $0x80, s25, s5, $0xb8;
	[tilespmem:$0x9000] =	vst v63  }
0x207: {  	s10 =	rddreg [dreg:$0x14]  }
0x208: {  	[hbm4b:s10+s2] =	stream.linear.scatter [tilespmem:s7], [sflag:$0x3], $0x4000, $0x38;
	[tilespmem:$0x9000] =	vst v63  }
0x209: {  	_ =	swait.ge [sflag:s4], $0x4000  }
0x20a: {  	[sflag:s4] =	ssyncset.done $0x0  }
0x20b: {  	[sflag:s4] =	ssyncadd.s32 $0xFFFFC000  }
0x20c: {  	_ =	swait.ge [sflag:s8], $0x4000  }
0x20d: {  	[sflag:s8] =	ssyncset.done $0x0  }
0x20e: {  	[sflag:s8] =	ssyncadd.s32 $0xFFFFC000  }
0x20f: {  	[tilespmem:s7], [sflag:$0x1] =	stream.indirect.gather [hbm4b:s3+s5], $0x80, s24, s5, $0xb8;
	[tilespmem:$0x9000] =	vst v63  }
0x210: {  	s10 =	rddreg [dreg:$0x15]  }
0x211: {  	[hbm4b:s10+s2] =	stream.linear.scatter [tilespmem:s6], [sflag:$0x3], $0x4000, $0x38;
	[tilespmem:$0x9000] =	vst v63  }
0x212: {  	_ =	swait.ge [sflag:s4], $0x4000  }
0x213: {  	[sflag:s4] =	ssyncset.done $0x0  }
0x214: {  	[sflag:s4] =	ssyncadd.s32 $0xFFFFC000  }
0x215: {  	_ =	swait.ge [sflag:s9], $0x4000  }
0x216: {  	[sflag:s9] =	ssyncset.done $0x0  }
0x217: {  	[sflag:s9] =	ssyncadd.s32 $0xFFFFC000  }
0x218: {  	[tilespmem:s6], [sflag:$0x2] =	stream.indirect.gather [hbm4b:s3+s5], $0x80, s23, s5, $0xb8;
	[tilespmem:$0x9000] =	vst v63  }
0x219: {  	s10 =	rddreg [dreg:$0x16]  }
0x21a: {  	[hbm4b:s10+s2] =	stream.linear.scatter [tilespmem:s7], [sflag:$0x3], $0x4000, $0x38;
	[tilespmem:$0x9000] =	vst v63  }
0x21b: {  	_ =	swait.ge [sflag:s4], $0x4000  }
0x21c: {  	[sflag:s4] =	ssyncset.done $0x0  }
0x21d: {  	[sflag:s4] =	ssyncadd.s32 $0xFFFFC000  }
0x21e: {  	_ =	swait.ge [sflag:s8], $0x4000  }
0x21f: {  	[sflag:s8] =	ssyncset.done $0x0  }
0x220: {  	[sflag:s8] =	ssyncadd.s32 $0xFFFFC000  }
0x221: {  	[tilespmem:s7], [sflag:$0x1] =	stream.indirect.gather [hbm4b:s3+s5], $0x80, s22, s5, $0xb8;
	[tilespmem:$0x9000] =	vst v63  }
0x222: {  	s10 =	rddreg [dreg:$0x17]  }
0x223: {  	[hbm4b:s10+s2] =	stream.linear.scatter [tilespmem:s6], [sflag:$0x3], $0x4000, $0x38;
	[tilespmem:$0x9000] =	vst v63  }
0x224: {  	_ =	swait.ge [sflag:s4], $0x4000  }
0x225: {  	[sflag:s4] =	ssyncset.done $0x0  }
0x226: {  	[sflag:s4] =	ssyncadd.s32 $0xFFFFC000  }
0x227: {  	_ =	swait.ge [sflag:s9], $0x4000  }
0x228: {  	[sflag:s9] =	ssyncset.done $0x0  }
0x229: {  	[sflag:s9] =	ssyncadd.s32 $0xFFFFC000  }
0x22a: {  	[tilespmem:s6], [sflag:$0x2] =	stream.indirect.gather [hbm4b:s3+s5], $0x80, s21, s5, $0xb8;
	[tilespmem:$0x9000] =	vst v63  }
0x22b: {  	s10 =	rddreg [dreg:$0x18]  }
0x22c: {  	[hbm4b:s10+s2] =	stream.linear.scatter [tilespmem:s7], [sflag:$0x3], $0x4000, $0x38;
	[tilespmem:$0x9000] =	vst v63  }
0x22d: {  	_ =	swait.ge [sflag:s4], $0x4000  }
0x22e: {  	[sflag:s4] =	ssyncset.done $0x0  }
0x22f: {  	[sflag:s4] =	ssyncadd.s32 $0xFFFFC000  }
0x230: {  	_ =	swait.ge [sflag:s8], $0x4000  }
0x231: {  	[sflag:s8] =	ssyncset.done $0x0  }
0x232: {  	[sflag:s8] =	ssyncadd.s32 $0xFFFFC000  }
0x233: {  	[tilespmem:s7], [sflag:$0x1] =	stream.indirect.gather [hbm4b:s3+s5], $0x80, s20, s5, $0xb8;
	[tilespmem:$0x9000] =	vst v63  }
0x234: {  	s10 =	rddreg [dreg:$0x19]  }
0x235: {  	[hbm4b:s10+s2] =	stream.linear.scatter [tilespmem:s6], [sflag:$0x3], $0x4000, $0x38;
	[tilespmem:$0x9000] =	vst v63  }
0x236: {  	_ =	swait.ge [sflag:s4], $0x4000  }
0x237: {  	[sflag:s4] =	ssyncset.done $0x0  }
0x238: {  	[sflag:s4] =	ssyncadd.s32 $0xFFFFC000  }
0x239: {  	_ =	swait.ge [sflag:s9], $0x4000  }
0x23a: {  	[sflag:s9] =	ssyncset.done $0x0  }
0x23b: {  	[sflag:s9] =	ssyncadd.s32 $0xFFFFC000  }
0x23c: {  	[tilespmem:s6], [sflag:$0x2] =	stream.indirect.gather [hbm4b:s3+s5], $0x80, s19, s5, $0xb8;
	[tilespmem:$0x9000] =	vst v63  }
0x23d: {  	s10 =	rddreg [dreg:$0x1a]  }
0x23e: {  	[hbm4b:s10+s2] =	stream.linear.scatter [tilespmem:s7], [sflag:$0x3], $0x4000, $0x38;
	[tilespmem:$0x9000] =	vst v63  }
0x23f: {  	_ =	swait.ge [sflag:s4], $0x4000  }
0x240: {  	[sflag:s4] =	ssyncset.done $0x0  }
0x241: {  	[sflag:s4] =	ssyncadd.s32 $0xFFFFC000  }
0x242: {  	_ =	swait.ge [sflag:s8], $0x4000  }
0x243: {  	[sflag:s8] =	ssyncset.done $0x0  }
0x244: {  	[sflag:s8] =	ssyncadd.s32 $0xFFFFC000  }
0x245: {  	[tilespmem:s7], [sflag:$0x1] =	stream.indirect.gather [hbm4b:s3+s5], $0x80, s18, s5, $0xb8;
	[tilespmem:$0x9000] =	vst v63  }
0x246: {  	s10 =	rddreg [dreg:$0x1b]  }
0x247: {  	[hbm4b:s10+s2] =	stream.linear.scatter [tilespmem:s6], [sflag:$0x3], $0x4000, $0x38;
	[tilespmem:$0x9000] =	vst v63  }
0x248: {  	_ =	swait.ge [sflag:s4], $0x4000  }
0x249: {  	[sflag:s4] =	ssyncset.done $0x0  }
0x24a: {  	[sflag:s4] =	ssyncadd.s32 $0xFFFFC000  }
0x24b: {  	_ =	swait.ge [sflag:s9], $0x4000  }
0x24c: {  	[sflag:s9] =	ssyncset.done $0x0  }
0x24d: {  	[sflag:s9] =	ssyncadd.s32 $0xFFFFC000  }
0x24e: {  	[tilespmem:s6], [sflag:$0x2] =	stream.indirect.gather [hbm4b:s3+s5], $0x80, s17, s5, $0xb8;
	[tilespmem:$0x9000] =	vst v63  }
0x24f: {  	s10 =	rddreg [dreg:$0x1c]  }
0x250: {  	[hbm4b:s10+s2] =	stream.linear.scatter [tilespmem:s7], [sflag:$0x3], $0x4000, $0x38;
	[tilespmem:$0x9000] =	vst v63  }
0x251: {  	_ =	swait.ge [sflag:s4], $0x4000  }
0x252: {  	[sflag:s4] =	ssyncset.done $0x0  }
0x253: {  	[sflag:s4] =	ssyncadd.s32 $0xFFFFC000  }
0x254: {  	_ =	swait.ge [sflag:s8], $0x4000  }
0x255: {  	[sflag:s8] =	ssyncset.done $0x0  }
0x256: {  	[sflag:s8] =	ssyncadd.s32 $0xFFFFC000  }
0x257: {  	[tilespmem:s7], [sflag:$0x1] =	stream.indirect.gather [hbm4b:s3+s5], $0x80, s16, s5, $0xb8;
	[tilespmem:$0x9000] =	vst v63  }
0x258: {  	s10 =	rddreg [dreg:$0x1d]  }
0x259: {  	[hbm4b:s10+s2] =	stream.linear.scatter [tilespmem:s6], [sflag:$0x3], $0x4000, $0x38;
	[tilespmem:$0x9000] =	vst v63  }
0x25a: {  	_ =	swait.ge [sflag:s4], $0x4000  }
0x25b: {  	[sflag:s4] =	ssyncset.done $0x0  }
0x25c: {  	[sflag:s4] =	ssyncadd.s32 $0xFFFFC000  }
0x25d: {  	_ =	swait.ge [sflag:s9], $0x4000  }
0x25e: {  	[sflag:s9] =	ssyncset.done $0x0  }
0x25f: {  	[sflag:s9] =	ssyncadd.s32 $0xFFFFC000  }
0x260: {  	[tilespmem:s6], [sflag:$0x2] =	stream.indirect.gather [hbm4b:s3+s5], $0x80, s15, s5, $0xb8;
	[tilespmem:$0x9000] =	vst v63  }
0x261: {  	s10 =	rddreg [dreg:$0x1e]  }
0x262: {  	[hbm4b:s10+s2] =	stream.linear.scatter [tilespmem:s7], [sflag:$0x3], $0x4000, $0x38;
	[tilespmem:$0x9000] =	vst v63  }
0x263: {  	_ =	swait.ge [sflag:s4], $0x4000  }
0x264: {  	[sflag:s4] =	ssyncset.done $0x0  }
0x265: {  	[sflag:s4] =	ssyncadd.s32 $0xFFFFC000  }
0x266: {  	_ =	swait.ge [sflag:s8], $0x4000  }
0x267: {  	[sflag:s8] =	ssyncset.done $0x0  }
0x268: {  	[sflag:s8] =	ssyncadd.s32 $0xFFFFC000  }
0x269: {  	[tilespmem:s7], [sflag:$0x1] =	stream.indirect.gather [hbm4b:s3+s5], $0x80, s14, s5, $0xb8;
	[tilespmem:$0x9000] =	vst v63  }
0x26a: {  	s10 =	rddreg [dreg:$0x1f]  }
0x26b: {  	[hbm4b:s10+s2] =	stream.linear.scatter [tilespmem:s6], [sflag:$0x3], $0x4000, $0x38;
	[tilespmem:$0x9000] =	vst v63  }
0x26c: {  	_ =	swait.ge [sflag:s4], $0x4000  }
0x26d: {  	[sflag:s4] =	ssyncset.done $0x0  }
0x26e: {  	[sflag:s4] =	ssyncadd.s32 $0xFFFFC000  }
0x26f: {  	_ =	swait.ge [sflag:s9], $0x4000  }
0x270: {  	[sflag:s9] =	ssyncset.done $0x0  }
0x271: {  	s10 =	sld [smem:$0x7F1];
	[sflag:s9] =	ssyncadd.s32 $0xFFFFC000  }
0x272: {  	[tilespmem:s6], [sflag:$0x2] =	stream.indirect.gather [hbm4b:s3+s5], $0x80, s13, s5, $0xb8;
	[tilespmem:$0x9000] =	vst v63  }
0x273: {  	_ = 	snop  }
0x274: {  	[hbm4b:s10+s2] =	stream.linear.scatter [tilespmem:s7], [sflag:$0x3], $0x4000, $0x38;
	[tilespmem:$0x9000] =	vst v63  }
0x275: {  	_ =	swait.ge [sflag:s4], $0x4000  }
0x276: {  	[sflag:s4] =	ssyncset.done $0x0  }
0x277: {  	[sflag:s4] =	ssyncadd.s32 $0xFFFFC000  }
0x278: {  	_ =	swait.ge [sflag:s8], $0x4000  }
0x279: {  	[sflag:s8] =	ssyncset.done $0x0  }
0x27a: {  	s10 =	sld [smem:$0x7F2];
	[sflag:s8] =	ssyncadd.s32 $0xFFFFC000  }
0x27b: {  	[tilespmem:s7], [sflag:$0x1] =	stream.indirect.gather [hbm4b:s3+s5], $0x80, s12, s5, $0xb8;
	[tilespmem:$0x9000] =	vst v63  }
0x27c: {  	_ = 	snop  }
0x27d: {  	[hbm4b:s10+s2] =	stream.linear.scatter [tilespmem:s6], [sflag:$0x3], $0x4000, $0x38;
	[tilespmem:$0x9000] =	vst v63  }
0x27e: {  	_ =	swait.ge [sflag:s4], $0x4000  }
0x27f: {  	[sflag:s4] =	ssyncset.done $0x0  }
0x280: {  	[sflag:s4] =	ssyncadd.s32 $0xFFFFC000  }
0x281: {  	_ =	swait.ge [sflag:s9], $0x4000  }
0x282: {  	[sflag:s9] =	ssyncset.done $0x0  }
0x283: {  	s10 =	sld [smem:$0x7F3];
	[sflag:s9] =	ssyncadd.s32 $0xFFFFC000  }
0x284: {  	[tilespmem:s6], [sflag:$0x2] =	stream.indirect.gather [hbm4b:s3+s5], $0x80, s11, s5, $0xb8;
	[tilespmem:$0x9000] =	vst v63  }
0x285: {  	_ = 	snop  }
0x286: {  	[hbm4b:s10+s2] =	stream.linear.scatter [tilespmem:s7], [sflag:$0x3], $0x4000, $0x38;
	[tilespmem:$0x9000] =	vst v63  }
0x287: {  	_ =	swait.ge [sflag:s4], $0x4000  }
0x288: {  	[sflag:s4] =	ssyncset.done $0x0  }
0x289: {  	[sflag:s4] =	ssyncadd.s32 $0xFFFFC000  }
0x28a: {  	_ =	swait.ge [sflag:s8], $0x4000  }
0x28b: {  	p1 =	sne.s32 s1, $0x1;
	s10 =	sld [smem:$0x7F4]  }
.Ltmp2:
0x28c: {  	[sflag:s8] =	ssyncset.done $0x0;
	(pc) =	sbr.rel @p1 .LBB2_4-.Ltmp2, $4  }
0x28d: {  	[sflag:s8] =	ssyncadd.s32 $0xFFFFC000  }
0x28e: {  	[hbm4b:s10+s2] =	stream.linear.scatter [tilespmem:s6], [sflag:$0x3], $0x4000, $0x38;
	[tilespmem:$0x9000] =	vst v63  }
0x28f: {  	_ =	swait.ge [sflag:s4], $0x4000  }
0x290: {  	s1 =	sadd.s32 $0xFFFFFFFF, s1;
	s0 =	rddreg [dreg:$0x3];
	[sflag:s4] =	ssyncset.done $0x0  }
0x291: {  	s11 =	simm.s32 $0x580;
	s31 =	simm.s32 $0x600;
	s30 =	simm.s32 $0x680  }
0x292: {  	s29 =	simm.s32 $0x700;
	s28 =	simm.s32 $0x780;
	s26 =	simm.s32 $0x800  }
0x293: {  	s25 =	simm.s32 $0x880;
	s24 =	simm.s32 $0x900;
	s23 =	simm.s32 $0x980  }
0x294: {  	s22 =	simm.s32 $0xA00;
	s21 =	simm.s32 $0xA80;
	s20 =	simm.s32 $0xB00  }
0x295: {  	s19 =	simm.s32 $0xB80;
	s18 =	simm.s32 $0xC00;
	s17 =	simm.s32 $0xC80  }
0x296: {  	s16 =	simm.s32 $0xD00;
	s15 =	simm.s32 $0xD80;
	s14 =	simm.s32 $0xE00  }
0x297: {  	s13 =	simm.s32 $0xE80;
	s12 =	simm.s32 $0xF00;
	s10 =	stileid.u32  }
.LBB2_6:
0x298: {  	[sflag:s4] =	ssyncadd.s32 @p0 $0xFFFFC000  }
0x299: {  	[tilespmem:s2], [sflag:$0x3] =	stream.linear.gather [hbm4b:s0+s2], $0x1000, $0x38;
	[tilespmem:$0x9000] =	vst v63  }
0x29a: {  	_ =	swait.ge [sflag:s4], $0x1000  }
0x29b: {  	[sflag:s4] =	ssyncset.done $0x0  }
0x29c: {  	[sflag:s4] =	ssyncadd.s32 $0xFFFFF000  }
0x29d: {  	[tilespmem:s7], [sflag:$0x1] =	stream.indirect.gather [hbm4b:s3+s5], $0x80, s2, s5, $0xb8;
	[tilespmem:$0x9000] =	vst v63  }
0x29e: {  	_ =	swait.ge [sflag:s9], $0x4000  }
0x29f: {  	[sflag:s9] =	ssyncset.done $0x0  }
0x2a0: {  	[sflag:s9] =	ssyncadd.s32 $0xFFFFC000  }
0x2a1: {  	[tilespmem:s6], [sflag:$0x2] =	stream.indirect.gather [hbm4b:s3+s5], $0x80, s5, s5, $0xb8;
	[tilespmem:$0x9000] =	vst v63  }
0x2a2: {  	s1 =	rddreg [dreg:$0x4]  }
0x2a3: {  	[hbm4b:s1+s2] =	stream.linear.scatter [tilespmem:s7], [sflag:$0x3], $0x4000, $0x38;
	[tilespmem:$0x9000] =	vst v63  }
0x2a4: {  	_ =	swait.ge [sflag:s4], $0x4000  }
0x2a5: {  	[sflag:s4] =	ssyncset.done $0x0  }
0x2a6: {  	[sflag:s4] =	ssyncadd.s32 $0xFFFFC000  }
0x2a7: {  	_ =	swait.ge [sflag:s8], $0x4000  }
0x2a8: {  	s0 =	sld [smem:$0x7F5]  }
0x2a9: {  	[sflag:s8] =	ssyncset.done $0x0  }
0x2aa: {  	[sflag:s8] =	ssyncadd.s32 $0xFFFFC000  }
0x2ab: {  	[tilespmem:s7], [sflag:$0x1] =	stream.indirect.gather [hbm4b:s3+s5], $0x80, s0, s5, $0xb8;
	[tilespmem:$0x9000] =	vst v63  }
0x2ac: {  	s1 =	rddreg [dreg:$0x5]  }
0x2ad: {  	[hbm4b:s1+s2] =	stream.linear.scatter [tilespmem:s6], [sflag:$0x3], $0x4000, $0x38;
	[tilespmem:$0x9000] =	vst v63  }
0x2ae: {  	_ =	swait.ge [sflag:s4], $0x4000  }
0x2af: {  	[sflag:s4] =	ssyncset.done $0x0  }
0x2b0: {  	[sflag:s4] =	ssyncadd.s32 $0xFFFFC000  }
0x2b1: {  	_ =	swait.ge [sflag:s9], $0x4000  }
0x2b2: {  	s0 =	sld [smem:$0x7F6]  }
0x2b3: {  	[sflag:s9] =	ssyncset.done $0x0  }
0x2b4: {  	[sflag:s9] =	ssyncadd.s32 $0xFFFFC000  }
0x2b5: {  	[tilespmem:s6], [sflag:$0x2] =	stream.indirect.gather [hbm4b:s3+s5], $0x80, s0, s5, $0xb8;
	[tilespmem:$0x9000] =	vst v63  }
0x2b6: {  	s1 =	rddreg [dreg:$0x6]  }
0x2b7: {  	[hbm4b:s1+s2] =	stream.linear.scatter [tilespmem:s7], [sflag:$0x3], $0x4000, $0x38;
	[tilespmem:$0x9000] =	vst v63  }
0x2b8: {  	_ =	swait.ge [sflag:s4], $0x4000  }
0x2b9: {  	[sflag:s4] =	ssyncset.done $0x0  }
0x2ba: {  	[sflag:s4] =	ssyncadd.s32 $0xFFFFC000  }
0x2bb: {  	_ =	swait.ge [sflag:s8], $0x4000  }
0x2bc: {  	s0 =	sld [smem:$0x7F7]  }
0x2bd: {  	[sflag:s8] =	ssyncset.done $0x0  }
0x2be: {  	[sflag:s8] =	ssyncadd.s32 $0xFFFFC000  }
0x2bf: {  	[tilespmem:s7], [sflag:$0x1] =	stream.indirect.gather [hbm4b:s3+s5], $0x80, s0, s5, $0xb8;
	[tilespmem:$0x9000] =	vst v63  }
0x2c0: {  	s1 =	rddreg [dreg:$0x7]  }
0x2c1: {  	[hbm4b:s1+s2] =	stream.linear.scatter [tilespmem:s6], [sflag:$0x3], $0x4000, $0x38;
	[tilespmem:$0x9000] =	vst v63  }
0x2c2: {  	_ =	swait.ge [sflag:s4], $0x4000  }
0x2c3: {  	[sflag:s4] =	ssyncset.done $0x0  }
0x2c4: {  	[sflag:s4] =	ssyncadd.s32 $0xFFFFC000  }
0x2c5: {  	_ =	swait.ge [sflag:s9], $0x4000  }
0x2c6: {  	s0 =	sld [smem:$0x7F8]  }
0x2c7: {  	[sflag:s9] =	ssyncset.done $0x0  }
0x2c8: {  	[sflag:s9] =	ssyncadd.s32 $0xFFFFC000  }
0x2c9: {  	[tilespmem:s6], [sflag:$0x2] =	stream.indirect.gather [hbm4b:s3+s5], $0x80, s0, s5, $0xb8;
	[tilespmem:$0x9000] =	vst v63  }
0x2ca: {  	s1 =	rddreg [dreg:$0x8]  }
0x2cb: {  	[hbm4b:s1+s2] =	stream.linear.scatter [tilespmem:s7], [sflag:$0x3], $0x4000, $0x38;
	[tilespmem:$0x9000] =	vst v63  }
0x2cc: {  	_ =	swait.ge [sflag:s4], $0x4000  }
0x2cd: {  	[sflag:s4] =	ssyncset.done $0x0  }
0x2ce: {  	[sflag:s4] =	ssyncadd.s32 $0xFFFFC000  }
0x2cf: {  	_ =	swait.ge [sflag:s8], $0x4000  }
0x2d0: {  	s0 =	sld [smem:$0x7F9]  }
0x2d1: {  	[sflag:s8] =	ssyncset.done $0x0  }
0x2d2: {  	[sflag:s8] =	ssyncadd.s32 $0xFFFFC000  }
0x2d3: {  	[tilespmem:s7], [sflag:$0x1] =	stream.indirect.gather [hbm4b:s3+s5], $0x80, s0, s5, $0xb8;
	[tilespmem:$0x9000] =	vst v63  }
0x2d4: {  	s1 =	rddreg [dreg:$0x9]  }
0x2d5: {  	[hbm4b:s1+s2] =	stream.linear.scatter [tilespmem:s6], [sflag:$0x3], $0x4000, $0x38;
	[tilespmem:$0x9000] =	vst v63  }
0x2d6: {  	_ =	swait.ge [sflag:s4], $0x4000  }
0x2d7: {  	[sflag:s4] =	ssyncset.done $0x0  }
0x2d8: {  	[sflag:s4] =	ssyncadd.s32 $0xFFFFC000  }
0x2d9: {  	_ =	swait.ge [sflag:s9], $0x4000  }
0x2da: {  	s0 =	sld [smem:$0x7FA]  }
0x2db: {  	[sflag:s9] =	ssyncset.done $0x0  }
0x2dc: {  	[sflag:s9] =	ssyncadd.s32 $0xFFFFC000  }
0x2dd: {  	[tilespmem:s6], [sflag:$0x2] =	stream.indirect.gather [hbm4b:s3+s5], $0x80, s0, s5, $0xb8;
	[tilespmem:$0x9000] =	vst v63  }
0x2de: {  	s1 =	rddreg [dreg:$0xa]  }
0x2df: {  	[hbm4b:s1+s2] =	stream.linear.scatter [tilespmem:s7], [sflag:$0x3], $0x4000, $0x38;
	[tilespmem:$0x9000] =	vst v63  }
0x2e0: {  	_ =	swait.ge [sflag:s4], $0x4000  }
0x2e1: {  	[sflag:s4] =	ssyncset.done $0x0  }
0x2e2: {  	[sflag:s4] =	ssyncadd.s32 $0xFFFFC000  }
0x2e3: {  	_ =	swait.ge [sflag:s8], $0x4000  }
0x2e4: {  	s0 =	sld [smem:$0x7FB]  }
0x2e5: {  	[sflag:s8] =	ssyncset.done $0x0  }
0x2e6: {  	[sflag:s8] =	ssyncadd.s32 $0xFFFFC000  }
0x2e7: {  	[tilespmem:s7], [sflag:$0x1] =	stream.indirect.gather [hbm4b:s3+s5], $0x80, s0, s5, $0xb8;
	[tilespmem:$0x9000] =	vst v63  }
0x2e8: {  	s1 =	rddreg [dreg:$0xb]  }
0x2e9: {  	[hbm4b:s1+s2] =	stream.linear.scatter [tilespmem:s6], [sflag:$0x3], $0x4000, $0x38;
	[tilespmem:$0x9000] =	vst v63  }
0x2ea: {  	_ =	swait.ge [sflag:s4], $0x4000  }
0x2eb: {  	[sflag:s4] =	ssyncset.done $0x0  }
0x2ec: {  	[sflag:s4] =	ssyncadd.s32 $0xFFFFC000  }
0x2ed: {  	_ =	swait.ge [sflag:s9], $0x4000  }
0x2ee: {  	s0 =	sld [smem:$0x7FC]  }
0x2ef: {  	[sflag:s9] =	ssyncset.done $0x0  }
0x2f0: {  	[sflag:s9] =	ssyncadd.s32 $0xFFFFC000  }
0x2f1: {  	[tilespmem:s6], [sflag:$0x2] =	stream.indirect.gather [hbm4b:s3+s5], $0x80, s0, s5, $0xb8;
	[tilespmem:$0x9000] =	vst v63  }
0x2f2: {  	s1 =	rddreg [dreg:$0xc]  }
0x2f3: {  	[hbm4b:s1+s2] =	stream.linear.scatter [tilespmem:s7], [sflag:$0x3], $0x4000, $0x38;
	[tilespmem:$0x9000] =	vst v63  }
0x2f4: {  	_ =	swait.ge [sflag:s4], $0x4000  }
0x2f5: {  	[sflag:s4] =	ssyncset.done $0x0  }
0x2f6: {  	[sflag:s4] =	ssyncadd.s32 $0xFFFFC000  }
0x2f7: {  	_ =	swait.ge [sflag:s8], $0x4000  }
0x2f8: {  	s0 =	sld [smem:$0x7FD]  }
0x2f9: {  	[sflag:s8] =	ssyncset.done $0x0  }
0x2fa: {  	[sflag:s8] =	ssyncadd.s32 $0xFFFFC000  }
0x2fb: {  	[tilespmem:s7], [sflag:$0x1] =	stream.indirect.gather [hbm4b:s3+s5], $0x80, s0, s5, $0xb8;
	[tilespmem:$0x9000] =	vst v63  }
0x2fc: {  	s1 =	rddreg [dreg:$0xd]  }
0x2fd: {  	[hbm4b:s1+s2] =	stream.linear.scatter [tilespmem:s6], [sflag:$0x3], $0x4000, $0x38;
	[tilespmem:$0x9000] =	vst v63  }
0x2fe: {  	_ =	swait.ge [sflag:s4], $0x4000  }
0x2ff: {  	[sflag:s4] =	ssyncset.done $0x0  }
0x300: {  	[sflag:s4] =	ssyncadd.s32 $0xFFFFC000  }
0x301: {  	_ =	swait.ge [sflag:s9], $0x4000  }
0x302: {  	[sflag:s9] =	ssyncset.done $0x0  }
0x303: {  	[sflag:s9] =	ssyncadd.s32 $0xFFFFC000  }
0x304: {  	[tilespmem:s6], [sflag:$0x2] =	stream.indirect.gather [hbm4b:s3+s5], $0x80, s11, s5, $0xb8;
	[tilespmem:$0x9000] =	vst v63  }
0x305: {  	s1 =	rddreg [dreg:$0xe]  }
0x306: {  	[hbm4b:s1+s2] =	stream.linear.scatter [tilespmem:s7], [sflag:$0x3], $0x4000, $0x38;
	[tilespmem:$0x9000] =	vst v63  }
0x307: {  	_ =	swait.ge [sflag:s4], $0x4000  }
0x308: {  	[sflag:s4] =	ssyncset.done $0x0  }
0x309: {  	[sflag:s4] =	ssyncadd.s32 $0xFFFFC000  }
0x30a: {  	_ =	swait.ge [sflag:s8], $0x4000  }
0x30b: {  	[sflag:s8] =	ssyncset.done $0x0  }
0x30c: {  	[sflag:s8] =	ssyncadd.s32 $0xFFFFC000  }
0x30d: {  	[tilespmem:s7], [sflag:$0x1] =	stream.indirect.gather [hbm4b:s3+s5], $0x80, s31, s5, $0xb8;
	[tilespmem:$0x9000] =	vst v63  }
0x30e: {  	s1 =	rddreg [dreg:$0xf]  }
0x30f: {  	[hbm4b:s1+s2] =	stream.linear.scatter [tilespmem:s6], [sflag:$0x3], $0x4000, $0x38;
	[tilespmem:$0x9000] =	vst v63  }
0x310: {  	_ =	swait.ge [sflag:s4], $0x4000  }
0x311: {  	[sflag:s4] =	ssyncset.done $0x0  }
0x312: {  	[sflag:s4] =	ssyncadd.s32 $0xFFFFC000  }
0x313: {  	_ =	swait.ge [sflag:s9], $0x4000  }
0x314: {  	[sflag:s9] =	ssyncset.done $0x0  }
0x315: {  	[sflag:s9] =	ssyncadd.s32 $0xFFFFC000  }
0x316: {  	[tilespmem:s6], [sflag:$0x2] =	stream.indirect.gather [hbm4b:s3+s5], $0x80, s30, s5, $0xb8;
	[tilespmem:$0x9000] =	vst v63  }
0x317: {  	s11 =	rddreg [dreg:$0x10]  }
0x318: {  	[hbm4b:s11+s2] =	stream.linear.scatter [tilespmem:s7], [sflag:$0x3], $0x4000, $0x38;
	[tilespmem:$0x9000] =	vst v63  }
0x319: {  	_ =	swait.ge [sflag:s4], $0x4000  }
0x31a: {  	[sflag:s4] =	ssyncset.done $0x0  }
0x31b: {  	[sflag:s4] =	ssyncadd.s32 $0xFFFFC000  }
0x31c: {  	_ =	swait.ge [sflag:s8], $0x4000  }
0x31d: {  	[sflag:s8] =	ssyncset.done $0x0  }
0x31e: {  	[sflag:s8] =	ssyncadd.s32 $0xFFFFC000  }
0x31f: {  	[tilespmem:s7], [sflag:$0x1] =	stream.indirect.gather [hbm4b:s3+s5], $0x80, s29, s5, $0xb8;
	[tilespmem:$0x9000] =	vst v63  }
0x320: {  	s31 =	rddreg [dreg:$0x11]  }
0x321: {  	[hbm4b:s31+s2] =	stream.linear.scatter [tilespmem:s6], [sflag:$0x3], $0x4000, $0x38;
	[tilespmem:$0x9000] =	vst v63  }
0x322: {  	_ =	swait.ge [sflag:s4], $0x4000  }
0x323: {  	[sflag:s4] =	ssyncset.done $0x0  }
0x324: {  	[sflag:s4] =	ssyncadd.s32 $0xFFFFC000  }
0x325: {  	_ =	swait.ge [sflag:s9], $0x4000  }
0x326: {  	[sflag:s9] =	ssyncset.done $0x0  }
0x327: {  	[sflag:s9] =	ssyncadd.s32 $0xFFFFC000  }
0x328: {  	[tilespmem:s6], [sflag:$0x2] =	stream.indirect.gather [hbm4b:s3+s5], $0x80, s28, s5, $0xb8;
	[tilespmem:$0x9000] =	vst v63  }
0x329: {  	s1 =	rddreg [dreg:$0x12]  }
0x32a: {  	[hbm4b:s1+s2] =	stream.linear.scatter [tilespmem:s7], [sflag:$0x3], $0x4000, $0x38;
	[tilespmem:$0x9000] =	vst v63  }
0x32b: {  	_ =	swait.ge [sflag:s4], $0x4000  }
0x32c: {  	[sflag:s4] =	ssyncset.done $0x0  }
0x32d: {  	[sflag:s4] =	ssyncadd.s32 $0xFFFFC000  }
0x32e: {  	_ =	swait.ge [sflag:s8], $0x4000  }
0x32f: {  	[sflag:s8] =	ssyncset.done $0x0  }
0x330: {  	[sflag:s8] =	ssyncadd.s32 $0xFFFFC000  }
0x331: {  	[tilespmem:s7], [sflag:$0x1] =	stream.indirect.gather [hbm4b:s3+s5], $0x80, s26, s5, $0xb8;
	[tilespmem:$0x9000] =	vst v63  }
0x332: {  	s11 =	rddreg [dreg:$0x13]  }
0x333: {  	[hbm4b:s11+s2] =	stream.linear.scatter [tilespmem:s6], [sflag:$0x3], $0x4000, $0x38;
	[tilespmem:$0x9000] =	vst v63  }
0x334: {  	_ =	swait.ge [sflag:s4], $0x4000  }
0x335: {  	[sflag:s4] =	ssyncset.done $0x0  }
0x336: {  	[sflag:s4] =	ssyncadd.s32 $0xFFFFC000  }
0x337: {  	_ =	swait.ge [sflag:s9], $0x4000  }
0x338: {  	[sflag:s9] =	ssyncset.done $0x0  }
0x339: {  	[sflag:s9] =	ssyncadd.s32 $0xFFFFC000  }
0x33a: {  	[tilespmem:s6], [sflag:$0x2] =	stream.indirect.gather [hbm4b:s3+s5], $0x80, s25, s5, $0xb8;
	[tilespmem:$0x9000] =	vst v63  }
0x33b: {  	s28 =	rddreg [dreg:$0x14]  }
0x33c: {  	[hbm4b:s28+s2] =	stream.linear.scatter [tilespmem:s7], [sflag:$0x3], $0x4000, $0x38;
	[tilespmem:$0x9000] =	vst v63  }
0x33d: {  	_ =	swait.ge [sflag:s4], $0x4000  }
0x33e: {  	[sflag:s4] =	ssyncset.done $0x0  }
0x33f: {  	[sflag:s4] =	ssyncadd.s32 $0xFFFFC000  }
0x340: {  	_ =	swait.ge [sflag:s8], $0x4000  }
0x341: {  	[sflag:s8] =	ssyncset.done $0x0  }
0x342: {  	[sflag:s8] =	ssyncadd.s32 $0xFFFFC000  }
0x343: {  	[tilespmem:s7], [sflag:$0x1] =	stream.indirect.gather [hbm4b:s3+s5], $0x80, s24, s5, $0xb8;
	[tilespmem:$0x9000] =	vst v63  }
0x344: {  	s29 =	rddreg [dreg:$0x15]  }
0x345: {  	[hbm4b:s29+s2] =	stream.linear.scatter [tilespmem:s6], [sflag:$0x3], $0x4000, $0x38;
	[tilespmem:$0x9000] =	vst v63  }
0x346: {  	_ =	swait.ge [sflag:s4], $0x4000  }
0x347: {  	[sflag:s4] =	ssyncset.done $0x0  }
0x348: {  	[sflag:s4] =	ssyncadd.s32 $0xFFFFC000  }
0x349: {  	_ =	swait.ge [sflag:s9], $0x4000  }
0x34a: {  	[sflag:s9] =	ssyncset.done $0x0  }
0x34b: {  	[sflag:s9] =	ssyncadd.s32 $0xFFFFC000  }
0x34c: {  	[tilespmem:s6], [sflag:$0x2] =	stream.indirect.gather [hbm4b:s3+s5], $0x80, s23, s5, $0xb8;
	[tilespmem:$0x9000] =	vst v63  }
0x34d: {  	s30 =	rddreg [dreg:$0x16]  }
0x34e: {  	[hbm4b:s30+s2] =	stream.linear.scatter [tilespmem:s7], [sflag:$0x3], $0x4000, $0x38;
	[tilespmem:$0x9000] =	vst v63  }
0x34f: {  	_ =	swait.ge [sflag:s4], $0x4000  }
0x350: {  	[sflag:s4] =	ssyncset.done $0x0  }
0x351: {  	[sflag:s4] =	ssyncadd.s32 $0xFFFFC000  }
0x352: {  	_ =	swait.ge [sflag:s8], $0x4000  }
0x353: {  	[sflag:s8] =	ssyncset.done $0x0  }
0x354: {  	[sflag:s8] =	ssyncadd.s32 $0xFFFFC000  }
0x355: {  	[tilespmem:s7], [sflag:$0x1] =	stream.indirect.gather [hbm4b:s3+s5], $0x80, s22, s5, $0xb8;
	[tilespmem:$0x9000] =	vst v63  }
0x356: {  	s31 =	rddreg [dreg:$0x17]  }
0x357: {  	[hbm4b:s31+s2] =	stream.linear.scatter [tilespmem:s6], [sflag:$0x3], $0x4000, $0x38;
	[tilespmem:$0x9000] =	vst v63  }
0x358: {  	_ =	swait.ge [sflag:s4], $0x4000  }
0x359: {  	[sflag:s4] =	ssyncset.done $0x0  }
0x35a: {  	[sflag:s4] =	ssyncadd.s32 $0xFFFFC000  }
0x35b: {  	_ =	swait.ge [sflag:s9], $0x4000  }
0x35c: {  	[sflag:s9] =	ssyncset.done $0x0  }
0x35d: {  	[sflag:s9] =	ssyncadd.s32 $0xFFFFC000  }
0x35e: {  	[tilespmem:s6], [sflag:$0x2] =	stream.indirect.gather [hbm4b:s3+s5], $0x80, s21, s5, $0xb8;
	[tilespmem:$0x9000] =	vst v63  }
0x35f: {  	s1 =	rddreg [dreg:$0x18]  }
0x360: {  	[hbm4b:s1+s2] =	stream.linear.scatter [tilespmem:s7], [sflag:$0x3], $0x4000, $0x38;
	[tilespmem:$0x9000] =	vst v63  }
0x361: {  	_ =	swait.ge [sflag:s4], $0x4000  }
0x362: {  	[sflag:s4] =	ssyncset.done $0x0  }
0x363: {  	[sflag:s4] =	ssyncadd.s32 $0xFFFFC000  }
0x364: {  	_ =	swait.ge [sflag:s8], $0x4000  }
0x365: {  	[sflag:s8] =	ssyncset.done $0x0  }
0x366: {  	[sflag:s8] =	ssyncadd.s32 $0xFFFFC000  }
0x367: {  	[tilespmem:s7], [sflag:$0x1] =	stream.indirect.gather [hbm4b:s3+s5], $0x80, s20, s5, $0xb8;
	[tilespmem:$0x9000] =	vst v63  }
0x368: {  	s11 =	rddreg [dreg:$0x19]  }
0x369: {  	[hbm4b:s11+s2] =	stream.linear.scatter [tilespmem:s6], [sflag:$0x3], $0x4000, $0x38;
	[tilespmem:$0x9000] =	vst v63  }
0x36a: {  	_ =	swait.ge [sflag:s4], $0x4000  }
0x36b: {  	[sflag:s4] =	ssyncset.done $0x0  }
0x36c: {  	[sflag:s4] =	ssyncadd.s32 $0xFFFFC000  }
0x36d: {  	_ =	swait.ge [sflag:s9], $0x4000  }
0x36e: {  	[sflag:s9] =	ssyncset.done $0x0  }
0x36f: {  	[sflag:s9] =	ssyncadd.s32 $0xFFFFC000  }
0x370: {  	[tilespmem:s6], [sflag:$0x2] =	stream.indirect.gather [hbm4b:s3+s5], $0x80, s19, s5, $0xb8;
	[tilespmem:$0x9000] =	vst v63  }
0x371: {  	s20 =	rddreg [dreg:$0x1a]  }
0x372: {  	[hbm4b:s20+s2] =	stream.linear.scatter [tilespmem:s7], [sflag:$0x3], $0x4000, $0x38;
	[tilespmem:$0x9000] =	vst v63  }
0x373: {  	_ =	swait.ge [sflag:s4], $0x4000  }
0x374: {  	[sflag:s4] =	ssyncset.done $0x0  }
0x375: {  	[sflag:s4] =	ssyncadd.s32 $0xFFFFC000  }
0x376: {  	_ =	swait.ge [sflag:s8], $0x4000  }
0x377: {  	[sflag:s8] =	ssyncset.done $0x0  }
0x378: {  	[sflag:s8] =	ssyncadd.s32 $0xFFFFC000  }
0x379: {  	[tilespmem:s7], [sflag:$0x1] =	stream.indirect.gather [hbm4b:s3+s5], $0x80, s18, s5, $0xb8;
	[tilespmem:$0x9000] =	vst v63  }
0x37a: {  	s21 =	rddreg [dreg:$0x1b]  }
0x37b: {  	[hbm4b:s21+s2] =	stream.linear.scatter [tilespmem:s6], [sflag:$0x3], $0x4000, $0x38;
	[tilespmem:$0x9000] =	vst v63  }
0x37c: {  	_ =	swait.ge [sflag:s4], $0x4000  }
0x37d: {  	[sflag:s4] =	ssyncset.done $0x0  }
0x37e: {  	[sflag:s4] =	ssyncadd.s32 $0xFFFFC000  }
0x37f: {  	_ =	swait.ge [sflag:s9], $0x4000  }
0x380: {  	[sflag:s9] =	ssyncset.done $0x0  }
0x381: {  	[sflag:s9] =	ssyncadd.s32 $0xFFFFC000  }
0x382: {  	[tilespmem:s6], [sflag:$0x2] =	stream.indirect.gather [hbm4b:s3+s5], $0x80, s17, s5, $0xb8;
	[tilespmem:$0x9000] =	vst v63  }
0x383: {  	s22 =	rddreg [dreg:$0x1c]  }
0x384: {  	[hbm4b:s22+s2] =	stream.linear.scatter [tilespmem:s7], [sflag:$0x3], $0x4000, $0x38;
	[tilespmem:$0x9000] =	vst v63  }
0x385: {  	_ =	swait.ge [sflag:s4], $0x4000  }
0x386: {  	[sflag:s4] =	ssyncset.done $0x0  }
0x387: {  	[sflag:s4] =	ssyncadd.s32 $0xFFFFC000  }
0x388: {  	_ =	swait.ge [sflag:s8], $0x4000  }
0x389: {  	[sflag:s8] =	ssyncset.done $0x0  }
0x38a: {  	[sflag:s8] =	ssyncadd.s32 $0xFFFFC000  }
0x38b: {  	[tilespmem:s7], [sflag:$0x1] =	stream.indirect.gather [hbm4b:s3+s5], $0x80, s16, s5, $0xb8;
	[tilespmem:$0x9000] =	vst v63  }
0x38c: {  	s23 =	rddreg [dreg:$0x1d]  }
0x38d: {  	[hbm4b:s23+s2] =	stream.linear.scatter [tilespmem:s6], [sflag:$0x3], $0x4000, $0x38;
	[tilespmem:$0x9000] =	vst v63  }
0x38e: {  	_ =	swait.ge [sflag:s4], $0x4000  }
0x38f: {  	[sflag:s4] =	ssyncset.done $0x0  }
0x390: {  	[sflag:s4] =	ssyncadd.s32 $0xFFFFC000  }
0x391: {  	_ =	swait.ge [sflag:s9], $0x4000  }
0x392: {  	[sflag:s9] =	ssyncset.done $0x0  }
0x393: {  	[sflag:s9] =	ssyncadd.s32 $0xFFFFC000  }
0x394: {  	[tilespmem:s6], [sflag:$0x2] =	stream.indirect.gather [hbm4b:s3+s5], $0x80, s15, s5, $0xb8;
	[tilespmem:$0x9000] =	vst v63  }
0x395: {  	s24 =	rddreg [dreg:$0x1e]  }
0x396: {  	[hbm4b:s24+s2] =	stream.linear.scatter [tilespmem:s7], [sflag:$0x3], $0x4000, $0x38;
	[tilespmem:$0x9000] =	vst v63  }
0x397: {  	_ =	swait.ge [sflag:s4], $0x4000  }
0x398: {  	[sflag:s4] =	ssyncset.done $0x0  }
0x399: {  	[sflag:s4] =	ssyncadd.s32 $0xFFFFC000  }
0x39a: {  	_ =	swait.ge [sflag:s8], $0x4000  }
0x39b: {  	[sflag:s8] =	ssyncset.done $0x0  }
0x39c: {  	[sflag:s8] =	ssyncadd.s32 $0xFFFFC000  }
0x39d: {  	[tilespmem:s7], [sflag:$0x1] =	stream.indirect.gather [hbm4b:s3+s5], $0x80, s14, s5, $0xb8;
	[tilespmem:$0x9000] =	vst v63  }
0x39e: {  	s25 =	rddreg [dreg:$0x1f]  }
0x39f: {  	[hbm4b:s25+s2] =	stream.linear.scatter [tilespmem:s6], [sflag:$0x3], $0x4000, $0x38;
	[tilespmem:$0x9000] =	vst v63  }
0x3a0: {  	_ =	swait.ge [sflag:s4], $0x4000  }
0x3a1: {  	[sflag:s4] =	ssyncset.done $0x0  }
0x3a2: {  	[sflag:s4] =	ssyncadd.s32 $0xFFFFC000  }
0x3a3: {  	_ =	swait.ge [sflag:s9], $0x4000  }
0x3a4: {  	[sflag:s9] =	ssyncset.done $0x0  }
0x3a5: {  	s26 =	sld [smem:$0x7F1];
	[sflag:s9] =	ssyncadd.s32 $0xFFFFC000  }
0x3a6: {  	[tilespmem:s6], [sflag:$0x2] =	stream.indirect.gather [hbm4b:s3+s5], $0x80, s13, s5, $0xb8;
	[tilespmem:$0x9000] =	vst v63  }
0x3a7: {  	_ = 	snop  }
0x3a8: {  	[hbm4b:s26+s2] =	stream.linear.scatter [tilespmem:s7], [sflag:$0x3], $0x4000, $0x38;
	[tilespmem:$0x9000] =	vst v63  }
0x3a9: {  	_ =	swait.ge [sflag:s4], $0x4000  }
0x3aa: {  	[sflag:s4] =	ssyncset.done $0x0  }
0x3ab: {  	[sflag:s4] =	ssyncadd.s32 $0xFFFFC000  }
0x3ac: {  	_ =	swait.ge [sflag:s8], $0x4000  }
0x3ad: {  	[sflag:s8] =	ssyncset.done $0x0  }
0x3ae: {  	s28 =	sld [smem:$0x7F2];
	[sflag:s8] =	ssyncadd.s32 $0xFFFFC000  }
0x3af: {  	[tilespmem:s7], [sflag:$0x1] =	stream.indirect.gather [hbm4b:s3+s5], $0x80, s12, s5, $0xb8;
	[tilespmem:$0x9000] =	vst v63  }
0x3b0: {  	_ = 	snop  }
0x3b1: {  	[hbm4b:s28+s2] =	stream.linear.scatter [tilespmem:s6], [sflag:$0x3], $0x4000, $0x38;
	[tilespmem:$0x9000] =	vst v63  }
0x3b2: {  	_ =	swait.ge [sflag:s4], $0x4000  }
0x3b3: {  	[sflag:s4] =	ssyncset.done $0x0  }
0x3b4: {  	[sflag:s4] =	ssyncadd.s32 $0xFFFFC000  }
0x3b5: {  	_ =	swait.ge [sflag:s9], $0x4000  }
0x3b6: {  	[sflag:s9] =	ssyncset.done $0x0  }
0x3b7: {  	s30 =	simm.s32 $0xF80;
	s29 =	sld [smem:$0x7F3];
	[sflag:s9] =	ssyncadd.s32 $0xFFFFC000  }
0x3b8: {  	[tilespmem:s6], [sflag:$0x2] =	stream.indirect.gather [hbm4b:s3+s5], $0x80, s30, s5, $0xb8;
	[tilespmem:$0x9000] =	vst v63  }
0x3b9: {  	_ = 	snop  }
0x3ba: {  	[hbm4b:s29+s2] =	stream.linear.scatter [tilespmem:s7], [sflag:$0x3], $0x4000, $0x38;
	[tilespmem:$0x9000] =	vst v63  }
0x3bb: {  	_ =	swait.ge [sflag:s4], $0x4000  }
0x3bc: {  	[sflag:s4] =	ssyncset.done $0x0  }
0x3bd: {  	[sflag:s4] =	ssyncadd.s32 $0xFFFFC000  }
0x3be: {  	_ =	swait.ge [sflag:s8], $0x4000  }
0x3bf: {  	s31 =	sld [smem:$0x7F4]  }
0x3c0: {  	[sflag:s8] =	ssyncset.done $0x0  }
0x3c1: {  	[sflag:s8] =	ssyncadd.s32 $0xFFFFC000  }
0x3c2: {  	[hbm4b:s31+s2] =	stream.linear.scatter [tilespmem:s6], [sflag:$0x3], $0x4000, $0x38;
	[tilespmem:$0x9000] =	vst v63  }
0x3c3: {  	_ =	swait.ge [sflag:s4], $0x4000  }
0x3c4: {  	[sflag:s4] =	ssyncset.done $0x0  }
0x3c5: {  	[sflag:s4] =	ssyncadd.s32 $0xFFFFC000  }
0x3c6: {  	_ =	sfence.sel $0x180000  }
0x3c7: {  	[bflag:$0x0] =	sbarrier.arrive $0xFFFF  }
0x3c8: {  	_ =	strace $0x90000047  }
0x3c9: {  	[bflag:$0x2] =	sbarrier.arrive $0xFFFF  }
0x3ca: {  	p0 =	sne.s32 s10, $0x0;
	s0 =	rddreg [dreg:$0x2]  }
0x3cb: {  	s0 =	sadd.s32 @!p0 $0x100000, s0  }
0x3cc: {  	[sflag:s0] =	ssyncadd.tile.s32 @!p0 $0x1;
	_ =	shalt  }
.LBB2_1:
0x3cd: {  	s11 =	simm.s32 $0x580;
	s31 =	simm.s32 $0x600;
	s30 =	simm.s32 $0x680  }
0x3ce: {  	s29 =	simm.s32 $0x700;
	s28 =	simm.s32 $0x780;
	s26 =	simm.s32 $0x800  }
.Ltmp3:
0x3cf: {  	s25 =	simm.s32 $0x880;
	s24 =	simm.s32 $0x900;
	(pc) =	sbr.rel .LBB2_6-.Ltmp3, $4  }
0x3d0: {  	s23 =	simm.s32 $0x980;
	s22 =	simm.s32 $0xA00;
	s21 =	simm.s32 $0xA80  }
0x3d1: {  	s20 =	simm.s32 $0xB00;
	s19 =	simm.s32 $0xB80;
	s18 =	simm.s32 $0xC00  }
0x3d2: {  	s17 =	simm.s32 $0xC80;
	s16 =	simm.s32 $0xD00;
	s15 =	simm.s32 $0xD80  }
0x3d3: {  	s14 =	simm.s32 $0xE00;
	s13 =	simm.s32 $0xE80;
	s12 =	simm.s32 $0xF00  }
.LBB2_3:
0x3d4: {  	s11 =	simm.s32 $0x580  }
0x3d5: {  	s31 =	simm.s32 $0x600;
	s30 =	simm.s32 $0x680;
	s29 =	simm.s32 $0x700  }
0x3d6: {  	s28 =	simm.s32 $0x780;
	s26 =	simm.s32 $0x800;
	s25 =	simm.s32 $0x880  }
.Ltmp4:
0x3d7: {  	s24 =	simm.s32 $0x900;
	s23 =	simm.s32 $0x980;
	(pc) =	sbr.rel .LBB2_6-.Ltmp4, $4  }
0x3d8: {  	s22 =	simm.s32 $0xA00;
	s21 =	simm.s32 $0xA80;
	s20 =	simm.s32 $0xB00  }
0x3d9: {  	s19 =	simm.s32 $0xB80;
	s18 =	simm.s32 $0xC00;
	s17 =	simm.s32 $0xC80  }
0x3da: {  	s16 =	simm.s32 $0xD00;
	s15 =	simm.s32 $0xD80;
	s14 =	simm.s32 $0xE00  }
0x3db: {  	s13 =	simm.s32 $0xE80;
	s12 =	simm.s32 $0xF00;
	s10 =	stileid.u32  }
.Lfunc_end2:
_tile_overlayer_lowered:
.L_overlay_start_2:
0x3dc: {  	(tag) =	ssettag $0x2  }
0x3dd: {  	s0 =	rddreg [dreg:$0x0];
	s2 =	stileid.u32  }
0x3de: {  	s1 =	rddreg [dreg:$0x1];
	p0 =	sne.s32 s2, $0x0  }
0x3df: {  	s3 =	rddreg [dreg:$0x2];
	[bflag:$0x3] =	sbarrier.arrive $0xFFFF;
	s2 =	simm.s32 @!p0 $0x1C03  }
0x3e0: {  	[timem:s3], [sflag:s2] =	dma.local @!p0 [hbm:s0], s1  }
0x3e1: {  	s0 =	simm.s32 @!p0 $0x3  }
0x3e2: {  	_ =	swait.ge @!p0 [sflag:s0], s1  }
0x3e3: {  	s1 =	ssub.s32 @!p0 $0x0, s1;
	[sflag:s0] =	ssyncset.done @!p0 $0x0  }
0x3e4: {  	[sflag:s0] =	ssyncadd.s32 @!p0 s1  }
0x3e5: {  	[bflag:$0x3] =	sbarrier.arrive $0xFFFF  }
0x3e6: {  	_ =	shalt  }

</sc_bundles>
